<compile_context>
chip_gen: v7x
topology: tpu7x:2x2x1
jax: 0.10.2.dev20260603
libtpu: 0.0.44.dev20260713+nightly
codegen_flags: <defaults>
</compile_context>

<pallas_src>
import numpy as np
import jax
import jax.numpy as jnp
from jax import lax
from jax.experimental import pallas as pl
from jax.experimental.pallas import tpu as pltpu
from jax.experimental.pallas import tpu_sc as plsc

_HEIGHT = 0.5
_TOP_UNIT = None
_NBUF = 8
_NC = 1
_NS = 16
_L = 16


def _threefry2x32(k0, k1, x0, x1):
    rots = ((13, 15, 26, 6), (17, 29, 16, 24))
    ks = (k0, k1, k0 ^ k1 ^ 0x1BD11BDA)
    x = [(x0 + ks[0]) & 0xFFFFFFFF, (x1 + ks[1]) & 0xFFFFFFFF]
    for i in range(5):
        for d in rots[i % 2]:
            x[0] = (x[0] + x[1]) & 0xFFFFFFFF
            x[1] = ((x[1] << d) | (x[1] >> (32 - d))) & 0xFFFFFFFF
            x[1] ^= x[0]
        x[0] = (x[0] + ks[(i + 1) % 3]) & 0xFFFFFFFF
        x[1] = (x[1] + ks[(i + 2) % 3] + i + 1) & 0xFFFFFFFF
    return x


def _top_unit():
    global _TOP_UNIT
    if _TOP_UNIT is None:
        b1, b2 = _threefry2x32(0, 1, 0, 0)
        bits = np.uint32((b1 ^ b2) >> 9 | 0x3F800000)
        _TOP_UNIT = float(
            np.frombuffer(bits.tobytes(), np.float32)[0] - np.float32(1.0))
    return _TOP_UNIT


def _crop_images(img_batch, top_idx, crop_h):
    N, C, H, W = img_batch.shape
    P = N * C

    def body(img_ref, img_out_ref, buf, rsem, wsem):
        def rd(j):
            return pltpu.make_async_copy(
                img_ref.at[j // C, j % C, pl.ds(top_idx, crop_h), :],
                buf.at[j % _NBUF], rsem.at[j % _NBUF])

        def wr(j):
            return pltpu.make_async_copy(
                buf.at[j % _NBUF], img_out_ref.at[j // C, j % C],
                wsem.at[j % _NBUF])

        for j in range(min(_NBUF, P)):
            rd(j).start()
        for j in range(P):
            rd(j).wait()
            wr(j).start()
            nxt = j + _NBUF
            if nxt < P:
                wr(j).wait()
                rd(nxt).start()
        for j in range(max(P - _NBUF, 0), P):
            wr(j).wait()

    return pl.pallas_call(
        body,
        in_specs=[pl.BlockSpec(memory_space=pltpu.MemorySpace.HBM)],
        out_specs=pl.BlockSpec(memory_space=pltpu.MemorySpace.HBM),
        out_shape=jax.ShapeDtypeStruct((N, C, crop_h, W), img_batch.dtype),
        scratch_shapes=[
            pltpu.VMEM((_NBUF, crop_h, W), img_batch.dtype),
            pltpu.SemaphoreType.DMA((_NBUF,)),
            pltpu.SemaphoreType.DMA((_NBUF,)),
        ],
    )(img_batch)


def _labels_and_counts(labels, cu_seqlens, n_seg, top_px, bottom_px):
    total = labels.shape[0]
    n_w = _NC * _NS
    per_w = total // n_w
    n_grp = per_w // _L

    cu_pad = jnp.zeros((_L,), jnp.int32).at[:n_seg + 1].set(cu_seqlens)

    mesh = plsc.VectorSubcoreMesh(
        core_axis_name="c", subcore_axis_name="s",
        num_cores=_NC, num_subcores=_NS)

    def body(lab_hbm, cu_hbm, out_hbm, cnt_hbm, slab, cu_v, cnt_v):
        cid = lax.axis_index("c")
        sid = lax.axis_index("s")
        wid = cid * _NS + sid
        base = wid * per_w
        pltpu.sync_copy(lab_hbm.at[pl.ds(base, per_w), :], slab)
        pltpu.sync_copy(cu_hbm, cu_v)

        iota = lax.iota(jnp.int32, _L)
        ones = jnp.ones((_L,), jnp.int32)
        tpx = jnp.float32(top_px)
        bpx = jnp.float32(bottom_px)
        cu_b = [plsc.load_gather(cu_v, [jnp.full((_L,), i, jnp.int32)])
                for i in range(1, n_seg + 1)]

        cnt_v[...] = jnp.zeros((_L,), jnp.int32)
        for grp in range(n_grp):
            rows = iota + grp * _L
            c0 = jnp.full((_L,), 0, jnp.int32)
            c1 = jnp.full((_L,), 1, jnp.int32)
            c2 = jnp.full((_L,), 2, jnp.int32)
            c3 = jnp.full((_L,), 3, jnp.int32)
            c4 = jnp.full((_L,), 4, jnp.int32)
            cls = plsc.load_gather(slab, [rows, c0])
            cx = plsc.load_gather(slab, [rows, c1])
            cy = plsc.load_gather(slab, [rows, c2])
            w = plsc.load_gather(slab, [rows, c3])
            h = plsc.load_gather(slab, [rows, c4])
            inside = (cy > tpx) & (cy < bpx)
            half = h * jnp.float32(0.5)
            y1c = jnp.maximum(cy - half, tpx)
            y2c = jnp.minimum(cy + half, bpx)
            ncy = (y1c + y2c) * jnp.float32(0.5)
            nh = y2c - y1c
            insf = inside.astype(jnp.float32)
            plsc.store_scatter(slab, [rows, c0], cls * insf)
            plsc.store_scatter(slab, [rows, c1], cx * insf)
            plsc.store_scatter(slab, [rows, c2], ncy * insf)
            plsc.store_scatter(slab, [rows, c3], w * insf)
            plsc.store_scatter(slab, [rows, c4], nh * insf)
            g = rows + base
            seg = jnp.zeros((_L,), jnp.int32)
            for b in cu_b:
                seg = seg + (g >= b).astype(jnp.int32)
            plsc.addupdate_scatter(cnt_v, [seg], ones, mask=inside)

        pltpu.sync_copy(slab, out_hbm.at[pl.ds(base, per_w), :])
        pltpu.sync_copy(cnt_v, cnt_hbm.at[wid])

    new_labels, cnt32 = pl.kernel(
        body,
        out_type=[
            jax.ShapeDtypeStruct((total, 5), jnp.float32),
            jax.ShapeDtypeStruct((n_w, _L), jnp.int32),
        ],
        mesh=mesh,
        compiler_params=pltpu.CompilerParams(needs_layout_passes=False),
        scratch_types=[
            pltpu.VMEM((per_w, 5), jnp.float32),
            pltpu.VMEM((_L,), jnp.int32),
            pltpu.VMEM((_L,), jnp.int32),
        ],
    )(labels, cu_pad)

    counts = cnt32.sum(axis=0)[:n_seg]
    return new_labels, counts


def kernel(img_batch, labels, cu_seqlens):
    N, C, H, W = img_batch.shape
    crop_h = int(H * _HEIGHT)
    top = np.float32(_top_unit()) * np.float32(1.0 - _HEIGHT)
    top_px = np.float32(top * np.float32(H))
    bottom_px = np.float32(top_px + np.float32(H * _HEIGHT))
    top_idx = int(np.floor(top_px))

    new_labels, counts = _labels_and_counts(
        labels, cu_seqlens, N, top_px, bottom_px)
    img_out = _crop_images(img_batch, top_idx, crop_h)
    return img_out, new_labels, counts

# --- scband reference (transcript-rebuilt; emitter-appended) ---
"""Pipeline reference for scband-random-vertical-crop-77747497992199 (READ-ONLY COPY).

The authoritative reference and input builder live on the scoring server;
editing this copy changes nothing except your own understanding.
"""

import jax, jax.numpy as jnp
import numpy as np

HEIGHT = 0.5

def setup_inputs(seed: int = 0):
    key = jax.random.key(seed)
    k1, k2, k3, k4 = jax.random.split(key, 4)
    N, C, H, W = 8, 3, 512, 512
    total = 8192
    img_batch = jax.random.normal(k1, (N, C, H, W), dtype=jnp.float32)
    cls = jax.random.randint(k2, (total, 1), 0, 80).astype(jnp.float32)
    cx = jax.random.uniform(k3, (total, 1), dtype=jnp.float32) * W
    cy = jax.random.uniform(jax.random.fold_in(k3, 1), (total, 1), dtype=jnp.float32) * H
    w = jax.random.uniform(jax.random.fold_in(k3, 2), (total, 1), dtype=jnp.float32) * 64.0 + 4.0
    h = jax.random.uniform(jax.random.fold_in(k3, 3), (total, 1), dtype=jnp.float32) * 64.0 + 4.0
    labels = jnp.concatenate([cls, cx, cy, w, h], axis=1)
    inner = jnp.sort(jax.random.randint(k4, (N - 1,), 0, total)).astype(jnp.int32)
    cu_seqlens = jnp.concatenate([jnp.array([0], jnp.int32), inner, jnp.array([total], jnp.int32)])
    return {"img_batch": img_batch, "labels": labels, "cu_seqlens": cu_seqlens}

def reference(img_batch, labels, cu_seqlens):
    height = HEIGHT
    N, C, H, W = img_batch.shape
    # deterministic 'random' crop offset (fixed key), mirrors torch.rand(1) * (1 - height)
    top = jax.random.uniform(jax.random.key(1), ()) * (1.0 - height)
    top_px = top * H
    crop_h = int(H * height)
    top_idx = jnp.floor(top_px).astype(jnp.int32)
    # F.crop(img, top=H*top, left=0, height=H*height, width=W) -> row slice
    zero = jnp.int32(0)
    img_cropped = jax.lax.dynamic_slice(img_batch, (zero, zero, top_idx, zero), (N, C, crop_h, W))
    cls = labels[:, 0]
    cx = labels[:, 1]
    cy = labels[:, 2]
    w = labels[:, 3]
    h = labels[:, 4]
    # keep boxes whose center-y lies inside the crop strip (intended semantics)
    inside = (cy > top_px) & (cy < top_px + H * height)
    # cxcywh -> xyxy (y coords), clip to crop region, back to cxcywh
    y1 = cy - h / 2.0
    y2 = cy + h / 2.0
    y1c = jnp.maximum(y1, top_px)
    y2c = jnp.minimum(y2, top_px + H * height)
    ncy = (y1c + y2c) / 2.0
    nh = y2c - y1c
    # static-shape ragged filtering: zero out dropped boxes instead of compaction
    new_labels = jnp.stack([cls, cx, ncy, w, nh], axis=1) * inside[:, None].astype(labels.dtype)
    total = labels.shape[0]
    seg_ids = jnp.searchsorted(cu_seqlens[1:], jnp.arange(total), side="right")
    counts = jax.ops.segment_sum(inside.astype(jnp.int32), seg_ids, num_segments=N)
    return img_cropped, new_labels, counts

if __name__ == "__main__":
    import jax
    _d = setup_inputs()
    print(jax.jit(kernel)(*tuple(_d.values())))

</pallas_src>

<mosaic_0001>
#map = affine_map<(d0, d1) -> (0, 0)>
#map1 = affine_map<(d0, d1) -> (0)>
module attributes {stable_mosaic.version = 14 : i64} {
  func.func @body(%arg0: i32, %arg1: i32, %arg2: memref<8192x5xf32, #tpu.memory_space<hbm>>, %arg3: memref<16xi32, #tpu.memory_space<hbm>>, %arg4: memref<8192x5xf32, #tpu.memory_space<hbm>>, %arg5: memref<16x16xi32, #tpu.memory_space<hbm>>, %arg6: memref<512x5xf32, #tpu.memory_space<vmem>>, %arg7: memref<16xi32, #tpu.memory_space<vmem>>, %arg8: memref<16xi32, #tpu.memory_space<vmem>>) attributes {dimension_semantics = [#tpu.dimension_semantics<core_parallel>, #tpu.dimension_semantics<subcore_parallel>], iteration_bounds = array<i64: 1, 16>, scalar_prefetch = 0 : i64, scratch_operands = 3 : i64, tpu.core_type = #tpu.core_type<sc_vector_subcore>, window_params = [{transform_indices = #map}, {transform_indices = #map1}, {transform_indices = #map}, {transform_indices = #map}]} {
    %mul3A = arith.constant 16 : i32
    %mul3A_0 = arith.muli %arg0, %mul3A : i32
    %add3A = arith.addi %mul3A_0, %arg1 : i32
    %mul3A_1 = arith.constant 512 : i32
    %mul3A_2 = arith.muli %add3A, %mul3A_1 : i32
    "tpu.region"() ({
      %run_scoped3A = tpu.sem_alloc : memref<!tpu.dma_semaphore, #tpu.memory_space<semaphore_mem>>
      %dma_start3A = arith.constant 0 : i32
      %dma_start3A_2454 = tpu.memref_slice %arg2[%mul3A_2, %dma_start3A] : memref<8192x5xf32, #tpu.memory_space<hbm>> -> memref<512x5xf32, #tpu.memory_space<hbm>>
      %dma_start3A_2455 = arith.constant 0 : i32
      %dma_start3A_2456 = tpu.memref_slice %arg2[%mul3A_2, %dma_start3A_2455] : memref<8192x5xf32, #tpu.memory_space<hbm>> -> memref<512x5xf32, #tpu.memory_space<hbm>>
      tpu.enqueue_dma source(%dma_start3A_2456 : memref<512x5xf32, #tpu.memory_space<hbm>>) target(%arg6 : memref<512x5xf32, #tpu.memory_space<vmem>>) target_semaphore(%run_scoped3A : memref<!tpu.dma_semaphore, #tpu.memory_space<semaphore_mem>>)
      %dma_wait3A = arith.constant 0 : i32
      %dma_wait3A_2457 = tpu.memref_slice %arg2[%mul3A_2, %dma_wait3A] : memref<8192x5xf32, #tpu.memory_space<hbm>> -> memref<512x5xf32, #tpu.memory_space<hbm>>
      %dma_wait3A_2458 = arith.constant 0 : i32
      %dma_wait3A_2459 = tpu.memref_slice %arg2[%mul3A_2, %dma_wait3A_2458] : memref<8192x5xf32, #tpu.memory_space<hbm>> -> memref<512x5xf32, #tpu.memory_space<hbm>>
      tpu.wait_dma2 semaphore(%run_scoped3A : memref<!tpu.dma_semaphore, #tpu.memory_space<semaphore_mem>>) src(%dma_wait3A_2459 : memref<512x5xf32, #tpu.memory_space<hbm>>) dst(%arg6 : memref<512x5xf32, #tpu.memory_space<vmem>>)
      tpu.yield
    }) : () -> ()
    "tpu.region"() ({
      %run_scoped3A = tpu.sem_alloc : memref<!tpu.dma_semaphore, #tpu.memory_space<semaphore_mem>>
      tpu.enqueue_dma source(%arg3 : memref<16xi32, #tpu.memory_space<hbm>>) target(%arg7 : memref<16xi32, #tpu.memory_space<vmem>>) target_semaphore(%run_scoped3A : memref<!tpu.dma_semaphore, #tpu.memory_space<semaphore_mem>>)
      tpu.wait_dma2 semaphore(%run_scoped3A : memref<!tpu.dma_semaphore, #tpu.memory_space<semaphore_mem>>) src(%arg3 : memref<16xi32, #tpu.memory_space<hbm>>) dst(%arg7 : memref<16xi32, #tpu.memory_space<vmem>>)
      tpu.yield
    }) : () -> ()
    %iota3A = tpu.iota {dimensions = array<i32: 0>} : vector<16xi32>
    %broadcast_in_dim3A = arith.constant 1 : i32
    %broadcast_in_dim3A_3 = vector.broadcast %broadcast_in_dim3A : i32 to vector<16xi32>
    %broadcast_in_dim3A_4 = arith.constant 1 : i32
    %broadcast_in_dim3A_5 = vector.broadcast %broadcast_in_dim3A_4 : i32 to vector<16xi32>
    %gather3A = tpu.vector_load_idx %arg7[%broadcast_in_dim3A_5] : memref<16xi32, #tpu.memory_space<vmem>>[vector<16xi32>], vector<16xi32>,
    %broadcast_in_dim3A_6 = arith.constant 2 : i32
    %broadcast_in_dim3A_7 = vector.broadcast %broadcast_in_dim3A_6 : i32 to vector<16xi32>
    %gather3A_8 = tpu.vector_load_idx %arg7[%broadcast_in_dim3A_7] : memref<16xi32, #tpu.memory_space<vmem>>[vector<16xi32>], vector<16xi32>,
    %broadcast_in_dim3A_9 = arith.constant 3 : i32
    %broadcast_in_dim3A_10 = vector.broadcast %broadcast_in_dim3A_9 : i32 to vector<16xi32>
    %gather3A_11 = tpu.vector_load_idx %arg7[%broadcast_in_dim3A_10] : memref<16xi32, #tpu.memory_space<vmem>>[vector<16xi32>], vector<16xi32>,
    %broadcast_in_dim3A_12 = arith.constant 4 : i32
    %broadcast_in_dim3A_13 = vector.broadcast %broadcast_in_dim3A_12 : i32 to vector<16xi32>
    %gather3A_14 = tpu.vector_load_idx %arg7[%broadcast_in_dim3A_13] : memref<16xi32, #tpu.memory_space<vmem>>[vector<16xi32>], vector<16xi32>,
    %broadcast_in_dim3A_15 = arith.constant 5 : i32
    %broadcast_in_dim3A_16 = vector.broadcast %broadcast_in_dim3A_15 : i32 to vector<16xi32>
    %gather3A_17 = tpu.vector_load_idx %arg7[%broadcast_in_dim3A_16] : memref<16xi32, #tpu.memory_space<vmem>>[vector<16xi32>], vector<16xi32>,
    %broadcast_in_dim3A_18 = arith.constant 6 : i32
    %broadcast_in_dim3A_19 = vector.broadcast %broadcast_in_dim3A_18 : i32 to vector<16xi32>
    %gather3A_20 = tpu.vector_load_idx %arg7[%broadcast_in_dim3A_19] : memref<16xi32, #tpu.memory_space<vmem>>[vector<16xi32>], vector<16xi32>,
    %broadcast_in_dim3A_21 = arith.constant 7 : i32
    %broadcast_in_dim3A_22 = vector.broadcast %broadcast_in_dim3A_21 : i32 to vector<16xi32>
    %gather3A_23 = tpu.vector_load_idx %arg7[%broadcast_in_dim3A_22] : memref<16xi32, #tpu.memory_space<vmem>>[vector<16xi32>], vector<16xi32>,
    %broadcast_in_dim3A_24 = arith.constant 8 : i32
    %broadcast_in_dim3A_25 = vector.broadcast %broadcast_in_dim3A_24 : i32 to vector<16xi32>
    %gather3A_26 = tpu.vector_load_idx %arg7[%broadcast_in_dim3A_25] : memref<16xi32, #tpu.memory_space<vmem>>[vector<16xi32>], vector<16xi32>,
    %broadcast_in_dim3A_27 = arith.constant 0 : i32
    %broadcast_in_dim3A_28 = vector.broadcast %broadcast_in_dim3A_27 : i32 to vector<16xi32>
    %swap3A = arith.constant 0 : index
    %swap3A_29 = tpu.vector_load %arg8[%swap3A] {strides = array<i32>} : memref<16xi32, #tpu.memory_space<vmem>>, vector<16xi32>,
    tpu.vector_store %arg8[%swap3A], %broadcast_in_dim3A_28 {strides = array<i32>} : memref<16xi32, #tpu.memory_space<vmem>>, vector<16xi32>,
    %add3A_30 = arith.constant 0 : i32
    %add3A_31 = vector.broadcast %add3A_30 : i32 to vector<16xi32>
    %add3A_32 = arith.addi %iota3A, %add3A_31 : vector<16xi32>
    %broadcast_in_dim3A_33 = arith.constant 0 : i32
    %broadcast_in_dim3A_34 = vector.broadcast %broadcast_in_dim3A_33 : i32 to vector<16xi32>
    %broadcast_in_dim3A_35 = arith.constant 1 : i32
    %broadcast_in_dim3A_36 = vector.broadcast %broadcast_in_dim3A_35 : i32 to vector<16xi32>
    %broadcast_in_dim3A_37 = arith.constant 2 : i32
    %broadcast_in_dim3A_38 = vector.broadcast %broadcast_in_dim3A_37 : i32 to vector<16xi32>
    %broadcast_in_dim3A_39 = arith.constant 3 : i32
    %broadcast_in_dim3A_40 = vector.broadcast %broadcast_in_dim3A_39 : i32 to vector<16xi32>
    %broadcast_in_dim3A_41 = arith.constant 4 : i32
    %broadcast_in_dim3A_42 = vector.broadcast %broadcast_in_dim3A_41 : i32 to vector<16xi32>
    %gather3A_43 = tpu.vector_load_idx %arg6[%add3A_32, %broadcast_in_dim3A_34] : memref<512x5xf32, #tpu.memory_space<vmem>>[vector<16xi32>, vector<16xi32>], vector<16xf32>,
    %gather3A_44 = tpu.vector_load_idx %arg6[%add3A_32, %broadcast_in_dim3A_36] : memref<512x5xf32, #tpu.memory_space<vmem>>[vector<16xi32>, vector<16xi32>], vector<16xf32>,
    %gather3A_45 = tpu.vector_load_idx %arg6[%add3A_32, %broadcast_in_dim3A_38] : memref<512x5xf32, #tpu.memory_space<vmem>>[vector<16xi32>, vector<16xi32>], vector<16xf32>,
    %gather3A_46 = tpu.vector_load_idx %arg6[%add3A_32, %broadcast_in_dim3A_40] : memref<512x5xf32, #tpu.memory_space<vmem>>[vector<16xi32>, vector<16xi32>], vector<16xf32>,
    %gather3A_47 = tpu.vector_load_idx %arg6[%add3A_32, %broadcast_in_dim3A_42] : memref<512x5xf32, #tpu.memory_space<vmem>>[vector<16xi32>, vector<16xi32>], vector<16xf32>,
    %gt3A = arith.constant 112.289917 : f32
    %gt3A_48 = vector.broadcast %gt3A : f32 to vector<16xf32>
    %gt3A_49 = arith.cmpf ogt, %gather3A_45, %gt3A_48 : vector<16xf32>
    %lt3A = arith.constant 368.289917 : f32
    %lt3A_50 = vector.broadcast %lt3A : f32 to vector<16xf32>
    %lt3A_51 = arith.cmpf olt, %gather3A_45, %lt3A_50 : vector<16xf32>
    %and3A = arith.andi %gt3A_49, %lt3A_51 : vector<16xi1>
    %mul3A_52 = arith.constant 5.000000e-01 : f32
    %mul3A_53 = vector.broadcast %mul3A_52 : f32 to vector<16xf32>
    %mul3A_54 = arith.mulf %gather3A_47, %mul3A_53 : vector<16xf32>
    %sub3A = arith.subf %gather3A_45, %mul3A_54 : vector<16xf32>
    %max3A = arith.constant 112.289917 : f32
    %max3A_55 = vector.broadcast %max3A : f32 to vector<16xf32>
    %max3A_56 = arith.maximumf %sub3A, %max3A_55 : vector<16xf32>
    %add3A_57 = arith.addf %gather3A_45, %mul3A_54 : vector<16xf32>
    %min3A = arith.constant 368.289917 : f32
    %min3A_58 = vector.broadcast %min3A : f32 to vector<16xf32>
    %min3A_59 = arith.minimumf %add3A_57, %min3A_58 : vector<16xf32>
    %add3A_60 = arith.addf %max3A_56, %min3A_59 : vector<16xf32>
    %mul3A_61 = arith.constant 5.000000e-01 : f32
    %mul3A_62 = vector.broadcast %mul3A_61 : f32 to vector<16xf32>
    %mul3A_63 = arith.mulf %add3A_60, %mul3A_62 : vector<16xf32>
    %sub3A_64 = arith.subf %min3A_59, %max3A_56 : vector<16xf32>
    %convert_element_type3A = arith.extui %and3A : vector<16xi1> to vector<16xi32>
    %convert_element_type3A_65 = arith.sitofp %convert_element_type3A : vector<16xi32> to vector<16xf32>
    %mul3A_66 = arith.mulf %gather3A_43, %convert_element_type3A_65 : vector<16xf32>
    tpu.vector_store_idx %arg6[%add3A_32, %broadcast_in_dim3A_34], %mul3A_66 : memref<512x5xf32, #tpu.memory_space<vmem>>[vector<16xi32>, vector<16xi32>], vector<16xf32>,
    %mul3A_67 = arith.mulf %gather3A_44, %convert_element_type3A_65 : vector<16xf32>
    tpu.vector_store_idx %arg6[%add3A_32, %broadcast_in_dim3A_36], %mul3A_67 : memref<512x5xf32, #tpu.memory_space<vmem>>[vector<16xi32>, vector<16xi32>], vector<16xf32>,
    %mul3A_68 = arith.mulf %mul3A_63, %convert_element_type3A_65 : vector<16xf32>
    tpu.vector_store_idx %arg6[%add3A_32, %broadcast_in_dim3A_38], %mul3A_68 : memref<512x5xf32, #tpu.memory_space<vmem>>[vector<16xi32>, vector<16xi32>], vector<16xf32>,
    %mul3A_69 = arith.mulf %gather3A_46, %convert_element_type3A_65 : vector<16xf32>
    tpu.vector_store_idx %arg6[%add3A_32, %broadcast_in_dim3A_40], %mul3A_69 : memref<512x5xf32, #tpu.memory_space<vmem>>[vector<16xi32>, vector<16xi32>], vector<16xf32>,
    %mul3A_70 = arith.mulf %sub3A_64, %convert_element_type3A_65 : vector<16xf32>
    tpu.vector_store_idx %arg6[%add3A_32, %broadcast_in_dim3A_42], %mul3A_70 : memref<512x5xf32, #tpu.memory_space<vmem>>[vector<16xi32>, vector<16xi32>], vector<16xf32>,
    %add3A_71 = vector.broadcast %mul3A_2 : i32 to vector<16xi32>
    %add3A_72 = arith.addi %add3A_32, %add3A_71 : vector<16xi32>
    %broadcast_in_dim3A_73 = arith.constant 0 : i32
    %broadcast_in_dim3A_74 = vector.broadcast %broadcast_in_dim3A_73 : i32 to vector<16xi32>
    %ge3A = arith.cmpi sge, %add3A_72, %gather3A : vector<16xi32>
    %convert_element_type3A_75 = arith.extui %ge3A : vector<16xi1> to vector<16xi32>
    %add3A_76 = arith.addi %broadcast_in_dim3A_74, %convert_element_type3A_75 : vector<16xi32>
    %ge3A_77 = arith.cmpi sge, %add3A_72, %gather3A_8 : vector<16xi32>
    %convert_element_type3A_78 = arith.extui %ge3A_77 : vector<16xi1> to vector<16xi32>
    %add3A_79 = arith.addi %add3A_76, %convert_element_type3A_78 : vector<16xi32>
    %ge3A_80 = arith.cmpi sge, %add3A_72, %gather3A_11 : vector<16xi32>
    %convert_element_type3A_81 = arith.extui %ge3A_80 : vector<16xi1> to vector<16xi32>
    %add3A_82 = arith.addi %add3A_79, %convert_element_type3A_81 : vector<16xi32>
    %ge3A_83 = arith.cmpi sge, %add3A_72, %gather3A_14 : vector<16xi32>
    %convert_element_type3A_84 = arith.extui %ge3A_83 : vector<16xi1> to vector<16xi32>
    %add3A_85 = arith.addi %add3A_82, %convert_element_type3A_84 : vector<16xi32>
    %ge3A_86 = arith.cmpi sge, %add3A_72, %gather3A_17 : vector<16xi32>
    %convert_element_type3A_87 = arith.extui %ge3A_86 : vector<16xi1> to vector<16xi32>
    %add3A_88 = arith.addi %add3A_85, %convert_element_type3A_87 : vector<16xi32>
    %ge3A_89 = arith.cmpi sge, %add3A_72, %gather3A_20 : vector<16xi32>
    %convert_element_type3A_90 = arith.extui %ge3A_89 : vector<16xi1> to vector<16xi32>
    %add3A_91 = arith.addi %add3A_88, %convert_element_type3A_90 : vector<16xi32>
    %ge3A_92 = arith.cmpi sge, %add3A_72, %gather3A_23 : vector<16xi32>
    %convert_element_type3A_93 = arith.extui %ge3A_92 : vector<16xi1> to vector<16xi32>
    %add3A_94 = arith.addi %add3A_91, %convert_element_type3A_93 : vector<16xi32>
    %ge3A_95 = arith.cmpi sge, %add3A_72, %gather3A_26 : vector<16xi32>
    %convert_element_type3A_96 = arith.extui %ge3A_95 : vector<16xi1> to vector<16xi32>
    %add3A_97 = arith.addi %add3A_94, %convert_element_type3A_96 : vector<16xi32>
    tpu.vector_store_idx %arg8[%add3A_97], %broadcast_in_dim3A_3 masked %and3A {add = true} : memref<16xi32, #tpu.memory_space<vmem>>[vector<16xi32>], vector<16xi32>, vector<16xi1>
    %add3A_98 = arith.constant 16 : i32
    %add3A_99 = vector.broadcast %add3A_98 : i32 to vector<16xi32>
    %add3A_100 = arith.addi %iota3A, %add3A_99 : vector<16xi32>
    %broadcast_in_dim3A_101 = arith.constant 0 : i32
    %broadcast_in_dim3A_102 = vector.broadcast %broadcast_in_dim3A_101 : i32 to vector<16xi32>
    %broadcast_in_dim3A_103 = arith.constant 1 : i32
    %broadcast_in_dim3A_104 = vector.broadcast %broadcast_in_dim3A_103 : i32 to vector<16xi32>
    %broadcast_in_dim3A_105 = arith.constant 2 : i32
    %broadcast_in_dim3A_106 = vector.broadcast %broadcast_in_dim3A_105 : i32 to vector<16xi32>
    %broadcast_in_dim3A_107 = arith.constant 3 : i32
    %broadcast_in_dim3A_108 = vector.broadcast %broadcast_in_dim3A_107 : i32 to vector<16xi32>
    %broadcast_in_dim3A_109 = arith.constant 4 : i32
    %broadcast_in_dim3A_110 = vector.broadcast %broadcast_in_dim3A_109 : i32 to vector<16xi32>
    %gather3A_111 = tpu.vector_load_idx %arg6[%add3A_100, %broadcast_in_dim3A_102] : memref<512x5xf32, #tpu.memory_space<vmem>>[vector<16xi32>, vector<16xi32>], vector<16xf32>,
    %gather3A_112 = tpu.vector_load_idx %arg6[%add3A_100, %broadcast_in_dim3A_104] : memref<512x5xf32, #tpu.memory_space<vmem>>[vector<16xi32>, vector<16xi32>], vector<16xf32>,
    %gather3A_113 = tpu.vector_load_idx %arg6[%add3A_100, %broadcast_in_dim3A_106] : memref<512x5xf32, #tpu.memory_space<vmem>>[vector<16xi32>, vector<16xi32>], vector<16xf32>,
    %gather3A_114 = tpu.vector_load_idx %arg6[%add3A_100, %broadcast_in_dim3A_108] : memref<512x5xf32, #tpu.memory_space<vmem>>[vector<16xi32>, vector<16xi32>], vector<16xf32>,
    %gather3A_115 = tpu.vector_load_idx %arg6[%add3A_100, %broadcast_in_dim3A_110] : memref<512x5xf32, #tpu.memory_space<vmem>>[vector<16xi32>, vector<16xi32>], vector<16xf32>,
    %gt3A_116 = arith.constant 112.289917 : f32
    %gt3A_117 = vector.broadcast %gt3A_116 : f32 to vector<16xf32>
    %gt3A_118 = arith.cmpf ogt, %gather3A_113, %gt3A_117 : vector<16xf32>
    %lt3A_119 = arith.constant 368.289917 : f32
    %lt3A_120 = vector.broadcast %lt3A_119 : f32 to vector<16xf32>
    %lt3A_121 = arith.cmpf olt, %gather3A_113, %lt3A_120 : vector<16xf32>
    %and3A_122 = arith.andi %gt3A_118, %lt3A_121 : vector<16xi1>
    %mul3A_123 = arith.constant 5.000000e-01 : f32
    %mul3A_124 = vector.broadcast %mul3A_123 : f32 to vector<16xf32>
    %mul3A_125 = arith.mulf %gather3A_115, %mul3A_124 : vector<16xf32>
    %sub3A_126 = arith.subf %gather3A_113, %mul3A_125 : vector<16xf32>
    %max3A_127 = arith.constant 112.289917 : f32
    %max3A_128 = vector.broadcast %max3A_127 : f32 to vector<16xf32>
    %max3A_129 = arith.maximumf %sub3A_126, %max3A_128 : vector<16xf32>
    %add3A_130 = arith.addf %gather3A_113, %mul3A_125 : vector<16xf32>
    %min3A_131 = arith.constant 368.289917 : f32
    %min3A_132 = vector.broadcast %min3A_131 : f32 to vector<16xf32>
    %min3A_133 = arith.minimumf %add3A_130, %min3A_132 : vector<16xf32>
    %add3A_134 = arith.addf %max3A_129, %min3A_133 : vector<16xf32>
    %mul3A_135 = arith.constant 5.000000e-01 : f32
    %mul3A_136 = vector.broadcast %mul3A_135 : f32 to vector<16xf32>
    %mul3A_137 = arith.mulf %add3A_134, %mul3A_136 : vector<16xf32>
    %sub3A_138 = arith.subf %min3A_133, %max3A_129 : vector<16xf32>
    %convert_element_type3A_139 = arith.extui %and3A_122 : vector<16xi1> to vector<16xi32>
    %convert_element_type3A_140 = arith.sitofp %convert_element_type3A_139 : vector<16xi32> to vector<16xf32>
    %mul3A_141 = arith.mulf %gather3A_111, %convert_element_type3A_140 : vector<16xf32>
    tpu.vector_store_idx %arg6[%add3A_100, %broadcast_in_dim3A_102], %mul3A_141 : memref<512x5xf32, #tpu.memory_space<vmem>>[vector<16xi32>, vector<16xi32>], vector<16xf32>,
    %mul3A_142 = arith.mulf %gather3A_112, %convert_element_type3A_140 : vector<16xf32>
    tpu.vector_store_idx %arg6[%add3A_100, %broadcast_in_dim3A_104], %mul3A_142 : memref<512x5xf32, #tpu.memory_space<vmem>>[vector<16xi32>, vector<16xi32>], vector<16xf32>,
    %mul3A_143 = arith.mulf %mul3A_137, %convert_element_type3A_140 : vector<16xf32>
    tpu.vector_store_idx %arg6[%add3A_100, %broadcast_in_dim3A_106], %mul3A_143 : memref<512x5xf32, #tpu.memory_space<vmem>>[vector<16xi32>, vector<16xi32>], vector<16xf32>,
    %mul3A_144 = arith.mulf %gather3A_114, %convert_element_type3A_140 : vector<16xf32>
    tpu.vector_store_idx %arg6[%add3A_100, %broadcast_in_dim3A_108], %mul3A_144 : memref<512x5xf32, #tpu.memory_space<vmem>>[vector<16xi32>, vector<16xi32>], vector<16xf32>,
    %mul3A_145 = arith.mulf %sub3A_138, %convert_element_type3A_140 : vector<16xf32>
    tpu.vector_store_idx %arg6[%add3A_100, %broadcast_in_dim3A_110], %mul3A_145 : memref<512x5xf32, #tpu.memory_space<vmem>>[vector<16xi32>, vector<16xi32>], vector<16xf32>,
    %add3A_146 = vector.broadcast %mul3A_2 : i32 to vector<16xi32>
    %add3A_147 = arith.addi %add3A_100, %add3A_146 : vector<16xi32>
    %broadcast_in_dim3A_148 = arith.constant 0 : i32
    %broadcast_in_dim3A_149 = vector.broadcast %broadcast_in_dim3A_148 : i32 to vector<16xi32>
    %ge3A_150 = arith.cmpi sge, %add3A_147, %gather3A : vector<16xi32>
    %convert_element_type3A_151 = arith.extui %ge3A_150 : vector<16xi1> to vector<16xi32>
    %add3A_152 = arith.addi %broadcast_in_dim3A_149, %convert_element_type3A_151 : vector<16xi32>
    %ge3A_153 = arith.cmpi sge, %add3A_147, %gather3A_8 : vector<16xi32>
    %convert_element_type3A_154 = arith.extui %ge3A_153 : vector<16xi1> to vector<16xi32>
    %add3A_155 = arith.addi %add3A_152, %convert_element_type3A_154 : vector<16xi32>
    %ge3A_156 = arith.cmpi sge, %add3A_147, %gather3A_11 : vector<16xi32>
    %convert_element_type3A_157 = arith.extui %ge3A_156 : vector<16xi1> to vector<16xi32>
    %add3A_158 = arith.addi %add3A_155, %convert_element_type3A_157 : vector<16xi32>
    %ge3A_159 = arith.cmpi sge, %add3A_147, %gather3A_14 : vector<16xi32>
    %convert_element_type3A_160 = arith.extui %ge3A_159 : vector<16xi1> to vector<16xi32>
    %add3A_161 = arith.addi %add3A_158, %convert_element_type3A_160 : vector<16xi32>
    %ge3A_162 = arith.cmpi sge, %add3A_147, %gather3A_17 : vector<16xi32>
    %convert_element_type3A_163 = arith.extui %ge3A_162 : vector<16xi1> to vector<16xi32>
    %add3A_164 = arith.addi %add3A_161, %convert_element_type3A_163 : vector<16xi32>
    %ge3A_165 = arith.cmpi sge, %add3A_147, %gather3A_20 : vector<16xi32>
    %convert_element_type3A_166 = arith.extui %ge3A_165 : vector<16xi1> to vector<16xi32>
    %add3A_167 = arith.addi %add3A_164, %convert_element_type3A_166 : vector<16xi32>
    %ge3A_168 = arith.cmpi sge, %add3A_147, %gather3A_23 : vector<16xi32>
    %convert_element_type3A_169 = arith.extui %ge3A_168 : vector<16xi1> to vector<16xi32>
    %add3A_170 = arith.addi %add3A_167, %convert_element_type3A_169 : vector<16xi32>
    %ge3A_171 = arith.cmpi sge, %add3A_147, %gather3A_26 : vector<16xi32>
    %convert_element_type3A_172 = arith.extui %ge3A_171 : vector<16xi1> to vector<16xi32>
    %add3A_173 = arith.addi %add3A_170, %convert_element_type3A_172 : vector<16xi32>
    tpu.vector_store_idx %arg8[%add3A_173], %broadcast_in_dim3A_3 masked %and3A_122 {add = true} : memref<16xi32, #tpu.memory_space<vmem>>[vector<16xi32>], vector<16xi32>, vector<16xi1>
    %add3A_174 = arith.constant 32 : i32
    %add3A_175 = vector.broadcast %add3A_174 : i32 to vector<16xi32>
    %add3A_176 = arith.addi %iota3A, %add3A_175 : vector<16xi32>
    %broadcast_in_dim3A_177 = arith.constant 0 : i32
    %broadcast_in_dim3A_178 = vector.broadcast %broadcast_in_dim3A_177 : i32 to vector<16xi32>
    %broadcast_in_dim3A_179 = arith.constant 1 : i32
    %broadcast_in_dim3A_180 = vector.broadcast %broadcast_in_dim3A_179 : i32 to vector<16xi32>
    %broadcast_in_dim3A_181 = arith.constant 2 : i32
    %broadcast_in_dim3A_182 = vector.broadcast %broadcast_in_dim3A_181 : i32 to vector<16xi32>
    %broadcast_in_dim3A_183 = arith.constant 3 : i32
    %broadcast_in_dim3A_184 = vector.broadcast %broadcast_in_dim3A_183 : i32 to vector<16xi32>
    %broadcast_in_dim3A_185 = arith.constant 4 : i32
    %broadcast_in_dim3A_186 = vector.broadcast %broadcast_in_dim3A_185 : i32 to vector<16xi32>
    %gather3A_187 = tpu.vector_load_idx %arg6[%add3A_176, %broadcast_in_dim3A_178] : memref<512x5xf32, #tpu.memory_space<vmem>>[vector<16xi32>, vector<16xi32>], vector<16xf32>,
    %gather3A_188 = tpu.vector_load_idx %arg6[%add3A_176, %broadcast_in_dim3A_180] : memref<512x5xf32, #tpu.memory_space<vmem>>[vector<16xi32>, vector<16xi32>], vector<16xf32>,
    %gather3A_189 = tpu.vector_load_idx %arg6[%add3A_176, %broadcast_in_dim3A_182] : memref<512x5xf32, #tpu.memory_space<vmem>>[vector<16xi32>, vector<16xi32>], vector<16xf32>,
    %gather3A_190 = tpu.vector_load_idx %arg6[%add3A_176, %broadcast_in_dim3A_184] : memref<512x5xf32, #tpu.memory_space<vmem>>[vector<16xi32>, vector<16xi32>], vector<16xf32>,
    %gather3A_191 = tpu.vector_load_idx %arg6[%add3A_176, %broadcast_in_dim3A_186] : memref<512x5xf32, #tpu.memory_space<vmem>>[vector<16xi32>, vector<16xi32>], vector<16xf32>,
    %gt3A_192 = arith.constant 112.289917 : f32
    %gt3A_193 = vector.broadcast %gt3A_192 : f32 to vector<16xf32>
    %gt3A_194 = arith.cmpf ogt, %gather3A_189, %gt3A_193 : vector<16xf32>
    %lt3A_195 = arith.constant 368.289917 : f32
    %lt3A_196 = vector.broadcast %lt3A_195 : f32 to vector<16xf32>
    %lt3A_197 = arith.cmpf olt, %gather3A_189, %lt3A_196 : vector<16xf32>
    %and3A_198 = arith.andi %gt3A_194, %lt3A_197 : vector<16xi1>
    %mul3A_199 = arith.constant 5.000000e-01 : f32
    %mul3A_200 = vector.broadcast %mul3A_199 : f32 to vector<16xf32>
    %mul3A_201 = arith.mulf %gather3A_191, %mul3A_200 : vector<16xf32>
    %sub3A_202 = arith.subf %gather3A_189, %mul3A_201 : vector<16xf32>
    %max3A_203 = arith.constant 112.289917 : f32
    %max3A_204 = vector.broadcast %max3A_203 : f32 to vector<16xf32>
    %max3A_205 = arith.maximumf %sub3A_202, %max3A_204 : vector<16xf32>
    %add3A_206 = arith.addf %gather3A_189, %mul3A_201 : vector<16xf32>
    %min3A_207 = arith.constant 368.289917 : f32
    %min3A_208 = vector.broadcast %min3A_207 : f32 to vector<16xf32>
    %min3A_209 = arith.minimumf %add3A_206, %min3A_208 : vector<16xf32>
    %add3A_210 = arith.addf %max3A_205, %min3A_209 : vector<16xf32>
    %mul3A_211 = arith.constant 5.000000e-01 : f32
    %mul3A_212 = vector.broadcast %mul3A_211 : f32 to vector<16xf32>
    %mul3A_213 = arith.mulf %add3A_210, %mul3A_212 : vector<16xf32>
    %sub3A_214 = arith.subf %min3A_209, %max3A_205 : vector<16xf32>
    %convert_element_type3A_215 = arith.extui %and3A_198 : vector<16xi1> to vector<16xi32>
    %convert_element_type3A_216 = arith.sitofp %convert_element_type3A_215 : vector<16xi32> to vector<16xf32>
    %mul3A_217 = arith.mulf %gather3A_187, %convert_element_type3A_216 : vector<16xf32>
    tpu.vector_store_idx %arg6[%add3A_176, %broadcast_in_dim3A_178], %mul3A_217 : memref<512x5xf32, #tpu.memory_space<vmem>>[vector<16xi32>, vector<16xi32>], vector<16xf32>,
    %mul3A_218 = arith.mulf %gather3A_188, %convert_element_type3A_216 : vector<16xf32>
    tpu.vector_store_idx %arg6[%add3A_176, %broadcast_in_dim3A_180], %mul3A_218 : memref<512x5xf32, #tpu.memory_space<vmem>>[vector<16xi32>, vector<16xi32>], vector<16xf32>,
    %mul3A_219 = arith.mulf %mul3A_213, %convert_element_type3A_216 : vector<16xf32>
    tpu.vector_store_idx %arg6[%add3A_176, %broadcast_in_dim3A_182], %mul3A_219 : memref<512x5xf32, #tpu.memory_space<vmem>>[vector<16xi32>, vector<16xi32>], vector<16xf32>,
    %mul3A_220 = arith.mulf %gather3A_190, %convert_element_type3A_216 : vector<16xf32>
    tpu.vector_store_idx %arg6[%add3A_176, %broadcast_in_dim3A_184], %mul3A_220 : memref<512x5xf32, #tpu.memory_space<vmem>>[vector<16xi32>, vector<16xi32>], vector<16xf32>,
    %mul3A_221 = arith.mulf %sub3A_214, %convert_element_type3A_216 : vector<16xf32>
    tpu.vector_store_idx %arg6[%add3A_176, %broadcast_in_dim3A_186], %mul3A_221 : memref<512x5xf32, #tpu.memory_space<vmem>>[vector<16xi32>, vector<16xi32>], vector<16xf32>,
    %add3A_222 = vector.broadcast %mul3A_2 : i32 to vector<16xi32>
    %add3A_223 = arith.addi %add3A_176, %add3A_222 : vector<16xi32>
    %broadcast_in_dim3A_224 = arith.constant 0 : i32
    %broadcast_in_dim3A_225 = vector.broadcast %broadcast_in_dim3A_224 : i32 to vector<16xi32>
    %ge3A_226 = arith.cmpi sge, %add3A_223, %gather3A : vector<16xi32>
    %convert_element_type3A_227 = arith.extui %ge3A_226 : vector<16xi1> to vector<16xi32>
    %add3A_228 = arith.addi %broadcast_in_dim3A_225, %convert_element_type3A_227 : vector<16xi32>
    %ge3A_229 = arith.cmpi sge, %add3A_223, %gather3A_8 : vector<16xi32>
    %convert_element_type3A_230 = arith.extui %ge3A_229 : vector<16xi1> to vector<16xi32>
    %add3A_231 = arith.addi %add3A_228, %convert_element_type3A_230 : vector<16xi32>
    %ge3A_232 = arith.cmpi sge, %add3A_223, %gather3A_11 : vector<16xi32>
    %convert_element_type3A_233 = arith.extui %ge3A_232 : vector<16xi1> to vector<16xi32>
    %add3A_234 = arith.addi %add3A_231, %convert_element_type3A_233 : vector<16xi32>
    %ge3A_235 = arith.cmpi sge, %add3A_223, %gather3A_14 : vector<16xi32>
    %convert_element_type3A_236 = arith.extui %ge3A_235 : vector<16xi1> to vector<16xi32>
    %add3A_237 = arith.addi %add3A_234, %convert_element_type3A_236 : vector<16xi32>
    %ge3A_238 = arith.cmpi sge, %add3A_223, %gather3A_17 : vector<16xi32>
    %convert_element_type3A_239 = arith.extui %ge3A_238 : vector<16xi1> to vector<16xi32>
    %add3A_240 = arith.addi %add3A_237, %convert_element_type3A_239 : vector<16xi32>
    %ge3A_241 = arith.cmpi sge, %add3A_223, %gather3A_20 : vector<16xi32>
    %convert_element_type3A_242 = arith.extui %ge3A_241 : vector<16xi1> to vector<16xi32>
    %add3A_243 = arith.addi %add3A_240, %convert_element_type3A_242 : vector<16xi32>
    %ge3A_244 = arith.cmpi sge, %add3A_223, %gather3A_23 : vector<16xi32>
    %convert_element_type3A_245 = arith.extui %ge3A_244 : vector<16xi1> to vector<16xi32>
    %add3A_246 = arith.addi %add3A_243, %convert_element_type3A_245 : vector<16xi32>
    %ge3A_247 = arith.cmpi sge, %add3A_223, %gather3A_26 : vector<16xi32>
    %convert_element_type3A_248 = arith.extui %ge3A_247 : vector<16xi1> to vector<16xi32>
    %add3A_249 = arith.addi %add3A_246, %convert_element_type3A_248 : vector<16xi32>
    tpu.vector_store_idx %arg8[%add3A_249], %broadcast_in_dim3A_3 masked %and3A_198 {add = true} : memref<16xi32, #tpu.memory_space<vmem>>[vector<16xi32>], vector<16xi32>, vector<16xi1>
    %add3A_250 = arith.constant 48 : i32
    %add3A_251 = vector.broadcast %add3A_250 : i32 to vector<16xi32>
    %add3A_252 = arith.addi %iota3A, %add3A_251 : vector<16xi32>
    %broadcast_in_dim3A_253 = arith.constant 0 : i32
    %broadcast_in_dim3A_254 = vector.broadcast %broadcast_in_dim3A_253 : i32 to vector<16xi32>
    %broadcast_in_dim3A_255 = arith.constant 1 : i32
    %broadcast_in_dim3A_256 = vector.broadcast %broadcast_in_dim3A_255 : i32 to vector<16xi32>
    %broadcast_in_dim3A_257 = arith.constant 2 : i32
    %broadcast_in_dim3A_258 = vector.broadcast %broadcast_in_dim3A_257 : i32 to vector<16xi32>
    %broadcast_in_dim3A_259 = arith.constant 3 : i32
    %broadcast_in_dim3A_260 = vector.broadcast %broadcast_in_dim3A_259 : i32 to vector<16xi32>
    %broadcast_in_dim3A_261 = arith.constant 4 : i32
    %broadcast_in_dim3A_262 = vector.broadcast %broadcast_in_dim3A_261 : i32 to vector<16xi32>
    %gather3A_263 = tpu.vector_load_idx %arg6[%add3A_252, %broadcast_in_dim3A_254] : memref<512x5xf32, #tpu.memory_space<vmem>>[vector<16xi32>, vector<16xi32>], vector<16xf32>,
    %gather3A_264 = tpu.vector_load_idx %arg6[%add3A_252, %broadcast_in_dim3A_256] : memref<512x5xf32, #tpu.memory_space<vmem>>[vector<16xi32>, vector<16xi32>], vector<16xf32>,
    %gather3A_265 = tpu.vector_load_idx %arg6[%add3A_252, %broadcast_in_dim3A_258] : memref<512x5xf32, #tpu.memory_space<vmem>>[vector<16xi32>, vector<16xi32>], vector<16xf32>,
    %gather3A_266 = tpu.vector_load_idx %arg6[%add3A_252, %broadcast_in_dim3A_260] : memref<512x5xf32, #tpu.memory_space<vmem>>[vector<16xi32>, vector<16xi32>], vector<16xf32>,
    %gather3A_267 = tpu.vector_load_idx %arg6[%add3A_252, %broadcast_in_dim3A_262] : memref<512x5xf32, #tpu.memory_space<vmem>>[vector<16xi32>, vector<16xi32>], vector<16xf32>,
    %gt3A_268 = arith.constant 112.289917 : f32
    %gt3A_269 = vector.broadcast %gt3A_268 : f32 to vector<16xf32>
    %gt3A_270 = arith.cmpf ogt, %gather3A_265, %gt3A_269 : vector<16xf32>
    %lt3A_271 = arith.constant 368.289917 : f32
    %lt3A_272 = vector.broadcast %lt3A_271 : f32 to vector<16xf32>
    %lt3A_273 = arith.cmpf olt, %gather3A_265, %lt3A_272 : vector<16xf32>
    %and3A_274 = arith.andi %gt3A_270, %lt3A_273 : vector<16xi1>
    %mul3A_275 = arith.constant 5.000000e-01 : f32
    %mul3A_276 = vector.broadcast %mul3A_275 : f32 to vector<16xf32>
    %mul3A_277 = arith.mulf %gather3A_267, %mul3A_276 : vector<16xf32>
    %sub3A_278 = arith.subf %gather3A_265, %mul3A_277 : vector<16xf32>
    %max3A_279 = arith.constant 112.289917 : f32
    %max3A_280 = vector.broadcast %max3A_279 : f32 to vector<16xf32>
    %max3A_281 = arith.maximumf %sub3A_278, %max3A_280 : vector<16xf32>
    %add3A_282 = arith.addf %gather3A_265, %mul3A_277 : vector<16xf32>
    %min3A_283 = arith.constant 368.289917 : f32
    %min3A_284 = vector.broadcast %min3A_283 : f32 to vector<16xf32>
    %min3A_285 = arith.minimumf %add3A_282, %min3A_284 : vector<16xf32>
    %add3A_286 = arith.addf %max3A_281, %min3A_285 : vector<16xf32>
    %mul3A_287 = arith.constant 5.000000e-01 : f32
    %mul3A_288 = vector.broadcast %mul3A_287 : f32 to vector<16xf32>
    %mul3A_289 = arith.mulf %add3A_286, %mul3A_288 : vector<16xf32>
    %sub3A_290 = arith.subf %min3A_285, %max3A_281 : vector<16xf32>
    %convert_element_type3A_291 = arith.extui %and3A_274 : vector<16xi1> to vector<16xi32>
    %convert_element_type3A_292 = arith.sitofp %convert_element_type3A_291 : vector<16xi32> to vector<16xf32>
    %mul3A_293 = arith.mulf %gather3A_263, %convert_element_type3A_292 : vector<16xf32>
    tpu.vector_store_idx %arg6[%add3A_252, %broadcast_in_dim3A_254], %mul3A_293 : memref<512x5xf32, #tpu.memory_space<vmem>>[vector<16xi32>, vector<16xi32>], vector<16xf32>,
    %mul3A_294 = arith.mulf %gather3A_264, %convert_element_type3A_292 : vector<16xf32>
    tpu.vector_store_idx %arg6[%add3A_252, %broadcast_in_dim3A_256], %mul3A_294 : memref<512x5xf32, #tpu.memory_space<vmem>>[vector<16xi32>, vector<16xi32>], vector<16xf32>,
    %mul3A_295 = arith.mulf %mul3A_289, %convert_element_type3A_292 : vector<16xf32>
    tpu.vector_store_idx %arg6[%add3A_252, %broadcast_in_dim3A_258], %mul3A_295 : memref<512x5xf32, #tpu.memory_space<vmem>>[vector<16xi32>, vector<16xi32>], vector<16xf32>,
    %mul3A_296 = arith.mulf %gather3A_266, %convert_element_type3A_292 : vector<16xf32>
    tpu.vector_store_idx %arg6[%add3A_252, %broadcast_in_dim3A_260], %mul3A_296 : memref<512x5xf32, #tpu.memory_space<vmem>>[vector<16xi32>, vector<16xi32>], vector<16xf32>,
    %mul3A_297 = arith.mulf %sub3A_290, %convert_element_type3A_292 : vector<16xf32>
    tpu.vector_store_idx %arg6[%add3A_252, %broadcast_in_dim3A_262], %mul3A_297 : memref<512x5xf32, #tpu.memory_space<vmem>>[vector<16xi32>, vector<16xi32>], vector<16xf32>,
    %add3A_298 = vector.broadcast %mul3A_2 : i32 to vector<16xi32>
    %add3A_299 = arith.addi %add3A_252, %add3A_298 : vector<16xi32>
    %broadcast_in_dim3A_300 = arith.constant 0 : i32
    %broadcast_in_dim3A_301 = vector.broadcast %broadcast_in_dim3A_300 : i32 to vector<16xi32>
    %ge3A_302 = arith.cmpi sge, %add3A_299, %gather3A : vector<16xi32>
    %convert_element_type3A_303 = arith.extui %ge3A_302 : vector<16xi1> to vector<16xi32>
    %add3A_304 = arith.addi %broadcast_in_dim3A_301, %convert_element_type3A_303 : vector<16xi32>
    %ge3A_305 = arith.cmpi sge, %add3A_299, %gather3A_8 : vector<16xi32>
    %convert_element_type3A_306 = arith.extui %ge3A_305 : vector<16xi1> to vector<16xi32>
    %add3A_307 = arith.addi %add3A_304, %convert_element_type3A_306 : vector<16xi32>
    %ge3A_308 = arith.cmpi sge, %add3A_299, %gather3A_11 : vector<16xi32>
    %convert_element_type3A_309 = arith.extui %ge3A_308 : vector<16xi1> to vector<16xi32>
    %add3A_310 = arith.addi %add3A_307, %convert_element_type3A_309 : vector<16xi32>
    %ge3A_311 = arith.cmpi sge, %add3A_299, %gather3A_14 : vector<16xi32>
    %convert_element_type3A_312 = arith.extui %ge3A_311 : vector<16xi1> to vector<16xi32>
    %add3A_313 = arith.addi %add3A_310, %convert_element_type3A_312 : vector<16xi32>
    %ge3A_314 = arith.cmpi sge, %add3A_299, %gather3A_17 : vector<16xi32>
    %convert_element_type3A_315 = arith.extui %ge3A_314 : vector<16xi1> to vector<16xi32>
    %add3A_316 = arith.addi %add3A_313, %convert_element_type3A_315 : vector<16xi32>
    %ge3A_317 = arith.cmpi sge, %add3A_299, %gather3A_20 : vector<16xi32>
    %convert_element_type3A_318 = arith.extui %ge3A_317 : vector<16xi1> to vector<16xi32>
    %add3A_319 = arith.addi %add3A_316, %convert_element_type3A_318 : vector<16xi32>
    %ge3A_320 = arith.cmpi sge, %add3A_299, %gather3A_23 : vector<16xi32>
    %convert_element_type3A_321 = arith.extui %ge3A_320 : vector<16xi1> to vector<16xi32>
    %add3A_322 = arith.addi %add3A_319, %convert_element_type3A_321 : vector<16xi32>
    %ge3A_323 = arith.cmpi sge, %add3A_299, %gather3A_26 : vector<16xi32>
    %convert_element_type3A_324 = arith.extui %ge3A_323 : vector<16xi1> to vector<16xi32>
    %add3A_325 = arith.addi %add3A_322, %convert_element_type3A_324 : vector<16xi32>
    tpu.vector_store_idx %arg8[%add3A_325], %broadcast_in_dim3A_3 masked %and3A_274 {add = true} : memref<16xi32, #tpu.memory_space<vmem>>[vector<16xi32>], vector<16xi32>, vector<16xi1>
    %add3A_326 = arith.constant 64 : i32
    %add3A_327 = vector.broadcast %add3A_326 : i32 to vector<16xi32>
    %add3A_328 = arith.addi %iota3A, %add3A_327 : vector<16xi32>
    %broadcast_in_dim3A_329 = arith.constant 0 : i32
    %broadcast_in_dim3A_330 = vector.broadcast %broadcast_in_dim3A_329 : i32 to vector<16xi32>
    %broadcast_in_dim3A_331 = arith.constant 1 : i32
    %broadcast_in_dim3A_332 = vector.broadcast %broadcast_in_dim3A_331 : i32 to vector<16xi32>
    %broadcast_in_dim3A_333 = arith.constant 2 : i32
    %broadcast_in_dim3A_334 = vector.broadcast %broadcast_in_dim3A_333 : i32 to vector<16xi32>
    %broadcast_in_dim3A_335 = arith.constant 3 : i32
    %broadcast_in_dim3A_336 = vector.broadcast %broadcast_in_dim3A_335 : i32 to vector<16xi32>
    %broadcast_in_dim3A_337 = arith.constant 4 : i32
    %broadcast_in_dim3A_338 = vector.broadcast %broadcast_in_dim3A_337 : i32 to vector<16xi32>
    %gather3A_339 = tpu.vector_load_idx %arg6[%add3A_328, %broadcast_in_dim3A_330] : memref<512x5xf32, #tpu.memory_space<vmem>>[vector<16xi32>, vector<16xi32>], vector<16xf32>,
    %gather3A_340 = tpu.vector_load_idx %arg6[%add3A_328, %broadcast_in_dim3A_332] : memref<512x5xf32, #tpu.memory_space<vmem>>[vector<16xi32>, vector<16xi32>], vector<16xf32>,
    %gather3A_341 = tpu.vector_load_idx %arg6[%add3A_328, %broadcast_in_dim3A_334] : memref<512x5xf32, #tpu.memory_space<vmem>>[vector<16xi32>, vector<16xi32>], vector<16xf32>,
    %gather3A_342 = tpu.vector_load_idx %arg6[%add3A_328, %broadcast_in_dim3A_336] : memref<512x5xf32, #tpu.memory_space<vmem>>[vector<16xi32>, vector<16xi32>], vector<16xf32>,
    %gather3A_343 = tpu.vector_load_idx %arg6[%add3A_328, %broadcast_in_dim3A_338] : memref<512x5xf32, #tpu.memory_space<vmem>>[vector<16xi32>, vector<16xi32>], vector<16xf32>,
    %gt3A_344 = arith.constant 112.289917 : f32
    %gt3A_345 = vector.broadcast %gt3A_344 : f32 to vector<16xf32>
    %gt3A_346 = arith.cmpf ogt, %gather3A_341, %gt3A_345 : vector<16xf32>
    %lt3A_347 = arith.constant 368.289917 : f32
    %lt3A_348 = vector.broadcast %lt3A_347 : f32 to vector<16xf32>
    %lt3A_349 = arith.cmpf olt, %gather3A_341, %lt3A_348 : vector<16xf32>
    %and3A_350 = arith.andi %gt3A_346, %lt3A_349 : vector<16xi1>
    %mul3A_351 = arith.constant 5.000000e-01 : f32
    %mul3A_352 = vector.broadcast %mul3A_351 : f32 to vector<16xf32>
    %mul3A_353 = arith.mulf %gather3A_343, %mul3A_352 : vector<16xf32>
    %sub3A_354 = arith.subf %gather3A_341, %mul3A_353 : vector<16xf32>
    %max3A_355 = arith.constant 112.289917 : f32
    %max3A_356 = vector.broadcast %max3A_355 : f32 to vector<16xf32>
    %max3A_357 = arith.maximumf %sub3A_354, %max3A_356 : vector<16xf32>
    %add3A_358 = arith.addf %gather3A_341, %mul3A_353 : vector<16xf32>
    %min3A_359 = arith.constant 368.289917 : f32
    %min3A_360 = vector.broadcast %min3A_359 : f32 to vector<16xf32>
    %min3A_361 = arith.minimumf %add3A_358, %min3A_360 : vector<16xf32>
    %add3A_362 = arith.addf %max3A_357, %min3A_361 : vector<16xf32>
    %mul3A_363 = arith.constant 5.000000e-01 : f32
    %mul3A_364 = vector.broadcast %mul3A_363 : f32 to vector<16xf32>
    %mul3A_365 = arith.mulf %add3A_362, %mul3A_364 : vector<16xf32>
    %sub3A_366 = arith.subf %min3A_361, %max3A_357 : vector<16xf32>
    %convert_element_type3A_367 = arith.extui %and3A_350 : vector<16xi1> to vector<16xi32>
    %convert_element_type3A_368 = arith.sitofp %convert_element_type3A_367 : vector<16xi32> to vector<16xf32>
    %mul3A_369 = arith.mulf %gather3A_339, %convert_element_type3A_368 : vector<16xf32>
    tpu.vector_store_idx %arg6[%add3A_328, %broadcast_in_dim3A_330], %mul3A_369 : memref<512x5xf32, #tpu.memory_space<vmem>>[vector<16xi32>, vector<16xi32>], vector<16xf32>,
    %mul3A_370 = arith.mulf %gather3A_340, %convert_element_type3A_368 : vector<16xf32>
    tpu.vector_store_idx %arg6[%add3A_328, %broadcast_in_dim3A_332], %mul3A_370 : memref<512x5xf32, #tpu.memory_space<vmem>>[vector<16xi32>, vector<16xi32>], vector<16xf32>,
    %mul3A_371 = arith.mulf %mul3A_365, %convert_element_type3A_368 : vector<16xf32>
    tpu.vector_store_idx %arg6[%add3A_328, %broadcast_in_dim3A_334], %mul3A_371 : memref<512x5xf32, #tpu.memory_space<vmem>>[vector<16xi32>, vector<16xi32>], vector<16xf32>,
    %mul3A_372 = arith.mulf %gather3A_342, %convert_element_type3A_368 : vector<16xf32>
    tpu.vector_store_idx %arg6[%add3A_328, %broadcast_in_dim3A_336], %mul3A_372 : memref<512x5xf32, #tpu.memory_space<vmem>>[vector<16xi32>, vector<16xi32>], vector<16xf32>,
    %mul3A_373 = arith.mulf %sub3A_366, %convert_element_type3A_368 : vector<16xf32>
    tpu.vector_store_idx %arg6[%add3A_328, %broadcast_in_dim3A_338], %mul3A_373 : memref<512x5xf32, #tpu.memory_space<vmem>>[vector<16xi32>, vector<16xi32>], vector<16xf32>,
    %add3A_374 = vector.broadcast %mul3A_2 : i32 to vector<16xi32>
    %add3A_375 = arith.addi %add3A_328, %add3A_374 : vector<16xi32>
    %broadcast_in_dim3A_376 = arith.constant 0 : i32
    %broadcast_in_dim3A_377 = vector.broadcast %broadcast_in_dim3A_376 : i32 to vector<16xi32>
    %ge3A_378 = arith.cmpi sge, %add3A_375, %gather3A : vector<16xi32>
    %convert_element_type3A_379 = arith.extui %ge3A_378 : vector<16xi1> to vector<16xi32>
    %add3A_380 = arith.addi %broadcast_in_dim3A_377, %convert_element_type3A_379 : vector<16xi32>
    %ge3A_381 = arith.cmpi sge, %add3A_375, %gather3A_8 : vector<16xi32>
    %convert_element_type3A_382 = arith.extui %ge3A_381 : vector<16xi1> to vector<16xi32>
    %add3A_383 = arith.addi %add3A_380, %convert_element_type3A_382 : vector<16xi32>
    %ge3A_384 = arith.cmpi sge, %add3A_375, %gather3A_11 : vector<16xi32>
    %convert_element_type3A_385 = arith.extui %ge3A_384 : vector<16xi1> to vector<16xi32>
    %add3A_386 = arith.addi %add3A_383, %convert_element_type3A_385 : vector<16xi32>
    %ge3A_387 = arith.cmpi sge, %add3A_375, %gather3A_14 : vector<16xi32>
    %convert_element_type3A_388 = arith.extui %ge3A_387 : vector<16xi1> to vector<16xi32>
    %add3A_389 = arith.addi %add3A_386, %convert_element_type3A_388 : vector<16xi32>
    %ge3A_390 = arith.cmpi sge, %add3A_375, %gather3A_17 : vector<16xi32>
    %convert_element_type3A_391 = arith.extui %ge3A_390 : vector<16xi1> to vector<16xi32>
    %add3A_392 = arith.addi %add3A_389, %convert_element_type3A_391 : vector<16xi32>
    %ge3A_393 = arith.cmpi sge, %add3A_375, %gather3A_20 : vector<16xi32>
    %convert_element_type3A_394 = arith.extui %ge3A_393 : vector<16xi1> to vector<16xi32>
    %add3A_395 = arith.addi %add3A_392, %convert_element_type3A_394 : vector<16xi32>
    %ge3A_396 = arith.cmpi sge, %add3A_375, %gather3A_23 : vector<16xi32>
    %convert_element_type3A_397 = arith.extui %ge3A_396 : vector<16xi1> to vector<16xi32>
    %add3A_398 = arith.addi %add3A_395, %convert_element_type3A_397 : vector<16xi32>
    %ge3A_399 = arith.cmpi sge, %add3A_375, %gather3A_26 : vector<16xi32>
    %convert_element_type3A_400 = arith.extui %ge3A_399 : vector<16xi1> to vector<16xi32>
    %add3A_401 = arith.addi %add3A_398, %convert_element_type3A_400 : vector<16xi32>
    tpu.vector_store_idx %arg8[%add3A_401], %broadcast_in_dim3A_3 masked %and3A_350 {add = true} : memref<16xi32, #tpu.memory_space<vmem>>[vector<16xi32>], vector<16xi32>, vector<16xi1>
    %add3A_402 = arith.constant 80 : i32
    %add3A_403 = vector.broadcast %add3A_402 : i32 to vector<16xi32>
    %add3A_404 = arith.addi %iota3A, %add3A_403 : vector<16xi32>
    %broadcast_in_dim3A_405 = arith.constant 0 : i32
    %broadcast_in_dim3A_406 = vector.broadcast %broadcast_in_dim3A_405 : i32 to vector<16xi32>
    %broadcast_in_dim3A_407 = arith.constant 1 : i32
    %broadcast_in_dim3A_408 = vector.broadcast %broadcast_in_dim3A_407 : i32 to vector<16xi32>
    %broadcast_in_dim3A_409 = arith.constant 2 : i32
    %broadcast_in_dim3A_410 = vector.broadcast %broadcast_in_dim3A_409 : i32 to vector<16xi32>
    %broadcast_in_dim3A_411 = arith.constant 3 : i32
    %broadcast_in_dim3A_412 = vector.broadcast %broadcast_in_dim3A_411 : i32 to vector<16xi32>
    %broadcast_in_dim3A_413 = arith.constant 4 : i32
    %broadcast_in_dim3A_414 = vector.broadcast %broadcast_in_dim3A_413 : i32 to vector<16xi32>
    %gather3A_415 = tpu.vector_load_idx %arg6[%add3A_404, %broadcast_in_dim3A_406] : memref<512x5xf32, #tpu.memory_space<vmem>>[vector<16xi32>, vector<16xi32>], vector<16xf32>,
    %gather3A_416 = tpu.vector_load_idx %arg6[%add3A_404, %broadcast_in_dim3A_408] : memref<512x5xf32, #tpu.memory_space<vmem>>[vector<16xi32>, vector<16xi32>], vector<16xf32>,
    %gather3A_417 = tpu.vector_load_idx %arg6[%add3A_404, %broadcast_in_dim3A_410] : memref<512x5xf32, #tpu.memory_space<vmem>>[vector<16xi32>, vector<16xi32>], vector<16xf32>,
    %gather3A_418 = tpu.vector_load_idx %arg6[%add3A_404, %broadcast_in_dim3A_412] : memref<512x5xf32, #tpu.memory_space<vmem>>[vector<16xi32>, vector<16xi32>], vector<16xf32>,
    %gather3A_419 = tpu.vector_load_idx %arg6[%add3A_404, %broadcast_in_dim3A_414] : memref<512x5xf32, #tpu.memory_space<vmem>>[vector<16xi32>, vector<16xi32>], vector<16xf32>,
    %gt3A_420 = arith.constant 112.289917 : f32
    %gt3A_421 = vector.broadcast %gt3A_420 : f32 to vector<16xf32>
    %gt3A_422 = arith.cmpf ogt, %gather3A_417, %gt3A_421 : vector<16xf32>
    %lt3A_423 = arith.constant 368.289917 : f32
    %lt3A_424 = vector.broadcast %lt3A_423 : f32 to vector<16xf32>
    %lt3A_425 = arith.cmpf olt, %gather3A_417, %lt3A_424 : vector<16xf32>
    %and3A_426 = arith.andi %gt3A_422, %lt3A_425 : vector<16xi1>
    %mul3A_427 = arith.constant 5.000000e-01 : f32
    %mul3A_428 = vector.broadcast %mul3A_427 : f32 to vector<16xf32>
    %mul3A_429 = arith.mulf %gather3A_419, %mul3A_428 : vector<16xf32>
    %sub3A_430 = arith.subf %gather3A_417, %mul3A_429 : vector<16xf32>
    %max3A_431 = arith.constant 112.289917 : f32
    %max3A_432 = vector.broadcast %max3A_431 : f32 to vector<16xf32>
    %max3A_433 = arith.maximumf %sub3A_430, %max3A_432 : vector<16xf32>
    %add3A_434 = arith.addf %gather3A_417, %mul3A_429 : vector<16xf32>
    %min3A_435 = arith.constant 368.289917 : f32
    %min3A_436 = vector.broadcast %min3A_435 : f32 to vector<16xf32>
    %min3A_437 = arith.minimumf %add3A_434, %min3A_436 : vector<16xf32>
    %add3A_438 = arith.addf %max3A_433, %min3A_437 : vector<16xf32>
    %mul3A_439 = arith.constant 5.000000e-01 : f32
    %mul3A_440 = vector.broadcast %mul3A_439 : f32 to vector<16xf32>
    %mul3A_441 = arith.mulf %add3A_438, %mul3A_440 : vector<16xf32>
    %sub3A_442 = arith.subf %min3A_437, %max3A_433 : vector<16xf32>
    %convert_element_type3A_443 = arith.extui %and3A_426 : vector<16xi1> to vector<16xi32>
    %convert_element_type3A_444 = arith.sitofp %convert_element_type3A_443 : vector<16xi32> to vector<16xf32>
    %mul3A_445 = arith.mulf %gather3A_415, %convert_element_type3A_444 : vector<16xf32>
    tpu.vector_store_idx %arg6[%add3A_404, %broadcast_in_dim3A_406], %mul3A_445 : memref<512x5xf32, #tpu.memory_space<vmem>>[vector<16xi32>, vector<16xi32>], vector<16xf32>,
    %mul3A_446 = arith.mulf %gather3A_416, %convert_element_type3A_444 : vector<16xf32>
    tpu.vector_store_idx %arg6[%add3A_404, %broadcast_in_dim3A_408], %mul3A_446 : memref<512x5xf32, #tpu.memory_space<vmem>>[vector<16xi32>, vector<16xi32>], vector<16xf32>,
    %mul3A_447 = arith.mulf %mul3A_441, %convert_element_type3A_444 : vector<16xf32>
    tpu.vector_store_idx %arg6[%add3A_404, %broadcast_in_dim3A_410], %mul3A_447 : memref<512x5xf32, #tpu.memory_space<vmem>>[vector<16xi32>, vector<16xi32>], vector<16xf32>,
    %mul3A_448 = arith.mulf %gather3A_418, %convert_element_type3A_444 : vector<16xf32>
    tpu.vector_store_idx %arg6[%add3A_404, %broadcast_in_dim3A_412], %mul3A_448 : memref<512x5xf32, #tpu.memory_space<vmem>>[vector<16xi32>, vector<16xi32>], vector<16xf32>,
    %mul3A_449 = arith.mulf %sub3A_442, %convert_element_type3A_444 : vector<16xf32>
    tpu.vector_store_idx %arg6[%add3A_404, %broadcast_in_dim3A_414], %mul3A_449 : memref<512x5xf32, #tpu.memory_space<vmem>>[vector<16xi32>, vector<16xi32>], vector<16xf32>,
    %add3A_450 = vector.broadcast %mul3A_2 : i32 to vector<16xi32>
    %add3A_451 = arith.addi %add3A_404, %add3A_450 : vector<16xi32>
    %broadcast_in_dim3A_452 = arith.constant 0 : i32
    %broadcast_in_dim3A_453 = vector.broadcast %broadcast_in_dim3A_452 : i32 to vector<16xi32>
    %ge3A_454 = arith.cmpi sge, %add3A_451, %gather3A : vector<16xi32>
    %convert_element_type3A_455 = arith.extui %ge3A_454 : vector<16xi1> to vector<16xi32>
    %add3A_456 = arith.addi %broadcast_in_dim3A_453, %convert_element_type3A_455 : vector<16xi32>
    %ge3A_457 = arith.cmpi sge, %add3A_451, %gather3A_8 : vector<16xi32>
    %convert_element_type3A_458 = arith.extui %ge3A_457 : vector<16xi1> to vector<16xi32>
    %add3A_459 = arith.addi %add3A_456, %convert_element_type3A_458 : vector<16xi32>
    %ge3A_460 = arith.cmpi sge, %add3A_451, %gather3A_11 : vector<16xi32>
    %convert_element_type3A_461 = arith.extui %ge3A_460 : vector<16xi1> to vector<16xi32>
    %add3A_462 = arith.addi %add3A_459, %convert_element_type3A_461 : vector<16xi32>
    %ge3A_463 = arith.cmpi sge, %add3A_451, %gather3A_14 : vector<16xi32>
    %convert_element_type3A_464 = arith.extui %ge3A_463 : vector<16xi1> to vector<16xi32>
    %add3A_465 = arith.addi %add3A_462, %convert_element_type3A_464 : vector<16xi32>
    %ge3A_466 = arith.cmpi sge, %add3A_451, %gather3A_17 : vector<16xi32>
    %convert_element_type3A_467 = arith.extui %ge3A_466 : vector<16xi1> to vector<16xi32>
    %add3A_468 = arith.addi %add3A_465, %convert_element_type3A_467 : vector<16xi32>
    %ge3A_469 = arith.cmpi sge, %add3A_451, %gather3A_20 : vector<16xi32>
    %convert_element_type3A_470 = arith.extui %ge3A_469 : vector<16xi1> to vector<16xi32>
    %add3A_471 = arith.addi %add3A_468, %convert_element_type3A_470 : vector<16xi32>
    %ge3A_472 = arith.cmpi sge, %add3A_451, %gather3A_23 : vector<16xi32>
    %convert_element_type3A_473 = arith.extui %ge3A_472 : vector<16xi1> to vector<16xi32>
    %add3A_474 = arith.addi %add3A_471, %convert_element_type3A_473 : vector<16xi32>
    %ge3A_475 = arith.cmpi sge, %add3A_451, %gather3A_26 : vector<16xi32>
    %convert_element_type3A_476 = arith.extui %ge3A_475 : vector<16xi1> to vector<16xi32>
    %add3A_477 = arith.addi %add3A_474, %convert_element_type3A_476 : vector<16xi32>
    tpu.vector_store_idx %arg8[%add3A_477], %broadcast_in_dim3A_3 masked %and3A_426 {add = true} : memref<16xi32, #tpu.memory_space<vmem>>[vector<16xi32>], vector<16xi32>, vector<16xi1>
    %add3A_478 = arith.constant 96 : i32
    %add3A_479 = vector.broadcast %add3A_478 : i32 to vector<16xi32>
    %add3A_480 = arith.addi %iota3A, %add3A_479 : vector<16xi32>
    %broadcast_in_dim3A_481 = arith.constant 0 : i32
    %broadcast_in_dim3A_482 = vector.broadcast %broadcast_in_dim3A_481 : i32 to vector<16xi32>
    %broadcast_in_dim3A_483 = arith.constant 1 : i32
    %broadcast_in_dim3A_484 = vector.broadcast %broadcast_in_dim3A_483 : i32 to vector<16xi32>
    %broadcast_in_dim3A_485 = arith.constant 2 : i32
    %broadcast_in_dim3A_486 = vector.broadcast %broadcast_in_dim3A_485 : i32 to vector<16xi32>
    %broadcast_in_dim3A_487 = arith.constant 3 : i32
    %broadcast_in_dim3A_488 = vector.broadcast %broadcast_in_dim3A_487 : i32 to vector<16xi32>
    %broadcast_in_dim3A_489 = arith.constant 4 : i32
    %broadcast_in_dim3A_490 = vector.broadcast %broadcast_in_dim3A_489 : i32 to vector<16xi32>
    %gather3A_491 = tpu.vector_load_idx %arg6[%add3A_480, %broadcast_in_dim3A_482] : memref<512x5xf32, #tpu.memory_space<vmem>>[vector<16xi32>, vector<16xi32>], vector<16xf32>,
    %gather3A_492 = tpu.vector_load_idx %arg6[%add3A_480, %broadcast_in_dim3A_484] : memref<512x5xf32, #tpu.memory_space<vmem>>[vector<16xi32>, vector<16xi32>], vector<16xf32>,
    %gather3A_493 = tpu.vector_load_idx %arg6[%add3A_480, %broadcast_in_dim3A_486] : memref<512x5xf32, #tpu.memory_space<vmem>>[vector<16xi32>, vector<16xi32>], vector<16xf32>,
    %gather3A_494 = tpu.vector_load_idx %arg6[%add3A_480, %broadcast_in_dim3A_488] : memref<512x5xf32, #tpu.memory_space<vmem>>[vector<16xi32>, vector<16xi32>], vector<16xf32>,
    %gather3A_495 = tpu.vector_load_idx %arg6[%add3A_480, %broadcast_in_dim3A_490] : memref<512x5xf32, #tpu.memory_space<vmem>>[vector<16xi32>, vector<16xi32>], vector<16xf32>,
    %gt3A_496 = arith.constant 112.289917 : f32
    %gt3A_497 = vector.broadcast %gt3A_496 : f32 to vector<16xf32>
    %gt3A_498 = arith.cmpf ogt, %gather3A_493, %gt3A_497 : vector<16xf32>
    %lt3A_499 = arith.constant 368.289917 : f32
    %lt3A_500 = vector.broadcast %lt3A_499 : f32 to vector<16xf32>
    %lt3A_501 = arith.cmpf olt, %gather3A_493, %lt3A_500 : vector<16xf32>
    %and3A_502 = arith.andi %gt3A_498, %lt3A_501 : vector<16xi1>
    %mul3A_503 = arith.constant 5.000000e-01 : f32
    %mul3A_504 = vector.broadcast %mul3A_503 : f32 to vector<16xf32>
    %mul3A_505 = arith.mulf %gather3A_495, %mul3A_504 : vector<16xf32>
    %sub3A_506 = arith.subf %gather3A_493, %mul3A_505 : vector<16xf32>
    %max3A_507 = arith.constant 112.289917 : f32
    %max3A_508 = vector.broadcast %max3A_507 : f32 to vector<16xf32>
    %max3A_509 = arith.maximumf %sub3A_506, %max3A_508 : vector<16xf32>
    %add3A_510 = arith.addf %gather3A_493, %mul3A_505 : vector<16xf32>
    %min3A_511 = arith.constant 368.289917 : f32
    %min3A_512 = vector.broadcast %min3A_511 : f32 to vector<16xf32>
    %min3A_513 = arith.minimumf %add3A_510, %min3A_512 : vector<16xf32>
    %add3A_514 = arith.addf %max3A_509, %min3A_513 : vector<16xf32>
    %mul3A_515 = arith.constant 5.000000e-01 : f32
    %mul3A_516 = vector.broadcast %mul3A_515 : f32 to vector<16xf32>
    %mul3A_517 = arith.mulf %add3A_514, %mul3A_516 : vector<16xf32>
    %sub3A_518 = arith.subf %min3A_513, %max3A_509 : vector<16xf32>
    %convert_element_type3A_519 = arith.extui %and3A_502 : vector<16xi1> to vector<16xi32>
    %convert_element_type3A_520 = arith.sitofp %convert_element_type3A_519 : vector<16xi32> to vector<16xf32>
    %mul3A_521 = arith.mulf %gather3A_491, %convert_element_type3A_520 : vector<16xf32>
    tpu.vector_store_idx %arg6[%add3A_480, %broadcast_in_dim3A_482], %mul3A_521 : memref<512x5xf32, #tpu.memory_space<vmem>>[vector<16xi32>, vector<16xi32>], vector<16xf32>,
    %mul3A_522 = arith.mulf %gather3A_492, %convert_element_type3A_520 : vector<16xf32>
    tpu.vector_store_idx %arg6[%add3A_480, %broadcast_in_dim3A_484], %mul3A_522 : memref<512x5xf32, #tpu.memory_space<vmem>>[vector<16xi32>, vector<16xi32>], vector<16xf32>,
    %mul3A_523 = arith.mulf %mul3A_517, %convert_element_type3A_520 : vector<16xf32>
    tpu.vector_store_idx %arg6[%add3A_480, %broadcast_in_dim3A_486], %mul3A_523 : memref<512x5xf32, #tpu.memory_space<vmem>>[vector<16xi32>, vector<16xi32>], vector<16xf32>,
    %mul3A_524 = arith.mulf %gather3A_494, %convert_element_type3A_520 : vector<16xf32>
    tpu.vector_store_idx %arg6[%add3A_480, %broadcast_in_dim3A_488], %mul3A_524 : memref<512x5xf32, #tpu.memory_space<vmem>>[vector<16xi32>, vector<16xi32>], vector<16xf32>,
    %mul3A_525 = arith.mulf %sub3A_518, %convert_element_type3A_520 : vector<16xf32>
    tpu.vector_store_idx %arg6[%add3A_480, %broadcast_in_dim3A_490], %mul3A_525 : memref<512x5xf32, #tpu.memory_space<vmem>>[vector<16xi32>, vector<16xi32>], vector<16xf32>,
    %add3A_526 = vector.broadcast %mul3A_2 : i32 to vector<16xi32>
    %add3A_527 = arith.addi %add3A_480, %add3A_526 : vector<16xi32>
    %broadcast_in_dim3A_528 = arith.constant 0 : i32
    %broadcast_in_dim3A_529 = vector.broadcast %broadcast_in_dim3A_528 : i32 to vector<16xi32>
    %ge3A_530 = arith.cmpi sge, %add3A_527, %gather3A : vector<16xi32>
    %convert_element_type3A_531 = arith.extui %ge3A_530 : vector<16xi1> to vector<16xi32>
    %add3A_532 = arith.addi %broadcast_in_dim3A_529, %convert_element_type3A_531 : vector<16xi32>
    %ge3A_533 = arith.cmpi sge, %add3A_527, %gather3A_8 : vector<16xi32>
    %convert_element_type3A_534 = arith.extui %ge3A_533 : vector<16xi1> to vector<16xi32>
    %add3A_535 = arith.addi %add3A_532, %convert_element_type3A_534 : vector<16xi32>
    %ge3A_536 = arith.cmpi sge, %add3A_527, %gather3A_11 : vector<16xi32>
    %convert_element_type3A_537 = arith.extui %ge3A_536 : vector<16xi1> to vector<16xi32>
    %add3A_538 = arith.addi %add3A_535, %convert_element_type3A_537 : vector<16xi32>
    %ge3A_539 = arith.cmpi sge, %add3A_527, %gather3A_14 : vector<16xi32>
    %convert_element_type3A_540 = arith.extui %ge3A_539 : vector<16xi1> to vector<16xi32>
    %add3A_541 = arith.addi %add3A_538, %convert_element_type3A_540 : vector<16xi32>
    %ge3A_542 = arith.cmpi sge, %add3A_527, %gather3A_17 : vector<16xi32>
    %convert_element_type3A_543 = arith.extui %ge3A_542 : vector<16xi1> to vector<16xi32>
    %add3A_544 = arith.addi %add3A_541, %convert_element_type3A_543 : vector<16xi32>
    %ge3A_545 = arith.cmpi sge, %add3A_527, %gather3A_20 : vector<16xi32>
    %convert_element_type3A_546 = arith.extui %ge3A_545 : vector<16xi1> to vector<16xi32>
    %add3A_547 = arith.addi %add3A_544, %convert_element_type3A_546 : vector<16xi32>
    %ge3A_548 = arith.cmpi sge, %add3A_527, %gather3A_23 : vector<16xi32>
    %convert_element_type3A_549 = arith.extui %ge3A_548 : vector<16xi1> to vector<16xi32>
    %add3A_550 = arith.addi %add3A_547, %convert_element_type3A_549 : vector<16xi32>
    %ge3A_551 = arith.cmpi sge, %add3A_527, %gather3A_26 : vector<16xi32>
    %convert_element_type3A_552 = arith.extui %ge3A_551 : vector<16xi1> to vector<16xi32>
    %add3A_553 = arith.addi %add3A_550, %convert_element_type3A_552 : vector<16xi32>
    tpu.vector_store_idx %arg8[%add3A_553], %broadcast_in_dim3A_3 masked %and3A_502 {add = true} : memref<16xi32, #tpu.memory_space<vmem>>[vector<16xi32>], vector<16xi32>, vector<16xi1>
    %add3A_554 = arith.constant 112 : i32
    %add3A_555 = vector.broadcast %add3A_554 : i32 to vector<16xi32>
    %add3A_556 = arith.addi %iota3A, %add3A_555 : vector<16xi32>
    %broadcast_in_dim3A_557 = arith.constant 0 : i32
    %broadcast_in_dim3A_558 = vector.broadcast %broadcast_in_dim3A_557 : i32 to vector<16xi32>
    %broadcast_in_dim3A_559 = arith.constant 1 : i32
    %broadcast_in_dim3A_560 = vector.broadcast %broadcast_in_dim3A_559 : i32 to vector<16xi32>
    %broadcast_in_dim3A_561 = arith.constant 2 : i32
    %broadcast_in_dim3A_562 = vector.broadcast %broadcast_in_dim3A_561 : i32 to vector<16xi32>
    %broadcast_in_dim3A_563 = arith.constant 3 : i32
    %broadcast_in_dim3A_564 = vector.broadcast %broadcast_in_dim3A_563 : i32 to vector<16xi32>
    %broadcast_in_dim3A_565 = arith.constant 4 : i32
    %broadcast_in_dim3A_566 = vector.broadcast %broadcast_in_dim3A_565 : i32 to vector<16xi32>
    %gather3A_567 = tpu.vector_load_idx %arg6[%add3A_556, %broadcast_in_dim3A_558] : memref<512x5xf32, #tpu.memory_space<vmem>>[vector<16xi32>, vector<16xi32>], vector<16xf32>,
    %gather3A_568 = tpu.vector_load_idx %arg6[%add3A_556, %broadcast_in_dim3A_560] : memref<512x5xf32, #tpu.memory_space<vmem>>[vector<16xi32>, vector<16xi32>], vector<16xf32>,
    %gather3A_569 = tpu.vector_load_idx %arg6[%add3A_556, %broadcast_in_dim3A_562] : memref<512x5xf32, #tpu.memory_space<vmem>>[vector<16xi32>, vector<16xi32>], vector<16xf32>,
    %gather3A_570 = tpu.vector_load_idx %arg6[%add3A_556, %broadcast_in_dim3A_564] : memref<512x5xf32, #tpu.memory_space<vmem>>[vector<16xi32>, vector<16xi32>], vector<16xf32>,
    %gather3A_571 = tpu.vector_load_idx %arg6[%add3A_556, %broadcast_in_dim3A_566] : memref<512x5xf32, #tpu.memory_space<vmem>>[vector<16xi32>, vector<16xi32>], vector<16xf32>,
    %gt3A_572 = arith.constant 112.289917 : f32
    %gt3A_573 = vector.broadcast %gt3A_572 : f32 to vector<16xf32>
    %gt3A_574 = arith.cmpf ogt, %gather3A_569, %gt3A_573 : vector<16xf32>
    %lt3A_575 = arith.constant 368.289917 : f32
    %lt3A_576 = vector.broadcast %lt3A_575 : f32 to vector<16xf32>
    %lt3A_577 = arith.cmpf olt, %gather3A_569, %lt3A_576 : vector<16xf32>
    %and3A_578 = arith.andi %gt3A_574, %lt3A_577 : vector<16xi1>
    %mul3A_579 = arith.constant 5.000000e-01 : f32
    %mul3A_580 = vector.broadcast %mul3A_579 : f32 to vector<16xf32>
    %mul3A_581 = arith.mulf %gather3A_571, %mul3A_580 : vector<16xf32>
    %sub3A_582 = arith.subf %gather3A_569, %mul3A_581 : vector<16xf32>
    %max3A_583 = arith.constant 112.289917 : f32
    %max3A_584 = vector.broadcast %max3A_583 : f32 to vector<16xf32>
    %max3A_585 = arith.maximumf %sub3A_582, %max3A_584 : vector<16xf32>
    %add3A_586 = arith.addf %gather3A_569, %mul3A_581 : vector<16xf32>
    %min3A_587 = arith.constant 368.289917 : f32
    %min3A_588 = vector.broadcast %min3A_587 : f32 to vector<16xf32>
    %min3A_589 = arith.minimumf %add3A_586, %min3A_588 : vector<16xf32>
    %add3A_590 = arith.addf %max3A_585, %min3A_589 : vector<16xf32>
    %mul3A_591 = arith.constant 5.000000e-01 : f32
    %mul3A_592 = vector.broadcast %mul3A_591 : f32 to vector<16xf32>
    %mul3A_593 = arith.mulf %add3A_590, %mul3A_592 : vector<16xf32>
    %sub3A_594 = arith.subf %min3A_589, %max3A_585 : vector<16xf32>
    %convert_element_type3A_595 = arith.extui %and3A_578 : vector<16xi1> to vector<16xi32>
    %convert_element_type3A_596 = arith.sitofp %convert_element_type3A_595 : vector<16xi32> to vector<16xf32>
    %mul3A_597 = arith.mulf %gather3A_567, %convert_element_type3A_596 : vector<16xf32>
    tpu.vector_store_idx %arg6[%add3A_556, %broadcast_in_dim3A_558], %mul3A_597 : memref<512x5xf32, #tpu.memory_space<vmem>>[vector<16xi32>, vector<16xi32>], vector<16xf32>,
    %mul3A_598 = arith.mulf %gather3A_568, %convert_element_type3A_596 : vector<16xf32>
    tpu.vector_store_idx %arg6[%add3A_556, %broadcast_in_dim3A_560], %mul3A_598 : memref<512x5xf32, #tpu.memory_space<vmem>>[vector<16xi32>, vector<16xi32>], vector<16xf32>,
    %mul3A_599 = arith.mulf %mul3A_593, %convert_element_type3A_596 : vector<16xf32>
    tpu.vector_store_idx %arg6[%add3A_556, %broadcast_in_dim3A_562], %mul3A_599 : memref<512x5xf32, #tpu.memory_space<vmem>>[vector<16xi32>, vector<16xi32>], vector<16xf32>,
    %mul3A_600 = arith.mulf %gather3A_570, %convert_element_type3A_596 : vector<16xf32>
    tpu.vector_store_idx %arg6[%add3A_556, %broadcast_in_dim3A_564], %mul3A_600 : memref<512x5xf32, #tpu.memory_space<vmem>>[vector<16xi32>, vector<16xi32>], vector<16xf32>,
    %mul3A_601 = arith.mulf %sub3A_594, %convert_element_type3A_596 : vector<16xf32>
    tpu.vector_store_idx %arg6[%add3A_556, %broadcast_in_dim3A_566], %mul3A_601 : memref<512x5xf32, #tpu.memory_space<vmem>>[vector<16xi32>, vector<16xi32>], vector<16xf32>,
    %add3A_602 = vector.broadcast %mul3A_2 : i32 to vector<16xi32>
    %add3A_603 = arith.addi %add3A_556, %add3A_602 : vector<16xi32>
    %broadcast_in_dim3A_604 = arith.constant 0 : i32
    %broadcast_in_dim3A_605 = vector.broadcast %broadcast_in_dim3A_604 : i32 to vector<16xi32>
    %ge3A_606 = arith.cmpi sge, %add3A_603, %gather3A : vector<16xi32>
    %convert_element_type3A_607 = arith.extui %ge3A_606 : vector<16xi1> to vector<16xi32>
    %add3A_608 = arith.addi %broadcast_in_dim3A_605, %convert_element_type3A_607 : vector<16xi32>
    %ge3A_609 = arith.cmpi sge, %add3A_603, %gather3A_8 : vector<16xi32>
    %convert_element_type3A_610 = arith.extui %ge3A_609 : vector<16xi1> to vector<16xi32>
    %add3A_611 = arith.addi %add3A_608, %convert_element_type3A_610 : vector<16xi32>
    %ge3A_612 = arith.cmpi sge, %add3A_603, %gather3A_11 : vector<16xi32>
    %convert_element_type3A_613 = arith.extui %ge3A_612 : vector<16xi1> to vector<16xi32>
    %add3A_614 = arith.addi %add3A_611, %convert_element_type3A_613 : vector<16xi32>
    %ge3A_615 = arith.cmpi sge, %add3A_603, %gather3A_14 : vector<16xi32>
    %convert_element_type3A_616 = arith.extui %ge3A_615 : vector<16xi1> to vector<16xi32>
    %add3A_617 = arith.addi %add3A_614, %convert_element_type3A_616 : vector<16xi32>
    %ge3A_618 = arith.cmpi sge, %add3A_603, %gather3A_17 : vector<16xi32>
    %convert_element_type3A_619 = arith.extui %ge3A_618 : vector<16xi1> to vector<16xi32>
    %add3A_620 = arith.addi %add3A_617, %convert_element_type3A_619 : vector<16xi32>
    %ge3A_621 = arith.cmpi sge, %add3A_603, %gather3A_20 : vector<16xi32>
    %convert_element_type3A_622 = arith.extui %ge3A_621 : vector<16xi1> to vector<16xi32>
    %add3A_623 = arith.addi %add3A_620, %convert_element_type3A_622 : vector<16xi32>
    %ge3A_624 = arith.cmpi sge, %add3A_603, %gather3A_23 : vector<16xi32>
    %convert_element_type3A_625 = arith.extui %ge3A_624 : vector<16xi1> to vector<16xi32>
    %add3A_626 = arith.addi %add3A_623, %convert_element_type3A_625 : vector<16xi32>
    %ge3A_627 = arith.cmpi sge, %add3A_603, %gather3A_26 : vector<16xi32>
    %convert_element_type3A_628 = arith.extui %ge3A_627 : vector<16xi1> to vector<16xi32>
    %add3A_629 = arith.addi %add3A_626, %convert_element_type3A_628 : vector<16xi32>
    tpu.vector_store_idx %arg8[%add3A_629], %broadcast_in_dim3A_3 masked %and3A_578 {add = true} : memref<16xi32, #tpu.memory_space<vmem>>[vector<16xi32>], vector<16xi32>, vector<16xi1>
    %add3A_630 = arith.constant 128 : i32
    %add3A_631 = vector.broadcast %add3A_630 : i32 to vector<16xi32>
    %add3A_632 = arith.addi %iota3A, %add3A_631 : vector<16xi32>
    %broadcast_in_dim3A_633 = arith.constant 0 : i32
    %broadcast_in_dim3A_634 = vector.broadcast %broadcast_in_dim3A_633 : i32 to vector<16xi32>
    %broadcast_in_dim3A_635 = arith.constant 1 : i32
    %broadcast_in_dim3A_636 = vector.broadcast %broadcast_in_dim3A_635 : i32 to vector<16xi32>
    %broadcast_in_dim3A_637 = arith.constant 2 : i32
    %broadcast_in_dim3A_638 = vector.broadcast %broadcast_in_dim3A_637 : i32 to vector<16xi32>
    %broadcast_in_dim3A_639 = arith.constant 3 : i32
    %broadcast_in_dim3A_640 = vector.broadcast %broadcast_in_dim3A_639 : i32 to vector<16xi32>
    %broadcast_in_dim3A_641 = arith.constant 4 : i32
    %broadcast_in_dim3A_642 = vector.broadcast %broadcast_in_dim3A_641 : i32 to vector<16xi32>
    %gather3A_643 = tpu.vector_load_idx %arg6[%add3A_632, %broadcast_in_dim3A_634] : memref<512x5xf32, #tpu.memory_space<vmem>>[vector<16xi32>, vector<16xi32>], vector<16xf32>,
    %gather3A_644 = tpu.vector_load_idx %arg6[%add3A_632, %broadcast_in_dim3A_636] : memref<512x5xf32, #tpu.memory_space<vmem>>[vector<16xi32>, vector<16xi32>], vector<16xf32>,
    %gather3A_645 = tpu.vector_load_idx %arg6[%add3A_632, %broadcast_in_dim3A_638] : memref<512x5xf32, #tpu.memory_space<vmem>>[vector<16xi32>, vector<16xi32>], vector<16xf32>,
    %gather3A_646 = tpu.vector_load_idx %arg6[%add3A_632, %broadcast_in_dim3A_640] : memref<512x5xf32, #tpu.memory_space<vmem>>[vector<16xi32>, vector<16xi32>], vector<16xf32>,
    %gather3A_647 = tpu.vector_load_idx %arg6[%add3A_632, %broadcast_in_dim3A_642] : memref<512x5xf32, #tpu.memory_space<vmem>>[vector<16xi32>, vector<16xi32>], vector<16xf32>,
    %gt3A_648 = arith.constant 112.289917 : f32
    %gt3A_649 = vector.broadcast %gt3A_648 : f32 to vector<16xf32>
    %gt3A_650 = arith.cmpf ogt, %gather3A_645, %gt3A_649 : vector<16xf32>
    %lt3A_651 = arith.constant 368.289917 : f32
    %lt3A_652 = vector.broadcast %lt3A_651 : f32 to vector<16xf32>
    %lt3A_653 = arith.cmpf olt, %gather3A_645, %lt3A_652 : vector<16xf32>
    %and3A_654 = arith.andi %gt3A_650, %lt3A_653 : vector<16xi1>
    %mul3A_655 = arith.constant 5.000000e-01 : f32
    %mul3A_656 = vector.broadcast %mul3A_655 : f32 to vector<16xf32>
    %mul3A_657 = arith.mulf %gather3A_647, %mul3A_656 : vector<16xf32>
    %sub3A_658 = arith.subf %gather3A_645, %mul3A_657 : vector<16xf32>
    %max3A_659 = arith.constant 112.289917 : f32
    %max3A_660 = vector.broadcast %max3A_659 : f32 to vector<16xf32>
    %max3A_661 = arith.maximumf %sub3A_658, %max3A_660 : vector<16xf32>
    %add3A_662 = arith.addf %gather3A_645, %mul3A_657 : vector<16xf32>
    %min3A_663 = arith.constant 368.289917 : f32
    %min3A_664 = vector.broadcast %min3A_663 : f32 to vector<16xf32>
    %min3A_665 = arith.minimumf %add3A_662, %min3A_664 : vector<16xf32>
    %add3A_666 = arith.addf %max3A_661, %min3A_665 : vector<16xf32>
    %mul3A_667 = arith.constant 5.000000e-01 : f32
    %mul3A_668 = vector.broadcast %mul3A_667 : f32 to vector<16xf32>
    %mul3A_669 = arith.mulf %add3A_666, %mul3A_668 : vector<16xf32>
    %sub3A_670 = arith.subf %min3A_665, %max3A_661 : vector<16xf32>
    %convert_element_type3A_671 = arith.extui %and3A_654 : vector<16xi1> to vector<16xi32>
    %convert_element_type3A_672 = arith.sitofp %convert_element_type3A_671 : vector<16xi32> to vector<16xf32>
    %mul3A_673 = arith.mulf %gather3A_643, %convert_element_type3A_672 : vector<16xf32>
    tpu.vector_store_idx %arg6[%add3A_632, %broadcast_in_dim3A_634], %mul3A_673 : memref<512x5xf32, #tpu.memory_space<vmem>>[vector<16xi32>, vector<16xi32>], vector<16xf32>,
    %mul3A_674 = arith.mulf %gather3A_644, %convert_element_type3A_672 : vector<16xf32>
    tpu.vector_store_idx %arg6[%add3A_632, %broadcast_in_dim3A_636], %mul3A_674 : memref<512x5xf32, #tpu.memory_space<vmem>>[vector<16xi32>, vector<16xi32>], vector<16xf32>,
    %mul3A_675 = arith.mulf %mul3A_669, %convert_element_type3A_672 : vector<16xf32>
    tpu.vector_store_idx %arg6[%add3A_632, %broadcast_in_dim3A_638], %mul3A_675 : memref<512x5xf32, #tpu.memory_space<vmem>>[vector<16xi32>, vector<16xi32>], vector<16xf32>,
    %mul3A_676 = arith.mulf %gather3A_646, %convert_element_type3A_672 : vector<16xf32>
    tpu.vector_store_idx %arg6[%add3A_632, %broadcast_in_dim3A_640], %mul3A_676 : memref<512x5xf32, #tpu.memory_space<vmem>>[vector<16xi32>, vector<16xi32>], vector<16xf32>,
    %mul3A_677 = arith.mulf %sub3A_670, %convert_element_type3A_672 : vector<16xf32>
    tpu.vector_store_idx %arg6[%add3A_632, %broadcast_in_dim3A_642], %mul3A_677 : memref<512x5xf32, #tpu.memory_space<vmem>>[vector<16xi32>, vector<16xi32>], vector<16xf32>,
    %add3A_678 = vector.broadcast %mul3A_2 : i32 to vector<16xi32>
    %add3A_679 = arith.addi %add3A_632, %add3A_678 : vector<16xi32>
    %broadcast_in_dim3A_680 = arith.constant 0 : i32
    %broadcast_in_dim3A_681 = vector.broadcast %broadcast_in_dim3A_680 : i32 to vector<16xi32>
    %ge3A_682 = arith.cmpi sge, %add3A_679, %gather3A : vector<16xi32>
    %convert_element_type3A_683 = arith.extui %ge3A_682 : vector<16xi1> to vector<16xi32>
    %add3A_684 = arith.addi %broadcast_in_dim3A_681, %convert_element_type3A_683 : vector<16xi32>
    %ge3A_685 = arith.cmpi sge, %add3A_679, %gather3A_8 : vector<16xi32>
    %convert_element_type3A_686 = arith.extui %ge3A_685 : vector<16xi1> to vector<16xi32>
    %add3A_687 = arith.addi %add3A_684, %convert_element_type3A_686 : vector<16xi32>
    %ge3A_688 = arith.cmpi sge, %add3A_679, %gather3A_11 : vector<16xi32>
    %convert_element_type3A_689 = arith.extui %ge3A_688 : vector<16xi1> to vector<16xi32>
    %add3A_690 = arith.addi %add3A_687, %convert_element_type3A_689 : vector<16xi32>
    %ge3A_691 = arith.cmpi sge, %add3A_679, %gather3A_14 : vector<16xi32>
    %convert_element_type3A_692 = arith.extui %ge3A_691 : vector<16xi1> to vector<16xi32>
    %add3A_693 = arith.addi %add3A_690, %convert_element_type3A_692 : vector<16xi32>
    %ge3A_694 = arith.cmpi sge, %add3A_679, %gather3A_17 : vector<16xi32>
    %convert_element_type3A_695 = arith.extui %ge3A_694 : vector<16xi1> to vector<16xi32>
    %add3A_696 = arith.addi %add3A_693, %convert_element_type3A_695 : vector<16xi32>
    %ge3A_697 = arith.cmpi sge, %add3A_679, %gather3A_20 : vector<16xi32>
    %convert_element_type3A_698 = arith.extui %ge3A_697 : vector<16xi1> to vector<16xi32>
    %add3A_699 = arith.addi %add3A_696, %convert_element_type3A_698 : vector<16xi32>
    %ge3A_700 = arith.cmpi sge, %add3A_679, %gather3A_23 : vector<16xi32>
    %convert_element_type3A_701 = arith.extui %ge3A_700 : vector<16xi1> to vector<16xi32>
    %add3A_702 = arith.addi %add3A_699, %convert_element_type3A_701 : vector<16xi32>
    %ge3A_703 = arith.cmpi sge, %add3A_679, %gather3A_26 : vector<16xi32>
    %convert_element_type3A_704 = arith.extui %ge3A_703 : vector<16xi1> to vector<16xi32>
    %add3A_705 = arith.addi %add3A_702, %convert_element_type3A_704 : vector<16xi32>
    tpu.vector_store_idx %arg8[%add3A_705], %broadcast_in_dim3A_3 masked %and3A_654 {add = true} : memref<16xi32, #tpu.memory_space<vmem>>[vector<16xi32>], vector<16xi32>, vector<16xi1>
    %add3A_706 = arith.constant 144 : i32
    %add3A_707 = vector.broadcast %add3A_706 : i32 to vector<16xi32>
    %add3A_708 = arith.addi %iota3A, %add3A_707 : vector<16xi32>
    %broadcast_in_dim3A_709 = arith.constant 0 : i32
    %broadcast_in_dim3A_710 = vector.broadcast %broadcast_in_dim3A_709 : i32 to vector<16xi32>
    %broadcast_in_dim3A_711 = arith.constant 1 : i32
    %broadcast_in_dim3A_712 = vector.broadcast %broadcast_in_dim3A_711 : i32 to vector<16xi32>
    %broadcast_in_dim3A_713 = arith.constant 2 : i32
    %broadcast_in_dim3A_714 = vector.broadcast %broadcast_in_dim3A_713 : i32 to vector<16xi32>
    %broadcast_in_dim3A_715 = arith.constant 3 : i32
    %broadcast_in_dim3A_716 = vector.broadcast %broadcast_in_dim3A_715 : i32 to vector<16xi32>
    %broadcast_in_dim3A_717 = arith.constant 4 : i32
    %broadcast_in_dim3A_718 = vector.broadcast %broadcast_in_dim3A_717 : i32 to vector<16xi32>
    %gather3A_719 = tpu.vector_load_idx %arg6[%add3A_708, %broadcast_in_dim3A_710] : memref<512x5xf32, #tpu.memory_space<vmem>>[vector<16xi32>, vector<16xi32>], vector<16xf32>,
    %gather3A_720 = tpu.vector_load_idx %arg6[%add3A_708, %broadcast_in_dim3A_712] : memref<512x5xf32, #tpu.memory_space<vmem>>[vector<16xi32>, vector<16xi32>], vector<16xf32>,
    %gather3A_721 = tpu.vector_load_idx %arg6[%add3A_708, %broadcast_in_dim3A_714] : memref<512x5xf32, #tpu.memory_space<vmem>>[vector<16xi32>, vector<16xi32>], vector<16xf32>,
    %gather3A_722 = tpu.vector_load_idx %arg6[%add3A_708, %broadcast_in_dim3A_716] : memref<512x5xf32, #tpu.memory_space<vmem>>[vector<16xi32>, vector<16xi32>], vector<16xf32>,
    %gather3A_723 = tpu.vector_load_idx %arg6[%add3A_708, %broadcast_in_dim3A_718] : memref<512x5xf32, #tpu.memory_space<vmem>>[vector<16xi32>, vector<16xi32>], vector<16xf32>,
    %gt3A_724 = arith.constant 112.289917 : f32
    %gt3A_725 = vector.broadcast %gt3A_724 : f32 to vector<16xf32>
    %gt3A_726 = arith.cmpf ogt, %gather3A_721, %gt3A_725 : vector<16xf32>
    %lt3A_727 = arith.constant 368.289917 : f32
    %lt3A_728 = vector.broadcast %lt3A_727 : f32 to vector<16xf32>
    %lt3A_729 = arith.cmpf olt, %gather3A_721, %lt3A_728 : vector<16xf32>
    %and3A_730 = arith.andi %gt3A_726, %lt3A_729 : vector<16xi1>
    %mul3A_731 = arith.constant 5.000000e-01 : f32
    %mul3A_732 = vector.broadcast %mul3A_731 : f32 to vector<16xf32>
    %mul3A_733 = arith.mulf %gather3A_723, %mul3A_732 : vector<16xf32>
    %sub3A_734 = arith.subf %gather3A_721, %mul3A_733 : vector<16xf32>
    %max3A_735 = arith.constant 112.289917 : f32
    %max3A_736 = vector.broadcast %max3A_735 : f32 to vector<16xf32>
    %max3A_737 = arith.maximumf %sub3A_734, %max3A_736 : vector<16xf32>
    %add3A_738 = arith.addf %gather3A_721, %mul3A_733 : vector<16xf32>
    %min3A_739 = arith.constant 368.289917 : f32
    %min3A_740 = vector.broadcast %min3A_739 : f32 to vector<16xf32>
    %min3A_741 = arith.minimumf %add3A_738, %min3A_740 : vector<16xf32>
    %add3A_742 = arith.addf %max3A_737, %min3A_741 : vector<16xf32>
    %mul3A_743 = arith.constant 5.000000e-01 : f32
    %mul3A_744 = vector.broadcast %mul3A_743 : f32 to vector<16xf32>
    %mul3A_745 = arith.mulf %add3A_742, %mul3A_744 : vector<16xf32>
    %sub3A_746 = arith.subf %min3A_741, %max3A_737 : vector<16xf32>
    %convert_element_type3A_747 = arith.extui %and3A_730 : vector<16xi1> to vector<16xi32>
    %convert_element_type3A_748 = arith.sitofp %convert_element_type3A_747 : vector<16xi32> to vector<16xf32>
    %mul3A_749 = arith.mulf %gather3A_719, %convert_element_type3A_748 : vector<16xf32>
    tpu.vector_store_idx %arg6[%add3A_708, %broadcast_in_dim3A_710], %mul3A_749 : memref<512x5xf32, #tpu.memory_space<vmem>>[vector<16xi32>, vector<16xi32>], vector<16xf32>,
    %mul3A_750 = arith.mulf %gather3A_720, %convert_element_type3A_748 : vector<16xf32>
    tpu.vector_store_idx %arg6[%add3A_708, %broadcast_in_dim3A_712], %mul3A_750 : memref<512x5xf32, #tpu.memory_space<vmem>>[vector<16xi32>, vector<16xi32>], vector<16xf32>,
    %mul3A_751 = arith.mulf %mul3A_745, %convert_element_type3A_748 : vector<16xf32>
    tpu.vector_store_idx %arg6[%add3A_708, %broadcast_in_dim3A_714], %mul3A_751 : memref<512x5xf32, #tpu.memory_space<vmem>>[vector<16xi32>, vector<16xi32>], vector<16xf32>,
    %mul3A_752 = arith.mulf %gather3A_722, %convert_element_type3A_748 : vector<16xf32>
    tpu.vector_store_idx %arg6[%add3A_708, %broadcast_in_dim3A_716], %mul3A_752 : memref<512x5xf32, #tpu.memory_space<vmem>>[vector<16xi32>, vector<16xi32>], vector<16xf32>,
    %mul3A_753 = arith.mulf %sub3A_746, %convert_element_type3A_748 : vector<16xf32>
    tpu.vector_store_idx %arg6[%add3A_708, %broadcast_in_dim3A_718], %mul3A_753 : memref<512x5xf32, #tpu.memory_space<vmem>>[vector<16xi32>, vector<16xi32>], vector<16xf32>,
    %add3A_754 = vector.broadcast %mul3A_2 : i32 to vector<16xi32>
    %add3A_755 = arith.addi %add3A_708, %add3A_754 : vector<16xi32>
    %broadcast_in_dim3A_756 = arith.constant 0 : i32
    %broadcast_in_dim3A_757 = vector.broadcast %broadcast_in_dim3A_756 : i32 to vector<16xi32>
    %ge3A_758 = arith.cmpi sge, %add3A_755, %gather3A : vector<16xi32>
    %convert_element_type3A_759 = arith.extui %ge3A_758 : vector<16xi1> to vector<16xi32>
    %add3A_760 = arith.addi %broadcast_in_dim3A_757, %convert_element_type3A_759 : vector<16xi32>
    %ge3A_761 = arith.cmpi sge, %add3A_755, %gather3A_8 : vector<16xi32>
    %convert_element_type3A_762 = arith.extui %ge3A_761 : vector<16xi1> to vector<16xi32>
    %add3A_763 = arith.addi %add3A_760, %convert_element_type3A_762 : vector<16xi32>
    %ge3A_764 = arith.cmpi sge, %add3A_755, %gather3A_11 : vector<16xi32>
    %convert_element_type3A_765 = arith.extui %ge3A_764 : vector<16xi1> to vector<16xi32>
    %add3A_766 = arith.addi %add3A_763, %convert_element_type3A_765 : vector<16xi32>
    %ge3A_767 = arith.cmpi sge, %add3A_755, %gather3A_14 : vector<16xi32>
    %convert_element_type3A_768 = arith.extui %ge3A_767 : vector<16xi1> to vector<16xi32>
    %add3A_769 = arith.addi %add3A_766, %convert_element_type3A_768 : vector<16xi32>
    %ge3A_770 = arith.cmpi sge, %add3A_755, %gather3A_17 : vector<16xi32>
    %convert_element_type3A_771 = arith.extui %ge3A_770 : vector<16xi1> to vector<16xi32>
    %add3A_772 = arith.addi %add3A_769, %convert_element_type3A_771 : vector<16xi32>
    %ge3A_773 = arith.cmpi sge, %add3A_755, %gather3A_20 : vector<16xi32>
    %convert_element_type3A_774 = arith.extui %ge3A_773 : vector<16xi1> to vector<16xi32>
    %add3A_775 = arith.addi %add3A_772, %convert_element_type3A_774 : vector<16xi32>
    %ge3A_776 = arith.cmpi sge, %add3A_755, %gather3A_23 : vector<16xi32>
    %convert_element_type3A_777 = arith.extui %ge3A_776 : vector<16xi1> to vector<16xi32>
    %add3A_778 = arith.addi %add3A_775, %convert_element_type3A_777 : vector<16xi32>
    %ge3A_779 = arith.cmpi sge, %add3A_755, %gather3A_26 : vector<16xi32>
    %convert_element_type3A_780 = arith.extui %ge3A_779 : vector<16xi1> to vector<16xi32>
    %add3A_781 = arith.addi %add3A_778, %convert_element_type3A_780 : vector<16xi32>
    tpu.vector_store_idx %arg8[%add3A_781], %broadcast_in_dim3A_3 masked %and3A_730 {add = true} : memref<16xi32, #tpu.memory_space<vmem>>[vector<16xi32>], vector<16xi32>, vector<16xi1>
    %add3A_782 = arith.constant 160 : i32
    %add3A_783 = vector.broadcast %add3A_782 : i32 to vector<16xi32>
    %add3A_784 = arith.addi %iota3A, %add3A_783 : vector<16xi32>
    %broadcast_in_dim3A_785 = arith.constant 0 : i32
    %broadcast_in_dim3A_786 = vector.broadcast %broadcast_in_dim3A_785 : i32 to vector<16xi32>
    %broadcast_in_dim3A_787 = arith.constant 1 : i32
    %broadcast_in_dim3A_788 = vector.broadcast %broadcast_in_dim3A_787 : i32 to vector<16xi32>
    %broadcast_in_dim3A_789 = arith.constant 2 : i32
    %broadcast_in_dim3A_790 = vector.broadcast %broadcast_in_dim3A_789 : i32 to vector<16xi32>
    %broadcast_in_dim3A_791 = arith.constant 3 : i32
    %broadcast_in_dim3A_792 = vector.broadcast %broadcast_in_dim3A_791 : i32 to vector<16xi32>
    %broadcast_in_dim3A_793 = arith.constant 4 : i32
    %broadcast_in_dim3A_794 = vector.broadcast %broadcast_in_dim3A_793 : i32 to vector<16xi32>
    %gather3A_795 = tpu.vector_load_idx %arg6[%add3A_784, %broadcast_in_dim3A_786] : memref<512x5xf32, #tpu.memory_space<vmem>>[vector<16xi32>, vector<16xi32>], vector<16xf32>,
    %gather3A_796 = tpu.vector_load_idx %arg6[%add3A_784, %broadcast_in_dim3A_788] : memref<512x5xf32, #tpu.memory_space<vmem>>[vector<16xi32>, vector<16xi32>], vector<16xf32>,
    %gather3A_797 = tpu.vector_load_idx %arg6[%add3A_784, %broadcast_in_dim3A_790] : memref<512x5xf32, #tpu.memory_space<vmem>>[vector<16xi32>, vector<16xi32>], vector<16xf32>,
    %gather3A_798 = tpu.vector_load_idx %arg6[%add3A_784, %broadcast_in_dim3A_792] : memref<512x5xf32, #tpu.memory_space<vmem>>[vector<16xi32>, vector<16xi32>], vector<16xf32>,
    %gather3A_799 = tpu.vector_load_idx %arg6[%add3A_784, %broadcast_in_dim3A_794] : memref<512x5xf32, #tpu.memory_space<vmem>>[vector<16xi32>, vector<16xi32>], vector<16xf32>,
    %gt3A_800 = arith.constant 112.289917 : f32
    %gt3A_801 = vector.broadcast %gt3A_800 : f32 to vector<16xf32>
    %gt3A_802 = arith.cmpf ogt, %gather3A_797, %gt3A_801 : vector<16xf32>
    %lt3A_803 = arith.constant 368.289917 : f32
    %lt3A_804 = vector.broadcast %lt3A_803 : f32 to vector<16xf32>
    %lt3A_805 = arith.cmpf olt, %gather3A_797, %lt3A_804 : vector<16xf32>
    %and3A_806 = arith.andi %gt3A_802, %lt3A_805 : vector<16xi1>
    %mul3A_807 = arith.constant 5.000000e-01 : f32
    %mul3A_808 = vector.broadcast %mul3A_807 : f32 to vector<16xf32>
    %mul3A_809 = arith.mulf %gather3A_799, %mul3A_808 : vector<16xf32>
    %sub3A_810 = arith.subf %gather3A_797, %mul3A_809 : vector<16xf32>
    %max3A_811 = arith.constant 112.289917 : f32
    %max3A_812 = vector.broadcast %max3A_811 : f32 to vector<16xf32>
    %max3A_813 = arith.maximumf %sub3A_810, %max3A_812 : vector<16xf32>
    %add3A_814 = arith.addf %gather3A_797, %mul3A_809 : vector<16xf32>
    %min3A_815 = arith.constant 368.289917 : f32
    %min3A_816 = vector.broadcast %min3A_815 : f32 to vector<16xf32>
    %min3A_817 = arith.minimumf %add3A_814, %min3A_816 : vector<16xf32>
    %add3A_818 = arith.addf %max3A_813, %min3A_817 : vector<16xf32>
    %mul3A_819 = arith.constant 5.000000e-01 : f32
    %mul3A_820 = vector.broadcast %mul3A_819 : f32 to vector<16xf32>
    %mul3A_821 = arith.mulf %add3A_818, %mul3A_820 : vector<16xf32>
    %sub3A_822 = arith.subf %min3A_817, %max3A_813 : vector<16xf32>
    %convert_element_type3A_823 = arith.extui %and3A_806 : vector<16xi1> to vector<16xi32>
    %convert_element_type3A_824 = arith.sitofp %convert_element_type3A_823 : vector<16xi32> to vector<16xf32>
    %mul3A_825 = arith.mulf %gather3A_795, %convert_element_type3A_824 : vector<16xf32>
    tpu.vector_store_idx %arg6[%add3A_784, %broadcast_in_dim3A_786], %mul3A_825 : memref<512x5xf32, #tpu.memory_space<vmem>>[vector<16xi32>, vector<16xi32>], vector<16xf32>,
    %mul3A_826 = arith.mulf %gather3A_796, %convert_element_type3A_824 : vector<16xf32>
    tpu.vector_store_idx %arg6[%add3A_784, %broadcast_in_dim3A_788], %mul3A_826 : memref<512x5xf32, #tpu.memory_space<vmem>>[vector<16xi32>, vector<16xi32>], vector<16xf32>,
    %mul3A_827 = arith.mulf %mul3A_821, %convert_element_type3A_824 : vector<16xf32>
    tpu.vector_store_idx %arg6[%add3A_784, %broadcast_in_dim3A_790], %mul3A_827 : memref<512x5xf32, #tpu.memory_space<vmem>>[vector<16xi32>, vector<16xi32>], vector<16xf32>,
    %mul3A_828 = arith.mulf %gather3A_798, %convert_element_type3A_824 : vector<16xf32>
    tpu.vector_store_idx %arg6[%add3A_784, %broadcast_in_dim3A_792], %mul3A_828 : memref<512x5xf32, #tpu.memory_space<vmem>>[vector<16xi32>, vector<16xi32>], vector<16xf32>,
    %mul3A_829 = arith.mulf %sub3A_822, %convert_element_type3A_824 : vector<16xf32>
    tpu.vector_store_idx %arg6[%add3A_784, %broadcast_in_dim3A_794], %mul3A_829 : memref<512x5xf32, #tpu.memory_space<vmem>>[vector<16xi32>, vector<16xi32>], vector<16xf32>,
    %add3A_830 = vector.broadcast %mul3A_2 : i32 to vector<16xi32>
    %add3A_831 = arith.addi %add3A_784, %add3A_830 : vector<16xi32>
    %broadcast_in_dim3A_832 = arith.constant 0 : i32
    %broadcast_in_dim3A_833 = vector.broadcast %broadcast_in_dim3A_832 : i32 to vector<16xi32>
    %ge3A_834 = arith.cmpi sge, %add3A_831, %gather3A : vector<16xi32>
    %convert_element_type3A_835 = arith.extui %ge3A_834 : vector<16xi1> to vector<16xi32>
    %add3A_836 = arith.addi %broadcast_in_dim3A_833, %convert_element_type3A_835 : vector<16xi32>
    %ge3A_837 = arith.cmpi sge, %add3A_831, %gather3A_8 : vector<16xi32>
    %convert_element_type3A_838 = arith.extui %ge3A_837 : vector<16xi1> to vector<16xi32>
    %add3A_839 = arith.addi %add3A_836, %convert_element_type3A_838 : vector<16xi32>
    %ge3A_840 = arith.cmpi sge, %add3A_831, %gather3A_11 : vector<16xi32>
    %convert_element_type3A_841 = arith.extui %ge3A_840 : vector<16xi1> to vector<16xi32>
    %add3A_842 = arith.addi %add3A_839, %convert_element_type3A_841 : vector<16xi32>
    %ge3A_843 = arith.cmpi sge, %add3A_831, %gather3A_14 : vector<16xi32>
    %convert_element_type3A_844 = arith.extui %ge3A_843 : vector<16xi1> to vector<16xi32>
    %add3A_845 = arith.addi %add3A_842, %convert_element_type3A_844 : vector<16xi32>
    %ge3A_846 = arith.cmpi sge, %add3A_831, %gather3A_17 : vector<16xi32>
    %convert_element_type3A_847 = arith.extui %ge3A_846 : vector<16xi1> to vector<16xi32>
    %add3A_848 = arith.addi %add3A_845, %convert_element_type3A_847 : vector<16xi32>
    %ge3A_849 = arith.cmpi sge, %add3A_831, %gather3A_20 : vector<16xi32>
    %convert_element_type3A_850 = arith.extui %ge3A_849 : vector<16xi1> to vector<16xi32>
    %add3A_851 = arith.addi %add3A_848, %convert_element_type3A_850 : vector<16xi32>
    %ge3A_852 = arith.cmpi sge, %add3A_831, %gather3A_23 : vector<16xi32>
    %convert_element_type3A_853 = arith.extui %ge3A_852 : vector<16xi1> to vector<16xi32>
    %add3A_854 = arith.addi %add3A_851, %convert_element_type3A_853 : vector<16xi32>
    %ge3A_855 = arith.cmpi sge, %add3A_831, %gather3A_26 : vector<16xi32>
    %convert_element_type3A_856 = arith.extui %ge3A_855 : vector<16xi1> to vector<16xi32>
    %add3A_857 = arith.addi %add3A_854, %convert_element_type3A_856 : vector<16xi32>
    tpu.vector_store_idx %arg8[%add3A_857], %broadcast_in_dim3A_3 masked %and3A_806 {add = true} : memref<16xi32, #tpu.memory_space<vmem>>[vector<16xi32>], vector<16xi32>, vector<16xi1>
    %add3A_858 = arith.constant 176 : i32
    %add3A_859 = vector.broadcast %add3A_858 : i32 to vector<16xi32>
    %add3A_860 = arith.addi %iota3A, %add3A_859 : vector<16xi32>
    %broadcast_in_dim3A_861 = arith.constant 0 : i32
    %broadcast_in_dim3A_862 = vector.broadcast %broadcast_in_dim3A_861 : i32 to vector<16xi32>
    %broadcast_in_dim3A_863 = arith.constant 1 : i32
    %broadcast_in_dim3A_864 = vector.broadcast %broadcast_in_dim3A_863 : i32 to vector<16xi32>
    %broadcast_in_dim3A_865 = arith.constant 2 : i32
    %broadcast_in_dim3A_866 = vector.broadcast %broadcast_in_dim3A_865 : i32 to vector<16xi32>
    %broadcast_in_dim3A_867 = arith.constant 3 : i32
    %broadcast_in_dim3A_868 = vector.broadcast %broadcast_in_dim3A_867 : i32 to vector<16xi32>
    %broadcast_in_dim3A_869 = arith.constant 4 : i32
    %broadcast_in_dim3A_870 = vector.broadcast %broadcast_in_dim3A_869 : i32 to vector<16xi32>
    %gather3A_871 = tpu.vector_load_idx %arg6[%add3A_860, %broadcast_in_dim3A_862] : memref<512x5xf32, #tpu.memory_space<vmem>>[vector<16xi32>, vector<16xi32>], vector<16xf32>,
    %gather3A_872 = tpu.vector_load_idx %arg6[%add3A_860, %broadcast_in_dim3A_864] : memref<512x5xf32, #tpu.memory_space<vmem>>[vector<16xi32>, vector<16xi32>], vector<16xf32>,
    %gather3A_873 = tpu.vector_load_idx %arg6[%add3A_860, %broadcast_in_dim3A_866] : memref<512x5xf32, #tpu.memory_space<vmem>>[vector<16xi32>, vector<16xi32>], vector<16xf32>,
    %gather3A_874 = tpu.vector_load_idx %arg6[%add3A_860, %broadcast_in_dim3A_868] : memref<512x5xf32, #tpu.memory_space<vmem>>[vector<16xi32>, vector<16xi32>], vector<16xf32>,
    %gather3A_875 = tpu.vector_load_idx %arg6[%add3A_860, %broadcast_in_dim3A_870] : memref<512x5xf32, #tpu.memory_space<vmem>>[vector<16xi32>, vector<16xi32>], vector<16xf32>,
    %gt3A_876 = arith.constant 112.289917 : f32
    %gt3A_877 = vector.broadcast %gt3A_876 : f32 to vector<16xf32>
    %gt3A_878 = arith.cmpf ogt, %gather3A_873, %gt3A_877 : vector<16xf32>
    %lt3A_879 = arith.constant 368.289917 : f32
    %lt3A_880 = vector.broadcast %lt3A_879 : f32 to vector<16xf32>
    %lt3A_881 = arith.cmpf olt, %gather3A_873, %lt3A_880 : vector<16xf32>
    %and3A_882 = arith.andi %gt3A_878, %lt3A_881 : vector<16xi1>
    %mul3A_883 = arith.constant 5.000000e-01 : f32
    %mul3A_884 = vector.broadcast %mul3A_883 : f32 to vector<16xf32>
    %mul3A_885 = arith.mulf %gather3A_875, %mul3A_884 : vector<16xf32>
    %sub3A_886 = arith.subf %gather3A_873, %mul3A_885 : vector<16xf32>
    %max3A_887 = arith.constant 112.289917 : f32
    %max3A_888 = vector.broadcast %max3A_887 : f32 to vector<16xf32>
    %max3A_889 = arith.maximumf %sub3A_886, %max3A_888 : vector<16xf32>
    %add3A_890 = arith.addf %gather3A_873, %mul3A_885 : vector<16xf32>
    %min3A_891 = arith.constant 368.289917 : f32
    %min3A_892 = vector.broadcast %min3A_891 : f32 to vector<16xf32>
    %min3A_893 = arith.minimumf %add3A_890, %min3A_892 : vector<16xf32>
    %add3A_894 = arith.addf %max3A_889, %min3A_893 : vector<16xf32>
    %mul3A_895 = arith.constant 5.000000e-01 : f32
    %mul3A_896 = vector.broadcast %mul3A_895 : f32 to vector<16xf32>
    %mul3A_897 = arith.mulf %add3A_894, %mul3A_896 : vector<16xf32>
    %sub3A_898 = arith.subf %min3A_893, %max3A_889 : vector<16xf32>
    %convert_element_type3A_899 = arith.extui %and3A_882 : vector<16xi1> to vector<16xi32>
    %convert_element_type3A_900 = arith.sitofp %convert_element_type3A_899 : vector<16xi32> to vector<16xf32>
    %mul3A_901 = arith.mulf %gather3A_871, %convert_element_type3A_900 : vector<16xf32>
    tpu.vector_store_idx %arg6[%add3A_860, %broadcast_in_dim3A_862], %mul3A_901 : memref<512x5xf32, #tpu.memory_space<vmem>>[vector<16xi32>, vector<16xi32>], vector<16xf32>,
    %mul3A_902 = arith.mulf %gather3A_872, %convert_element_type3A_900 : vector<16xf32>
    tpu.vector_store_idx %arg6[%add3A_860, %broadcast_in_dim3A_864], %mul3A_902 : memref<512x5xf32, #tpu.memory_space<vmem>>[vector<16xi32>, vector<16xi32>], vector<16xf32>,
    %mul3A_903 = arith.mulf %mul3A_897, %convert_element_type3A_900 : vector<16xf32>
    tpu.vector_store_idx %arg6[%add3A_860, %broadcast_in_dim3A_866], %mul3A_903 : memref<512x5xf32, #tpu.memory_space<vmem>>[vector<16xi32>, vector<16xi32>], vector<16xf32>,
    %mul3A_904 = arith.mulf %gather3A_874, %convert_element_type3A_900 : vector<16xf32>
    tpu.vector_store_idx %arg6[%add3A_860, %broadcast_in_dim3A_868], %mul3A_904 : memref<512x5xf32, #tpu.memory_space<vmem>>[vector<16xi32>, vector<16xi32>], vector<16xf32>,
    %mul3A_905 = arith.mulf %sub3A_898, %convert_element_type3A_900 : vector<16xf32>
    tpu.vector_store_idx %arg6[%add3A_860, %broadcast_in_dim3A_870], %mul3A_905 : memref<512x5xf32, #tpu.memory_space<vmem>>[vector<16xi32>, vector<16xi32>], vector<16xf32>,
    %add3A_906 = vector.broadcast %mul3A_2 : i32 to vector<16xi32>
    %add3A_907 = arith.addi %add3A_860, %add3A_906 : vector<16xi32>
    %broadcast_in_dim3A_908 = arith.constant 0 : i32
    %broadcast_in_dim3A_909 = vector.broadcast %broadcast_in_dim3A_908 : i32 to vector<16xi32>
    %ge3A_910 = arith.cmpi sge, %add3A_907, %gather3A : vector<16xi32>
    %convert_element_type3A_911 = arith.extui %ge3A_910 : vector<16xi1> to vector<16xi32>
    %add3A_912 = arith.addi %broadcast_in_dim3A_909, %convert_element_type3A_911 : vector<16xi32>
    %ge3A_913 = arith.cmpi sge, %add3A_907, %gather3A_8 : vector<16xi32>
    %convert_element_type3A_914 = arith.extui %ge3A_913 : vector<16xi1> to vector<16xi32>
    %add3A_915 = arith.addi %add3A_912, %convert_element_type3A_914 : vector<16xi32>
    %ge3A_916 = arith.cmpi sge, %add3A_907, %gather3A_11 : vector<16xi32>
    %convert_element_type3A_917 = arith.extui %ge3A_916 : vector<16xi1> to vector<16xi32>
    %add3A_918 = arith.addi %add3A_915, %convert_element_type3A_917 : vector<16xi32>
    %ge3A_919 = arith.cmpi sge, %add3A_907, %gather3A_14 : vector<16xi32>
    %convert_element_type3A_920 = arith.extui %ge3A_919 : vector<16xi1> to vector<16xi32>
    %add3A_921 = arith.addi %add3A_918, %convert_element_type3A_920 : vector<16xi32>
    %ge3A_922 = arith.cmpi sge, %add3A_907, %gather3A_17 : vector<16xi32>
    %convert_element_type3A_923 = arith.extui %ge3A_922 : vector<16xi1> to vector<16xi32>
    %add3A_924 = arith.addi %add3A_921, %convert_element_type3A_923 : vector<16xi32>
    %ge3A_925 = arith.cmpi sge, %add3A_907, %gather3A_20 : vector<16xi32>
    %convert_element_type3A_926 = arith.extui %ge3A_925 : vector<16xi1> to vector<16xi32>
    %add3A_927 = arith.addi %add3A_924, %convert_element_type3A_926 : vector<16xi32>
    %ge3A_928 = arith.cmpi sge, %add3A_907, %gather3A_23 : vector<16xi32>
    %convert_element_type3A_929 = arith.extui %ge3A_928 : vector<16xi1> to vector<16xi32>
    %add3A_930 = arith.addi %add3A_927, %convert_element_type3A_929 : vector<16xi32>
    %ge3A_931 = arith.cmpi sge, %add3A_907, %gather3A_26 : vector<16xi32>
    %convert_element_type3A_932 = arith.extui %ge3A_931 : vector<16xi1> to vector<16xi32>
    %add3A_933 = arith.addi %add3A_930, %convert_element_type3A_932 : vector<16xi32>
    tpu.vector_store_idx %arg8[%add3A_933], %broadcast_in_dim3A_3 masked %and3A_882 {add = true} : memref<16xi32, #tpu.memory_space<vmem>>[vector<16xi32>], vector<16xi32>, vector<16xi1>
    %add3A_934 = arith.constant 192 : i32
    %add3A_935 = vector.broadcast %add3A_934 : i32 to vector<16xi32>
    %add3A_936 = arith.addi %iota3A, %add3A_935 : vector<16xi32>
    %broadcast_in_dim3A_937 = arith.constant 0 : i32
    %broadcast_in_dim3A_938 = vector.broadcast %broadcast_in_dim3A_937 : i32 to vector<16xi32>
    %broadcast_in_dim3A_939 = arith.constant 1 : i32
    %broadcast_in_dim3A_940 = vector.broadcast %broadcast_in_dim3A_939 : i32 to vector<16xi32>
    %broadcast_in_dim3A_941 = arith.constant 2 : i32
    %broadcast_in_dim3A_942 = vector.broadcast %broadcast_in_dim3A_941 : i32 to vector<16xi32>
    %broadcast_in_dim3A_943 = arith.constant 3 : i32
    %broadcast_in_dim3A_944 = vector.broadcast %broadcast_in_dim3A_943 : i32 to vector<16xi32>
    %broadcast_in_dim3A_945 = arith.constant 4 : i32
    %broadcast_in_dim3A_946 = vector.broadcast %broadcast_in_dim3A_945 : i32 to vector<16xi32>
    %gather3A_947 = tpu.vector_load_idx %arg6[%add3A_936, %broadcast_in_dim3A_938] : memref<512x5xf32, #tpu.memory_space<vmem>>[vector<16xi32>, vector<16xi32>], vector<16xf32>,
    %gather3A_948 = tpu.vector_load_idx %arg6[%add3A_936, %broadcast_in_dim3A_940] : memref<512x5xf32, #tpu.memory_space<vmem>>[vector<16xi32>, vector<16xi32>], vector<16xf32>,
    %gather3A_949 = tpu.vector_load_idx %arg6[%add3A_936, %broadcast_in_dim3A_942] : memref<512x5xf32, #tpu.memory_space<vmem>>[vector<16xi32>, vector<16xi32>], vector<16xf32>,
    %gather3A_950 = tpu.vector_load_idx %arg6[%add3A_936, %broadcast_in_dim3A_944] : memref<512x5xf32, #tpu.memory_space<vmem>>[vector<16xi32>, vector<16xi32>], vector<16xf32>,
    %gather3A_951 = tpu.vector_load_idx %arg6[%add3A_936, %broadcast_in_dim3A_946] : memref<512x5xf32, #tpu.memory_space<vmem>>[vector<16xi32>, vector<16xi32>], vector<16xf32>,
    %gt3A_952 = arith.constant 112.289917 : f32
    %gt3A_953 = vector.broadcast %gt3A_952 : f32 to vector<16xf32>
    %gt3A_954 = arith.cmpf ogt, %gather3A_949, %gt3A_953 : vector<16xf32>
    %lt3A_955 = arith.constant 368.289917 : f32
    %lt3A_956 = vector.broadcast %lt3A_955 : f32 to vector<16xf32>
    %lt3A_957 = arith.cmpf olt, %gather3A_949, %lt3A_956 : vector<16xf32>
    %and3A_958 = arith.andi %gt3A_954, %lt3A_957 : vector<16xi1>
    %mul3A_959 = arith.constant 5.000000e-01 : f32
    %mul3A_960 = vector.broadcast %mul3A_959 : f32 to vector<16xf32>
    %mul3A_961 = arith.mulf %gather3A_951, %mul3A_960 : vector<16xf32>
    %sub3A_962 = arith.subf %gather3A_949, %mul3A_961 : vector<16xf32>
    %max3A_963 = arith.constant 112.289917 : f32
    %max3A_964 = vector.broadcast %max3A_963 : f32 to vector<16xf32>
    %max3A_965 = arith.maximumf %sub3A_962, %max3A_964 : vector<16xf32>
    %add3A_966 = arith.addf %gather3A_949, %mul3A_961 : vector<16xf32>
    %min3A_967 = arith.constant 368.289917 : f32
    %min3A_968 = vector.broadcast %min3A_967 : f32 to vector<16xf32>
    %min3A_969 = arith.minimumf %add3A_966, %min3A_968 : vector<16xf32>
    %add3A_970 = arith.addf %max3A_965, %min3A_969 : vector<16xf32>
    %mul3A_971 = arith.constant 5.000000e-01 : f32
    %mul3A_972 = vector.broadcast %mul3A_971 : f32 to vector<16xf32>
    %mul3A_973 = arith.mulf %add3A_970, %mul3A_972 : vector<16xf32>
    %sub3A_974 = arith.subf %min3A_969, %max3A_965 : vector<16xf32>
    %convert_element_type3A_975 = arith.extui %and3A_958 : vector<16xi1> to vector<16xi32>
    %convert_element_type3A_976 = arith.sitofp %convert_element_type3A_975 : vector<16xi32> to vector<16xf32>
    %mul3A_977 = arith.mulf %gather3A_947, %convert_element_type3A_976 : vector<16xf32>
    tpu.vector_store_idx %arg6[%add3A_936, %broadcast_in_dim3A_938], %mul3A_977 : memref<512x5xf32, #tpu.memory_space<vmem>>[vector<16xi32>, vector<16xi32>], vector<16xf32>,
    %mul3A_978 = arith.mulf %gather3A_948, %convert_element_type3A_976 : vector<16xf32>
    tpu.vector_store_idx %arg6[%add3A_936, %broadcast_in_dim3A_940], %mul3A_978 : memref<512x5xf32, #tpu.memory_space<vmem>>[vector<16xi32>, vector<16xi32>], vector<16xf32>,
    %mul3A_979 = arith.mulf %mul3A_973, %convert_element_type3A_976 : vector<16xf32>
    tpu.vector_store_idx %arg6[%add3A_936, %broadcast_in_dim3A_942], %mul3A_979 : memref<512x5xf32, #tpu.memory_space<vmem>>[vector<16xi32>, vector<16xi32>], vector<16xf32>,
    %mul3A_980 = arith.mulf %gather3A_950, %convert_element_type3A_976 : vector<16xf32>
    tpu.vector_store_idx %arg6[%add3A_936, %broadcast_in_dim3A_944], %mul3A_980 : memref<512x5xf32, #tpu.memory_space<vmem>>[vector<16xi32>, vector<16xi32>], vector<16xf32>,
    %mul3A_981 = arith.mulf %sub3A_974, %convert_element_type3A_976 : vector<16xf32>
    tpu.vector_store_idx %arg6[%add3A_936, %broadcast_in_dim3A_946], %mul3A_981 : memref<512x5xf32, #tpu.memory_space<vmem>>[vector<16xi32>, vector<16xi32>], vector<16xf32>,
    %add3A_982 = vector.broadcast %mul3A_2 : i32 to vector<16xi32>
    %add3A_983 = arith.addi %add3A_936, %add3A_982 : vector<16xi32>
    %broadcast_in_dim3A_984 = arith.constant 0 : i32
    %broadcast_in_dim3A_985 = vector.broadcast %broadcast_in_dim3A_984 : i32 to vector<16xi32>
    %ge3A_986 = arith.cmpi sge, %add3A_983, %gather3A : vector<16xi32>
    %convert_element_type3A_987 = arith.extui %ge3A_986 : vector<16xi1> to vector<16xi32>
    %add3A_988 = arith.addi %broadcast_in_dim3A_985, %convert_element_type3A_987 : vector<16xi32>
    %ge3A_989 = arith.cmpi sge, %add3A_983, %gather3A_8 : vector<16xi32>
    %convert_element_type3A_990 = arith.extui %ge3A_989 : vector<16xi1> to vector<16xi32>
    %add3A_991 = arith.addi %add3A_988, %convert_element_type3A_990 : vector<16xi32>
    %ge3A_992 = arith.cmpi sge, %add3A_983, %gather3A_11 : vector<16xi32>
    %convert_element_type3A_993 = arith.extui %ge3A_992 : vector<16xi1> to vector<16xi32>
    %add3A_994 = arith.addi %add3A_991, %convert_element_type3A_993 : vector<16xi32>
    %ge3A_995 = arith.cmpi sge, %add3A_983, %gather3A_14 : vector<16xi32>
    %convert_element_type3A_996 = arith.extui %ge3A_995 : vector<16xi1> to vector<16xi32>
    %add3A_997 = arith.addi %add3A_994, %convert_element_type3A_996 : vector<16xi32>
    %ge3A_998 = arith.cmpi sge, %add3A_983, %gather3A_17 : vector<16xi32>
    %convert_element_type3A_999 = arith.extui %ge3A_998 : vector<16xi1> to vector<16xi32>
    %add3A_1000 = arith.addi %add3A_997, %convert_element_type3A_999 : vector<16xi32>
    %ge3A_1001 = arith.cmpi sge, %add3A_983, %gather3A_20 : vector<16xi32>
    %convert_element_type3A_1002 = arith.extui %ge3A_1001 : vector<16xi1> to vector<16xi32>
    %add3A_1003 = arith.addi %add3A_1000, %convert_element_type3A_1002 : vector<16xi32>
    %ge3A_1004 = arith.cmpi sge, %add3A_983, %gather3A_23 : vector<16xi32>
    %convert_element_type3A_1005 = arith.extui %ge3A_1004 : vector<16xi1> to vector<16xi32>
    %add3A_1006 = arith.addi %add3A_1003, %convert_element_type3A_1005 : vector<16xi32>
    %ge3A_1007 = arith.cmpi sge, %add3A_983, %gather3A_26 : vector<16xi32>
    %convert_element_type3A_1008 = arith.extui %ge3A_1007 : vector<16xi1> to vector<16xi32>
    %add3A_1009 = arith.addi %add3A_1006, %convert_element_type3A_1008 : vector<16xi32>
    tpu.vector_store_idx %arg8[%add3A_1009], %broadcast_in_dim3A_3 masked %and3A_958 {add = true} : memref<16xi32, #tpu.memory_space<vmem>>[vector<16xi32>], vector<16xi32>, vector<16xi1>
    %add3A_1010 = arith.constant 208 : i32
    %add3A_1011 = vector.broadcast %add3A_1010 : i32 to vector<16xi32>
    %add3A_1012 = arith.addi %iota3A, %add3A_1011 : vector<16xi32>
    %broadcast_in_dim3A_1013 = arith.constant 0 : i32
    %broadcast_in_dim3A_1014 = vector.broadcast %broadcast_in_dim3A_1013 : i32 to vector<16xi32>
    %broadcast_in_dim3A_1015 = arith.constant 1 : i32
    %broadcast_in_dim3A_1016 = vector.broadcast %broadcast_in_dim3A_1015 : i32 to vector<16xi32>
    %broadcast_in_dim3A_1017 = arith.constant 2 : i32
    %broadcast_in_dim3A_1018 = vector.broadcast %broadcast_in_dim3A_1017 : i32 to vector<16xi32>
    %broadcast_in_dim3A_1019 = arith.constant 3 : i32
    %broadcast_in_dim3A_1020 = vector.broadcast %broadcast_in_dim3A_1019 : i32 to vector<16xi32>
    %broadcast_in_dim3A_1021 = arith.constant 4 : i32
    %broadcast_in_dim3A_1022 = vector.broadcast %broadcast_in_dim3A_1021 : i32 to vector<16xi32>
    %gather3A_1023 = tpu.vector_load_idx %arg6[%add3A_1012, %broadcast_in_dim3A_1014] : memref<512x5xf32, #tpu.memory_space<vmem>>[vector<16xi32>, vector<16xi32>], vector<16xf32>,
    %gather3A_1024 = tpu.vector_load_idx %arg6[%add3A_1012, %broadcast_in_dim3A_1016] : memref<512x5xf32, #tpu.memory_space<vmem>>[vector<16xi32>, vector<16xi32>], vector<16xf32>,
    %gather3A_1025 = tpu.vector_load_idx %arg6[%add3A_1012, %broadcast_in_dim3A_1018] : memref<512x5xf32, #tpu.memory_space<vmem>>[vector<16xi32>, vector<16xi32>], vector<16xf32>,
    %gather3A_1026 = tpu.vector_load_idx %arg6[%add3A_1012, %broadcast_in_dim3A_1020] : memref<512x5xf32, #tpu.memory_space<vmem>>[vector<16xi32>, vector<16xi32>], vector<16xf32>,
    %gather3A_1027 = tpu.vector_load_idx %arg6[%add3A_1012, %broadcast_in_dim3A_1022] : memref<512x5xf32, #tpu.memory_space<vmem>>[vector<16xi32>, vector<16xi32>], vector<16xf32>,
    %gt3A_1028 = arith.constant 112.289917 : f32
    %gt3A_1029 = vector.broadcast %gt3A_1028 : f32 to vector<16xf32>
    %gt3A_1030 = arith.cmpf ogt, %gather3A_1025, %gt3A_1029 : vector<16xf32>
    %lt3A_1031 = arith.constant 368.289917 : f32
    %lt3A_1032 = vector.broadcast %lt3A_1031 : f32 to vector<16xf32>
    %lt3A_1033 = arith.cmpf olt, %gather3A_1025, %lt3A_1032 : vector<16xf32>
    %and3A_1034 = arith.andi %gt3A_1030, %lt3A_1033 : vector<16xi1>
    %mul3A_1035 = arith.constant 5.000000e-01 : f32
    %mul3A_1036 = vector.broadcast %mul3A_1035 : f32 to vector<16xf32>
    %mul3A_1037 = arith.mulf %gather3A_1027, %mul3A_1036 : vector<16xf32>
    %sub3A_1038 = arith.subf %gather3A_1025, %mul3A_1037 : vector<16xf32>
    %max3A_1039 = arith.constant 112.289917 : f32
    %max3A_1040 = vector.broadcast %max3A_1039 : f32 to vector<16xf32>
    %max3A_1041 = arith.maximumf %sub3A_1038, %max3A_1040 : vector<16xf32>
    %add3A_1042 = arith.addf %gather3A_1025, %mul3A_1037 : vector<16xf32>
    %min3A_1043 = arith.constant 368.289917 : f32
    %min3A_1044 = vector.broadcast %min3A_1043 : f32 to vector<16xf32>
    %min3A_1045 = arith.minimumf %add3A_1042, %min3A_1044 : vector<16xf32>
    %add3A_1046 = arith.addf %max3A_1041, %min3A_1045 : vector<16xf32>
    %mul3A_1047 = arith.constant 5.000000e-01 : f32
    %mul3A_1048 = vector.broadcast %mul3A_1047 : f32 to vector<16xf32>
    %mul3A_1049 = arith.mulf %add3A_1046, %mul3A_1048 : vector<16xf32>
    %sub3A_1050 = arith.subf %min3A_1045, %max3A_1041 : vector<16xf32>
    %convert_element_type3A_1051 = arith.extui %and3A_1034 : vector<16xi1> to vector<16xi32>
    %convert_element_type3A_1052 = arith.sitofp %convert_element_type3A_1051 : vector<16xi32> to vector<16xf32>
    %mul3A_1053 = arith.mulf %gather3A_1023, %convert_element_type3A_1052 : vector<16xf32>
    tpu.vector_store_idx %arg6[%add3A_1012, %broadcast_in_dim3A_1014], %mul3A_1053 : memref<512x5xf32, #tpu.memory_space<vmem>>[vector<16xi32>, vector<16xi32>], vector<16xf32>,
    %mul3A_1054 = arith.mulf %gather3A_1024, %convert_element_type3A_1052 : vector<16xf32>
    tpu.vector_store_idx %arg6[%add3A_1012, %broadcast_in_dim3A_1016], %mul3A_1054 : memref<512x5xf32, #tpu.memory_space<vmem>>[vector<16xi32>, vector<16xi32>], vector<16xf32>,
    %mul3A_1055 = arith.mulf %mul3A_1049, %convert_element_type3A_1052 : vector<16xf32>
    tpu.vector_store_idx %arg6[%add3A_1012, %broadcast_in_dim3A_1018], %mul3A_1055 : memref<512x5xf32, #tpu.memory_space<vmem>>[vector<16xi32>, vector<16xi32>], vector<16xf32>,
    %mul3A_1056 = arith.mulf %gather3A_1026, %convert_element_type3A_1052 : vector<16xf32>
    tpu.vector_store_idx %arg6[%add3A_1012, %broadcast_in_dim3A_1020], %mul3A_1056 : memref<512x5xf32, #tpu.memory_space<vmem>>[vector<16xi32>, vector<16xi32>], vector<16xf32>,
    %mul3A_1057 = arith.mulf %sub3A_1050, %convert_element_type3A_1052 : vector<16xf32>
    tpu.vector_store_idx %arg6[%add3A_1012, %broadcast_in_dim3A_1022], %mul3A_1057 : memref<512x5xf32, #tpu.memory_space<vmem>>[vector<16xi32>, vector<16xi32>], vector<16xf32>,
    %add3A_1058 = vector.broadcast %mul3A_2 : i32 to vector<16xi32>
    %add3A_1059 = arith.addi %add3A_1012, %add3A_1058 : vector<16xi32>
    %broadcast_in_dim3A_1060 = arith.constant 0 : i32
    %broadcast_in_dim3A_1061 = vector.broadcast %broadcast_in_dim3A_1060 : i32 to vector<16xi32>
    %ge3A_1062 = arith.cmpi sge, %add3A_1059, %gather3A : vector<16xi32>
    %convert_element_type3A_1063 = arith.extui %ge3A_1062 : vector<16xi1> to vector<16xi32>
    %add3A_1064 = arith.addi %broadcast_in_dim3A_1061, %convert_element_type3A_1063 : vector<16xi32>
    %ge3A_1065 = arith.cmpi sge, %add3A_1059, %gather3A_8 : vector<16xi32>
    %convert_element_type3A_1066 = arith.extui %ge3A_1065 : vector<16xi1> to vector<16xi32>
    %add3A_1067 = arith.addi %add3A_1064, %convert_element_type3A_1066 : vector<16xi32>
    %ge3A_1068 = arith.cmpi sge, %add3A_1059, %gather3A_11 : vector<16xi32>
    %convert_element_type3A_1069 = arith.extui %ge3A_1068 : vector<16xi1> to vector<16xi32>
    %add3A_1070 = arith.addi %add3A_1067, %convert_element_type3A_1069 : vector<16xi32>
    %ge3A_1071 = arith.cmpi sge, %add3A_1059, %gather3A_14 : vector<16xi32>
    %convert_element_type3A_1072 = arith.extui %ge3A_1071 : vector<16xi1> to vector<16xi32>
    %add3A_1073 = arith.addi %add3A_1070, %convert_element_type3A_1072 : vector<16xi32>
    %ge3A_1074 = arith.cmpi sge, %add3A_1059, %gather3A_17 : vector<16xi32>
    %convert_element_type3A_1075 = arith.extui %ge3A_1074 : vector<16xi1> to vector<16xi32>
    %add3A_1076 = arith.addi %add3A_1073, %convert_element_type3A_1075 : vector<16xi32>
    %ge3A_1077 = arith.cmpi sge, %add3A_1059, %gather3A_20 : vector<16xi32>
    %convert_element_type3A_1078 = arith.extui %ge3A_1077 : vector<16xi1> to vector<16xi32>
    %add3A_1079 = arith.addi %add3A_1076, %convert_element_type3A_1078 : vector<16xi32>
    %ge3A_1080 = arith.cmpi sge, %add3A_1059, %gather3A_23 : vector<16xi32>
    %convert_element_type3A_1081 = arith.extui %ge3A_1080 : vector<16xi1> to vector<16xi32>
    %add3A_1082 = arith.addi %add3A_1079, %convert_element_type3A_1081 : vector<16xi32>
    %ge3A_1083 = arith.cmpi sge, %add3A_1059, %gather3A_26 : vector<16xi32>
    %convert_element_type3A_1084 = arith.extui %ge3A_1083 : vector<16xi1> to vector<16xi32>
    %add3A_1085 = arith.addi %add3A_1082, %convert_element_type3A_1084 : vector<16xi32>
    tpu.vector_store_idx %arg8[%add3A_1085], %broadcast_in_dim3A_3 masked %and3A_1034 {add = true} : memref<16xi32, #tpu.memory_space<vmem>>[vector<16xi32>], vector<16xi32>, vector<16xi1>
    %add3A_1086 = arith.constant 224 : i32
    %add3A_1087 = vector.broadcast %add3A_1086 : i32 to vector<16xi32>
    %add3A_1088 = arith.addi %iota3A, %add3A_1087 : vector<16xi32>
    %broadcast_in_dim3A_1089 = arith.constant 0 : i32
    %broadcast_in_dim3A_1090 = vector.broadcast %broadcast_in_dim3A_1089 : i32 to vector<16xi32>
    %broadcast_in_dim3A_1091 = arith.constant 1 : i32
    %broadcast_in_dim3A_1092 = vector.broadcast %broadcast_in_dim3A_1091 : i32 to vector<16xi32>
    %broadcast_in_dim3A_1093 = arith.constant 2 : i32
    %broadcast_in_dim3A_1094 = vector.broadcast %broadcast_in_dim3A_1093 : i32 to vector<16xi32>
    %broadcast_in_dim3A_1095 = arith.constant 3 : i32
    %broadcast_in_dim3A_1096 = vector.broadcast %broadcast_in_dim3A_1095 : i32 to vector<16xi32>
    %broadcast_in_dim3A_1097 = arith.constant 4 : i32
    %broadcast_in_dim3A_1098 = vector.broadcast %broadcast_in_dim3A_1097 : i32 to vector<16xi32>
    %gather3A_1099 = tpu.vector_load_idx %arg6[%add3A_1088, %broadcast_in_dim3A_1090] : memref<512x5xf32, #tpu.memory_space<vmem>>[vector<16xi32>, vector<16xi32>], vector<16xf32>,
    %gather3A_1100 = tpu.vector_load_idx %arg6[%add3A_1088, %broadcast_in_dim3A_1092] : memref<512x5xf32, #tpu.memory_space<vmem>>[vector<16xi32>, vector<16xi32>], vector<16xf32>,
    %gather3A_1101 = tpu.vector_load_idx %arg6[%add3A_1088, %broadcast_in_dim3A_1094] : memref<512x5xf32, #tpu.memory_space<vmem>>[vector<16xi32>, vector<16xi32>], vector<16xf32>,
    %gather3A_1102 = tpu.vector_load_idx %arg6[%add3A_1088, %broadcast_in_dim3A_1096] : memref<512x5xf32, #tpu.memory_space<vmem>>[vector<16xi32>, vector<16xi32>], vector<16xf32>,
    %gather3A_1103 = tpu.vector_load_idx %arg6[%add3A_1088, %broadcast_in_dim3A_1098] : memref<512x5xf32, #tpu.memory_space<vmem>>[vector<16xi32>, vector<16xi32>], vector<16xf32>,
    %gt3A_1104 = arith.constant 112.289917 : f32
    %gt3A_1105 = vector.broadcast %gt3A_1104 : f32 to vector<16xf32>
    %gt3A_1106 = arith.cmpf ogt, %gather3A_1101, %gt3A_1105 : vector<16xf32>
    %lt3A_1107 = arith.constant 368.289917 : f32
    %lt3A_1108 = vector.broadcast %lt3A_1107 : f32 to vector<16xf32>
    %lt3A_1109 = arith.cmpf olt, %gather3A_1101, %lt3A_1108 : vector<16xf32>
    %and3A_1110 = arith.andi %gt3A_1106, %lt3A_1109 : vector<16xi1>
    %mul3A_1111 = arith.constant 5.000000e-01 : f32
    %mul3A_1112 = vector.broadcast %mul3A_1111 : f32 to vector<16xf32>
    %mul3A_1113 = arith.mulf %gather3A_1103, %mul3A_1112 : vector<16xf32>
    %sub3A_1114 = arith.subf %gather3A_1101, %mul3A_1113 : vector<16xf32>
    %max3A_1115 = arith.constant 112.289917 : f32
    %max3A_1116 = vector.broadcast %max3A_1115 : f32 to vector<16xf32>
    %max3A_1117 = arith.maximumf %sub3A_1114, %max3A_1116 : vector<16xf32>
    %add3A_1118 = arith.addf %gather3A_1101, %mul3A_1113 : vector<16xf32>
    %min3A_1119 = arith.constant 368.289917 : f32
    %min3A_1120 = vector.broadcast %min3A_1119 : f32 to vector<16xf32>
    %min3A_1121 = arith.minimumf %add3A_1118, %min3A_1120 : vector<16xf32>
    %add3A_1122 = arith.addf %max3A_1117, %min3A_1121 : vector<16xf32>
    %mul3A_1123 = arith.constant 5.000000e-01 : f32
    %mul3A_1124 = vector.broadcast %mul3A_1123 : f32 to vector<16xf32>
    %mul3A_1125 = arith.mulf %add3A_1122, %mul3A_1124 : vector<16xf32>
    %sub3A_1126 = arith.subf %min3A_1121, %max3A_1117 : vector<16xf32>
    %convert_element_type3A_1127 = arith.extui %and3A_1110 : vector<16xi1> to vector<16xi32>
    %convert_element_type3A_1128 = arith.sitofp %convert_element_type3A_1127 : vector<16xi32> to vector<16xf32>
    %mul3A_1129 = arith.mulf %gather3A_1099, %convert_element_type3A_1128 : vector<16xf32>
    tpu.vector_store_idx %arg6[%add3A_1088, %broadcast_in_dim3A_1090], %mul3A_1129 : memref<512x5xf32, #tpu.memory_space<vmem>>[vector<16xi32>, vector<16xi32>], vector<16xf32>,
    %mul3A_1130 = arith.mulf %gather3A_1100, %convert_element_type3A_1128 : vector<16xf32>
    tpu.vector_store_idx %arg6[%add3A_1088, %broadcast_in_dim3A_1092], %mul3A_1130 : memref<512x5xf32, #tpu.memory_space<vmem>>[vector<16xi32>, vector<16xi32>], vector<16xf32>,
    %mul3A_1131 = arith.mulf %mul3A_1125, %convert_element_type3A_1128 : vector<16xf32>
    tpu.vector_store_idx %arg6[%add3A_1088, %broadcast_in_dim3A_1094], %mul3A_1131 : memref<512x5xf32, #tpu.memory_space<vmem>>[vector<16xi32>, vector<16xi32>], vector<16xf32>,
    %mul3A_1132 = arith.mulf %gather3A_1102, %convert_element_type3A_1128 : vector<16xf32>
    tpu.vector_store_idx %arg6[%add3A_1088, %broadcast_in_dim3A_1096], %mul3A_1132 : memref<512x5xf32, #tpu.memory_space<vmem>>[vector<16xi32>, vector<16xi32>], vector<16xf32>,
    %mul3A_1133 = arith.mulf %sub3A_1126, %convert_element_type3A_1128 : vector<16xf32>
    tpu.vector_store_idx %arg6[%add3A_1088, %broadcast_in_dim3A_1098], %mul3A_1133 : memref<512x5xf32, #tpu.memory_space<vmem>>[vector<16xi32>, vector<16xi32>], vector<16xf32>,
    %add3A_1134 = vector.broadcast %mul3A_2 : i32 to vector<16xi32>
    %add3A_1135 = arith.addi %add3A_1088, %add3A_1134 : vector<16xi32>
    %broadcast_in_dim3A_1136 = arith.constant 0 : i32
    %broadcast_in_dim3A_1137 = vector.broadcast %broadcast_in_dim3A_1136 : i32 to vector<16xi32>
    %ge3A_1138 = arith.cmpi sge, %add3A_1135, %gather3A : vector<16xi32>
    %convert_element_type3A_1139 = arith.extui %ge3A_1138 : vector<16xi1> to vector<16xi32>
    %add3A_1140 = arith.addi %broadcast_in_dim3A_1137, %convert_element_type3A_1139 : vector<16xi32>
    %ge3A_1141 = arith.cmpi sge, %add3A_1135, %gather3A_8 : vector<16xi32>
    %convert_element_type3A_1142 = arith.extui %ge3A_1141 : vector<16xi1> to vector<16xi32>
    %add3A_1143 = arith.addi %add3A_1140, %convert_element_type3A_1142 : vector<16xi32>
    %ge3A_1144 = arith.cmpi sge, %add3A_1135, %gather3A_11 : vector<16xi32>
    %convert_element_type3A_1145 = arith.extui %ge3A_1144 : vector<16xi1> to vector<16xi32>
    %add3A_1146 = arith.addi %add3A_1143, %convert_element_type3A_1145 : vector<16xi32>
    %ge3A_1147 = arith.cmpi sge, %add3A_1135, %gather3A_14 : vector<16xi32>
    %convert_element_type3A_1148 = arith.extui %ge3A_1147 : vector<16xi1> to vector<16xi32>
    %add3A_1149 = arith.addi %add3A_1146, %convert_element_type3A_1148 : vector<16xi32>
    %ge3A_1150 = arith.cmpi sge, %add3A_1135, %gather3A_17 : vector<16xi32>
    %convert_element_type3A_1151 = arith.extui %ge3A_1150 : vector<16xi1> to vector<16xi32>
    %add3A_1152 = arith.addi %add3A_1149, %convert_element_type3A_1151 : vector<16xi32>
    %ge3A_1153 = arith.cmpi sge, %add3A_1135, %gather3A_20 : vector<16xi32>
    %convert_element_type3A_1154 = arith.extui %ge3A_1153 : vector<16xi1> to vector<16xi32>
    %add3A_1155 = arith.addi %add3A_1152, %convert_element_type3A_1154 : vector<16xi32>
    %ge3A_1156 = arith.cmpi sge, %add3A_1135, %gather3A_23 : vector<16xi32>
    %convert_element_type3A_1157 = arith.extui %ge3A_1156 : vector<16xi1> to vector<16xi32>
    %add3A_1158 = arith.addi %add3A_1155, %convert_element_type3A_1157 : vector<16xi32>
    %ge3A_1159 = arith.cmpi sge, %add3A_1135, %gather3A_26 : vector<16xi32>
    %convert_element_type3A_1160 = arith.extui %ge3A_1159 : vector<16xi1> to vector<16xi32>
    %add3A_1161 = arith.addi %add3A_1158, %convert_element_type3A_1160 : vector<16xi32>
    tpu.vector_store_idx %arg8[%add3A_1161], %broadcast_in_dim3A_3 masked %and3A_1110 {add = true} : memref<16xi32, #tpu.memory_space<vmem>>[vector<16xi32>], vector<16xi32>, vector<16xi1>
    %add3A_1162 = arith.constant 240 : i32
    %add3A_1163 = vector.broadcast %add3A_1162 : i32 to vector<16xi32>
    %add3A_1164 = arith.addi %iota3A, %add3A_1163 : vector<16xi32>
    %broadcast_in_dim3A_1165 = arith.constant 0 : i32
    %broadcast_in_dim3A_1166 = vector.broadcast %broadcast_in_dim3A_1165 : i32 to vector<16xi32>
    %broadcast_in_dim3A_1167 = arith.constant 1 : i32
    %broadcast_in_dim3A_1168 = vector.broadcast %broadcast_in_dim3A_1167 : i32 to vector<16xi32>
    %broadcast_in_dim3A_1169 = arith.constant 2 : i32
    %broadcast_in_dim3A_1170 = vector.broadcast %broadcast_in_dim3A_1169 : i32 to vector<16xi32>
    %broadcast_in_dim3A_1171 = arith.constant 3 : i32
    %broadcast_in_dim3A_1172 = vector.broadcast %broadcast_in_dim3A_1171 : i32 to vector<16xi32>
    %broadcast_in_dim3A_1173 = arith.constant 4 : i32
    %broadcast_in_dim3A_1174 = vector.broadcast %broadcast_in_dim3A_1173 : i32 to vector<16xi32>
    %gather3A_1175 = tpu.vector_load_idx %arg6[%add3A_1164, %broadcast_in_dim3A_1166] : memref<512x5xf32, #tpu.memory_space<vmem>>[vector<16xi32>, vector<16xi32>], vector<16xf32>,
    %gather3A_1176 = tpu.vector_load_idx %arg6[%add3A_1164, %broadcast_in_dim3A_1168] : memref<512x5xf32, #tpu.memory_space<vmem>>[vector<16xi32>, vector<16xi32>], vector<16xf32>,
    %gather3A_1177 = tpu.vector_load_idx %arg6[%add3A_1164, %broadcast_in_dim3A_1170] : memref<512x5xf32, #tpu.memory_space<vmem>>[vector<16xi32>, vector<16xi32>], vector<16xf32>,
    %gather3A_1178 = tpu.vector_load_idx %arg6[%add3A_1164, %broadcast_in_dim3A_1172] : memref<512x5xf32, #tpu.memory_space<vmem>>[vector<16xi32>, vector<16xi32>], vector<16xf32>,
    %gather3A_1179 = tpu.vector_load_idx %arg6[%add3A_1164, %broadcast_in_dim3A_1174] : memref<512x5xf32, #tpu.memory_space<vmem>>[vector<16xi32>, vector<16xi32>], vector<16xf32>,
    %gt3A_1180 = arith.constant 112.289917 : f32
    %gt3A_1181 = vector.broadcast %gt3A_1180 : f32 to vector<16xf32>
    %gt3A_1182 = arith.cmpf ogt, %gather3A_1177, %gt3A_1181 : vector<16xf32>
    %lt3A_1183 = arith.constant 368.289917 : f32
    %lt3A_1184 = vector.broadcast %lt3A_1183 : f32 to vector<16xf32>
    %lt3A_1185 = arith.cmpf olt, %gather3A_1177, %lt3A_1184 : vector<16xf32>
    %and3A_1186 = arith.andi %gt3A_1182, %lt3A_1185 : vector<16xi1>
    %mul3A_1187 = arith.constant 5.000000e-01 : f32
    %mul3A_1188 = vector.broadcast %mul3A_1187 : f32 to vector<16xf32>
    %mul3A_1189 = arith.mulf %gather3A_1179, %mul3A_1188 : vector<16xf32>
    %sub3A_1190 = arith.subf %gather3A_1177, %mul3A_1189 : vector<16xf32>
    %max3A_1191 = arith.constant 112.289917 : f32
    %max3A_1192 = vector.broadcast %max3A_1191 : f32 to vector<16xf32>
    %max3A_1193 = arith.maximumf %sub3A_1190, %max3A_1192 : vector<16xf32>
    %add3A_1194 = arith.addf %gather3A_1177, %mul3A_1189 : vector<16xf32>
    %min3A_1195 = arith.constant 368.289917 : f32
    %min3A_1196 = vector.broadcast %min3A_1195 : f32 to vector<16xf32>
    %min3A_1197 = arith.minimumf %add3A_1194, %min3A_1196 : vector<16xf32>
    %add3A_1198 = arith.addf %max3A_1193, %min3A_1197 : vector<16xf32>
    %mul3A_1199 = arith.constant 5.000000e-01 : f32
    %mul3A_1200 = vector.broadcast %mul3A_1199 : f32 to vector<16xf32>
    %mul3A_1201 = arith.mulf %add3A_1198, %mul3A_1200 : vector<16xf32>
    %sub3A_1202 = arith.subf %min3A_1197, %max3A_1193 : vector<16xf32>
    %convert_element_type3A_1203 = arith.extui %and3A_1186 : vector<16xi1> to vector<16xi32>
    %convert_element_type3A_1204 = arith.sitofp %convert_element_type3A_1203 : vector<16xi32> to vector<16xf32>
    %mul3A_1205 = arith.mulf %gather3A_1175, %convert_element_type3A_1204 : vector<16xf32>
    tpu.vector_store_idx %arg6[%add3A_1164, %broadcast_in_dim3A_1166], %mul3A_1205 : memref<512x5xf32, #tpu.memory_space<vmem>>[vector<16xi32>, vector<16xi32>], vector<16xf32>,
    %mul3A_1206 = arith.mulf %gather3A_1176, %convert_element_type3A_1204 : vector<16xf32>
    tpu.vector_store_idx %arg6[%add3A_1164, %broadcast_in_dim3A_1168], %mul3A_1206 : memref<512x5xf32, #tpu.memory_space<vmem>>[vector<16xi32>, vector<16xi32>], vector<16xf32>,
    %mul3A_1207 = arith.mulf %mul3A_1201, %convert_element_type3A_1204 : vector<16xf32>
    tpu.vector_store_idx %arg6[%add3A_1164, %broadcast_in_dim3A_1170], %mul3A_1207 : memref<512x5xf32, #tpu.memory_space<vmem>>[vector<16xi32>, vector<16xi32>], vector<16xf32>,
    %mul3A_1208 = arith.mulf %gather3A_1178, %convert_element_type3A_1204 : vector<16xf32>
    tpu.vector_store_idx %arg6[%add3A_1164, %broadcast_in_dim3A_1172], %mul3A_1208 : memref<512x5xf32, #tpu.memory_space<vmem>>[vector<16xi32>, vector<16xi32>], vector<16xf32>,
    %mul3A_1209 = arith.mulf %sub3A_1202, %convert_element_type3A_1204 : vector<16xf32>
    tpu.vector_store_idx %arg6[%add3A_1164, %broadcast_in_dim3A_1174], %mul3A_1209 : memref<512x5xf32, #tpu.memory_space<vmem>>[vector<16xi32>, vector<16xi32>], vector<16xf32>,
    %add3A_1210 = vector.broadcast %mul3A_2 : i32 to vector<16xi32>
    %add3A_1211 = arith.addi %add3A_1164, %add3A_1210 : vector<16xi32>
    %broadcast_in_dim3A_1212 = arith.constant 0 : i32
    %broadcast_in_dim3A_1213 = vector.broadcast %broadcast_in_dim3A_1212 : i32 to vector<16xi32>
    %ge3A_1214 = arith.cmpi sge, %add3A_1211, %gather3A : vector<16xi32>
    %convert_element_type3A_1215 = arith.extui %ge3A_1214 : vector<16xi1> to vector<16xi32>
    %add3A_1216 = arith.addi %broadcast_in_dim3A_1213, %convert_element_type3A_1215 : vector<16xi32>
    %ge3A_1217 = arith.cmpi sge, %add3A_1211, %gather3A_8 : vector<16xi32>
    %convert_element_type3A_1218 = arith.extui %ge3A_1217 : vector<16xi1> to vector<16xi32>
    %add3A_1219 = arith.addi %add3A_1216, %convert_element_type3A_1218 : vector<16xi32>
    %ge3A_1220 = arith.cmpi sge, %add3A_1211, %gather3A_11 : vector<16xi32>
    %convert_element_type3A_1221 = arith.extui %ge3A_1220 : vector<16xi1> to vector<16xi32>
    %add3A_1222 = arith.addi %add3A_1219, %convert_element_type3A_1221 : vector<16xi32>
    %ge3A_1223 = arith.cmpi sge, %add3A_1211, %gather3A_14 : vector<16xi32>
    %convert_element_type3A_1224 = arith.extui %ge3A_1223 : vector<16xi1> to vector<16xi32>
    %add3A_1225 = arith.addi %add3A_1222, %convert_element_type3A_1224 : vector<16xi32>
    %ge3A_1226 = arith.cmpi sge, %add3A_1211, %gather3A_17 : vector<16xi32>
    %convert_element_type3A_1227 = arith.extui %ge3A_1226 : vector<16xi1> to vector<16xi32>
    %add3A_1228 = arith.addi %add3A_1225, %convert_element_type3A_1227 : vector<16xi32>
    %ge3A_1229 = arith.cmpi sge, %add3A_1211, %gather3A_20 : vector<16xi32>
    %convert_element_type3A_1230 = arith.extui %ge3A_1229 : vector<16xi1> to vector<16xi32>
    %add3A_1231 = arith.addi %add3A_1228, %convert_element_type3A_1230 : vector<16xi32>
    %ge3A_1232 = arith.cmpi sge, %add3A_1211, %gather3A_23 : vector<16xi32>
    %convert_element_type3A_1233 = arith.extui %ge3A_1232 : vector<16xi1> to vector<16xi32>
    %add3A_1234 = arith.addi %add3A_1231, %convert_element_type3A_1233 : vector<16xi32>
    %ge3A_1235 = arith.cmpi sge, %add3A_1211, %gather3A_26 : vector<16xi32>
    %convert_element_type3A_1236 = arith.extui %ge3A_1235 : vector<16xi1> to vector<16xi32>
    %add3A_1237 = arith.addi %add3A_1234, %convert_element_type3A_1236 : vector<16xi32>
    tpu.vector_store_idx %arg8[%add3A_1237], %broadcast_in_dim3A_3 masked %and3A_1186 {add = true} : memref<16xi32, #tpu.memory_space<vmem>>[vector<16xi32>], vector<16xi32>, vector<16xi1>
    %add3A_1238 = arith.constant 256 : i32
    %add3A_1239 = vector.broadcast %add3A_1238 : i32 to vector<16xi32>
    %add3A_1240 = arith.addi %iota3A, %add3A_1239 : vector<16xi32>
    %broadcast_in_dim3A_1241 = arith.constant 0 : i32
    %broadcast_in_dim3A_1242 = vector.broadcast %broadcast_in_dim3A_1241 : i32 to vector<16xi32>
    %broadcast_in_dim3A_1243 = arith.constant 1 : i32
    %broadcast_in_dim3A_1244 = vector.broadcast %broadcast_in_dim3A_1243 : i32 to vector<16xi32>
    %broadcast_in_dim3A_1245 = arith.constant 2 : i32
    %broadcast_in_dim3A_1246 = vector.broadcast %broadcast_in_dim3A_1245 : i32 to vector<16xi32>
    %broadcast_in_dim3A_1247 = arith.constant 3 : i32
    %broadcast_in_dim3A_1248 = vector.broadcast %broadcast_in_dim3A_1247 : i32 to vector<16xi32>
    %broadcast_in_dim3A_1249 = arith.constant 4 : i32
    %broadcast_in_dim3A_1250 = vector.broadcast %broadcast_in_dim3A_1249 : i32 to vector<16xi32>
    %gather3A_1251 = tpu.vector_load_idx %arg6[%add3A_1240, %broadcast_in_dim3A_1242] : memref<512x5xf32, #tpu.memory_space<vmem>>[vector<16xi32>, vector<16xi32>], vector<16xf32>,
    %gather3A_1252 = tpu.vector_load_idx %arg6[%add3A_1240, %broadcast_in_dim3A_1244] : memref<512x5xf32, #tpu.memory_space<vmem>>[vector<16xi32>, vector<16xi32>], vector<16xf32>,
    %gather3A_1253 = tpu.vector_load_idx %arg6[%add3A_1240, %broadcast_in_dim3A_1246] : memref<512x5xf32, #tpu.memory_space<vmem>>[vector<16xi32>, vector<16xi32>], vector<16xf32>,
    %gather3A_1254 = tpu.vector_load_idx %arg6[%add3A_1240, %broadcast_in_dim3A_1248] : memref<512x5xf32, #tpu.memory_space<vmem>>[vector<16xi32>, vector<16xi32>], vector<16xf32>,
    %gather3A_1255 = tpu.vector_load_idx %arg6[%add3A_1240, %broadcast_in_dim3A_1250] : memref<512x5xf32, #tpu.memory_space<vmem>>[vector<16xi32>, vector<16xi32>], vector<16xf32>,
    %gt3A_1256 = arith.constant 112.289917 : f32
    %gt3A_1257 = vector.broadcast %gt3A_1256 : f32 to vector<16xf32>
    %gt3A_1258 = arith.cmpf ogt, %gather3A_1253, %gt3A_1257 : vector<16xf32>
    %lt3A_1259 = arith.constant 368.289917 : f32
    %lt3A_1260 = vector.broadcast %lt3A_1259 : f32 to vector<16xf32>
    %lt3A_1261 = arith.cmpf olt, %gather3A_1253, %lt3A_1260 : vector<16xf32>
    %and3A_1262 = arith.andi %gt3A_1258, %lt3A_1261 : vector<16xi1>
    %mul3A_1263 = arith.constant 5.000000e-01 : f32
    %mul3A_1264 = vector.broadcast %mul3A_1263 : f32 to vector<16xf32>
    %mul3A_1265 = arith.mulf %gather3A_1255, %mul3A_1264 : vector<16xf32>
    %sub3A_1266 = arith.subf %gather3A_1253, %mul3A_1265 : vector<16xf32>
    %max3A_1267 = arith.constant 112.289917 : f32
    %max3A_1268 = vector.broadcast %max3A_1267 : f32 to vector<16xf32>
    %max3A_1269 = arith.maximumf %sub3A_1266, %max3A_1268 : vector<16xf32>
    %add3A_1270 = arith.addf %gather3A_1253, %mul3A_1265 : vector<16xf32>
    %min3A_1271 = arith.constant 368.289917 : f32
    %min3A_1272 = vector.broadcast %min3A_1271 : f32 to vector<16xf32>
    %min3A_1273 = arith.minimumf %add3A_1270, %min3A_1272 : vector<16xf32>
    %add3A_1274 = arith.addf %max3A_1269, %min3A_1273 : vector<16xf32>
    %mul3A_1275 = arith.constant 5.000000e-01 : f32
    %mul3A_1276 = vector.broadcast %mul3A_1275 : f32 to vector<16xf32>
    %mul3A_1277 = arith.mulf %add3A_1274, %mul3A_1276 : vector<16xf32>
    %sub3A_1278 = arith.subf %min3A_1273, %max3A_1269 : vector<16xf32>
    %convert_element_type3A_1279 = arith.extui %and3A_1262 : vector<16xi1> to vector<16xi32>
    %convert_element_type3A_1280 = arith.sitofp %convert_element_type3A_1279 : vector<16xi32> to vector<16xf32>
    %mul3A_1281 = arith.mulf %gather3A_1251, %convert_element_type3A_1280 : vector<16xf32>
    tpu.vector_store_idx %arg6[%add3A_1240, %broadcast_in_dim3A_1242], %mul3A_1281 : memref<512x5xf32, #tpu.memory_space<vmem>>[vector<16xi32>, vector<16xi32>], vector<16xf32>,
    %mul3A_1282 = arith.mulf %gather3A_1252, %convert_element_type3A_1280 : vector<16xf32>
    tpu.vector_store_idx %arg6[%add3A_1240, %broadcast_in_dim3A_1244], %mul3A_1282 : memref<512x5xf32, #tpu.memory_space<vmem>>[vector<16xi32>, vector<16xi32>], vector<16xf32>,
    %mul3A_1283 = arith.mulf %mul3A_1277, %convert_element_type3A_1280 : vector<16xf32>
    tpu.vector_store_idx %arg6[%add3A_1240, %broadcast_in_dim3A_1246], %mul3A_1283 : memref<512x5xf32, #tpu.memory_space<vmem>>[vector<16xi32>, vector<16xi32>], vector<16xf32>,
    %mul3A_1284 = arith.mulf %gather3A_1254, %convert_element_type3A_1280 : vector<16xf32>
    tpu.vector_store_idx %arg6[%add3A_1240, %broadcast_in_dim3A_1248], %mul3A_1284 : memref<512x5xf32, #tpu.memory_space<vmem>>[vector<16xi32>, vector<16xi32>], vector<16xf32>,
    %mul3A_1285 = arith.mulf %sub3A_1278, %convert_element_type3A_1280 : vector<16xf32>
    tpu.vector_store_idx %arg6[%add3A_1240, %broadcast_in_dim3A_1250], %mul3A_1285 : memref<512x5xf32, #tpu.memory_space<vmem>>[vector<16xi32>, vector<16xi32>], vector<16xf32>,
    %add3A_1286 = vector.broadcast %mul3A_2 : i32 to vector<16xi32>
    %add3A_1287 = arith.addi %add3A_1240, %add3A_1286 : vector<16xi32>
    %broadcast_in_dim3A_1288 = arith.constant 0 : i32
    %broadcast_in_dim3A_1289 = vector.broadcast %broadcast_in_dim3A_1288 : i32 to vector<16xi32>
    %ge3A_1290 = arith.cmpi sge, %add3A_1287, %gather3A : vector<16xi32>
    %convert_element_type3A_1291 = arith.extui %ge3A_1290 : vector<16xi1> to vector<16xi32>
    %add3A_1292 = arith.addi %broadcast_in_dim3A_1289, %convert_element_type3A_1291 : vector<16xi32>
    %ge3A_1293 = arith.cmpi sge, %add3A_1287, %gather3A_8 : vector<16xi32>
    %convert_element_type3A_1294 = arith.extui %ge3A_1293 : vector<16xi1> to vector<16xi32>
    %add3A_1295 = arith.addi %add3A_1292, %convert_element_type3A_1294 : vector<16xi32>
    %ge3A_1296 = arith.cmpi sge, %add3A_1287, %gather3A_11 : vector<16xi32>
    %convert_element_type3A_1297 = arith.extui %ge3A_1296 : vector<16xi1> to vector<16xi32>
    %add3A_1298 = arith.addi %add3A_1295, %convert_element_type3A_1297 : vector<16xi32>
    %ge3A_1299 = arith.cmpi sge, %add3A_1287, %gather3A_14 : vector<16xi32>
    %convert_element_type3A_1300 = arith.extui %ge3A_1299 : vector<16xi1> to vector<16xi32>
    %add3A_1301 = arith.addi %add3A_1298, %convert_element_type3A_1300 : vector<16xi32>
    %ge3A_1302 = arith.cmpi sge, %add3A_1287, %gather3A_17 : vector<16xi32>
    %convert_element_type3A_1303 = arith.extui %ge3A_1302 : vector<16xi1> to vector<16xi32>
    %add3A_1304 = arith.addi %add3A_1301, %convert_element_type3A_1303 : vector<16xi32>
    %ge3A_1305 = arith.cmpi sge, %add3A_1287, %gather3A_20 : vector<16xi32>
    %convert_element_type3A_1306 = arith.extui %ge3A_1305 : vector<16xi1> to vector<16xi32>
    %add3A_1307 = arith.addi %add3A_1304, %convert_element_type3A_1306 : vector<16xi32>
    %ge3A_1308 = arith.cmpi sge, %add3A_1287, %gather3A_23 : vector<16xi32>
    %convert_element_type3A_1309 = arith.extui %ge3A_1308 : vector<16xi1> to vector<16xi32>
    %add3A_1310 = arith.addi %add3A_1307, %convert_element_type3A_1309 : vector<16xi32>
    %ge3A_1311 = arith.cmpi sge, %add3A_1287, %gather3A_26 : vector<16xi32>
    %convert_element_type3A_1312 = arith.extui %ge3A_1311 : vector<16xi1> to vector<16xi32>
    %add3A_1313 = arith.addi %add3A_1310, %convert_element_type3A_1312 : vector<16xi32>
    tpu.vector_store_idx %arg8[%add3A_1313], %broadcast_in_dim3A_3 masked %and3A_1262 {add = true} : memref<16xi32, #tpu.memory_space<vmem>>[vector<16xi32>], vector<16xi32>, vector<16xi1>
    %add3A_1314 = arith.constant 272 : i32
    %add3A_1315 = vector.broadcast %add3A_1314 : i32 to vector<16xi32>
    %add3A_1316 = arith.addi %iota3A, %add3A_1315 : vector<16xi32>
    %broadcast_in_dim3A_1317 = arith.constant 0 : i32
    %broadcast_in_dim3A_1318 = vector.broadcast %broadcast_in_dim3A_1317 : i32 to vector<16xi32>
    %broadcast_in_dim3A_1319 = arith.constant 1 : i32
    %broadcast_in_dim3A_1320 = vector.broadcast %broadcast_in_dim3A_1319 : i32 to vector<16xi32>
    %broadcast_in_dim3A_1321 = arith.constant 2 : i32
    %broadcast_in_dim3A_1322 = vector.broadcast %broadcast_in_dim3A_1321 : i32 to vector<16xi32>
    %broadcast_in_dim3A_1323 = arith.constant 3 : i32
    %broadcast_in_dim3A_1324 = vector.broadcast %broadcast_in_dim3A_1323 : i32 to vector<16xi32>
    %broadcast_in_dim3A_1325 = arith.constant 4 : i32
    %broadcast_in_dim3A_1326 = vector.broadcast %broadcast_in_dim3A_1325 : i32 to vector<16xi32>
    %gather3A_1327 = tpu.vector_load_idx %arg6[%add3A_1316, %broadcast_in_dim3A_1318] : memref<512x5xf32, #tpu.memory_space<vmem>>[vector<16xi32>, vector<16xi32>], vector<16xf32>,
    %gather3A_1328 = tpu.vector_load_idx %arg6[%add3A_1316, %broadcast_in_dim3A_1320] : memref<512x5xf32, #tpu.memory_space<vmem>>[vector<16xi32>, vector<16xi32>], vector<16xf32>,
    %gather3A_1329 = tpu.vector_load_idx %arg6[%add3A_1316, %broadcast_in_dim3A_1322] : memref<512x5xf32, #tpu.memory_space<vmem>>[vector<16xi32>, vector<16xi32>], vector<16xf32>,
    %gather3A_1330 = tpu.vector_load_idx %arg6[%add3A_1316, %broadcast_in_dim3A_1324] : memref<512x5xf32, #tpu.memory_space<vmem>>[vector<16xi32>, vector<16xi32>], vector<16xf32>,
    %gather3A_1331 = tpu.vector_load_idx %arg6[%add3A_1316, %broadcast_in_dim3A_1326] : memref<512x5xf32, #tpu.memory_space<vmem>>[vector<16xi32>, vector<16xi32>], vector<16xf32>,
    %gt3A_1332 = arith.constant 112.289917 : f32
    %gt3A_1333 = vector.broadcast %gt3A_1332 : f32 to vector<16xf32>
    %gt3A_1334 = arith.cmpf ogt, %gather3A_1329, %gt3A_1333 : vector<16xf32>
    %lt3A_1335 = arith.constant 368.289917 : f32
    %lt3A_1336 = vector.broadcast %lt3A_1335 : f32 to vector<16xf32>
    %lt3A_1337 = arith.cmpf olt, %gather3A_1329, %lt3A_1336 : vector<16xf32>
    %and3A_1338 = arith.andi %gt3A_1334, %lt3A_1337 : vector<16xi1>
    %mul3A_1339 = arith.constant 5.000000e-01 : f32
    %mul3A_1340 = vector.broadcast %mul3A_1339 : f32 to vector<16xf32>
    %mul3A_1341 = arith.mulf %gather3A_1331, %mul3A_1340 : vector<16xf32>
    %sub3A_1342 = arith.subf %gather3A_1329, %mul3A_1341 : vector<16xf32>
    %max3A_1343 = arith.constant 112.289917 : f32
    %max3A_1344 = vector.broadcast %max3A_1343 : f32 to vector<16xf32>
    %max3A_1345 = arith.maximumf %sub3A_1342, %max3A_1344 : vector<16xf32>
    %add3A_1346 = arith.addf %gather3A_1329, %mul3A_1341 : vector<16xf32>
    %min3A_1347 = arith.constant 368.289917 : f32
    %min3A_1348 = vector.broadcast %min3A_1347 : f32 to vector<16xf32>
    %min3A_1349 = arith.minimumf %add3A_1346, %min3A_1348 : vector<16xf32>
    %add3A_1350 = arith.addf %max3A_1345, %min3A_1349 : vector<16xf32>
    %mul3A_1351 = arith.constant 5.000000e-01 : f32
    %mul3A_1352 = vector.broadcast %mul3A_1351 : f32 to vector<16xf32>
    %mul3A_1353 = arith.mulf %add3A_1350, %mul3A_1352 : vector<16xf32>
    %sub3A_1354 = arith.subf %min3A_1349, %max3A_1345 : vector<16xf32>
    %convert_element_type3A_1355 = arith.extui %and3A_1338 : vector<16xi1> to vector<16xi32>
    %convert_element_type3A_1356 = arith.sitofp %convert_element_type3A_1355 : vector<16xi32> to vector<16xf32>
    %mul3A_1357 = arith.mulf %gather3A_1327, %convert_element_type3A_1356 : vector<16xf32>
    tpu.vector_store_idx %arg6[%add3A_1316, %broadcast_in_dim3A_1318], %mul3A_1357 : memref<512x5xf32, #tpu.memory_space<vmem>>[vector<16xi32>, vector<16xi32>], vector<16xf32>,
    %mul3A_1358 = arith.mulf %gather3A_1328, %convert_element_type3A_1356 : vector<16xf32>
    tpu.vector_store_idx %arg6[%add3A_1316, %broadcast_in_dim3A_1320], %mul3A_1358 : memref<512x5xf32, #tpu.memory_space<vmem>>[vector<16xi32>, vector<16xi32>], vector<16xf32>,
    %mul3A_1359 = arith.mulf %mul3A_1353, %convert_element_type3A_1356 : vector<16xf32>
    tpu.vector_store_idx %arg6[%add3A_1316, %broadcast_in_dim3A_1322], %mul3A_1359 : memref<512x5xf32, #tpu.memory_space<vmem>>[vector<16xi32>, vector<16xi32>], vector<16xf32>,
    %mul3A_1360 = arith.mulf %gather3A_1330, %convert_element_type3A_1356 : vector<16xf32>
    tpu.vector_store_idx %arg6[%add3A_1316, %broadcast_in_dim3A_1324], %mul3A_1360 : memref<512x5xf32, #tpu.memory_space<vmem>>[vector<16xi32>, vector<16xi32>], vector<16xf32>,
    %mul3A_1361 = arith.mulf %sub3A_1354, %convert_element_type3A_1356 : vector<16xf32>
    tpu.vector_store_idx %arg6[%add3A_1316, %broadcast_in_dim3A_1326], %mul3A_1361 : memref<512x5xf32, #tpu.memory_space<vmem>>[vector<16xi32>, vector<16xi32>], vector<16xf32>,
    %add3A_1362 = vector.broadcast %mul3A_2 : i32 to vector<16xi32>
    %add3A_1363 = arith.addi %add3A_1316, %add3A_1362 : vector<16xi32>
    %broadcast_in_dim3A_1364 = arith.constant 0 : i32
    %broadcast_in_dim3A_1365 = vector.broadcast %broadcast_in_dim3A_1364 : i32 to vector<16xi32>
    %ge3A_1366 = arith.cmpi sge, %add3A_1363, %gather3A : vector<16xi32>
    %convert_element_type3A_1367 = arith.extui %ge3A_1366 : vector<16xi1> to vector<16xi32>
    %add3A_1368 = arith.addi %broadcast_in_dim3A_1365, %convert_element_type3A_1367 : vector<16xi32>
    %ge3A_1369 = arith.cmpi sge, %add3A_1363, %gather3A_8 : vector<16xi32>
    %convert_element_type3A_1370 = arith.extui %ge3A_1369 : vector<16xi1> to vector<16xi32>
    %add3A_1371 = arith.addi %add3A_1368, %convert_element_type3A_1370 : vector<16xi32>
    %ge3A_1372 = arith.cmpi sge, %add3A_1363, %gather3A_11 : vector<16xi32>
    %convert_element_type3A_1373 = arith.extui %ge3A_1372 : vector<16xi1> to vector<16xi32>
    %add3A_1374 = arith.addi %add3A_1371, %convert_element_type3A_1373 : vector<16xi32>
    %ge3A_1375 = arith.cmpi sge, %add3A_1363, %gather3A_14 : vector<16xi32>
    %convert_element_type3A_1376 = arith.extui %ge3A_1375 : vector<16xi1> to vector<16xi32>
    %add3A_1377 = arith.addi %add3A_1374, %convert_element_type3A_1376 : vector<16xi32>
    %ge3A_1378 = arith.cmpi sge, %add3A_1363, %gather3A_17 : vector<16xi32>
    %convert_element_type3A_1379 = arith.extui %ge3A_1378 : vector<16xi1> to vector<16xi32>
    %add3A_1380 = arith.addi %add3A_1377, %convert_element_type3A_1379 : vector<16xi32>
    %ge3A_1381 = arith.cmpi sge, %add3A_1363, %gather3A_20 : vector<16xi32>
    %convert_element_type3A_1382 = arith.extui %ge3A_1381 : vector<16xi1> to vector<16xi32>
    %add3A_1383 = arith.addi %add3A_1380, %convert_element_type3A_1382 : vector<16xi32>
    %ge3A_1384 = arith.cmpi sge, %add3A_1363, %gather3A_23 : vector<16xi32>
    %convert_element_type3A_1385 = arith.extui %ge3A_1384 : vector<16xi1> to vector<16xi32>
    %add3A_1386 = arith.addi %add3A_1383, %convert_element_type3A_1385 : vector<16xi32>
    %ge3A_1387 = arith.cmpi sge, %add3A_1363, %gather3A_26 : vector<16xi32>
    %convert_element_type3A_1388 = arith.extui %ge3A_1387 : vector<16xi1> to vector<16xi32>
    %add3A_1389 = arith.addi %add3A_1386, %convert_element_type3A_1388 : vector<16xi32>
    tpu.vector_store_idx %arg8[%add3A_1389], %broadcast_in_dim3A_3 masked %and3A_1338 {add = true} : memref<16xi32, #tpu.memory_space<vmem>>[vector<16xi32>], vector<16xi32>, vector<16xi1>
    %add3A_1390 = arith.constant 288 : i32
    %add3A_1391 = vector.broadcast %add3A_1390 : i32 to vector<16xi32>
    %add3A_1392 = arith.addi %iota3A, %add3A_1391 : vector<16xi32>
    %broadcast_in_dim3A_1393 = arith.constant 0 : i32
    %broadcast_in_dim3A_1394 = vector.broadcast %broadcast_in_dim3A_1393 : i32 to vector<16xi32>
    %broadcast_in_dim3A_1395 = arith.constant 1 : i32
    %broadcast_in_dim3A_1396 = vector.broadcast %broadcast_in_dim3A_1395 : i32 to vector<16xi32>
    %broadcast_in_dim3A_1397 = arith.constant 2 : i32
    %broadcast_in_dim3A_1398 = vector.broadcast %broadcast_in_dim3A_1397 : i32 to vector<16xi32>
    %broadcast_in_dim3A_1399 = arith.constant 3 : i32
    %broadcast_in_dim3A_1400 = vector.broadcast %broadcast_in_dim3A_1399 : i32 to vector<16xi32>
    %broadcast_in_dim3A_1401 = arith.constant 4 : i32
    %broadcast_in_dim3A_1402 = vector.broadcast %broadcast_in_dim3A_1401 : i32 to vector<16xi32>
    %gather3A_1403 = tpu.vector_load_idx %arg6[%add3A_1392, %broadcast_in_dim3A_1394] : memref<512x5xf32, #tpu.memory_space<vmem>>[vector<16xi32>, vector<16xi32>], vector<16xf32>,
    %gather3A_1404 = tpu.vector_load_idx %arg6[%add3A_1392, %broadcast_in_dim3A_1396] : memref<512x5xf32, #tpu.memory_space<vmem>>[vector<16xi32>, vector<16xi32>], vector<16xf32>,
    %gather3A_1405 = tpu.vector_load_idx %arg6[%add3A_1392, %broadcast_in_dim3A_1398] : memref<512x5xf32, #tpu.memory_space<vmem>>[vector<16xi32>, vector<16xi32>], vector<16xf32>,
    %gather3A_1406 = tpu.vector_load_idx %arg6[%add3A_1392, %broadcast_in_dim3A_1400] : memref<512x5xf32, #tpu.memory_space<vmem>>[vector<16xi32>, vector<16xi32>], vector<16xf32>,
    %gather3A_1407 = tpu.vector_load_idx %arg6[%add3A_1392, %broadcast_in_dim3A_1402] : memref<512x5xf32, #tpu.memory_space<vmem>>[vector<16xi32>, vector<16xi32>], vector<16xf32>,
    %gt3A_1408 = arith.constant 112.289917 : f32
    %gt3A_1409 = vector.broadcast %gt3A_1408 : f32 to vector<16xf32>
    %gt3A_1410 = arith.cmpf ogt, %gather3A_1405, %gt3A_1409 : vector<16xf32>
    %lt3A_1411 = arith.constant 368.289917 : f32
    %lt3A_1412 = vector.broadcast %lt3A_1411 : f32 to vector<16xf32>
    %lt3A_1413 = arith.cmpf olt, %gather3A_1405, %lt3A_1412 : vector<16xf32>
    %and3A_1414 = arith.andi %gt3A_1410, %lt3A_1413 : vector<16xi1>
    %mul3A_1415 = arith.constant 5.000000e-01 : f32
    %mul3A_1416 = vector.broadcast %mul3A_1415 : f32 to vector<16xf32>
    %mul3A_1417 = arith.mulf %gather3A_1407, %mul3A_1416 : vector<16xf32>
    %sub3A_1418 = arith.subf %gather3A_1405, %mul3A_1417 : vector<16xf32>
    %max3A_1419 = arith.constant 112.289917 : f32
    %max3A_1420 = vector.broadcast %max3A_1419 : f32 to vector<16xf32>
    %max3A_1421 = arith.maximumf %sub3A_1418, %max3A_1420 : vector<16xf32>
    %add3A_1422 = arith.addf %gather3A_1405, %mul3A_1417 : vector<16xf32>
    %min3A_1423 = arith.constant 368.289917 : f32
    %min3A_1424 = vector.broadcast %min3A_1423 : f32 to vector<16xf32>
    %min3A_1425 = arith.minimumf %add3A_1422, %min3A_1424 : vector<16xf32>
    %add3A_1426 = arith.addf %max3A_1421, %min3A_1425 : vector<16xf32>
    %mul3A_1427 = arith.constant 5.000000e-01 : f32
    %mul3A_1428 = vector.broadcast %mul3A_1427 : f32 to vector<16xf32>
    %mul3A_1429 = arith.mulf %add3A_1426, %mul3A_1428 : vector<16xf32>
    %sub3A_1430 = arith.subf %min3A_1425, %max3A_1421 : vector<16xf32>
    %convert_element_type3A_1431 = arith.extui %and3A_1414 : vector<16xi1> to vector<16xi32>
    %convert_element_type3A_1432 = arith.sitofp %convert_element_type3A_1431 : vector<16xi32> to vector<16xf32>
    %mul3A_1433 = arith.mulf %gather3A_1403, %convert_element_type3A_1432 : vector<16xf32>
    tpu.vector_store_idx %arg6[%add3A_1392, %broadcast_in_dim3A_1394], %mul3A_1433 : memref<512x5xf32, #tpu.memory_space<vmem>>[vector<16xi32>, vector<16xi32>], vector<16xf32>,
    %mul3A_1434 = arith.mulf %gather3A_1404, %convert_element_type3A_1432 : vector<16xf32>
    tpu.vector_store_idx %arg6[%add3A_1392, %broadcast_in_dim3A_1396], %mul3A_1434 : memref<512x5xf32, #tpu.memory_space<vmem>>[vector<16xi32>, vector<16xi32>], vector<16xf32>,
    %mul3A_1435 = arith.mulf %mul3A_1429, %convert_element_type3A_1432 : vector<16xf32>
    tpu.vector_store_idx %arg6[%add3A_1392, %broadcast_in_dim3A_1398], %mul3A_1435 : memref<512x5xf32, #tpu.memory_space<vmem>>[vector<16xi32>, vector<16xi32>], vector<16xf32>,
    %mul3A_1436 = arith.mulf %gather3A_1406, %convert_element_type3A_1432 : vector<16xf32>
    tpu.vector_store_idx %arg6[%add3A_1392, %broadcast_in_dim3A_1400], %mul3A_1436 : memref<512x5xf32, #tpu.memory_space<vmem>>[vector<16xi32>, vector<16xi32>], vector<16xf32>,
    %mul3A_1437 = arith.mulf %sub3A_1430, %convert_element_type3A_1432 : vector<16xf32>
    tpu.vector_store_idx %arg6[%add3A_1392, %broadcast_in_dim3A_1402], %mul3A_1437 : memref<512x5xf32, #tpu.memory_space<vmem>>[vector<16xi32>, vector<16xi32>], vector<16xf32>,
    %add3A_1438 = vector.broadcast %mul3A_2 : i32 to vector<16xi32>
    %add3A_1439 = arith.addi %add3A_1392, %add3A_1438 : vector<16xi32>
    %broadcast_in_dim3A_1440 = arith.constant 0 : i32
    %broadcast_in_dim3A_1441 = vector.broadcast %broadcast_in_dim3A_1440 : i32 to vector<16xi32>
    %ge3A_1442 = arith.cmpi sge, %add3A_1439, %gather3A : vector<16xi32>
    %convert_element_type3A_1443 = arith.extui %ge3A_1442 : vector<16xi1> to vector<16xi32>
    %add3A_1444 = arith.addi %broadcast_in_dim3A_1441, %convert_element_type3A_1443 : vector<16xi32>
    %ge3A_1445 = arith.cmpi sge, %add3A_1439, %gather3A_8 : vector<16xi32>
    %convert_element_type3A_1446 = arith.extui %ge3A_1445 : vector<16xi1> to vector<16xi32>
    %add3A_1447 = arith.addi %add3A_1444, %convert_element_type3A_1446 : vector<16xi32>
    %ge3A_1448 = arith.cmpi sge, %add3A_1439, %gather3A_11 : vector<16xi32>
    %convert_element_type3A_1449 = arith.extui %ge3A_1448 : vector<16xi1> to vector<16xi32>
    %add3A_1450 = arith.addi %add3A_1447, %convert_element_type3A_1449 : vector<16xi32>
    %ge3A_1451 = arith.cmpi sge, %add3A_1439, %gather3A_14 : vector<16xi32>
    %convert_element_type3A_1452 = arith.extui %ge3A_1451 : vector<16xi1> to vector<16xi32>
    %add3A_1453 = arith.addi %add3A_1450, %convert_element_type3A_1452 : vector<16xi32>
    %ge3A_1454 = arith.cmpi sge, %add3A_1439, %gather3A_17 : vector<16xi32>
    %convert_element_type3A_1455 = arith.extui %ge3A_1454 : vector<16xi1> to vector<16xi32>
    %add3A_1456 = arith.addi %add3A_1453, %convert_element_type3A_1455 : vector<16xi32>
    %ge3A_1457 = arith.cmpi sge, %add3A_1439, %gather3A_20 : vector<16xi32>
    %convert_element_type3A_1458 = arith.extui %ge3A_1457 : vector<16xi1> to vector<16xi32>
    %add3A_1459 = arith.addi %add3A_1456, %convert_element_type3A_1458 : vector<16xi32>
    %ge3A_1460 = arith.cmpi sge, %add3A_1439, %gather3A_23 : vector<16xi32>
    %convert_element_type3A_1461 = arith.extui %ge3A_1460 : vector<16xi1> to vector<16xi32>
    %add3A_1462 = arith.addi %add3A_1459, %convert_element_type3A_1461 : vector<16xi32>
    %ge3A_1463 = arith.cmpi sge, %add3A_1439, %gather3A_26 : vector<16xi32>
    %convert_element_type3A_1464 = arith.extui %ge3A_1463 : vector<16xi1> to vector<16xi32>
    %add3A_1465 = arith.addi %add3A_1462, %convert_element_type3A_1464 : vector<16xi32>
    tpu.vector_store_idx %arg8[%add3A_1465], %broadcast_in_dim3A_3 masked %and3A_1414 {add = true} : memref<16xi32, #tpu.memory_space<vmem>>[vector<16xi32>], vector<16xi32>, vector<16xi1>
    %add3A_1466 = arith.constant 304 : i32
    %add3A_1467 = vector.broadcast %add3A_1466 : i32 to vector<16xi32>
    %add3A_1468 = arith.addi %iota3A, %add3A_1467 : vector<16xi32>
    %broadcast_in_dim3A_1469 = arith.constant 0 : i32
    %broadcast_in_dim3A_1470 = vector.broadcast %broadcast_in_dim3A_1469 : i32 to vector<16xi32>
    %broadcast_in_dim3A_1471 = arith.constant 1 : i32
    %broadcast_in_dim3A_1472 = vector.broadcast %broadcast_in_dim3A_1471 : i32 to vector<16xi32>
    %broadcast_in_dim3A_1473 = arith.constant 2 : i32
    %broadcast_in_dim3A_1474 = vector.broadcast %broadcast_in_dim3A_1473 : i32 to vector<16xi32>
    %broadcast_in_dim3A_1475 = arith.constant 3 : i32
    %broadcast_in_dim3A_1476 = vector.broadcast %broadcast_in_dim3A_1475 : i32 to vector<16xi32>
    %broadcast_in_dim3A_1477 = arith.constant 4 : i32
    %broadcast_in_dim3A_1478 = vector.broadcast %broadcast_in_dim3A_1477 : i32 to vector<16xi32>
    %gather3A_1479 = tpu.vector_load_idx %arg6[%add3A_1468, %broadcast_in_dim3A_1470] : memref<512x5xf32, #tpu.memory_space<vmem>>[vector<16xi32>, vector<16xi32>], vector<16xf32>,
    %gather3A_1480 = tpu.vector_load_idx %arg6[%add3A_1468, %broadcast_in_dim3A_1472] : memref<512x5xf32, #tpu.memory_space<vmem>>[vector<16xi32>, vector<16xi32>], vector<16xf32>,
    %gather3A_1481 = tpu.vector_load_idx %arg6[%add3A_1468, %broadcast_in_dim3A_1474] : memref<512x5xf32, #tpu.memory_space<vmem>>[vector<16xi32>, vector<16xi32>], vector<16xf32>,
    %gather3A_1482 = tpu.vector_load_idx %arg6[%add3A_1468, %broadcast_in_dim3A_1476] : memref<512x5xf32, #tpu.memory_space<vmem>>[vector<16xi32>, vector<16xi32>], vector<16xf32>,
    %gather3A_1483 = tpu.vector_load_idx %arg6[%add3A_1468, %broadcast_in_dim3A_1478] : memref<512x5xf32, #tpu.memory_space<vmem>>[vector<16xi32>, vector<16xi32>], vector<16xf32>,
    %gt3A_1484 = arith.constant 112.289917 : f32
    %gt3A_1485 = vector.broadcast %gt3A_1484 : f32 to vector<16xf32>
    %gt3A_1486 = arith.cmpf ogt, %gather3A_1481, %gt3A_1485 : vector<16xf32>
    %lt3A_1487 = arith.constant 368.289917 : f32
    %lt3A_1488 = vector.broadcast %lt3A_1487 : f32 to vector<16xf32>
    %lt3A_1489 = arith.cmpf olt, %gather3A_1481, %lt3A_1488 : vector<16xf32>
    %and3A_1490 = arith.andi %gt3A_1486, %lt3A_1489 : vector<16xi1>
    %mul3A_1491 = arith.constant 5.000000e-01 : f32
    %mul3A_1492 = vector.broadcast %mul3A_1491 : f32 to vector<16xf32>
    %mul3A_1493 = arith.mulf %gather3A_1483, %mul3A_1492 : vector<16xf32>
    %sub3A_1494 = arith.subf %gather3A_1481, %mul3A_1493 : vector<16xf32>
    %max3A_1495 = arith.constant 112.289917 : f32
    %max3A_1496 = vector.broadcast %max3A_1495 : f32 to vector<16xf32>
    %max3A_1497 = arith.maximumf %sub3A_1494, %max3A_1496 : vector<16xf32>
    %add3A_1498 = arith.addf %gather3A_1481, %mul3A_1493 : vector<16xf32>
    %min3A_1499 = arith.constant 368.289917 : f32
    %min3A_1500 = vector.broadcast %min3A_1499 : f32 to vector<16xf32>
    %min3A_1501 = arith.minimumf %add3A_1498, %min3A_1500 : vector<16xf32>
    %add3A_1502 = arith.addf %max3A_1497, %min3A_1501 : vector<16xf32>
    %mul3A_1503 = arith.constant 5.000000e-01 : f32
    %mul3A_1504 = vector.broadcast %mul3A_1503 : f32 to vector<16xf32>
    %mul3A_1505 = arith.mulf %add3A_1502, %mul3A_1504 : vector<16xf32>
    %sub3A_1506 = arith.subf %min3A_1501, %max3A_1497 : vector<16xf32>
    %convert_element_type3A_1507 = arith.extui %and3A_1490 : vector<16xi1> to vector<16xi32>
    %convert_element_type3A_1508 = arith.sitofp %convert_element_type3A_1507 : vector<16xi32> to vector<16xf32>
    %mul3A_1509 = arith.mulf %gather3A_1479, %convert_element_type3A_1508 : vector<16xf32>
    tpu.vector_store_idx %arg6[%add3A_1468, %broadcast_in_dim3A_1470], %mul3A_1509 : memref<512x5xf32, #tpu.memory_space<vmem>>[vector<16xi32>, vector<16xi32>], vector<16xf32>,
    %mul3A_1510 = arith.mulf %gather3A_1480, %convert_element_type3A_1508 : vector<16xf32>
    tpu.vector_store_idx %arg6[%add3A_1468, %broadcast_in_dim3A_1472], %mul3A_1510 : memref<512x5xf32, #tpu.memory_space<vmem>>[vector<16xi32>, vector<16xi32>], vector<16xf32>,
    %mul3A_1511 = arith.mulf %mul3A_1505, %convert_element_type3A_1508 : vector<16xf32>
    tpu.vector_store_idx %arg6[%add3A_1468, %broadcast_in_dim3A_1474], %mul3A_1511 : memref<512x5xf32, #tpu.memory_space<vmem>>[vector<16xi32>, vector<16xi32>], vector<16xf32>,
    %mul3A_1512 = arith.mulf %gather3A_1482, %convert_element_type3A_1508 : vector<16xf32>
    tpu.vector_store_idx %arg6[%add3A_1468, %broadcast_in_dim3A_1476], %mul3A_1512 : memref<512x5xf32, #tpu.memory_space<vmem>>[vector<16xi32>, vector<16xi32>], vector<16xf32>,
    %mul3A_1513 = arith.mulf %sub3A_1506, %convert_element_type3A_1508 : vector<16xf32>
    tpu.vector_store_idx %arg6[%add3A_1468, %broadcast_in_dim3A_1478], %mul3A_1513 : memref<512x5xf32, #tpu.memory_space<vmem>>[vector<16xi32>, vector<16xi32>], vector<16xf32>,
    %add3A_1514 = vector.broadcast %mul3A_2 : i32 to vector<16xi32>
    %add3A_1515 = arith.addi %add3A_1468, %add3A_1514 : vector<16xi32>
    %broadcast_in_dim3A_1516 = arith.constant 0 : i32
    %broadcast_in_dim3A_1517 = vector.broadcast %broadcast_in_dim3A_1516 : i32 to vector<16xi32>
    %ge3A_1518 = arith.cmpi sge, %add3A_1515, %gather3A : vector<16xi32>
    %convert_element_type3A_1519 = arith.extui %ge3A_1518 : vector<16xi1> to vector<16xi32>
    %add3A_1520 = arith.addi %broadcast_in_dim3A_1517, %convert_element_type3A_1519 : vector<16xi32>
    %ge3A_1521 = arith.cmpi sge, %add3A_1515, %gather3A_8 : vector<16xi32>
    %convert_element_type3A_1522 = arith.extui %ge3A_1521 : vector<16xi1> to vector<16xi32>
    %add3A_1523 = arith.addi %add3A_1520, %convert_element_type3A_1522 : vector<16xi32>
    %ge3A_1524 = arith.cmpi sge, %add3A_1515, %gather3A_11 : vector<16xi32>
    %convert_element_type3A_1525 = arith.extui %ge3A_1524 : vector<16xi1> to vector<16xi32>
    %add3A_1526 = arith.addi %add3A_1523, %convert_element_type3A_1525 : vector<16xi32>
    %ge3A_1527 = arith.cmpi sge, %add3A_1515, %gather3A_14 : vector<16xi32>
    %convert_element_type3A_1528 = arith.extui %ge3A_1527 : vector<16xi1> to vector<16xi32>
    %add3A_1529 = arith.addi %add3A_1526, %convert_element_type3A_1528 : vector<16xi32>
    %ge3A_1530 = arith.cmpi sge, %add3A_1515, %gather3A_17 : vector<16xi32>
    %convert_element_type3A_1531 = arith.extui %ge3A_1530 : vector<16xi1> to vector<16xi32>
    %add3A_1532 = arith.addi %add3A_1529, %convert_element_type3A_1531 : vector<16xi32>
    %ge3A_1533 = arith.cmpi sge, %add3A_1515, %gather3A_20 : vector<16xi32>
    %convert_element_type3A_1534 = arith.extui %ge3A_1533 : vector<16xi1> to vector<16xi32>
    %add3A_1535 = arith.addi %add3A_1532, %convert_element_type3A_1534 : vector<16xi32>
    %ge3A_1536 = arith.cmpi sge, %add3A_1515, %gather3A_23 : vector<16xi32>
    %convert_element_type3A_1537 = arith.extui %ge3A_1536 : vector<16xi1> to vector<16xi32>
    %add3A_1538 = arith.addi %add3A_1535, %convert_element_type3A_1537 : vector<16xi32>
    %ge3A_1539 = arith.cmpi sge, %add3A_1515, %gather3A_26 : vector<16xi32>
    %convert_element_type3A_1540 = arith.extui %ge3A_1539 : vector<16xi1> to vector<16xi32>
    %add3A_1541 = arith.addi %add3A_1538, %convert_element_type3A_1540 : vector<16xi32>
    tpu.vector_store_idx %arg8[%add3A_1541], %broadcast_in_dim3A_3 masked %and3A_1490 {add = true} : memref<16xi32, #tpu.memory_space<vmem>>[vector<16xi32>], vector<16xi32>, vector<16xi1>
    %add3A_1542 = arith.constant 320 : i32
    %add3A_1543 = vector.broadcast %add3A_1542 : i32 to vector<16xi32>
    %add3A_1544 = arith.addi %iota3A, %add3A_1543 : vector<16xi32>
    %broadcast_in_dim3A_1545 = arith.constant 0 : i32
    %broadcast_in_dim3A_1546 = vector.broadcast %broadcast_in_dim3A_1545 : i32 to vector<16xi32>
    %broadcast_in_dim3A_1547 = arith.constant 1 : i32
    %broadcast_in_dim3A_1548 = vector.broadcast %broadcast_in_dim3A_1547 : i32 to vector<16xi32>
    %broadcast_in_dim3A_1549 = arith.constant 2 : i32
    %broadcast_in_dim3A_1550 = vector.broadcast %broadcast_in_dim3A_1549 : i32 to vector<16xi32>
    %broadcast_in_dim3A_1551 = arith.constant 3 : i32
    %broadcast_in_dim3A_1552 = vector.broadcast %broadcast_in_dim3A_1551 : i32 to vector<16xi32>
    %broadcast_in_dim3A_1553 = arith.constant 4 : i32
    %broadcast_in_dim3A_1554 = vector.broadcast %broadcast_in_dim3A_1553 : i32 to vector<16xi32>
    %gather3A_1555 = tpu.vector_load_idx %arg6[%add3A_1544, %broadcast_in_dim3A_1546] : memref<512x5xf32, #tpu.memory_space<vmem>>[vector<16xi32>, vector<16xi32>], vector<16xf32>,
    %gather3A_1556 = tpu.vector_load_idx %arg6[%add3A_1544, %broadcast_in_dim3A_1548] : memref<512x5xf32, #tpu.memory_space<vmem>>[vector<16xi32>, vector<16xi32>], vector<16xf32>,
    %gather3A_1557 = tpu.vector_load_idx %arg6[%add3A_1544, %broadcast_in_dim3A_1550] : memref<512x5xf32, #tpu.memory_space<vmem>>[vector<16xi32>, vector<16xi32>], vector<16xf32>,
    %gather3A_1558 = tpu.vector_load_idx %arg6[%add3A_1544, %broadcast_in_dim3A_1552] : memref<512x5xf32, #tpu.memory_space<vmem>>[vector<16xi32>, vector<16xi32>], vector<16xf32>,
    %gather3A_1559 = tpu.vector_load_idx %arg6[%add3A_1544, %broadcast_in_dim3A_1554] : memref<512x5xf32, #tpu.memory_space<vmem>>[vector<16xi32>, vector<16xi32>], vector<16xf32>,
    %gt3A_1560 = arith.constant 112.289917 : f32
    %gt3A_1561 = vector.broadcast %gt3A_1560 : f32 to vector<16xf32>
    %gt3A_1562 = arith.cmpf ogt, %gather3A_1557, %gt3A_1561 : vector<16xf32>
    %lt3A_1563 = arith.constant 368.289917 : f32
    %lt3A_1564 = vector.broadcast %lt3A_1563 : f32 to vector<16xf32>
    %lt3A_1565 = arith.cmpf olt, %gather3A_1557, %lt3A_1564 : vector<16xf32>
    %and3A_1566 = arith.andi %gt3A_1562, %lt3A_1565 : vector<16xi1>
    %mul3A_1567 = arith.constant 5.000000e-01 : f32
    %mul3A_1568 = vector.broadcast %mul3A_1567 : f32 to vector<16xf32>
    %mul3A_1569 = arith.mulf %gather3A_1559, %mul3A_1568 : vector<16xf32>
    %sub3A_1570 = arith.subf %gather3A_1557, %mul3A_1569 : vector<16xf32>
    %max3A_1571 = arith.constant 112.289917 : f32
    %max3A_1572 = vector.broadcast %max3A_1571 : f32 to vector<16xf32>
    %max3A_1573 = arith.maximumf %sub3A_1570, %max3A_1572 : vector<16xf32>
    %add3A_1574 = arith.addf %gather3A_1557, %mul3A_1569 : vector<16xf32>
    %min3A_1575 = arith.constant 368.289917 : f32
    %min3A_1576 = vector.broadcast %min3A_1575 : f32 to vector<16xf32>
    %min3A_1577 = arith.minimumf %add3A_1574, %min3A_1576 : vector<16xf32>
    %add3A_1578 = arith.addf %max3A_1573, %min3A_1577 : vector<16xf32>
    %mul3A_1579 = arith.constant 5.000000e-01 : f32
    %mul3A_1580 = vector.broadcast %mul3A_1579 : f32 to vector<16xf32>
    %mul3A_1581 = arith.mulf %add3A_1578, %mul3A_1580 : vector<16xf32>
    %sub3A_1582 = arith.subf %min3A_1577, %max3A_1573 : vector<16xf32>
    %convert_element_type3A_1583 = arith.extui %and3A_1566 : vector<16xi1> to vector<16xi32>
    %convert_element_type3A_1584 = arith.sitofp %convert_element_type3A_1583 : vector<16xi32> to vector<16xf32>
    %mul3A_1585 = arith.mulf %gather3A_1555, %convert_element_type3A_1584 : vector<16xf32>
    tpu.vector_store_idx %arg6[%add3A_1544, %broadcast_in_dim3A_1546], %mul3A_1585 : memref<512x5xf32, #tpu.memory_space<vmem>>[vector<16xi32>, vector<16xi32>], vector<16xf32>,
    %mul3A_1586 = arith.mulf %gather3A_1556, %convert_element_type3A_1584 : vector<16xf32>
    tpu.vector_store_idx %arg6[%add3A_1544, %broadcast_in_dim3A_1548], %mul3A_1586 : memref<512x5xf32, #tpu.memory_space<vmem>>[vector<16xi32>, vector<16xi32>], vector<16xf32>,
    %mul3A_1587 = arith.mulf %mul3A_1581, %convert_element_type3A_1584 : vector<16xf32>
    tpu.vector_store_idx %arg6[%add3A_1544, %broadcast_in_dim3A_1550], %mul3A_1587 : memref<512x5xf32, #tpu.memory_space<vmem>>[vector<16xi32>, vector<16xi32>], vector<16xf32>,
    %mul3A_1588 = arith.mulf %gather3A_1558, %convert_element_type3A_1584 : vector<16xf32>
    tpu.vector_store_idx %arg6[%add3A_1544, %broadcast_in_dim3A_1552], %mul3A_1588 : memref<512x5xf32, #tpu.memory_space<vmem>>[vector<16xi32>, vector<16xi32>], vector<16xf32>,
    %mul3A_1589 = arith.mulf %sub3A_1582, %convert_element_type3A_1584 : vector<16xf32>
    tpu.vector_store_idx %arg6[%add3A_1544, %broadcast_in_dim3A_1554], %mul3A_1589 : memref<512x5xf32, #tpu.memory_space<vmem>>[vector<16xi32>, vector<16xi32>], vector<16xf32>,
    %add3A_1590 = vector.broadcast %mul3A_2 : i32 to vector<16xi32>
    %add3A_1591 = arith.addi %add3A_1544, %add3A_1590 : vector<16xi32>
    %broadcast_in_dim3A_1592 = arith.constant 0 : i32
    %broadcast_in_dim3A_1593 = vector.broadcast %broadcast_in_dim3A_1592 : i32 to vector<16xi32>
    %ge3A_1594 = arith.cmpi sge, %add3A_1591, %gather3A : vector<16xi32>
    %convert_element_type3A_1595 = arith.extui %ge3A_1594 : vector<16xi1> to vector<16xi32>
    %add3A_1596 = arith.addi %broadcast_in_dim3A_1593, %convert_element_type3A_1595 : vector<16xi32>
    %ge3A_1597 = arith.cmpi sge, %add3A_1591, %gather3A_8 : vector<16xi32>
    %convert_element_type3A_1598 = arith.extui %ge3A_1597 : vector<16xi1> to vector<16xi32>
    %add3A_1599 = arith.addi %add3A_1596, %convert_element_type3A_1598 : vector<16xi32>
    %ge3A_1600 = arith.cmpi sge, %add3A_1591, %gather3A_11 : vector<16xi32>
    %convert_element_type3A_1601 = arith.extui %ge3A_1600 : vector<16xi1> to vector<16xi32>
    %add3A_1602 = arith.addi %add3A_1599, %convert_element_type3A_1601 : vector<16xi32>
    %ge3A_1603 = arith.cmpi sge, %add3A_1591, %gather3A_14 : vector<16xi32>
    %convert_element_type3A_1604 = arith.extui %ge3A_1603 : vector<16xi1> to vector<16xi32>
    %add3A_1605 = arith.addi %add3A_1602, %convert_element_type3A_1604 : vector<16xi32>
    %ge3A_1606 = arith.cmpi sge, %add3A_1591, %gather3A_17 : vector<16xi32>
    %convert_element_type3A_1607 = arith.extui %ge3A_1606 : vector<16xi1> to vector<16xi32>
    %add3A_1608 = arith.addi %add3A_1605, %convert_element_type3A_1607 : vector<16xi32>
    %ge3A_1609 = arith.cmpi sge, %add3A_1591, %gather3A_20 : vector<16xi32>
    %convert_element_type3A_1610 = arith.extui %ge3A_1609 : vector<16xi1> to vector<16xi32>
    %add3A_1611 = arith.addi %add3A_1608, %convert_element_type3A_1610 : vector<16xi32>
    %ge3A_1612 = arith.cmpi sge, %add3A_1591, %gather3A_23 : vector<16xi32>
    %convert_element_type3A_1613 = arith.extui %ge3A_1612 : vector<16xi1> to vector<16xi32>
    %add3A_1614 = arith.addi %add3A_1611, %convert_element_type3A_1613 : vector<16xi32>
    %ge3A_1615 = arith.cmpi sge, %add3A_1591, %gather3A_26 : vector<16xi32>
    %convert_element_type3A_1616 = arith.extui %ge3A_1615 : vector<16xi1> to vector<16xi32>
    %add3A_1617 = arith.addi %add3A_1614, %convert_element_type3A_1616 : vector<16xi32>
    tpu.vector_store_idx %arg8[%add3A_1617], %broadcast_in_dim3A_3 masked %and3A_1566 {add = true} : memref<16xi32, #tpu.memory_space<vmem>>[vector<16xi32>], vector<16xi32>, vector<16xi1>
    %add3A_1618 = arith.constant 336 : i32
    %add3A_1619 = vector.broadcast %add3A_1618 : i32 to vector<16xi32>
    %add3A_1620 = arith.addi %iota3A, %add3A_1619 : vector<16xi32>
    %broadcast_in_dim3A_1621 = arith.constant 0 : i32
    %broadcast_in_dim3A_1622 = vector.broadcast %broadcast_in_dim3A_1621 : i32 to vector<16xi32>
    %broadcast_in_dim3A_1623 = arith.constant 1 : i32
    %broadcast_in_dim3A_1624 = vector.broadcast %broadcast_in_dim3A_1623 : i32 to vector<16xi32>
    %broadcast_in_dim3A_1625 = arith.constant 2 : i32
    %broadcast_in_dim3A_1626 = vector.broadcast %broadcast_in_dim3A_1625 : i32 to vector<16xi32>
    %broadcast_in_dim3A_1627 = arith.constant 3 : i32
    %broadcast_in_dim3A_1628 = vector.broadcast %broadcast_in_dim3A_1627 : i32 to vector<16xi32>
    %broadcast_in_dim3A_1629 = arith.constant 4 : i32
    %broadcast_in_dim3A_1630 = vector.broadcast %broadcast_in_dim3A_1629 : i32 to vector<16xi32>
    %gather3A_1631 = tpu.vector_load_idx %arg6[%add3A_1620, %broadcast_in_dim3A_1622] : memref<512x5xf32, #tpu.memory_space<vmem>>[vector<16xi32>, vector<16xi32>], vector<16xf32>,
    %gather3A_1632 = tpu.vector_load_idx %arg6[%add3A_1620, %broadcast_in_dim3A_1624] : memref<512x5xf32, #tpu.memory_space<vmem>>[vector<16xi32>, vector<16xi32>], vector<16xf32>,
    %gather3A_1633 = tpu.vector_load_idx %arg6[%add3A_1620, %broadcast_in_dim3A_1626] : memref<512x5xf32, #tpu.memory_space<vmem>>[vector<16xi32>, vector<16xi32>], vector<16xf32>,
    %gather3A_1634 = tpu.vector_load_idx %arg6[%add3A_1620, %broadcast_in_dim3A_1628] : memref<512x5xf32, #tpu.memory_space<vmem>>[vector<16xi32>, vector<16xi32>], vector<16xf32>,
    %gather3A_1635 = tpu.vector_load_idx %arg6[%add3A_1620, %broadcast_in_dim3A_1630] : memref<512x5xf32, #tpu.memory_space<vmem>>[vector<16xi32>, vector<16xi32>], vector<16xf32>,
    %gt3A_1636 = arith.constant 112.289917 : f32
    %gt3A_1637 = vector.broadcast %gt3A_1636 : f32 to vector<16xf32>
    %gt3A_1638 = arith.cmpf ogt, %gather3A_1633, %gt3A_1637 : vector<16xf32>
    %lt3A_1639 = arith.constant 368.289917 : f32
    %lt3A_1640 = vector.broadcast %lt3A_1639 : f32 to vector<16xf32>
    %lt3A_1641 = arith.cmpf olt, %gather3A_1633, %lt3A_1640 : vector<16xf32>
    %and3A_1642 = arith.andi %gt3A_1638, %lt3A_1641 : vector<16xi1>
    %mul3A_1643 = arith.constant 5.000000e-01 : f32
    %mul3A_1644 = vector.broadcast %mul3A_1643 : f32 to vector<16xf32>
    %mul3A_1645 = arith.mulf %gather3A_1635, %mul3A_1644 : vector<16xf32>
    %sub3A_1646 = arith.subf %gather3A_1633, %mul3A_1645 : vector<16xf32>
    %max3A_1647 = arith.constant 112.289917 : f32
    %max3A_1648 = vector.broadcast %max3A_1647 : f32 to vector<16xf32>
    %max3A_1649 = arith.maximumf %sub3A_1646, %max3A_1648 : vector<16xf32>
    %add3A_1650 = arith.addf %gather3A_1633, %mul3A_1645 : vector<16xf32>
    %min3A_1651 = arith.constant 368.289917 : f32
    %min3A_1652 = vector.broadcast %min3A_1651 : f32 to vector<16xf32>
    %min3A_1653 = arith.minimumf %add3A_1650, %min3A_1652 : vector<16xf32>
    %add3A_1654 = arith.addf %max3A_1649, %min3A_1653 : vector<16xf32>
    %mul3A_1655 = arith.constant 5.000000e-01 : f32
    %mul3A_1656 = vector.broadcast %mul3A_1655 : f32 to vector<16xf32>
    %mul3A_1657 = arith.mulf %add3A_1654, %mul3A_1656 : vector<16xf32>
    %sub3A_1658 = arith.subf %min3A_1653, %max3A_1649 : vector<16xf32>
    %convert_element_type3A_1659 = arith.extui %and3A_1642 : vector<16xi1> to vector<16xi32>
    %convert_element_type3A_1660 = arith.sitofp %convert_element_type3A_1659 : vector<16xi32> to vector<16xf32>
    %mul3A_1661 = arith.mulf %gather3A_1631, %convert_element_type3A_1660 : vector<16xf32>
    tpu.vector_store_idx %arg6[%add3A_1620, %broadcast_in_dim3A_1622], %mul3A_1661 : memref<512x5xf32, #tpu.memory_space<vmem>>[vector<16xi32>, vector<16xi32>], vector<16xf32>,
    %mul3A_1662 = arith.mulf %gather3A_1632, %convert_element_type3A_1660 : vector<16xf32>
    tpu.vector_store_idx %arg6[%add3A_1620, %broadcast_in_dim3A_1624], %mul3A_1662 : memref<512x5xf32, #tpu.memory_space<vmem>>[vector<16xi32>, vector<16xi32>], vector<16xf32>,
    %mul3A_1663 = arith.mulf %mul3A_1657, %convert_element_type3A_1660 : vector<16xf32>
    tpu.vector_store_idx %arg6[%add3A_1620, %broadcast_in_dim3A_1626], %mul3A_1663 : memref<512x5xf32, #tpu.memory_space<vmem>>[vector<16xi32>, vector<16xi32>], vector<16xf32>,
    %mul3A_1664 = arith.mulf %gather3A_1634, %convert_element_type3A_1660 : vector<16xf32>
    tpu.vector_store_idx %arg6[%add3A_1620, %broadcast_in_dim3A_1628], %mul3A_1664 : memref<512x5xf32, #tpu.memory_space<vmem>>[vector<16xi32>, vector<16xi32>], vector<16xf32>,
    %mul3A_1665 = arith.mulf %sub3A_1658, %convert_element_type3A_1660 : vector<16xf32>
    tpu.vector_store_idx %arg6[%add3A_1620, %broadcast_in_dim3A_1630], %mul3A_1665 : memref<512x5xf32, #tpu.memory_space<vmem>>[vector<16xi32>, vector<16xi32>], vector<16xf32>,
    %add3A_1666 = vector.broadcast %mul3A_2 : i32 to vector<16xi32>
    %add3A_1667 = arith.addi %add3A_1620, %add3A_1666 : vector<16xi32>
    %broadcast_in_dim3A_1668 = arith.constant 0 : i32
    %broadcast_in_dim3A_1669 = vector.broadcast %broadcast_in_dim3A_1668 : i32 to vector<16xi32>
    %ge3A_1670 = arith.cmpi sge, %add3A_1667, %gather3A : vector<16xi32>
    %convert_element_type3A_1671 = arith.extui %ge3A_1670 : vector<16xi1> to vector<16xi32>
    %add3A_1672 = arith.addi %broadcast_in_dim3A_1669, %convert_element_type3A_1671 : vector<16xi32>
    %ge3A_1673 = arith.cmpi sge, %add3A_1667, %gather3A_8 : vector<16xi32>
    %convert_element_type3A_1674 = arith.extui %ge3A_1673 : vector<16xi1> to vector<16xi32>
    %add3A_1675 = arith.addi %add3A_1672, %convert_element_type3A_1674 : vector<16xi32>
    %ge3A_1676 = arith.cmpi sge, %add3A_1667, %gather3A_11 : vector<16xi32>
    %convert_element_type3A_1677 = arith.extui %ge3A_1676 : vector<16xi1> to vector<16xi32>
    %add3A_1678 = arith.addi %add3A_1675, %convert_element_type3A_1677 : vector<16xi32>
    %ge3A_1679 = arith.cmpi sge, %add3A_1667, %gather3A_14 : vector<16xi32>
    %convert_element_type3A_1680 = arith.extui %ge3A_1679 : vector<16xi1> to vector<16xi32>
    %add3A_1681 = arith.addi %add3A_1678, %convert_element_type3A_1680 : vector<16xi32>
    %ge3A_1682 = arith.cmpi sge, %add3A_1667, %gather3A_17 : vector<16xi32>
    %convert_element_type3A_1683 = arith.extui %ge3A_1682 : vector<16xi1> to vector<16xi32>
    %add3A_1684 = arith.addi %add3A_1681, %convert_element_type3A_1683 : vector<16xi32>
    %ge3A_1685 = arith.cmpi sge, %add3A_1667, %gather3A_20 : vector<16xi32>
    %convert_element_type3A_1686 = arith.extui %ge3A_1685 : vector<16xi1> to vector<16xi32>
    %add3A_1687 = arith.addi %add3A_1684, %convert_element_type3A_1686 : vector<16xi32>
    %ge3A_1688 = arith.cmpi sge, %add3A_1667, %gather3A_23 : vector<16xi32>
    %convert_element_type3A_1689 = arith.extui %ge3A_1688 : vector<16xi1> to vector<16xi32>
    %add3A_1690 = arith.addi %add3A_1687, %convert_element_type3A_1689 : vector<16xi32>
    %ge3A_1691 = arith.cmpi sge, %add3A_1667, %gather3A_26 : vector<16xi32>
    %convert_element_type3A_1692 = arith.extui %ge3A_1691 : vector<16xi1> to vector<16xi32>
    %add3A_1693 = arith.addi %add3A_1690, %convert_element_type3A_1692 : vector<16xi32>
    tpu.vector_store_idx %arg8[%add3A_1693], %broadcast_in_dim3A_3 masked %and3A_1642 {add = true} : memref<16xi32, #tpu.memory_space<vmem>>[vector<16xi32>], vector<16xi32>, vector<16xi1>
    %add3A_1694 = arith.constant 352 : i32
    %add3A_1695 = vector.broadcast %add3A_1694 : i32 to vector<16xi32>
    %add3A_1696 = arith.addi %iota3A, %add3A_1695 : vector<16xi32>
    %broadcast_in_dim3A_1697 = arith.constant 0 : i32
    %broadcast_in_dim3A_1698 = vector.broadcast %broadcast_in_dim3A_1697 : i32 to vector<16xi32>
    %broadcast_in_dim3A_1699 = arith.constant 1 : i32
    %broadcast_in_dim3A_1700 = vector.broadcast %broadcast_in_dim3A_1699 : i32 to vector<16xi32>
    %broadcast_in_dim3A_1701 = arith.constant 2 : i32
    %broadcast_in_dim3A_1702 = vector.broadcast %broadcast_in_dim3A_1701 : i32 to vector<16xi32>
    %broadcast_in_dim3A_1703 = arith.constant 3 : i32
    %broadcast_in_dim3A_1704 = vector.broadcast %broadcast_in_dim3A_1703 : i32 to vector<16xi32>
    %broadcast_in_dim3A_1705 = arith.constant 4 : i32
    %broadcast_in_dim3A_1706 = vector.broadcast %broadcast_in_dim3A_1705 : i32 to vector<16xi32>
    %gather3A_1707 = tpu.vector_load_idx %arg6[%add3A_1696, %broadcast_in_dim3A_1698] : memref<512x5xf32, #tpu.memory_space<vmem>>[vector<16xi32>, vector<16xi32>], vector<16xf32>,
    %gather3A_1708 = tpu.vector_load_idx %arg6[%add3A_1696, %broadcast_in_dim3A_1700] : memref<512x5xf32, #tpu.memory_space<vmem>>[vector<16xi32>, vector<16xi32>], vector<16xf32>,
    %gather3A_1709 = tpu.vector_load_idx %arg6[%add3A_1696, %broadcast_in_dim3A_1702] : memref<512x5xf32, #tpu.memory_space<vmem>>[vector<16xi32>, vector<16xi32>], vector<16xf32>,
    %gather3A_1710 = tpu.vector_load_idx %arg6[%add3A_1696, %broadcast_in_dim3A_1704] : memref<512x5xf32, #tpu.memory_space<vmem>>[vector<16xi32>, vector<16xi32>], vector<16xf32>,
    %gather3A_1711 = tpu.vector_load_idx %arg6[%add3A_1696, %broadcast_in_dim3A_1706] : memref<512x5xf32, #tpu.memory_space<vmem>>[vector<16xi32>, vector<16xi32>], vector<16xf32>,
    %gt3A_1712 = arith.constant 112.289917 : f32
    %gt3A_1713 = vector.broadcast %gt3A_1712 : f32 to vector<16xf32>
    %gt3A_1714 = arith.cmpf ogt, %gather3A_1709, %gt3A_1713 : vector<16xf32>
    %lt3A_1715 = arith.constant 368.289917 : f32
    %lt3A_1716 = vector.broadcast %lt3A_1715 : f32 to vector<16xf32>
    %lt3A_1717 = arith.cmpf olt, %gather3A_1709, %lt3A_1716 : vector<16xf32>
    %and3A_1718 = arith.andi %gt3A_1714, %lt3A_1717 : vector<16xi1>
    %mul3A_1719 = arith.constant 5.000000e-01 : f32
    %mul3A_1720 = vector.broadcast %mul3A_1719 : f32 to vector<16xf32>
    %mul3A_1721 = arith.mulf %gather3A_1711, %mul3A_1720 : vector<16xf32>
    %sub3A_1722 = arith.subf %gather3A_1709, %mul3A_1721 : vector<16xf32>
    %max3A_1723 = arith.constant 112.289917 : f32
    %max3A_1724 = vector.broadcast %max3A_1723 : f32 to vector<16xf32>
    %max3A_1725 = arith.maximumf %sub3A_1722, %max3A_1724 : vector<16xf32>
    %add3A_1726 = arith.addf %gather3A_1709, %mul3A_1721 : vector<16xf32>
    %min3A_1727 = arith.constant 368.289917 : f32
    %min3A_1728 = vector.broadcast %min3A_1727 : f32 to vector<16xf32>
    %min3A_1729 = arith.minimumf %add3A_1726, %min3A_1728 : vector<16xf32>
    %add3A_1730 = arith.addf %max3A_1725, %min3A_1729 : vector<16xf32>
    %mul3A_1731 = arith.constant 5.000000e-01 : f32
    %mul3A_1732 = vector.broadcast %mul3A_1731 : f32 to vector<16xf32>
    %mul3A_1733 = arith.mulf %add3A_1730, %mul3A_1732 : vector<16xf32>
    %sub3A_1734 = arith.subf %min3A_1729, %max3A_1725 : vector<16xf32>
    %convert_element_type3A_1735 = arith.extui %and3A_1718 : vector<16xi1> to vector<16xi32>
    %convert_element_type3A_1736 = arith.sitofp %convert_element_type3A_1735 : vector<16xi32> to vector<16xf32>
    %mul3A_1737 = arith.mulf %gather3A_1707, %convert_element_type3A_1736 : vector<16xf32>
    tpu.vector_store_idx %arg6[%add3A_1696, %broadcast_in_dim3A_1698], %mul3A_1737 : memref<512x5xf32, #tpu.memory_space<vmem>>[vector<16xi32>, vector<16xi32>], vector<16xf32>,
    %mul3A_1738 = arith.mulf %gather3A_1708, %convert_element_type3A_1736 : vector<16xf32>
    tpu.vector_store_idx %arg6[%add3A_1696, %broadcast_in_dim3A_1700], %mul3A_1738 : memref<512x5xf32, #tpu.memory_space<vmem>>[vector<16xi32>, vector<16xi32>], vector<16xf32>,
    %mul3A_1739 = arith.mulf %mul3A_1733, %convert_element_type3A_1736 : vector<16xf32>
    tpu.vector_store_idx %arg6[%add3A_1696, %broadcast_in_dim3A_1702], %mul3A_1739 : memref<512x5xf32, #tpu.memory_space<vmem>>[vector<16xi32>, vector<16xi32>], vector<16xf32>,
    %mul3A_1740 = arith.mulf %gather3A_1710, %convert_element_type3A_1736 : vector<16xf32>
    tpu.vector_store_idx %arg6[%add3A_1696, %broadcast_in_dim3A_1704], %mul3A_1740 : memref<512x5xf32, #tpu.memory_space<vmem>>[vector<16xi32>, vector<16xi32>], vector<16xf32>,
    %mul3A_1741 = arith.mulf %sub3A_1734, %convert_element_type3A_1736 : vector<16xf32>
    tpu.vector_store_idx %arg6[%add3A_1696, %broadcast_in_dim3A_1706], %mul3A_1741 : memref<512x5xf32, #tpu.memory_space<vmem>>[vector<16xi32>, vector<16xi32>], vector<16xf32>,
    %add3A_1742 = vector.broadcast %mul3A_2 : i32 to vector<16xi32>
    %add3A_1743 = arith.addi %add3A_1696, %add3A_1742 : vector<16xi32>
    %broadcast_in_dim3A_1744 = arith.constant 0 : i32
    %broadcast_in_dim3A_1745 = vector.broadcast %broadcast_in_dim3A_1744 : i32 to vector<16xi32>
    %ge3A_1746 = arith.cmpi sge, %add3A_1743, %gather3A : vector<16xi32>
    %convert_element_type3A_1747 = arith.extui %ge3A_1746 : vector<16xi1> to vector<16xi32>
    %add3A_1748 = arith.addi %broadcast_in_dim3A_1745, %convert_element_type3A_1747 : vector<16xi32>
    %ge3A_1749 = arith.cmpi sge, %add3A_1743, %gather3A_8 : vector<16xi32>
    %convert_element_type3A_1750 = arith.extui %ge3A_1749 : vector<16xi1> to vector<16xi32>
    %add3A_1751 = arith.addi %add3A_1748, %convert_element_type3A_1750 : vector<16xi32>
    %ge3A_1752 = arith.cmpi sge, %add3A_1743, %gather3A_11 : vector<16xi32>
    %convert_element_type3A_1753 = arith.extui %ge3A_1752 : vector<16xi1> to vector<16xi32>
    %add3A_1754 = arith.addi %add3A_1751, %convert_element_type3A_1753 : vector<16xi32>
    %ge3A_1755 = arith.cmpi sge, %add3A_1743, %gather3A_14 : vector<16xi32>
    %convert_element_type3A_1756 = arith.extui %ge3A_1755 : vector<16xi1> to vector<16xi32>
    %add3A_1757 = arith.addi %add3A_1754, %convert_element_type3A_1756 : vector<16xi32>
    %ge3A_1758 = arith.cmpi sge, %add3A_1743, %gather3A_17 : vector<16xi32>
    %convert_element_type3A_1759 = arith.extui %ge3A_1758 : vector<16xi1> to vector<16xi32>
    %add3A_1760 = arith.addi %add3A_1757, %convert_element_type3A_1759 : vector<16xi32>
    %ge3A_1761 = arith.cmpi sge, %add3A_1743, %gather3A_20 : vector<16xi32>
    %convert_element_type3A_1762 = arith.extui %ge3A_1761 : vector<16xi1> to vector<16xi32>
    %add3A_1763 = arith.addi %add3A_1760, %convert_element_type3A_1762 : vector<16xi32>
    %ge3A_1764 = arith.cmpi sge, %add3A_1743, %gather3A_23 : vector<16xi32>
    %convert_element_type3A_1765 = arith.extui %ge3A_1764 : vector<16xi1> to vector<16xi32>
    %add3A_1766 = arith.addi %add3A_1763, %convert_element_type3A_1765 : vector<16xi32>
    %ge3A_1767 = arith.cmpi sge, %add3A_1743, %gather3A_26 : vector<16xi32>
    %convert_element_type3A_1768 = arith.extui %ge3A_1767 : vector<16xi1> to vector<16xi32>
    %add3A_1769 = arith.addi %add3A_1766, %convert_element_type3A_1768 : vector<16xi32>
    tpu.vector_store_idx %arg8[%add3A_1769], %broadcast_in_dim3A_3 masked %and3A_1718 {add = true} : memref<16xi32, #tpu.memory_space<vmem>>[vector<16xi32>], vector<16xi32>, vector<16xi1>
    %add3A_1770 = arith.constant 368 : i32
    %add3A_1771 = vector.broadcast %add3A_1770 : i32 to vector<16xi32>
    %add3A_1772 = arith.addi %iota3A, %add3A_1771 : vector<16xi32>
    %broadcast_in_dim3A_1773 = arith.constant 0 : i32
    %broadcast_in_dim3A_1774 = vector.broadcast %broadcast_in_dim3A_1773 : i32 to vector<16xi32>
    %broadcast_in_dim3A_1775 = arith.constant 1 : i32
    %broadcast_in_dim3A_1776 = vector.broadcast %broadcast_in_dim3A_1775 : i32 to vector<16xi32>
    %broadcast_in_dim3A_1777 = arith.constant 2 : i32
    %broadcast_in_dim3A_1778 = vector.broadcast %broadcast_in_dim3A_1777 : i32 to vector<16xi32>
    %broadcast_in_dim3A_1779 = arith.constant 3 : i32
    %broadcast_in_dim3A_1780 = vector.broadcast %broadcast_in_dim3A_1779 : i32 to vector<16xi32>
    %broadcast_in_dim3A_1781 = arith.constant 4 : i32
    %broadcast_in_dim3A_1782 = vector.broadcast %broadcast_in_dim3A_1781 : i32 to vector<16xi32>
    %gather3A_1783 = tpu.vector_load_idx %arg6[%add3A_1772, %broadcast_in_dim3A_1774] : memref<512x5xf32, #tpu.memory_space<vmem>>[vector<16xi32>, vector<16xi32>], vector<16xf32>,
    %gather3A_1784 = tpu.vector_load_idx %arg6[%add3A_1772, %broadcast_in_dim3A_1776] : memref<512x5xf32, #tpu.memory_space<vmem>>[vector<16xi32>, vector<16xi32>], vector<16xf32>,
    %gather3A_1785 = tpu.vector_load_idx %arg6[%add3A_1772, %broadcast_in_dim3A_1778] : memref<512x5xf32, #tpu.memory_space<vmem>>[vector<16xi32>, vector<16xi32>], vector<16xf32>,
    %gather3A_1786 = tpu.vector_load_idx %arg6[%add3A_1772, %broadcast_in_dim3A_1780] : memref<512x5xf32, #tpu.memory_space<vmem>>[vector<16xi32>, vector<16xi32>], vector<16xf32>,
    %gather3A_1787 = tpu.vector_load_idx %arg6[%add3A_1772, %broadcast_in_dim3A_1782] : memref<512x5xf32, #tpu.memory_space<vmem>>[vector<16xi32>, vector<16xi32>], vector<16xf32>,
    %gt3A_1788 = arith.constant 112.289917 : f32
    %gt3A_1789 = vector.broadcast %gt3A_1788 : f32 to vector<16xf32>
    %gt3A_1790 = arith.cmpf ogt, %gather3A_1785, %gt3A_1789 : vector<16xf32>
    %lt3A_1791 = arith.constant 368.289917 : f32
    %lt3A_1792 = vector.broadcast %lt3A_1791 : f32 to vector<16xf32>
    %lt3A_1793 = arith.cmpf olt, %gather3A_1785, %lt3A_1792 : vector<16xf32>
    %and3A_1794 = arith.andi %gt3A_1790, %lt3A_1793 : vector<16xi1>
    %mul3A_1795 = arith.constant 5.000000e-01 : f32
    %mul3A_1796 = vector.broadcast %mul3A_1795 : f32 to vector<16xf32>
    %mul3A_1797 = arith.mulf %gather3A_1787, %mul3A_1796 : vector<16xf32>
    %sub3A_1798 = arith.subf %gather3A_1785, %mul3A_1797 : vector<16xf32>
    %max3A_1799 = arith.constant 112.289917 : f32
    %max3A_1800 = vector.broadcast %max3A_1799 : f32 to vector<16xf32>
    %max3A_1801 = arith.maximumf %sub3A_1798, %max3A_1800 : vector<16xf32>
    %add3A_1802 = arith.addf %gather3A_1785, %mul3A_1797 : vector<16xf32>
    %min3A_1803 = arith.constant 368.289917 : f32
    %min3A_1804 = vector.broadcast %min3A_1803 : f32 to vector<16xf32>
    %min3A_1805 = arith.minimumf %add3A_1802, %min3A_1804 : vector<16xf32>
    %add3A_1806 = arith.addf %max3A_1801, %min3A_1805 : vector<16xf32>
    %mul3A_1807 = arith.constant 5.000000e-01 : f32
    %mul3A_1808 = vector.broadcast %mul3A_1807 : f32 to vector<16xf32>
    %mul3A_1809 = arith.mulf %add3A_1806, %mul3A_1808 : vector<16xf32>
    %sub3A_1810 = arith.subf %min3A_1805, %max3A_1801 : vector<16xf32>
    %convert_element_type3A_1811 = arith.extui %and3A_1794 : vector<16xi1> to vector<16xi32>
    %convert_element_type3A_1812 = arith.sitofp %convert_element_type3A_1811 : vector<16xi32> to vector<16xf32>
    %mul3A_1813 = arith.mulf %gather3A_1783, %convert_element_type3A_1812 : vector<16xf32>
    tpu.vector_store_idx %arg6[%add3A_1772, %broadcast_in_dim3A_1774], %mul3A_1813 : memref<512x5xf32, #tpu.memory_space<vmem>>[vector<16xi32>, vector<16xi32>], vector<16xf32>,
    %mul3A_1814 = arith.mulf %gather3A_1784, %convert_element_type3A_1812 : vector<16xf32>
    tpu.vector_store_idx %arg6[%add3A_1772, %broadcast_in_dim3A_1776], %mul3A_1814 : memref<512x5xf32, #tpu.memory_space<vmem>>[vector<16xi32>, vector<16xi32>], vector<16xf32>,
    %mul3A_1815 = arith.mulf %mul3A_1809, %convert_element_type3A_1812 : vector<16xf32>
    tpu.vector_store_idx %arg6[%add3A_1772, %broadcast_in_dim3A_1778], %mul3A_1815 : memref<512x5xf32, #tpu.memory_space<vmem>>[vector<16xi32>, vector<16xi32>], vector<16xf32>,
    %mul3A_1816 = arith.mulf %gather3A_1786, %convert_element_type3A_1812 : vector<16xf32>
    tpu.vector_store_idx %arg6[%add3A_1772, %broadcast_in_dim3A_1780], %mul3A_1816 : memref<512x5xf32, #tpu.memory_space<vmem>>[vector<16xi32>, vector<16xi32>], vector<16xf32>,
    %mul3A_1817 = arith.mulf %sub3A_1810, %convert_element_type3A_1812 : vector<16xf32>
    tpu.vector_store_idx %arg6[%add3A_1772, %broadcast_in_dim3A_1782], %mul3A_1817 : memref<512x5xf32, #tpu.memory_space<vmem>>[vector<16xi32>, vector<16xi32>], vector<16xf32>,
    %add3A_1818 = vector.broadcast %mul3A_2 : i32 to vector<16xi32>
    %add3A_1819 = arith.addi %add3A_1772, %add3A_1818 : vector<16xi32>
    %broadcast_in_dim3A_1820 = arith.constant 0 : i32
    %broadcast_in_dim3A_1821 = vector.broadcast %broadcast_in_dim3A_1820 : i32 to vector<16xi32>
    %ge3A_1822 = arith.cmpi sge, %add3A_1819, %gather3A : vector<16xi32>
    %convert_element_type3A_1823 = arith.extui %ge3A_1822 : vector<16xi1> to vector<16xi32>
    %add3A_1824 = arith.addi %broadcast_in_dim3A_1821, %convert_element_type3A_1823 : vector<16xi32>
    %ge3A_1825 = arith.cmpi sge, %add3A_1819, %gather3A_8 : vector<16xi32>
    %convert_element_type3A_1826 = arith.extui %ge3A_1825 : vector<16xi1> to vector<16xi32>
    %add3A_1827 = arith.addi %add3A_1824, %convert_element_type3A_1826 : vector<16xi32>
    %ge3A_1828 = arith.cmpi sge, %add3A_1819, %gather3A_11 : vector<16xi32>
    %convert_element_type3A_1829 = arith.extui %ge3A_1828 : vector<16xi1> to vector<16xi32>
    %add3A_1830 = arith.addi %add3A_1827, %convert_element_type3A_1829 : vector<16xi32>
    %ge3A_1831 = arith.cmpi sge, %add3A_1819, %gather3A_14 : vector<16xi32>
    %convert_element_type3A_1832 = arith.extui %ge3A_1831 : vector<16xi1> to vector<16xi32>
    %add3A_1833 = arith.addi %add3A_1830, %convert_element_type3A_1832 : vector<16xi32>
    %ge3A_1834 = arith.cmpi sge, %add3A_1819, %gather3A_17 : vector<16xi32>
    %convert_element_type3A_1835 = arith.extui %ge3A_1834 : vector<16xi1> to vector<16xi32>
    %add3A_1836 = arith.addi %add3A_1833, %convert_element_type3A_1835 : vector<16xi32>
    %ge3A_1837 = arith.cmpi sge, %add3A_1819, %gather3A_20 : vector<16xi32>
    %convert_element_type3A_1838 = arith.extui %ge3A_1837 : vector<16xi1> to vector<16xi32>
    %add3A_1839 = arith.addi %add3A_1836, %convert_element_type3A_1838 : vector<16xi32>
    %ge3A_1840 = arith.cmpi sge, %add3A_1819, %gather3A_23 : vector<16xi32>
    %convert_element_type3A_1841 = arith.extui %ge3A_1840 : vector<16xi1> to vector<16xi32>
    %add3A_1842 = arith.addi %add3A_1839, %convert_element_type3A_1841 : vector<16xi32>
    %ge3A_1843 = arith.cmpi sge, %add3A_1819, %gather3A_26 : vector<16xi32>
    %convert_element_type3A_1844 = arith.extui %ge3A_1843 : vector<16xi1> to vector<16xi32>
    %add3A_1845 = arith.addi %add3A_1842, %convert_element_type3A_1844 : vector<16xi32>
    tpu.vector_store_idx %arg8[%add3A_1845], %broadcast_in_dim3A_3 masked %and3A_1794 {add = true} : memref<16xi32, #tpu.memory_space<vmem>>[vector<16xi32>], vector<16xi32>, vector<16xi1>
    %add3A_1846 = arith.constant 384 : i32
    %add3A_1847 = vector.broadcast %add3A_1846 : i32 to vector<16xi32>
    %add3A_1848 = arith.addi %iota3A, %add3A_1847 : vector<16xi32>
    %broadcast_in_dim3A_1849 = arith.constant 0 : i32
    %broadcast_in_dim3A_1850 = vector.broadcast %broadcast_in_dim3A_1849 : i32 to vector<16xi32>
    %broadcast_in_dim3A_1851 = arith.constant 1 : i32
    %broadcast_in_dim3A_1852 = vector.broadcast %broadcast_in_dim3A_1851 : i32 to vector<16xi32>
    %broadcast_in_dim3A_1853 = arith.constant 2 : i32
    %broadcast_in_dim3A_1854 = vector.broadcast %broadcast_in_dim3A_1853 : i32 to vector<16xi32>
    %broadcast_in_dim3A_1855 = arith.constant 3 : i32
    %broadcast_in_dim3A_1856 = vector.broadcast %broadcast_in_dim3A_1855 : i32 to vector<16xi32>
    %broadcast_in_dim3A_1857 = arith.constant 4 : i32
    %broadcast_in_dim3A_1858 = vector.broadcast %broadcast_in_dim3A_1857 : i32 to vector<16xi32>
    %gather3A_1859 = tpu.vector_load_idx %arg6[%add3A_1848, %broadcast_in_dim3A_1850] : memref<512x5xf32, #tpu.memory_space<vmem>>[vector<16xi32>, vector<16xi32>], vector<16xf32>,
    %gather3A_1860 = tpu.vector_load_idx %arg6[%add3A_1848, %broadcast_in_dim3A_1852] : memref<512x5xf32, #tpu.memory_space<vmem>>[vector<16xi32>, vector<16xi32>], vector<16xf32>,
    %gather3A_1861 = tpu.vector_load_idx %arg6[%add3A_1848, %broadcast_in_dim3A_1854] : memref<512x5xf32, #tpu.memory_space<vmem>>[vector<16xi32>, vector<16xi32>], vector<16xf32>,
    %gather3A_1862 = tpu.vector_load_idx %arg6[%add3A_1848, %broadcast_in_dim3A_1856] : memref<512x5xf32, #tpu.memory_space<vmem>>[vector<16xi32>, vector<16xi32>], vector<16xf32>,
    %gather3A_1863 = tpu.vector_load_idx %arg6[%add3A_1848, %broadcast_in_dim3A_1858] : memref<512x5xf32, #tpu.memory_space<vmem>>[vector<16xi32>, vector<16xi32>], vector<16xf32>,
    %gt3A_1864 = arith.constant 112.289917 : f32
    %gt3A_1865 = vector.broadcast %gt3A_1864 : f32 to vector<16xf32>
    %gt3A_1866 = arith.cmpf ogt, %gather3A_1861, %gt3A_1865 : vector<16xf32>
    %lt3A_1867 = arith.constant 368.289917 : f32
    %lt3A_1868 = vector.broadcast %lt3A_1867 : f32 to vector<16xf32>
    %lt3A_1869 = arith.cmpf olt, %gather3A_1861, %lt3A_1868 : vector<16xf32>
    %and3A_1870 = arith.andi %gt3A_1866, %lt3A_1869 : vector<16xi1>
    %mul3A_1871 = arith.constant 5.000000e-01 : f32
    %mul3A_1872 = vector.broadcast %mul3A_1871 : f32 to vector<16xf32>
    %mul3A_1873 = arith.mulf %gather3A_1863, %mul3A_1872 : vector<16xf32>
    %sub3A_1874 = arith.subf %gather3A_1861, %mul3A_1873 : vector<16xf32>
    %max3A_1875 = arith.constant 112.289917 : f32
    %max3A_1876 = vector.broadcast %max3A_1875 : f32 to vector<16xf32>
    %max3A_1877 = arith.maximumf %sub3A_1874, %max3A_1876 : vector<16xf32>
    %add3A_1878 = arith.addf %gather3A_1861, %mul3A_1873 : vector<16xf32>
    %min3A_1879 = arith.constant 368.289917 : f32
    %min3A_1880 = vector.broadcast %min3A_1879 : f32 to vector<16xf32>
    %min3A_1881 = arith.minimumf %add3A_1878, %min3A_1880 : vector<16xf32>
    %add3A_1882 = arith.addf %max3A_1877, %min3A_1881 : vector<16xf32>
    %mul3A_1883 = arith.constant 5.000000e-01 : f32
    %mul3A_1884 = vector.broadcast %mul3A_1883 : f32 to vector<16xf32>
    %mul3A_1885 = arith.mulf %add3A_1882, %mul3A_1884 : vector<16xf32>
    %sub3A_1886 = arith.subf %min3A_1881, %max3A_1877 : vector<16xf32>
    %convert_element_type3A_1887 = arith.extui %and3A_1870 : vector<16xi1> to vector<16xi32>
    %convert_element_type3A_1888 = arith.sitofp %convert_element_type3A_1887 : vector<16xi32> to vector<16xf32>
    %mul3A_1889 = arith.mulf %gather3A_1859, %convert_element_type3A_1888 : vector<16xf32>
    tpu.vector_store_idx %arg6[%add3A_1848, %broadcast_in_dim3A_1850], %mul3A_1889 : memref<512x5xf32, #tpu.memory_space<vmem>>[vector<16xi32>, vector<16xi32>], vector<16xf32>,
    %mul3A_1890 = arith.mulf %gather3A_1860, %convert_element_type3A_1888 : vector<16xf32>
    tpu.vector_store_idx %arg6[%add3A_1848, %broadcast_in_dim3A_1852], %mul3A_1890 : memref<512x5xf32, #tpu.memory_space<vmem>>[vector<16xi32>, vector<16xi32>], vector<16xf32>,
    %mul3A_1891 = arith.mulf %mul3A_1885, %convert_element_type3A_1888 : vector<16xf32>
    tpu.vector_store_idx %arg6[%add3A_1848, %broadcast_in_dim3A_1854], %mul3A_1891 : memref<512x5xf32, #tpu.memory_space<vmem>>[vector<16xi32>, vector<16xi32>], vector<16xf32>,
    %mul3A_1892 = arith.mulf %gather3A_1862, %convert_element_type3A_1888 : vector<16xf32>
    tpu.vector_store_idx %arg6[%add3A_1848, %broadcast_in_dim3A_1856], %mul3A_1892 : memref<512x5xf32, #tpu.memory_space<vmem>>[vector<16xi32>, vector<16xi32>], vector<16xf32>,
    %mul3A_1893 = arith.mulf %sub3A_1886, %convert_element_type3A_1888 : vector<16xf32>
    tpu.vector_store_idx %arg6[%add3A_1848, %broadcast_in_dim3A_1858], %mul3A_1893 : memref<512x5xf32, #tpu.memory_space<vmem>>[vector<16xi32>, vector<16xi32>], vector<16xf32>,
    %add3A_1894 = vector.broadcast %mul3A_2 : i32 to vector<16xi32>
    %add3A_1895 = arith.addi %add3A_1848, %add3A_1894 : vector<16xi32>
    %broadcast_in_dim3A_1896 = arith.constant 0 : i32
    %broadcast_in_dim3A_1897 = vector.broadcast %broadcast_in_dim3A_1896 : i32 to vector<16xi32>
    %ge3A_1898 = arith.cmpi sge, %add3A_1895, %gather3A : vector<16xi32>
    %convert_element_type3A_1899 = arith.extui %ge3A_1898 : vector<16xi1> to vector<16xi32>
    %add3A_1900 = arith.addi %broadcast_in_dim3A_1897, %convert_element_type3A_1899 : vector<16xi32>
    %ge3A_1901 = arith.cmpi sge, %add3A_1895, %gather3A_8 : vector<16xi32>
    %convert_element_type3A_1902 = arith.extui %ge3A_1901 : vector<16xi1> to vector<16xi32>
    %add3A_1903 = arith.addi %add3A_1900, %convert_element_type3A_1902 : vector<16xi32>
    %ge3A_1904 = arith.cmpi sge, %add3A_1895, %gather3A_11 : vector<16xi32>
    %convert_element_type3A_1905 = arith.extui %ge3A_1904 : vector<16xi1> to vector<16xi32>
    %add3A_1906 = arith.addi %add3A_1903, %convert_element_type3A_1905 : vector<16xi32>
    %ge3A_1907 = arith.cmpi sge, %add3A_1895, %gather3A_14 : vector<16xi32>
    %convert_element_type3A_1908 = arith.extui %ge3A_1907 : vector<16xi1> to vector<16xi32>
    %add3A_1909 = arith.addi %add3A_1906, %convert_element_type3A_1908 : vector<16xi32>
    %ge3A_1910 = arith.cmpi sge, %add3A_1895, %gather3A_17 : vector<16xi32>
    %convert_element_type3A_1911 = arith.extui %ge3A_1910 : vector<16xi1> to vector<16xi32>
    %add3A_1912 = arith.addi %add3A_1909, %convert_element_type3A_1911 : vector<16xi32>
    %ge3A_1913 = arith.cmpi sge, %add3A_1895, %gather3A_20 : vector<16xi32>
    %convert_element_type3A_1914 = arith.extui %ge3A_1913 : vector<16xi1> to vector<16xi32>
    %add3A_1915 = arith.addi %add3A_1912, %convert_element_type3A_1914 : vector<16xi32>
    %ge3A_1916 = arith.cmpi sge, %add3A_1895, %gather3A_23 : vector<16xi32>
    %convert_element_type3A_1917 = arith.extui %ge3A_1916 : vector<16xi1> to vector<16xi32>
    %add3A_1918 = arith.addi %add3A_1915, %convert_element_type3A_1917 : vector<16xi32>
    %ge3A_1919 = arith.cmpi sge, %add3A_1895, %gather3A_26 : vector<16xi32>
    %convert_element_type3A_1920 = arith.extui %ge3A_1919 : vector<16xi1> to vector<16xi32>
    %add3A_1921 = arith.addi %add3A_1918, %convert_element_type3A_1920 : vector<16xi32>
    tpu.vector_store_idx %arg8[%add3A_1921], %broadcast_in_dim3A_3 masked %and3A_1870 {add = true} : memref<16xi32, #tpu.memory_space<vmem>>[vector<16xi32>], vector<16xi32>, vector<16xi1>
    %add3A_1922 = arith.constant 400 : i32
    %add3A_1923 = vector.broadcast %add3A_1922 : i32 to vector<16xi32>
    %add3A_1924 = arith.addi %iota3A, %add3A_1923 : vector<16xi32>
    %broadcast_in_dim3A_1925 = arith.constant 0 : i32
    %broadcast_in_dim3A_1926 = vector.broadcast %broadcast_in_dim3A_1925 : i32 to vector<16xi32>
    %broadcast_in_dim3A_1927 = arith.constant 1 : i32
    %broadcast_in_dim3A_1928 = vector.broadcast %broadcast_in_dim3A_1927 : i32 to vector<16xi32>
    %broadcast_in_dim3A_1929 = arith.constant 2 : i32
    %broadcast_in_dim3A_1930 = vector.broadcast %broadcast_in_dim3A_1929 : i32 to vector<16xi32>
    %broadcast_in_dim3A_1931 = arith.constant 3 : i32
    %broadcast_in_dim3A_1932 = vector.broadcast %broadcast_in_dim3A_1931 : i32 to vector<16xi32>
    %broadcast_in_dim3A_1933 = arith.constant 4 : i32
    %broadcast_in_dim3A_1934 = vector.broadcast %broadcast_in_dim3A_1933 : i32 to vector<16xi32>
    %gather3A_1935 = tpu.vector_load_idx %arg6[%add3A_1924, %broadcast_in_dim3A_1926] : memref<512x5xf32, #tpu.memory_space<vmem>>[vector<16xi32>, vector<16xi32>], vector<16xf32>,
    %gather3A_1936 = tpu.vector_load_idx %arg6[%add3A_1924, %broadcast_in_dim3A_1928] : memref<512x5xf32, #tpu.memory_space<vmem>>[vector<16xi32>, vector<16xi32>], vector<16xf32>,
    %gather3A_1937 = tpu.vector_load_idx %arg6[%add3A_1924, %broadcast_in_dim3A_1930] : memref<512x5xf32, #tpu.memory_space<vmem>>[vector<16xi32>, vector<16xi32>], vector<16xf32>,
    %gather3A_1938 = tpu.vector_load_idx %arg6[%add3A_1924, %broadcast_in_dim3A_1932] : memref<512x5xf32, #tpu.memory_space<vmem>>[vector<16xi32>, vector<16xi32>], vector<16xf32>,
    %gather3A_1939 = tpu.vector_load_idx %arg6[%add3A_1924, %broadcast_in_dim3A_1934] : memref<512x5xf32, #tpu.memory_space<vmem>>[vector<16xi32>, vector<16xi32>], vector<16xf32>,
    %gt3A_1940 = arith.constant 112.289917 : f32
    %gt3A_1941 = vector.broadcast %gt3A_1940 : f32 to vector<16xf32>
    %gt3A_1942 = arith.cmpf ogt, %gather3A_1937, %gt3A_1941 : vector<16xf32>
    %lt3A_1943 = arith.constant 368.289917 : f32
    %lt3A_1944 = vector.broadcast %lt3A_1943 : f32 to vector<16xf32>
    %lt3A_1945 = arith.cmpf olt, %gather3A_1937, %lt3A_1944 : vector<16xf32>
    %and3A_1946 = arith.andi %gt3A_1942, %lt3A_1945 : vector<16xi1>
    %mul3A_1947 = arith.constant 5.000000e-01 : f32
    %mul3A_1948 = vector.broadcast %mul3A_1947 : f32 to vector<16xf32>
    %mul3A_1949 = arith.mulf %gather3A_1939, %mul3A_1948 : vector<16xf32>
    %sub3A_1950 = arith.subf %gather3A_1937, %mul3A_1949 : vector<16xf32>
    %max3A_1951 = arith.constant 112.289917 : f32
    %max3A_1952 = vector.broadcast %max3A_1951 : f32 to vector<16xf32>
    %max3A_1953 = arith.maximumf %sub3A_1950, %max3A_1952 : vector<16xf32>
    %add3A_1954 = arith.addf %gather3A_1937, %mul3A_1949 : vector<16xf32>
    %min3A_1955 = arith.constant 368.289917 : f32
    %min3A_1956 = vector.broadcast %min3A_1955 : f32 to vector<16xf32>
    %min3A_1957 = arith.minimumf %add3A_1954, %min3A_1956 : vector<16xf32>
    %add3A_1958 = arith.addf %max3A_1953, %min3A_1957 : vector<16xf32>
    %mul3A_1959 = arith.constant 5.000000e-01 : f32
    %mul3A_1960 = vector.broadcast %mul3A_1959 : f32 to vector<16xf32>
    %mul3A_1961 = arith.mulf %add3A_1958, %mul3A_1960 : vector<16xf32>
    %sub3A_1962 = arith.subf %min3A_1957, %max3A_1953 : vector<16xf32>
    %convert_element_type3A_1963 = arith.extui %and3A_1946 : vector<16xi1> to vector<16xi32>
    %convert_element_type3A_1964 = arith.sitofp %convert_element_type3A_1963 : vector<16xi32> to vector<16xf32>
    %mul3A_1965 = arith.mulf %gather3A_1935, %convert_element_type3A_1964 : vector<16xf32>
    tpu.vector_store_idx %arg6[%add3A_1924, %broadcast_in_dim3A_1926], %mul3A_1965 : memref<512x5xf32, #tpu.memory_space<vmem>>[vector<16xi32>, vector<16xi32>], vector<16xf32>,
    %mul3A_1966 = arith.mulf %gather3A_1936, %convert_element_type3A_1964 : vector<16xf32>
    tpu.vector_store_idx %arg6[%add3A_1924, %broadcast_in_dim3A_1928], %mul3A_1966 : memref<512x5xf32, #tpu.memory_space<vmem>>[vector<16xi32>, vector<16xi32>], vector<16xf32>,
    %mul3A_1967 = arith.mulf %mul3A_1961, %convert_element_type3A_1964 : vector<16xf32>
    tpu.vector_store_idx %arg6[%add3A_1924, %broadcast_in_dim3A_1930], %mul3A_1967 : memref<512x5xf32, #tpu.memory_space<vmem>>[vector<16xi32>, vector<16xi32>], vector<16xf32>,
    %mul3A_1968 = arith.mulf %gather3A_1938, %convert_element_type3A_1964 : vector<16xf32>
    tpu.vector_store_idx %arg6[%add3A_1924, %broadcast_in_dim3A_1932], %mul3A_1968 : memref<512x5xf32, #tpu.memory_space<vmem>>[vector<16xi32>, vector<16xi32>], vector<16xf32>,
    %mul3A_1969 = arith.mulf %sub3A_1962, %convert_element_type3A_1964 : vector<16xf32>
    tpu.vector_store_idx %arg6[%add3A_1924, %broadcast_in_dim3A_1934], %mul3A_1969 : memref<512x5xf32, #tpu.memory_space<vmem>>[vector<16xi32>, vector<16xi32>], vector<16xf32>,
    %add3A_1970 = vector.broadcast %mul3A_2 : i32 to vector<16xi32>
    %add3A_1971 = arith.addi %add3A_1924, %add3A_1970 : vector<16xi32>
    %broadcast_in_dim3A_1972 = arith.constant 0 : i32
    %broadcast_in_dim3A_1973 = vector.broadcast %broadcast_in_dim3A_1972 : i32 to vector<16xi32>
    %ge3A_1974 = arith.cmpi sge, %add3A_1971, %gather3A : vector<16xi32>
    %convert_element_type3A_1975 = arith.extui %ge3A_1974 : vector<16xi1> to vector<16xi32>
    %add3A_1976 = arith.addi %broadcast_in_dim3A_1973, %convert_element_type3A_1975 : vector<16xi32>
    %ge3A_1977 = arith.cmpi sge, %add3A_1971, %gather3A_8 : vector<16xi32>
    %convert_element_type3A_1978 = arith.extui %ge3A_1977 : vector<16xi1> to vector<16xi32>
    %add3A_1979 = arith.addi %add3A_1976, %convert_element_type3A_1978 : vector<16xi32>
    %ge3A_1980 = arith.cmpi sge, %add3A_1971, %gather3A_11 : vector<16xi32>
    %convert_element_type3A_1981 = arith.extui %ge3A_1980 : vector<16xi1> to vector<16xi32>
    %add3A_1982 = arith.addi %add3A_1979, %convert_element_type3A_1981 : vector<16xi32>
    %ge3A_1983 = arith.cmpi sge, %add3A_1971, %gather3A_14 : vector<16xi32>
    %convert_element_type3A_1984 = arith.extui %ge3A_1983 : vector<16xi1> to vector<16xi32>
    %add3A_1985 = arith.addi %add3A_1982, %convert_element_type3A_1984 : vector<16xi32>
    %ge3A_1986 = arith.cmpi sge, %add3A_1971, %gather3A_17 : vector<16xi32>
    %convert_element_type3A_1987 = arith.extui %ge3A_1986 : vector<16xi1> to vector<16xi32>
    %add3A_1988 = arith.addi %add3A_1985, %convert_element_type3A_1987 : vector<16xi32>
    %ge3A_1989 = arith.cmpi sge, %add3A_1971, %gather3A_20 : vector<16xi32>
    %convert_element_type3A_1990 = arith.extui %ge3A_1989 : vector<16xi1> to vector<16xi32>
    %add3A_1991 = arith.addi %add3A_1988, %convert_element_type3A_1990 : vector<16xi32>
    %ge3A_1992 = arith.cmpi sge, %add3A_1971, %gather3A_23 : vector<16xi32>
    %convert_element_type3A_1993 = arith.extui %ge3A_1992 : vector<16xi1> to vector<16xi32>
    %add3A_1994 = arith.addi %add3A_1991, %convert_element_type3A_1993 : vector<16xi32>
    %ge3A_1995 = arith.cmpi sge, %add3A_1971, %gather3A_26 : vector<16xi32>
    %convert_element_type3A_1996 = arith.extui %ge3A_1995 : vector<16xi1> to vector<16xi32>
    %add3A_1997 = arith.addi %add3A_1994, %convert_element_type3A_1996 : vector<16xi32>
    tpu.vector_store_idx %arg8[%add3A_1997], %broadcast_in_dim3A_3 masked %and3A_1946 {add = true} : memref<16xi32, #tpu.memory_space<vmem>>[vector<16xi32>], vector<16xi32>, vector<16xi1>
    %add3A_1998 = arith.constant 416 : i32
    %add3A_1999 = vector.broadcast %add3A_1998 : i32 to vector<16xi32>
    %add3A_2000 = arith.addi %iota3A, %add3A_1999 : vector<16xi32>
    %broadcast_in_dim3A_2001 = arith.constant 0 : i32
    %broadcast_in_dim3A_2002 = vector.broadcast %broadcast_in_dim3A_2001 : i32 to vector<16xi32>
    %broadcast_in_dim3A_2003 = arith.constant 1 : i32
    %broadcast_in_dim3A_2004 = vector.broadcast %broadcast_in_dim3A_2003 : i32 to vector<16xi32>
    %broadcast_in_dim3A_2005 = arith.constant 2 : i32
    %broadcast_in_dim3A_2006 = vector.broadcast %broadcast_in_dim3A_2005 : i32 to vector<16xi32>
    %broadcast_in_dim3A_2007 = arith.constant 3 : i32
    %broadcast_in_dim3A_2008 = vector.broadcast %broadcast_in_dim3A_2007 : i32 to vector<16xi32>
    %broadcast_in_dim3A_2009 = arith.constant 4 : i32
    %broadcast_in_dim3A_2010 = vector.broadcast %broadcast_in_dim3A_2009 : i32 to vector<16xi32>
    %gather3A_2011 = tpu.vector_load_idx %arg6[%add3A_2000, %broadcast_in_dim3A_2002] : memref<512x5xf32, #tpu.memory_space<vmem>>[vector<16xi32>, vector<16xi32>], vector<16xf32>,
    %gather3A_2012 = tpu.vector_load_idx %arg6[%add3A_2000, %broadcast_in_dim3A_2004] : memref<512x5xf32, #tpu.memory_space<vmem>>[vector<16xi32>, vector<16xi32>], vector<16xf32>,
    %gather3A_2013 = tpu.vector_load_idx %arg6[%add3A_2000, %broadcast_in_dim3A_2006] : memref<512x5xf32, #tpu.memory_space<vmem>>[vector<16xi32>, vector<16xi32>], vector<16xf32>,
    %gather3A_2014 = tpu.vector_load_idx %arg6[%add3A_2000, %broadcast_in_dim3A_2008] : memref<512x5xf32, #tpu.memory_space<vmem>>[vector<16xi32>, vector<16xi32>], vector<16xf32>,
    %gather3A_2015 = tpu.vector_load_idx %arg6[%add3A_2000, %broadcast_in_dim3A_2010] : memref<512x5xf32, #tpu.memory_space<vmem>>[vector<16xi32>, vector<16xi32>], vector<16xf32>,
    %gt3A_2016 = arith.constant 112.289917 : f32
    %gt3A_2017 = vector.broadcast %gt3A_2016 : f32 to vector<16xf32>
    %gt3A_2018 = arith.cmpf ogt, %gather3A_2013, %gt3A_2017 : vector<16xf32>
    %lt3A_2019 = arith.constant 368.289917 : f32
    %lt3A_2020 = vector.broadcast %lt3A_2019 : f32 to vector<16xf32>
    %lt3A_2021 = arith.cmpf olt, %gather3A_2013, %lt3A_2020 : vector<16xf32>
    %and3A_2022 = arith.andi %gt3A_2018, %lt3A_2021 : vector<16xi1>
    %mul3A_2023 = arith.constant 5.000000e-01 : f32
    %mul3A_2024 = vector.broadcast %mul3A_2023 : f32 to vector<16xf32>
    %mul3A_2025 = arith.mulf %gather3A_2015, %mul3A_2024 : vector<16xf32>
    %sub3A_2026 = arith.subf %gather3A_2013, %mul3A_2025 : vector<16xf32>
    %max3A_2027 = arith.constant 112.289917 : f32
    %max3A_2028 = vector.broadcast %max3A_2027 : f32 to vector<16xf32>
    %max3A_2029 = arith.maximumf %sub3A_2026, %max3A_2028 : vector<16xf32>
    %add3A_2030 = arith.addf %gather3A_2013, %mul3A_2025 : vector<16xf32>
    %min3A_2031 = arith.constant 368.289917 : f32
    %min3A_2032 = vector.broadcast %min3A_2031 : f32 to vector<16xf32>
    %min3A_2033 = arith.minimumf %add3A_2030, %min3A_2032 : vector<16xf32>
    %add3A_2034 = arith.addf %max3A_2029, %min3A_2033 : vector<16xf32>
    %mul3A_2035 = arith.constant 5.000000e-01 : f32
    %mul3A_2036 = vector.broadcast %mul3A_2035 : f32 to vector<16xf32>
    %mul3A_2037 = arith.mulf %add3A_2034, %mul3A_2036 : vector<16xf32>
    %sub3A_2038 = arith.subf %min3A_2033, %max3A_2029 : vector<16xf32>
    %convert_element_type3A_2039 = arith.extui %and3A_2022 : vector<16xi1> to vector<16xi32>
    %convert_element_type3A_2040 = arith.sitofp %convert_element_type3A_2039 : vector<16xi32> to vector<16xf32>
    %mul3A_2041 = arith.mulf %gather3A_2011, %convert_element_type3A_2040 : vector<16xf32>
    tpu.vector_store_idx %arg6[%add3A_2000, %broadcast_in_dim3A_2002], %mul3A_2041 : memref<512x5xf32, #tpu.memory_space<vmem>>[vector<16xi32>, vector<16xi32>], vector<16xf32>,
    %mul3A_2042 = arith.mulf %gather3A_2012, %convert_element_type3A_2040 : vector<16xf32>
    tpu.vector_store_idx %arg6[%add3A_2000, %broadcast_in_dim3A_2004], %mul3A_2042 : memref<512x5xf32, #tpu.memory_space<vmem>>[vector<16xi32>, vector<16xi32>], vector<16xf32>,
    %mul3A_2043 = arith.mulf %mul3A_2037, %convert_element_type3A_2040 : vector<16xf32>
    tpu.vector_store_idx %arg6[%add3A_2000, %broadcast_in_dim3A_2006], %mul3A_2043 : memref<512x5xf32, #tpu.memory_space<vmem>>[vector<16xi32>, vector<16xi32>], vector<16xf32>,
    %mul3A_2044 = arith.mulf %gather3A_2014, %convert_element_type3A_2040 : vector<16xf32>
    tpu.vector_store_idx %arg6[%add3A_2000, %broadcast_in_dim3A_2008], %mul3A_2044 : memref<512x5xf32, #tpu.memory_space<vmem>>[vector<16xi32>, vector<16xi32>], vector<16xf32>,
    %mul3A_2045 = arith.mulf %sub3A_2038, %convert_element_type3A_2040 : vector<16xf32>
    tpu.vector_store_idx %arg6[%add3A_2000, %broadcast_in_dim3A_2010], %mul3A_2045 : memref<512x5xf32, #tpu.memory_space<vmem>>[vector<16xi32>, vector<16xi32>], vector<16xf32>,
    %add3A_2046 = vector.broadcast %mul3A_2 : i32 to vector<16xi32>
    %add3A_2047 = arith.addi %add3A_2000, %add3A_2046 : vector<16xi32>
    %broadcast_in_dim3A_2048 = arith.constant 0 : i32
    %broadcast_in_dim3A_2049 = vector.broadcast %broadcast_in_dim3A_2048 : i32 to vector<16xi32>
    %ge3A_2050 = arith.cmpi sge, %add3A_2047, %gather3A : vector<16xi32>
    %convert_element_type3A_2051 = arith.extui %ge3A_2050 : vector<16xi1> to vector<16xi32>
    %add3A_2052 = arith.addi %broadcast_in_dim3A_2049, %convert_element_type3A_2051 : vector<16xi32>
    %ge3A_2053 = arith.cmpi sge, %add3A_2047, %gather3A_8 : vector<16xi32>
    %convert_element_type3A_2054 = arith.extui %ge3A_2053 : vector<16xi1> to vector<16xi32>
    %add3A_2055 = arith.addi %add3A_2052, %convert_element_type3A_2054 : vector<16xi32>
    %ge3A_2056 = arith.cmpi sge, %add3A_2047, %gather3A_11 : vector<16xi32>
    %convert_element_type3A_2057 = arith.extui %ge3A_2056 : vector<16xi1> to vector<16xi32>
    %add3A_2058 = arith.addi %add3A_2055, %convert_element_type3A_2057 : vector<16xi32>
    %ge3A_2059 = arith.cmpi sge, %add3A_2047, %gather3A_14 : vector<16xi32>
    %convert_element_type3A_2060 = arith.extui %ge3A_2059 : vector<16xi1> to vector<16xi32>
    %add3A_2061 = arith.addi %add3A_2058, %convert_element_type3A_2060 : vector<16xi32>
    %ge3A_2062 = arith.cmpi sge, %add3A_2047, %gather3A_17 : vector<16xi32>
    %convert_element_type3A_2063 = arith.extui %ge3A_2062 : vector<16xi1> to vector<16xi32>
    %add3A_2064 = arith.addi %add3A_2061, %convert_element_type3A_2063 : vector<16xi32>
    %ge3A_2065 = arith.cmpi sge, %add3A_2047, %gather3A_20 : vector<16xi32>
    %convert_element_type3A_2066 = arith.extui %ge3A_2065 : vector<16xi1> to vector<16xi32>
    %add3A_2067 = arith.addi %add3A_2064, %convert_element_type3A_2066 : vector<16xi32>
    %ge3A_2068 = arith.cmpi sge, %add3A_2047, %gather3A_23 : vector<16xi32>
    %convert_element_type3A_2069 = arith.extui %ge3A_2068 : vector<16xi1> to vector<16xi32>
    %add3A_2070 = arith.addi %add3A_2067, %convert_element_type3A_2069 : vector<16xi32>
    %ge3A_2071 = arith.cmpi sge, %add3A_2047, %gather3A_26 : vector<16xi32>
    %convert_element_type3A_2072 = arith.extui %ge3A_2071 : vector<16xi1> to vector<16xi32>
    %add3A_2073 = arith.addi %add3A_2070, %convert_element_type3A_2072 : vector<16xi32>
    tpu.vector_store_idx %arg8[%add3A_2073], %broadcast_in_dim3A_3 masked %and3A_2022 {add = true} : memref<16xi32, #tpu.memory_space<vmem>>[vector<16xi32>], vector<16xi32>, vector<16xi1>
    %add3A_2074 = arith.constant 432 : i32
    %add3A_2075 = vector.broadcast %add3A_2074 : i32 to vector<16xi32>
    %add3A_2076 = arith.addi %iota3A, %add3A_2075 : vector<16xi32>
    %broadcast_in_dim3A_2077 = arith.constant 0 : i32
    %broadcast_in_dim3A_2078 = vector.broadcast %broadcast_in_dim3A_2077 : i32 to vector<16xi32>
    %broadcast_in_dim3A_2079 = arith.constant 1 : i32
    %broadcast_in_dim3A_2080 = vector.broadcast %broadcast_in_dim3A_2079 : i32 to vector<16xi32>
    %broadcast_in_dim3A_2081 = arith.constant 2 : i32
    %broadcast_in_dim3A_2082 = vector.broadcast %broadcast_in_dim3A_2081 : i32 to vector<16xi32>
    %broadcast_in_dim3A_2083 = arith.constant 3 : i32
    %broadcast_in_dim3A_2084 = vector.broadcast %broadcast_in_dim3A_2083 : i32 to vector<16xi32>
    %broadcast_in_dim3A_2085 = arith.constant 4 : i32
    %broadcast_in_dim3A_2086 = vector.broadcast %broadcast_in_dim3A_2085 : i32 to vector<16xi32>
    %gather3A_2087 = tpu.vector_load_idx %arg6[%add3A_2076, %broadcast_in_dim3A_2078] : memref<512x5xf32, #tpu.memory_space<vmem>>[vector<16xi32>, vector<16xi32>], vector<16xf32>,
    %gather3A_2088 = tpu.vector_load_idx %arg6[%add3A_2076, %broadcast_in_dim3A_2080] : memref<512x5xf32, #tpu.memory_space<vmem>>[vector<16xi32>, vector<16xi32>], vector<16xf32>,
    %gather3A_2089 = tpu.vector_load_idx %arg6[%add3A_2076, %broadcast_in_dim3A_2082] : memref<512x5xf32, #tpu.memory_space<vmem>>[vector<16xi32>, vector<16xi32>], vector<16xf32>,
    %gather3A_2090 = tpu.vector_load_idx %arg6[%add3A_2076, %broadcast_in_dim3A_2084] : memref<512x5xf32, #tpu.memory_space<vmem>>[vector<16xi32>, vector<16xi32>], vector<16xf32>,
    %gather3A_2091 = tpu.vector_load_idx %arg6[%add3A_2076, %broadcast_in_dim3A_2086] : memref<512x5xf32, #tpu.memory_space<vmem>>[vector<16xi32>, vector<16xi32>], vector<16xf32>,
    %gt3A_2092 = arith.constant 112.289917 : f32
    %gt3A_2093 = vector.broadcast %gt3A_2092 : f32 to vector<16xf32>
    %gt3A_2094 = arith.cmpf ogt, %gather3A_2089, %gt3A_2093 : vector<16xf32>
    %lt3A_2095 = arith.constant 368.289917 : f32
    %lt3A_2096 = vector.broadcast %lt3A_2095 : f32 to vector<16xf32>
    %lt3A_2097 = arith.cmpf olt, %gather3A_2089, %lt3A_2096 : vector<16xf32>
    %and3A_2098 = arith.andi %gt3A_2094, %lt3A_2097 : vector<16xi1>
    %mul3A_2099 = arith.constant 5.000000e-01 : f32
    %mul3A_2100 = vector.broadcast %mul3A_2099 : f32 to vector<16xf32>
    %mul3A_2101 = arith.mulf %gather3A_2091, %mul3A_2100 : vector<16xf32>
    %sub3A_2102 = arith.subf %gather3A_2089, %mul3A_2101 : vector<16xf32>
    %max3A_2103 = arith.constant 112.289917 : f32
    %max3A_2104 = vector.broadcast %max3A_2103 : f32 to vector<16xf32>
    %max3A_2105 = arith.maximumf %sub3A_2102, %max3A_2104 : vector<16xf32>
    %add3A_2106 = arith.addf %gather3A_2089, %mul3A_2101 : vector<16xf32>
    %min3A_2107 = arith.constant 368.289917 : f32
    %min3A_2108 = vector.broadcast %min3A_2107 : f32 to vector<16xf32>
    %min3A_2109 = arith.minimumf %add3A_2106, %min3A_2108 : vector<16xf32>
    %add3A_2110 = arith.addf %max3A_2105, %min3A_2109 : vector<16xf32>
    %mul3A_2111 = arith.constant 5.000000e-01 : f32
    %mul3A_2112 = vector.broadcast %mul3A_2111 : f32 to vector<16xf32>
    %mul3A_2113 = arith.mulf %add3A_2110, %mul3A_2112 : vector<16xf32>
    %sub3A_2114 = arith.subf %min3A_2109, %max3A_2105 : vector<16xf32>
    %convert_element_type3A_2115 = arith.extui %and3A_2098 : vector<16xi1> to vector<16xi32>
    %convert_element_type3A_2116 = arith.sitofp %convert_element_type3A_2115 : vector<16xi32> to vector<16xf32>
    %mul3A_2117 = arith.mulf %gather3A_2087, %convert_element_type3A_2116 : vector<16xf32>
    tpu.vector_store_idx %arg6[%add3A_2076, %broadcast_in_dim3A_2078], %mul3A_2117 : memref<512x5xf32, #tpu.memory_space<vmem>>[vector<16xi32>, vector<16xi32>], vector<16xf32>,
    %mul3A_2118 = arith.mulf %gather3A_2088, %convert_element_type3A_2116 : vector<16xf32>
    tpu.vector_store_idx %arg6[%add3A_2076, %broadcast_in_dim3A_2080], %mul3A_2118 : memref<512x5xf32, #tpu.memory_space<vmem>>[vector<16xi32>, vector<16xi32>], vector<16xf32>,
    %mul3A_2119 = arith.mulf %mul3A_2113, %convert_element_type3A_2116 : vector<16xf32>
    tpu.vector_store_idx %arg6[%add3A_2076, %broadcast_in_dim3A_2082], %mul3A_2119 : memref<512x5xf32, #tpu.memory_space<vmem>>[vector<16xi32>, vector<16xi32>], vector<16xf32>,
    %mul3A_2120 = arith.mulf %gather3A_2090, %convert_element_type3A_2116 : vector<16xf32>
    tpu.vector_store_idx %arg6[%add3A_2076, %broadcast_in_dim3A_2084], %mul3A_2120 : memref<512x5xf32, #tpu.memory_space<vmem>>[vector<16xi32>, vector<16xi32>], vector<16xf32>,
    %mul3A_2121 = arith.mulf %sub3A_2114, %convert_element_type3A_2116 : vector<16xf32>
    tpu.vector_store_idx %arg6[%add3A_2076, %broadcast_in_dim3A_2086], %mul3A_2121 : memref<512x5xf32, #tpu.memory_space<vmem>>[vector<16xi32>, vector<16xi32>], vector<16xf32>,
    %add3A_2122 = vector.broadcast %mul3A_2 : i32 to vector<16xi32>
    %add3A_2123 = arith.addi %add3A_2076, %add3A_2122 : vector<16xi32>
    %broadcast_in_dim3A_2124 = arith.constant 0 : i32
    %broadcast_in_dim3A_2125 = vector.broadcast %broadcast_in_dim3A_2124 : i32 to vector<16xi32>
    %ge3A_2126 = arith.cmpi sge, %add3A_2123, %gather3A : vector<16xi32>
    %convert_element_type3A_2127 = arith.extui %ge3A_2126 : vector<16xi1> to vector<16xi32>
    %add3A_2128 = arith.addi %broadcast_in_dim3A_2125, %convert_element_type3A_2127 : vector<16xi32>
    %ge3A_2129 = arith.cmpi sge, %add3A_2123, %gather3A_8 : vector<16xi32>
    %convert_element_type3A_2130 = arith.extui %ge3A_2129 : vector<16xi1> to vector<16xi32>
    %add3A_2131 = arith.addi %add3A_2128, %convert_element_type3A_2130 : vector<16xi32>
    %ge3A_2132 = arith.cmpi sge, %add3A_2123, %gather3A_11 : vector<16xi32>
    %convert_element_type3A_2133 = arith.extui %ge3A_2132 : vector<16xi1> to vector<16xi32>
    %add3A_2134 = arith.addi %add3A_2131, %convert_element_type3A_2133 : vector<16xi32>
    %ge3A_2135 = arith.cmpi sge, %add3A_2123, %gather3A_14 : vector<16xi32>
    %convert_element_type3A_2136 = arith.extui %ge3A_2135 : vector<16xi1> to vector<16xi32>
    %add3A_2137 = arith.addi %add3A_2134, %convert_element_type3A_2136 : vector<16xi32>
    %ge3A_2138 = arith.cmpi sge, %add3A_2123, %gather3A_17 : vector<16xi32>
    %convert_element_type3A_2139 = arith.extui %ge3A_2138 : vector<16xi1> to vector<16xi32>
    %add3A_2140 = arith.addi %add3A_2137, %convert_element_type3A_2139 : vector<16xi32>
    %ge3A_2141 = arith.cmpi sge, %add3A_2123, %gather3A_20 : vector<16xi32>
    %convert_element_type3A_2142 = arith.extui %ge3A_2141 : vector<16xi1> to vector<16xi32>
    %add3A_2143 = arith.addi %add3A_2140, %convert_element_type3A_2142 : vector<16xi32>
    %ge3A_2144 = arith.cmpi sge, %add3A_2123, %gather3A_23 : vector<16xi32>
    %convert_element_type3A_2145 = arith.extui %ge3A_2144 : vector<16xi1> to vector<16xi32>
    %add3A_2146 = arith.addi %add3A_2143, %convert_element_type3A_2145 : vector<16xi32>
    %ge3A_2147 = arith.cmpi sge, %add3A_2123, %gather3A_26 : vector<16xi32>
    %convert_element_type3A_2148 = arith.extui %ge3A_2147 : vector<16xi1> to vector<16xi32>
    %add3A_2149 = arith.addi %add3A_2146, %convert_element_type3A_2148 : vector<16xi32>
    tpu.vector_store_idx %arg8[%add3A_2149], %broadcast_in_dim3A_3 masked %and3A_2098 {add = true} : memref<16xi32, #tpu.memory_space<vmem>>[vector<16xi32>], vector<16xi32>, vector<16xi1>
    %add3A_2150 = arith.constant 448 : i32
    %add3A_2151 = vector.broadcast %add3A_2150 : i32 to vector<16xi32>
    %add3A_2152 = arith.addi %iota3A, %add3A_2151 : vector<16xi32>
    %broadcast_in_dim3A_2153 = arith.constant 0 : i32
    %broadcast_in_dim3A_2154 = vector.broadcast %broadcast_in_dim3A_2153 : i32 to vector<16xi32>
    %broadcast_in_dim3A_2155 = arith.constant 1 : i32
    %broadcast_in_dim3A_2156 = vector.broadcast %broadcast_in_dim3A_2155 : i32 to vector<16xi32>
    %broadcast_in_dim3A_2157 = arith.constant 2 : i32
    %broadcast_in_dim3A_2158 = vector.broadcast %broadcast_in_dim3A_2157 : i32 to vector<16xi32>
    %broadcast_in_dim3A_2159 = arith.constant 3 : i32
    %broadcast_in_dim3A_2160 = vector.broadcast %broadcast_in_dim3A_2159 : i32 to vector<16xi32>
    %broadcast_in_dim3A_2161 = arith.constant 4 : i32
    %broadcast_in_dim3A_2162 = vector.broadcast %broadcast_in_dim3A_2161 : i32 to vector<16xi32>
    %gather3A_2163 = tpu.vector_load_idx %arg6[%add3A_2152, %broadcast_in_dim3A_2154] : memref<512x5xf32, #tpu.memory_space<vmem>>[vector<16xi32>, vector<16xi32>], vector<16xf32>,
    %gather3A_2164 = tpu.vector_load_idx %arg6[%add3A_2152, %broadcast_in_dim3A_2156] : memref<512x5xf32, #tpu.memory_space<vmem>>[vector<16xi32>, vector<16xi32>], vector<16xf32>,
    %gather3A_2165 = tpu.vector_load_idx %arg6[%add3A_2152, %broadcast_in_dim3A_2158] : memref<512x5xf32, #tpu.memory_space<vmem>>[vector<16xi32>, vector<16xi32>], vector<16xf32>,
    %gather3A_2166 = tpu.vector_load_idx %arg6[%add3A_2152, %broadcast_in_dim3A_2160] : memref<512x5xf32, #tpu.memory_space<vmem>>[vector<16xi32>, vector<16xi32>], vector<16xf32>,
    %gather3A_2167 = tpu.vector_load_idx %arg6[%add3A_2152, %broadcast_in_dim3A_2162] : memref<512x5xf32, #tpu.memory_space<vmem>>[vector<16xi32>, vector<16xi32>], vector<16xf32>,
    %gt3A_2168 = arith.constant 112.289917 : f32
    %gt3A_2169 = vector.broadcast %gt3A_2168 : f32 to vector<16xf32>
    %gt3A_2170 = arith.cmpf ogt, %gather3A_2165, %gt3A_2169 : vector<16xf32>
    %lt3A_2171 = arith.constant 368.289917 : f32
    %lt3A_2172 = vector.broadcast %lt3A_2171 : f32 to vector<16xf32>
    %lt3A_2173 = arith.cmpf olt, %gather3A_2165, %lt3A_2172 : vector<16xf32>
    %and3A_2174 = arith.andi %gt3A_2170, %lt3A_2173 : vector<16xi1>
    %mul3A_2175 = arith.constant 5.000000e-01 : f32
    %mul3A_2176 = vector.broadcast %mul3A_2175 : f32 to vector<16xf32>
    %mul3A_2177 = arith.mulf %gather3A_2167, %mul3A_2176 : vector<16xf32>
    %sub3A_2178 = arith.subf %gather3A_2165, %mul3A_2177 : vector<16xf32>
    %max3A_2179 = arith.constant 112.289917 : f32
    %max3A_2180 = vector.broadcast %max3A_2179 : f32 to vector<16xf32>
    %max3A_2181 = arith.maximumf %sub3A_2178, %max3A_2180 : vector<16xf32>
    %add3A_2182 = arith.addf %gather3A_2165, %mul3A_2177 : vector<16xf32>
    %min3A_2183 = arith.constant 368.289917 : f32
    %min3A_2184 = vector.broadcast %min3A_2183 : f32 to vector<16xf32>
    %min3A_2185 = arith.minimumf %add3A_2182, %min3A_2184 : vector<16xf32>
    %add3A_2186 = arith.addf %max3A_2181, %min3A_2185 : vector<16xf32>
    %mul3A_2187 = arith.constant 5.000000e-01 : f32
    %mul3A_2188 = vector.broadcast %mul3A_2187 : f32 to vector<16xf32>
    %mul3A_2189 = arith.mulf %add3A_2186, %mul3A_2188 : vector<16xf32>
    %sub3A_2190 = arith.subf %min3A_2185, %max3A_2181 : vector<16xf32>
    %convert_element_type3A_2191 = arith.extui %and3A_2174 : vector<16xi1> to vector<16xi32>
    %convert_element_type3A_2192 = arith.sitofp %convert_element_type3A_2191 : vector<16xi32> to vector<16xf32>
    %mul3A_2193 = arith.mulf %gather3A_2163, %convert_element_type3A_2192 : vector<16xf32>
    tpu.vector_store_idx %arg6[%add3A_2152, %broadcast_in_dim3A_2154], %mul3A_2193 : memref<512x5xf32, #tpu.memory_space<vmem>>[vector<16xi32>, vector<16xi32>], vector<16xf32>,
    %mul3A_2194 = arith.mulf %gather3A_2164, %convert_element_type3A_2192 : vector<16xf32>
    tpu.vector_store_idx %arg6[%add3A_2152, %broadcast_in_dim3A_2156], %mul3A_2194 : memref<512x5xf32, #tpu.memory_space<vmem>>[vector<16xi32>, vector<16xi32>], vector<16xf32>,
    %mul3A_2195 = arith.mulf %mul3A_2189, %convert_element_type3A_2192 : vector<16xf32>
    tpu.vector_store_idx %arg6[%add3A_2152, %broadcast_in_dim3A_2158], %mul3A_2195 : memref<512x5xf32, #tpu.memory_space<vmem>>[vector<16xi32>, vector<16xi32>], vector<16xf32>,
    %mul3A_2196 = arith.mulf %gather3A_2166, %convert_element_type3A_2192 : vector<16xf32>
    tpu.vector_store_idx %arg6[%add3A_2152, %broadcast_in_dim3A_2160], %mul3A_2196 : memref<512x5xf32, #tpu.memory_space<vmem>>[vector<16xi32>, vector<16xi32>], vector<16xf32>,
    %mul3A_2197 = arith.mulf %sub3A_2190, %convert_element_type3A_2192 : vector<16xf32>
    tpu.vector_store_idx %arg6[%add3A_2152, %broadcast_in_dim3A_2162], %mul3A_2197 : memref<512x5xf32, #tpu.memory_space<vmem>>[vector<16xi32>, vector<16xi32>], vector<16xf32>,
    %add3A_2198 = vector.broadcast %mul3A_2 : i32 to vector<16xi32>
    %add3A_2199 = arith.addi %add3A_2152, %add3A_2198 : vector<16xi32>
    %broadcast_in_dim3A_2200 = arith.constant 0 : i32
    %broadcast_in_dim3A_2201 = vector.broadcast %broadcast_in_dim3A_2200 : i32 to vector<16xi32>
    %ge3A_2202 = arith.cmpi sge, %add3A_2199, %gather3A : vector<16xi32>
    %convert_element_type3A_2203 = arith.extui %ge3A_2202 : vector<16xi1> to vector<16xi32>
    %add3A_2204 = arith.addi %broadcast_in_dim3A_2201, %convert_element_type3A_2203 : vector<16xi32>
    %ge3A_2205 = arith.cmpi sge, %add3A_2199, %gather3A_8 : vector<16xi32>
    %convert_element_type3A_2206 = arith.extui %ge3A_2205 : vector<16xi1> to vector<16xi32>
    %add3A_2207 = arith.addi %add3A_2204, %convert_element_type3A_2206 : vector<16xi32>
    %ge3A_2208 = arith.cmpi sge, %add3A_2199, %gather3A_11 : vector<16xi32>
    %convert_element_type3A_2209 = arith.extui %ge3A_2208 : vector<16xi1> to vector<16xi32>
    %add3A_2210 = arith.addi %add3A_2207, %convert_element_type3A_2209 : vector<16xi32>
    %ge3A_2211 = arith.cmpi sge, %add3A_2199, %gather3A_14 : vector<16xi32>
    %convert_element_type3A_2212 = arith.extui %ge3A_2211 : vector<16xi1> to vector<16xi32>
    %add3A_2213 = arith.addi %add3A_2210, %convert_element_type3A_2212 : vector<16xi32>
    %ge3A_2214 = arith.cmpi sge, %add3A_2199, %gather3A_17 : vector<16xi32>
    %convert_element_type3A_2215 = arith.extui %ge3A_2214 : vector<16xi1> to vector<16xi32>
    %add3A_2216 = arith.addi %add3A_2213, %convert_element_type3A_2215 : vector<16xi32>
    %ge3A_2217 = arith.cmpi sge, %add3A_2199, %gather3A_20 : vector<16xi32>
    %convert_element_type3A_2218 = arith.extui %ge3A_2217 : vector<16xi1> to vector<16xi32>
    %add3A_2219 = arith.addi %add3A_2216, %convert_element_type3A_2218 : vector<16xi32>
    %ge3A_2220 = arith.cmpi sge, %add3A_2199, %gather3A_23 : vector<16xi32>
    %convert_element_type3A_2221 = arith.extui %ge3A_2220 : vector<16xi1> to vector<16xi32>
    %add3A_2222 = arith.addi %add3A_2219, %convert_element_type3A_2221 : vector<16xi32>
    %ge3A_2223 = arith.cmpi sge, %add3A_2199, %gather3A_26 : vector<16xi32>
    %convert_element_type3A_2224 = arith.extui %ge3A_2223 : vector<16xi1> to vector<16xi32>
    %add3A_2225 = arith.addi %add3A_2222, %convert_element_type3A_2224 : vector<16xi32>
    tpu.vector_store_idx %arg8[%add3A_2225], %broadcast_in_dim3A_3 masked %and3A_2174 {add = true} : memref<16xi32, #tpu.memory_space<vmem>>[vector<16xi32>], vector<16xi32>, vector<16xi1>
    %add3A_2226 = arith.constant 464 : i32
    %add3A_2227 = vector.broadcast %add3A_2226 : i32 to vector<16xi32>
    %add3A_2228 = arith.addi %iota3A, %add3A_2227 : vector<16xi32>
    %broadcast_in_dim3A_2229 = arith.constant 0 : i32
    %broadcast_in_dim3A_2230 = vector.broadcast %broadcast_in_dim3A_2229 : i32 to vector<16xi32>
    %broadcast_in_dim3A_2231 = arith.constant 1 : i32
    %broadcast_in_dim3A_2232 = vector.broadcast %broadcast_in_dim3A_2231 : i32 to vector<16xi32>
    %broadcast_in_dim3A_2233 = arith.constant 2 : i32
    %broadcast_in_dim3A_2234 = vector.broadcast %broadcast_in_dim3A_2233 : i32 to vector<16xi32>
    %broadcast_in_dim3A_2235 = arith.constant 3 : i32
    %broadcast_in_dim3A_2236 = vector.broadcast %broadcast_in_dim3A_2235 : i32 to vector<16xi32>
    %broadcast_in_dim3A_2237 = arith.constant 4 : i32
    %broadcast_in_dim3A_2238 = vector.broadcast %broadcast_in_dim3A_2237 : i32 to vector<16xi32>
    %gather3A_2239 = tpu.vector_load_idx %arg6[%add3A_2228, %broadcast_in_dim3A_2230] : memref<512x5xf32, #tpu.memory_space<vmem>>[vector<16xi32>, vector<16xi32>], vector<16xf32>,
    %gather3A_2240 = tpu.vector_load_idx %arg6[%add3A_2228, %broadcast_in_dim3A_2232] : memref<512x5xf32, #tpu.memory_space<vmem>>[vector<16xi32>, vector<16xi32>], vector<16xf32>,
    %gather3A_2241 = tpu.vector_load_idx %arg6[%add3A_2228, %broadcast_in_dim3A_2234] : memref<512x5xf32, #tpu.memory_space<vmem>>[vector<16xi32>, vector<16xi32>], vector<16xf32>,
    %gather3A_2242 = tpu.vector_load_idx %arg6[%add3A_2228, %broadcast_in_dim3A_2236] : memref<512x5xf32, #tpu.memory_space<vmem>>[vector<16xi32>, vector<16xi32>], vector<16xf32>,
    %gather3A_2243 = tpu.vector_load_idx %arg6[%add3A_2228, %broadcast_in_dim3A_2238] : memref<512x5xf32, #tpu.memory_space<vmem>>[vector<16xi32>, vector<16xi32>], vector<16xf32>,
    %gt3A_2244 = arith.constant 112.289917 : f32
    %gt3A_2245 = vector.broadcast %gt3A_2244 : f32 to vector<16xf32>
    %gt3A_2246 = arith.cmpf ogt, %gather3A_2241, %gt3A_2245 : vector<16xf32>
    %lt3A_2247 = arith.constant 368.289917 : f32
    %lt3A_2248 = vector.broadcast %lt3A_2247 : f32 to vector<16xf32>
    %lt3A_2249 = arith.cmpf olt, %gather3A_2241, %lt3A_2248 : vector<16xf32>
    %and3A_2250 = arith.andi %gt3A_2246, %lt3A_2249 : vector<16xi1>
    %mul3A_2251 = arith.constant 5.000000e-01 : f32
    %mul3A_2252 = vector.broadcast %mul3A_2251 : f32 to vector<16xf32>
    %mul3A_2253 = arith.mulf %gather3A_2243, %mul3A_2252 : vector<16xf32>
    %sub3A_2254 = arith.subf %gather3A_2241, %mul3A_2253 : vector<16xf32>
    %max3A_2255 = arith.constant 112.289917 : f32
    %max3A_2256 = vector.broadcast %max3A_2255 : f32 to vector<16xf32>
    %max3A_2257 = arith.maximumf %sub3A_2254, %max3A_2256 : vector<16xf32>
    %add3A_2258 = arith.addf %gather3A_2241, %mul3A_2253 : vector<16xf32>
    %min3A_2259 = arith.constant 368.289917 : f32
    %min3A_2260 = vector.broadcast %min3A_2259 : f32 to vector<16xf32>
    %min3A_2261 = arith.minimumf %add3A_2258, %min3A_2260 : vector<16xf32>
    %add3A_2262 = arith.addf %max3A_2257, %min3A_2261 : vector<16xf32>
    %mul3A_2263 = arith.constant 5.000000e-01 : f32
    %mul3A_2264 = vector.broadcast %mul3A_2263 : f32 to vector<16xf32>
    %mul3A_2265 = arith.mulf %add3A_2262, %mul3A_2264 : vector<16xf32>
    %sub3A_2266 = arith.subf %min3A_2261, %max3A_2257 : vector<16xf32>
    %convert_element_type3A_2267 = arith.extui %and3A_2250 : vector<16xi1> to vector<16xi32>
    %convert_element_type3A_2268 = arith.sitofp %convert_element_type3A_2267 : vector<16xi32> to vector<16xf32>
    %mul3A_2269 = arith.mulf %gather3A_2239, %convert_element_type3A_2268 : vector<16xf32>
    tpu.vector_store_idx %arg6[%add3A_2228, %broadcast_in_dim3A_2230], %mul3A_2269 : memref<512x5xf32, #tpu.memory_space<vmem>>[vector<16xi32>, vector<16xi32>], vector<16xf32>,
    %mul3A_2270 = arith.mulf %gather3A_2240, %convert_element_type3A_2268 : vector<16xf32>
    tpu.vector_store_idx %arg6[%add3A_2228, %broadcast_in_dim3A_2232], %mul3A_2270 : memref<512x5xf32, #tpu.memory_space<vmem>>[vector<16xi32>, vector<16xi32>], vector<16xf32>,
    %mul3A_2271 = arith.mulf %mul3A_2265, %convert_element_type3A_2268 : vector<16xf32>
    tpu.vector_store_idx %arg6[%add3A_2228, %broadcast_in_dim3A_2234], %mul3A_2271 : memref<512x5xf32, #tpu.memory_space<vmem>>[vector<16xi32>, vector<16xi32>], vector<16xf32>,
    %mul3A_2272 = arith.mulf %gather3A_2242, %convert_element_type3A_2268 : vector<16xf32>
    tpu.vector_store_idx %arg6[%add3A_2228, %broadcast_in_dim3A_2236], %mul3A_2272 : memref<512x5xf32, #tpu.memory_space<vmem>>[vector<16xi32>, vector<16xi32>], vector<16xf32>,
    %mul3A_2273 = arith.mulf %sub3A_2266, %convert_element_type3A_2268 : vector<16xf32>
    tpu.vector_store_idx %arg6[%add3A_2228, %broadcast_in_dim3A_2238], %mul3A_2273 : memref<512x5xf32, #tpu.memory_space<vmem>>[vector<16xi32>, vector<16xi32>], vector<16xf32>,
    %add3A_2274 = vector.broadcast %mul3A_2 : i32 to vector<16xi32>
    %add3A_2275 = arith.addi %add3A_2228, %add3A_2274 : vector<16xi32>
    %broadcast_in_dim3A_2276 = arith.constant 0 : i32
    %broadcast_in_dim3A_2277 = vector.broadcast %broadcast_in_dim3A_2276 : i32 to vector<16xi32>
    %ge3A_2278 = arith.cmpi sge, %add3A_2275, %gather3A : vector<16xi32>
    %convert_element_type3A_2279 = arith.extui %ge3A_2278 : vector<16xi1> to vector<16xi32>
    %add3A_2280 = arith.addi %broadcast_in_dim3A_2277, %convert_element_type3A_2279 : vector<16xi32>
    %ge3A_2281 = arith.cmpi sge, %add3A_2275, %gather3A_8 : vector<16xi32>
    %convert_element_type3A_2282 = arith.extui %ge3A_2281 : vector<16xi1> to vector<16xi32>
    %add3A_2283 = arith.addi %add3A_2280, %convert_element_type3A_2282 : vector<16xi32>
    %ge3A_2284 = arith.cmpi sge, %add3A_2275, %gather3A_11 : vector<16xi32>
    %convert_element_type3A_2285 = arith.extui %ge3A_2284 : vector<16xi1> to vector<16xi32>
    %add3A_2286 = arith.addi %add3A_2283, %convert_element_type3A_2285 : vector<16xi32>
    %ge3A_2287 = arith.cmpi sge, %add3A_2275, %gather3A_14 : vector<16xi32>
    %convert_element_type3A_2288 = arith.extui %ge3A_2287 : vector<16xi1> to vector<16xi32>
    %add3A_2289 = arith.addi %add3A_2286, %convert_element_type3A_2288 : vector<16xi32>
    %ge3A_2290 = arith.cmpi sge, %add3A_2275, %gather3A_17 : vector<16xi32>
    %convert_element_type3A_2291 = arith.extui %ge3A_2290 : vector<16xi1> to vector<16xi32>
    %add3A_2292 = arith.addi %add3A_2289, %convert_element_type3A_2291 : vector<16xi32>
    %ge3A_2293 = arith.cmpi sge, %add3A_2275, %gather3A_20 : vector<16xi32>
    %convert_element_type3A_2294 = arith.extui %ge3A_2293 : vector<16xi1> to vector<16xi32>
    %add3A_2295 = arith.addi %add3A_2292, %convert_element_type3A_2294 : vector<16xi32>
    %ge3A_2296 = arith.cmpi sge, %add3A_2275, %gather3A_23 : vector<16xi32>
    %convert_element_type3A_2297 = arith.extui %ge3A_2296 : vector<16xi1> to vector<16xi32>
    %add3A_2298 = arith.addi %add3A_2295, %convert_element_type3A_2297 : vector<16xi32>
    %ge3A_2299 = arith.cmpi sge, %add3A_2275, %gather3A_26 : vector<16xi32>
    %convert_element_type3A_2300 = arith.extui %ge3A_2299 : vector<16xi1> to vector<16xi32>
    %add3A_2301 = arith.addi %add3A_2298, %convert_element_type3A_2300 : vector<16xi32>
    tpu.vector_store_idx %arg8[%add3A_2301], %broadcast_in_dim3A_3 masked %and3A_2250 {add = true} : memref<16xi32, #tpu.memory_space<vmem>>[vector<16xi32>], vector<16xi32>, vector<16xi1>
    %add3A_2302 = arith.constant 480 : i32
    %add3A_2303 = vector.broadcast %add3A_2302 : i32 to vector<16xi32>
    %add3A_2304 = arith.addi %iota3A, %add3A_2303 : vector<16xi32>
    %broadcast_in_dim3A_2305 = arith.constant 0 : i32
    %broadcast_in_dim3A_2306 = vector.broadcast %broadcast_in_dim3A_2305 : i32 to vector<16xi32>
    %broadcast_in_dim3A_2307 = arith.constant 1 : i32
    %broadcast_in_dim3A_2308 = vector.broadcast %broadcast_in_dim3A_2307 : i32 to vector<16xi32>
    %broadcast_in_dim3A_2309 = arith.constant 2 : i32
    %broadcast_in_dim3A_2310 = vector.broadcast %broadcast_in_dim3A_2309 : i32 to vector<16xi32>
    %broadcast_in_dim3A_2311 = arith.constant 3 : i32
    %broadcast_in_dim3A_2312 = vector.broadcast %broadcast_in_dim3A_2311 : i32 to vector<16xi32>
    %broadcast_in_dim3A_2313 = arith.constant 4 : i32
    %broadcast_in_dim3A_2314 = vector.broadcast %broadcast_in_dim3A_2313 : i32 to vector<16xi32>
    %gather3A_2315 = tpu.vector_load_idx %arg6[%add3A_2304, %broadcast_in_dim3A_2306] : memref<512x5xf32, #tpu.memory_space<vmem>>[vector<16xi32>, vector<16xi32>], vector<16xf32>,
    %gather3A_2316 = tpu.vector_load_idx %arg6[%add3A_2304, %broadcast_in_dim3A_2308] : memref<512x5xf32, #tpu.memory_space<vmem>>[vector<16xi32>, vector<16xi32>], vector<16xf32>,
    %gather3A_2317 = tpu.vector_load_idx %arg6[%add3A_2304, %broadcast_in_dim3A_2310] : memref<512x5xf32, #tpu.memory_space<vmem>>[vector<16xi32>, vector<16xi32>], vector<16xf32>,
    %gather3A_2318 = tpu.vector_load_idx %arg6[%add3A_2304, %broadcast_in_dim3A_2312] : memref<512x5xf32, #tpu.memory_space<vmem>>[vector<16xi32>, vector<16xi32>], vector<16xf32>,
    %gather3A_2319 = tpu.vector_load_idx %arg6[%add3A_2304, %broadcast_in_dim3A_2314] : memref<512x5xf32, #tpu.memory_space<vmem>>[vector<16xi32>, vector<16xi32>], vector<16xf32>,
    %gt3A_2320 = arith.constant 112.289917 : f32
    %gt3A_2321 = vector.broadcast %gt3A_2320 : f32 to vector<16xf32>
    %gt3A_2322 = arith.cmpf ogt, %gather3A_2317, %gt3A_2321 : vector<16xf32>
    %lt3A_2323 = arith.constant 368.289917 : f32
    %lt3A_2324 = vector.broadcast %lt3A_2323 : f32 to vector<16xf32>
    %lt3A_2325 = arith.cmpf olt, %gather3A_2317, %lt3A_2324 : vector<16xf32>
    %and3A_2326 = arith.andi %gt3A_2322, %lt3A_2325 : vector<16xi1>
    %mul3A_2327 = arith.constant 5.000000e-01 : f32
    %mul3A_2328 = vector.broadcast %mul3A_2327 : f32 to vector<16xf32>
    %mul3A_2329 = arith.mulf %gather3A_2319, %mul3A_2328 : vector<16xf32>
    %sub3A_2330 = arith.subf %gather3A_2317, %mul3A_2329 : vector<16xf32>
    %max3A_2331 = arith.constant 112.289917 : f32
    %max3A_2332 = vector.broadcast %max3A_2331 : f32 to vector<16xf32>
    %max3A_2333 = arith.maximumf %sub3A_2330, %max3A_2332 : vector<16xf32>
    %add3A_2334 = arith.addf %gather3A_2317, %mul3A_2329 : vector<16xf32>
    %min3A_2335 = arith.constant 368.289917 : f32
    %min3A_2336 = vector.broadcast %min3A_2335 : f32 to vector<16xf32>
    %min3A_2337 = arith.minimumf %add3A_2334, %min3A_2336 : vector<16xf32>
    %add3A_2338 = arith.addf %max3A_2333, %min3A_2337 : vector<16xf32>
    %mul3A_2339 = arith.constant 5.000000e-01 : f32
    %mul3A_2340 = vector.broadcast %mul3A_2339 : f32 to vector<16xf32>
    %mul3A_2341 = arith.mulf %add3A_2338, %mul3A_2340 : vector<16xf32>
    %sub3A_2342 = arith.subf %min3A_2337, %max3A_2333 : vector<16xf32>
    %convert_element_type3A_2343 = arith.extui %and3A_2326 : vector<16xi1> to vector<16xi32>
    %convert_element_type3A_2344 = arith.sitofp %convert_element_type3A_2343 : vector<16xi32> to vector<16xf32>
    %mul3A_2345 = arith.mulf %gather3A_2315, %convert_element_type3A_2344 : vector<16xf32>
    tpu.vector_store_idx %arg6[%add3A_2304, %broadcast_in_dim3A_2306], %mul3A_2345 : memref<512x5xf32, #tpu.memory_space<vmem>>[vector<16xi32>, vector<16xi32>], vector<16xf32>,
    %mul3A_2346 = arith.mulf %gather3A_2316, %convert_element_type3A_2344 : vector<16xf32>
    tpu.vector_store_idx %arg6[%add3A_2304, %broadcast_in_dim3A_2308], %mul3A_2346 : memref<512x5xf32, #tpu.memory_space<vmem>>[vector<16xi32>, vector<16xi32>], vector<16xf32>,
    %mul3A_2347 = arith.mulf %mul3A_2341, %convert_element_type3A_2344 : vector<16xf32>
    tpu.vector_store_idx %arg6[%add3A_2304, %broadcast_in_dim3A_2310], %mul3A_2347 : memref<512x5xf32, #tpu.memory_space<vmem>>[vector<16xi32>, vector<16xi32>], vector<16xf32>,
    %mul3A_2348 = arith.mulf %gather3A_2318, %convert_element_type3A_2344 : vector<16xf32>
    tpu.vector_store_idx %arg6[%add3A_2304, %broadcast_in_dim3A_2312], %mul3A_2348 : memref<512x5xf32, #tpu.memory_space<vmem>>[vector<16xi32>, vector<16xi32>], vector<16xf32>,
    %mul3A_2349 = arith.mulf %sub3A_2342, %convert_element_type3A_2344 : vector<16xf32>
    tpu.vector_store_idx %arg6[%add3A_2304, %broadcast_in_dim3A_2314], %mul3A_2349 : memref<512x5xf32, #tpu.memory_space<vmem>>[vector<16xi32>, vector<16xi32>], vector<16xf32>,
    %add3A_2350 = vector.broadcast %mul3A_2 : i32 to vector<16xi32>
    %add3A_2351 = arith.addi %add3A_2304, %add3A_2350 : vector<16xi32>
    %broadcast_in_dim3A_2352 = arith.constant 0 : i32
    %broadcast_in_dim3A_2353 = vector.broadcast %broadcast_in_dim3A_2352 : i32 to vector<16xi32>
    %ge3A_2354 = arith.cmpi sge, %add3A_2351, %gather3A : vector<16xi32>
    %convert_element_type3A_2355 = arith.extui %ge3A_2354 : vector<16xi1> to vector<16xi32>
    %add3A_2356 = arith.addi %broadcast_in_dim3A_2353, %convert_element_type3A_2355 : vector<16xi32>
    %ge3A_2357 = arith.cmpi sge, %add3A_2351, %gather3A_8 : vector<16xi32>
    %convert_element_type3A_2358 = arith.extui %ge3A_2357 : vector<16xi1> to vector<16xi32>
    %add3A_2359 = arith.addi %add3A_2356, %convert_element_type3A_2358 : vector<16xi32>
    %ge3A_2360 = arith.cmpi sge, %add3A_2351, %gather3A_11 : vector<16xi32>
    %convert_element_type3A_2361 = arith.extui %ge3A_2360 : vector<16xi1> to vector<16xi32>
    %add3A_2362 = arith.addi %add3A_2359, %convert_element_type3A_2361 : vector<16xi32>
    %ge3A_2363 = arith.cmpi sge, %add3A_2351, %gather3A_14 : vector<16xi32>
    %convert_element_type3A_2364 = arith.extui %ge3A_2363 : vector<16xi1> to vector<16xi32>
    %add3A_2365 = arith.addi %add3A_2362, %convert_element_type3A_2364 : vector<16xi32>
    %ge3A_2366 = arith.cmpi sge, %add3A_2351, %gather3A_17 : vector<16xi32>
    %convert_element_type3A_2367 = arith.extui %ge3A_2366 : vector<16xi1> to vector<16xi32>
    %add3A_2368 = arith.addi %add3A_2365, %convert_element_type3A_2367 : vector<16xi32>
    %ge3A_2369 = arith.cmpi sge, %add3A_2351, %gather3A_20 : vector<16xi32>
    %convert_element_type3A_2370 = arith.extui %ge3A_2369 : vector<16xi1> to vector<16xi32>
    %add3A_2371 = arith.addi %add3A_2368, %convert_element_type3A_2370 : vector<16xi32>
    %ge3A_2372 = arith.cmpi sge, %add3A_2351, %gather3A_23 : vector<16xi32>
    %convert_element_type3A_2373 = arith.extui %ge3A_2372 : vector<16xi1> to vector<16xi32>
    %add3A_2374 = arith.addi %add3A_2371, %convert_element_type3A_2373 : vector<16xi32>
    %ge3A_2375 = arith.cmpi sge, %add3A_2351, %gather3A_26 : vector<16xi32>
    %convert_element_type3A_2376 = arith.extui %ge3A_2375 : vector<16xi1> to vector<16xi32>
    %add3A_2377 = arith.addi %add3A_2374, %convert_element_type3A_2376 : vector<16xi32>
    tpu.vector_store_idx %arg8[%add3A_2377], %broadcast_in_dim3A_3 masked %and3A_2326 {add = true} : memref<16xi32, #tpu.memory_space<vmem>>[vector<16xi32>], vector<16xi32>, vector<16xi1>
    %add3A_2378 = arith.constant 496 : i32
    %add3A_2379 = vector.broadcast %add3A_2378 : i32 to vector<16xi32>
    %add3A_2380 = arith.addi %iota3A, %add3A_2379 : vector<16xi32>
    %broadcast_in_dim3A_2381 = arith.constant 0 : i32
    %broadcast_in_dim3A_2382 = vector.broadcast %broadcast_in_dim3A_2381 : i32 to vector<16xi32>
    %broadcast_in_dim3A_2383 = arith.constant 1 : i32
    %broadcast_in_dim3A_2384 = vector.broadcast %broadcast_in_dim3A_2383 : i32 to vector<16xi32>
    %broadcast_in_dim3A_2385 = arith.constant 2 : i32
    %broadcast_in_dim3A_2386 = vector.broadcast %broadcast_in_dim3A_2385 : i32 to vector<16xi32>
    %broadcast_in_dim3A_2387 = arith.constant 3 : i32
    %broadcast_in_dim3A_2388 = vector.broadcast %broadcast_in_dim3A_2387 : i32 to vector<16xi32>
    %broadcast_in_dim3A_2389 = arith.constant 4 : i32
    %broadcast_in_dim3A_2390 = vector.broadcast %broadcast_in_dim3A_2389 : i32 to vector<16xi32>
    %gather3A_2391 = tpu.vector_load_idx %arg6[%add3A_2380, %broadcast_in_dim3A_2382] : memref<512x5xf32, #tpu.memory_space<vmem>>[vector<16xi32>, vector<16xi32>], vector<16xf32>,
    %gather3A_2392 = tpu.vector_load_idx %arg6[%add3A_2380, %broadcast_in_dim3A_2384] : memref<512x5xf32, #tpu.memory_space<vmem>>[vector<16xi32>, vector<16xi32>], vector<16xf32>,
    %gather3A_2393 = tpu.vector_load_idx %arg6[%add3A_2380, %broadcast_in_dim3A_2386] : memref<512x5xf32, #tpu.memory_space<vmem>>[vector<16xi32>, vector<16xi32>], vector<16xf32>,
    %gather3A_2394 = tpu.vector_load_idx %arg6[%add3A_2380, %broadcast_in_dim3A_2388] : memref<512x5xf32, #tpu.memory_space<vmem>>[vector<16xi32>, vector<16xi32>], vector<16xf32>,
    %gather3A_2395 = tpu.vector_load_idx %arg6[%add3A_2380, %broadcast_in_dim3A_2390] : memref<512x5xf32, #tpu.memory_space<vmem>>[vector<16xi32>, vector<16xi32>], vector<16xf32>,
    %gt3A_2396 = arith.constant 112.289917 : f32
    %gt3A_2397 = vector.broadcast %gt3A_2396 : f32 to vector<16xf32>
    %gt3A_2398 = arith.cmpf ogt, %gather3A_2393, %gt3A_2397 : vector<16xf32>
    %lt3A_2399 = arith.constant 368.289917 : f32
    %lt3A_2400 = vector.broadcast %lt3A_2399 : f32 to vector<16xf32>
    %lt3A_2401 = arith.cmpf olt, %gather3A_2393, %lt3A_2400 : vector<16xf32>
    %and3A_2402 = arith.andi %gt3A_2398, %lt3A_2401 : vector<16xi1>
    %mul3A_2403 = arith.constant 5.000000e-01 : f32
    %mul3A_2404 = vector.broadcast %mul3A_2403 : f32 to vector<16xf32>
    %mul3A_2405 = arith.mulf %gather3A_2395, %mul3A_2404 : vector<16xf32>
    %sub3A_2406 = arith.subf %gather3A_2393, %mul3A_2405 : vector<16xf32>
    %max3A_2407 = arith.constant 112.289917 : f32
    %max3A_2408 = vector.broadcast %max3A_2407 : f32 to vector<16xf32>
    %max3A_2409 = arith.maximumf %sub3A_2406, %max3A_2408 : vector<16xf32>
    %add3A_2410 = arith.addf %gather3A_2393, %mul3A_2405 : vector<16xf32>
    %min3A_2411 = arith.constant 368.289917 : f32
    %min3A_2412 = vector.broadcast %min3A_2411 : f32 to vector<16xf32>
    %min3A_2413 = arith.minimumf %add3A_2410, %min3A_2412 : vector<16xf32>
    %add3A_2414 = arith.addf %max3A_2409, %min3A_2413 : vector<16xf32>
    %mul3A_2415 = arith.constant 5.000000e-01 : f32
    %mul3A_2416 = vector.broadcast %mul3A_2415 : f32 to vector<16xf32>
    %mul3A_2417 = arith.mulf %add3A_2414, %mul3A_2416 : vector<16xf32>
    %sub3A_2418 = arith.subf %min3A_2413, %max3A_2409 : vector<16xf32>
    %convert_element_type3A_2419 = arith.extui %and3A_2402 : vector<16xi1> to vector<16xi32>
    %convert_element_type3A_2420 = arith.sitofp %convert_element_type3A_2419 : vector<16xi32> to vector<16xf32>
    %mul3A_2421 = arith.mulf %gather3A_2391, %convert_element_type3A_2420 : vector<16xf32>
    tpu.vector_store_idx %arg6[%add3A_2380, %broadcast_in_dim3A_2382], %mul3A_2421 : memref<512x5xf32, #tpu.memory_space<vmem>>[vector<16xi32>, vector<16xi32>], vector<16xf32>,
    %mul3A_2422 = arith.mulf %gather3A_2392, %convert_element_type3A_2420 : vector<16xf32>
    tpu.vector_store_idx %arg6[%add3A_2380, %broadcast_in_dim3A_2384], %mul3A_2422 : memref<512x5xf32, #tpu.memory_space<vmem>>[vector<16xi32>, vector<16xi32>], vector<16xf32>,
    %mul3A_2423 = arith.mulf %mul3A_2417, %convert_element_type3A_2420 : vector<16xf32>
    tpu.vector_store_idx %arg6[%add3A_2380, %broadcast_in_dim3A_2386], %mul3A_2423 : memref<512x5xf32, #tpu.memory_space<vmem>>[vector<16xi32>, vector<16xi32>], vector<16xf32>,
    %mul3A_2424 = arith.mulf %gather3A_2394, %convert_element_type3A_2420 : vector<16xf32>
    tpu.vector_store_idx %arg6[%add3A_2380, %broadcast_in_dim3A_2388], %mul3A_2424 : memref<512x5xf32, #tpu.memory_space<vmem>>[vector<16xi32>, vector<16xi32>], vector<16xf32>,
    %mul3A_2425 = arith.mulf %sub3A_2418, %convert_element_type3A_2420 : vector<16xf32>
    tpu.vector_store_idx %arg6[%add3A_2380, %broadcast_in_dim3A_2390], %mul3A_2425 : memref<512x5xf32, #tpu.memory_space<vmem>>[vector<16xi32>, vector<16xi32>], vector<16xf32>,
    %add3A_2426 = vector.broadcast %mul3A_2 : i32 to vector<16xi32>
    %add3A_2427 = arith.addi %add3A_2380, %add3A_2426 : vector<16xi32>
    %broadcast_in_dim3A_2428 = arith.constant 0 : i32
    %broadcast_in_dim3A_2429 = vector.broadcast %broadcast_in_dim3A_2428 : i32 to vector<16xi32>
    %ge3A_2430 = arith.cmpi sge, %add3A_2427, %gather3A : vector<16xi32>
    %convert_element_type3A_2431 = arith.extui %ge3A_2430 : vector<16xi1> to vector<16xi32>
    %add3A_2432 = arith.addi %broadcast_in_dim3A_2429, %convert_element_type3A_2431 : vector<16xi32>
    %ge3A_2433 = arith.cmpi sge, %add3A_2427, %gather3A_8 : vector<16xi32>
    %convert_element_type3A_2434 = arith.extui %ge3A_2433 : vector<16xi1> to vector<16xi32>
    %add3A_2435 = arith.addi %add3A_2432, %convert_element_type3A_2434 : vector<16xi32>
    %ge3A_2436 = arith.cmpi sge, %add3A_2427, %gather3A_11 : vector<16xi32>
    %convert_element_type3A_2437 = arith.extui %ge3A_2436 : vector<16xi1> to vector<16xi32>
    %add3A_2438 = arith.addi %add3A_2435, %convert_element_type3A_2437 : vector<16xi32>
    %ge3A_2439 = arith.cmpi sge, %add3A_2427, %gather3A_14 : vector<16xi32>
    %convert_element_type3A_2440 = arith.extui %ge3A_2439 : vector<16xi1> to vector<16xi32>
    %add3A_2441 = arith.addi %add3A_2438, %convert_element_type3A_2440 : vector<16xi32>
    %ge3A_2442 = arith.cmpi sge, %add3A_2427, %gather3A_17 : vector<16xi32>
    %convert_element_type3A_2443 = arith.extui %ge3A_2442 : vector<16xi1> to vector<16xi32>
    %add3A_2444 = arith.addi %add3A_2441, %convert_element_type3A_2443 : vector<16xi32>
    %ge3A_2445 = arith.cmpi sge, %add3A_2427, %gather3A_20 : vector<16xi32>
    %convert_element_type3A_2446 = arith.extui %ge3A_2445 : vector<16xi1> to vector<16xi32>
    %add3A_2447 = arith.addi %add3A_2444, %convert_element_type3A_2446 : vector<16xi32>
    %ge3A_2448 = arith.cmpi sge, %add3A_2427, %gather3A_23 : vector<16xi32>
    %convert_element_type3A_2449 = arith.extui %ge3A_2448 : vector<16xi1> to vector<16xi32>
    %add3A_2450 = arith.addi %add3A_2447, %convert_element_type3A_2449 : vector<16xi32>
    %ge3A_2451 = arith.cmpi sge, %add3A_2427, %gather3A_26 : vector<16xi32>
    %convert_element_type3A_2452 = arith.extui %ge3A_2451 : vector<16xi1> to vector<16xi32>
    %add3A_2453 = arith.addi %add3A_2450, %convert_element_type3A_2452 : vector<16xi32>
    tpu.vector_store_idx %arg8[%add3A_2453], %broadcast_in_dim3A_3 masked %and3A_2402 {add = true} : memref<16xi32, #tpu.memory_space<vmem>>[vector<16xi32>], vector<16xi32>, vector<16xi1>
    "tpu.region"() ({
      %run_scoped3A = tpu.sem_alloc : memref<!tpu.dma_semaphore, #tpu.memory_space<semaphore_mem>>
      %dma_start3A = arith.constant 0 : i32
      %dma_start3A_2454 = tpu.memref_slice %arg4[%mul3A_2, %dma_start3A] : memref<8192x5xf32, #tpu.memory_space<hbm>> -> memref<512x5xf32, #tpu.memory_space<hbm>>
      %dma_start3A_2455 = arith.constant 0 : i32
      %dma_start3A_2456 = tpu.memref_slice %arg4[%mul3A_2, %dma_start3A_2455] : memref<8192x5xf32, #tpu.memory_space<hbm>> -> memref<512x5xf32, #tpu.memory_space<hbm>>
      tpu.enqueue_dma source(%arg6 : memref<512x5xf32, #tpu.memory_space<vmem>>) target(%dma_start3A_2456 : memref<512x5xf32, #tpu.memory_space<hbm>>) target_semaphore(%run_scoped3A : memref<!tpu.dma_semaphore, #tpu.memory_space<semaphore_mem>>)
      %dma_wait3A = arith.constant 0 : i32
      %dma_wait3A_2457 = tpu.memref_slice %arg4[%mul3A_2, %dma_wait3A] : memref<8192x5xf32, #tpu.memory_space<hbm>> -> memref<512x5xf32, #tpu.memory_space<hbm>>
      %dma_wait3A_2458 = arith.constant 0 : i32
      %dma_wait3A_2459 = tpu.memref_slice %arg4[%mul3A_2, %dma_wait3A_2458] : memref<8192x5xf32, #tpu.memory_space<hbm>> -> memref<512x5xf32, #tpu.memory_space<hbm>>
      tpu.wait_dma2 semaphore(%run_scoped3A : memref<!tpu.dma_semaphore, #tpu.memory_space<semaphore_mem>>) src(%arg6 : memref<512x5xf32, #tpu.memory_space<vmem>>) dst(%dma_wait3A_2459 : memref<512x5xf32, #tpu.memory_space<hbm>>)
      tpu.yield
    }) : () -> ()
    "tpu.region"() ({
      %run_scoped3A = tpu.sem_alloc : memref<!tpu.dma_semaphore, #tpu.memory_space<semaphore_mem>>
      %dma_start3A = arith.constant 0 : i32
      %dma_start3A_2454 = tpu.memref_slice %arg5[%add3A, %dma_start3A] : memref<16x16xi32, #tpu.memory_space<hbm>> -> memref<1x16xi32, #tpu.memory_space<hbm>>
      %dma_start3A_2455 = tpu.memref_squeeze %dma_start3A_2454 : memref<1x16xi32, #tpu.memory_space<hbm>> -> memref<16xi32, #tpu.memory_space<hbm>>
      %dma_start3A_2456 = arith.constant 0 : i32
      %dma_start3A_2457 = tpu.memref_slice %arg5[%add3A, %dma_start3A_2456] : memref<16x16xi32, #tpu.memory_space<hbm>> -> memref<1x16xi32, #tpu.memory_space<hbm>>
      %dma_start3A_2458 = tpu.memref_squeeze %dma_start3A_2457 : memref<1x16xi32, #tpu.memory_space<hbm>> -> memref<16xi32, #tpu.memory_space<hbm>>
      tpu.enqueue_dma source(%arg8 : memref<16xi32, #tpu.memory_space<vmem>>) target(%dma_start3A_2458 : memref<16xi32, #tpu.memory_space<hbm>>) target_semaphore(%run_scoped3A : memref<!tpu.dma_semaphore, #tpu.memory_space<semaphore_mem>>)
      %dma_wait3A = arith.constant 0 : i32
      %dma_wait3A_2459 = tpu.memref_slice %arg5[%add3A, %dma_wait3A] : memref<16x16xi32, #tpu.memory_space<hbm>> -> memref<1x16xi32, #tpu.memory_space<hbm>>
      %dma_wait3A_2460 = tpu.memref_squeeze %dma_wait3A_2459 : memref<1x16xi32, #tpu.memory_space<hbm>> -> memref<16xi32, #tpu.memory_space<hbm>>
      %dma_wait3A_2461 = arith.constant 0 : i32
      %dma_wait3A_2462 = tpu.memref_slice %arg5[%add3A, %dma_wait3A_2461] : memref<16x16xi32, #tpu.memory_space<hbm>> -> memref<1x16xi32, #tpu.memory_space<hbm>>
      %dma_wait3A_2463 = tpu.memref_squeeze %dma_wait3A_2462 : memref<1x16xi32, #tpu.memory_space<hbm>> -> memref<16xi32, #tpu.memory_space<hbm>>
      tpu.wait_dma2 semaphore(%run_scoped3A : memref<!tpu.dma_semaphore, #tpu.memory_space<semaphore_mem>>) src(%arg8 : memref<16xi32, #tpu.memory_space<vmem>>) dst(%dma_wait3A_2463 : memref<16xi32, #tpu.memory_space<hbm>>)
      tpu.yield
    }) : () -> ()
    return
  }
}

module attributes {stable_mosaic.version = 14 : i64} {
  func.func @body(%arg0: memref<8x3x512x512xf32, #tpu.memory_space<hbm>>, %arg1: memref<8x3x256x512xf32, #tpu.memory_space<hbm>>, %arg2: memref<8x256x512xf32, #tpu.memory_space<vmem>>, %arg3: memref<8x!tpu.dma_semaphore, #tpu.memory_space<semaphore_mem>>, %arg4: memref<8x!tpu.dma_semaphore, #tpu.memory_space<semaphore_mem>>) attributes {dimension_semantics = [], scalar_prefetch = 0 : i64, scratch_operands = 3 : i64, tpu.core_type = #tpu.core_type<tc>} {
    %dma_start3A = arith.constant 0 : i32
    %dma_start3A_0 = arith.constant 0 : i32
    %dma_start3A_1 = arith.constant 0 : i32
    %dma_start3A_2 = arith.constant 0 : i32
    %dma_start3A_3 = tpu.memref_slice %arg3[%dma_start3A_2] : memref<8x!tpu.dma_semaphore, #tpu.memory_space<semaphore_mem>> -> memref<1x!tpu.dma_semaphore, #tpu.memory_space<semaphore_mem>>
    %dma_start3A_4 = tpu.memref_squeeze %dma_start3A_3 : memref<1x!tpu.dma_semaphore, #tpu.memory_space<semaphore_mem>> -> memref<!tpu.dma_semaphore, #tpu.memory_space<semaphore_mem>>
    %dma_start3A_5 = arith.constant 0 : i32
    %dma_start3A_6 = arith.constant 0 : i32
    %dma_start3A_7 = tpu.memref_slice %arg2[%dma_start3A_1, %dma_start3A_5, %dma_start3A_6] : memref<8x256x512xf32, #tpu.memory_space<vmem>> -> memref<1x256x512xf32, #tpu.memory_space<vmem>>
    %dma_start3A_8 = tpu.memref_squeeze %dma_start3A_7 : memref<1x256x512xf32, #tpu.memory_space<vmem>> -> memref<256x512xf32, #tpu.memory_space<vmem>>
    %dma_start3A_9 = arith.constant 112 : i32
    %dma_start3A_10 = arith.constant 0 : i32
    %dma_start3A_11 = tpu.memref_slice %arg0[%dma_start3A, %dma_start3A_0, %dma_start3A_9, %dma_start3A_10] : memref<8x3x512x512xf32, #tpu.memory_space<hbm>> -> memref<1x1x256x512xf32, #tpu.memory_space<hbm>>
    %dma_start3A_12 = tpu.memref_squeeze %dma_start3A_11 : memref<1x1x256x512xf32, #tpu.memory_space<hbm>> -> memref<256x512xf32, #tpu.memory_space<hbm>>
    tpu.enqueue_dma source(%dma_start3A_12 : memref<256x512xf32, #tpu.memory_space<hbm>>) target(%dma_start3A_8 : memref<256x512xf32, #tpu.memory_space<vmem>>) target_semaphore(%dma_start3A_4 : memref<!tpu.dma_semaphore, #tpu.memory_space<semaphore_mem>>)
    %dma_start3A_13 = arith.constant 0 : i32
    %dma_start3A_14 = arith.constant 1 : i32
    %dma_start3A_15 = arith.constant 1 : i32
    %dma_start3A_16 = arith.constant 1 : i32
    %dma_start3A_17 = tpu.memref_slice %arg3[%dma_start3A_16] : memref<8x!tpu.dma_semaphore, #tpu.memory_space<semaphore_mem>> -> memref<1x!tpu.dma_semaphore, #tpu.memory_space<semaphore_mem>>
    %dma_start3A_18 = tpu.memref_squeeze %dma_start3A_17 : memref<1x!tpu.dma_semaphore, #tpu.memory_space<semaphore_mem>> -> memref<!tpu.dma_semaphore, #tpu.memory_space<semaphore_mem>>
    %dma_start3A_19 = arith.constant 0 : i32
    %dma_start3A_20 = arith.constant 0 : i32
    %dma_start3A_21 = tpu.memref_slice %arg2[%dma_start3A_15, %dma_start3A_19, %dma_start3A_20] : memref<8x256x512xf32, #tpu.memory_space<vmem>> -> memref<1x256x512xf32, #tpu.memory_space<vmem>>
    %dma_start3A_22 = tpu.memref_squeeze %dma_start3A_21 : memref<1x256x512xf32, #tpu.memory_space<vmem>> -> memref<256x512xf32, #tpu.memory_space<vmem>>
    %dma_start3A_23 = arith.constant 112 : i32
    %dma_start3A_24 = arith.constant 0 : i32
    %dma_start3A_25 = tpu.memref_slice %arg0[%dma_start3A_13, %dma_start3A_14, %dma_start3A_23, %dma_start3A_24] : memref<8x3x512x512xf32, #tpu.memory_space<hbm>> -> memref<1x1x256x512xf32, #tpu.memory_space<hbm>>
    %dma_start3A_26 = tpu.memref_squeeze %dma_start3A_25 : memref<1x1x256x512xf32, #tpu.memory_space<hbm>> -> memref<256x512xf32, #tpu.memory_space<hbm>>
    tpu.enqueue_dma source(%dma_start3A_26 : memref<256x512xf32, #tpu.memory_space<hbm>>) target(%dma_start3A_22 : memref<256x512xf32, #tpu.memory_space<vmem>>) target_semaphore(%dma_start3A_18 : memref<!tpu.dma_semaphore, #tpu.memory_space<semaphore_mem>>)
    %dma_start3A_27 = arith.constant 0 : i32
    %dma_start3A_28 = arith.constant 2 : i32
    %dma_start3A_29 = arith.constant 2 : i32
    %dma_start3A_30 = arith.constant 2 : i32
    %dma_start3A_31 = tpu.memref_slice %arg3[%dma_start3A_30] : memref<8x!tpu.dma_semaphore, #tpu.memory_space<semaphore_mem>> -> memref<1x!tpu.dma_semaphore, #tpu.memory_space<semaphore_mem>>
    %dma_start3A_32 = tpu.memref_squeeze %dma_start3A_31 : memref<1x!tpu.dma_semaphore, #tpu.memory_space<semaphore_mem>> -> memref<!tpu.dma_semaphore, #tpu.memory_space<semaphore_mem>>
    %dma_start3A_33 = arith.constant 0 : i32
    %dma_start3A_34 = arith.constant 0 : i32
    %dma_start3A_35 = tpu.memref_slice %arg2[%dma_start3A_29, %dma_start3A_33, %dma_start3A_34] : memref<8x256x512xf32, #tpu.memory_space<vmem>> -> memref<1x256x512xf32, #tpu.memory_space<vmem>>
    %dma_start3A_36 = tpu.memref_squeeze %dma_start3A_35 : memref<1x256x512xf32, #tpu.memory_space<vmem>> -> memref<256x512xf32, #tpu.memory_space<vmem>>
    %dma_start3A_37 = arith.constant 112 : i32
    %dma_start3A_38 = arith.constant 0 : i32
    %dma_start3A_39 = tpu.memref_slice %arg0[%dma_start3A_27, %dma_start3A_28, %dma_start3A_37, %dma_start3A_38] : memref<8x3x512x512xf32, #tpu.memory_space<hbm>> -> memref<1x1x256x512xf32, #tpu.memory_space<hbm>>
    %dma_start3A_40 = tpu.memref_squeeze %dma_start3A_39 : memref<1x1x256x512xf32, #tpu.memory_space<hbm>> -> memref<256x512xf32, #tpu.memory_space<hbm>>
    tpu.enqueue_dma source(%dma_start3A_40 : memref<256x512xf32, #tpu.memory_space<hbm>>) target(%dma_start3A_36 : memref<256x512xf32, #tpu.memory_space<vmem>>) target_semaphore(%dma_start3A_32 : memref<!tpu.dma_semaphore, #tpu.memory_space<semaphore_mem>>)
    %dma_start3A_41 = arith.constant 1 : i32
    %dma_start3A_42 = arith.constant 0 : i32
    %dma_start3A_43 = arith.constant 3 : i32
    %dma_start3A_44 = arith.constant 3 : i32
    %dma_start3A_45 = tpu.memref_slice %arg3[%dma_start3A_44] : memref<8x!tpu.dma_semaphore, #tpu.memory_space<semaphore_mem>> -> memref<1x!tpu.dma_semaphore, #tpu.memory_space<semaphore_mem>>
    %dma_start3A_46 = tpu.memref_squeeze %dma_start3A_45 : memref<1x!tpu.dma_semaphore, #tpu.memory_space<semaphore_mem>> -> memref<!tpu.dma_semaphore, #tpu.memory_space<semaphore_mem>>
    %dma_start3A_47 = arith.constant 0 : i32
    %dma_start3A_48 = arith.constant 0 : i32
    %dma_start3A_49 = tpu.memref_slice %arg2[%dma_start3A_43, %dma_start3A_47, %dma_start3A_48] : memref<8x256x512xf32, #tpu.memory_space<vmem>> -> memref<1x256x512xf32, #tpu.memory_space<vmem>>
    %dma_start3A_50 = tpu.memref_squeeze %dma_start3A_49 : memref<1x256x512xf32, #tpu.memory_space<vmem>> -> memref<256x512xf32, #tpu.memory_space<vmem>>
    %dma_start3A_51 = arith.constant 112 : i32
    %dma_start3A_52 = arith.constant 0 : i32
    %dma_start3A_53 = tpu.memref_slice %arg0[%dma_start3A_41, %dma_start3A_42, %dma_start3A_51, %dma_start3A_52] : memref<8x3x512x512xf32, #tpu.memory_space<hbm>> -> memref<1x1x256x512xf32, #tpu.memory_space<hbm>>
    %dma_start3A_54 = tpu.memref_squeeze %dma_start3A_53 : memref<1x1x256x512xf32, #tpu.memory_space<hbm>> -> memref<256x512xf32, #tpu.memory_space<hbm>>
    tpu.enqueue_dma source(%dma_start3A_54 : memref<256x512xf32, #tpu.memory_space<hbm>>) target(%dma_start3A_50 : memref<256x512xf32, #tpu.memory_space<vmem>>) target_semaphore(%dma_start3A_46 : memref<!tpu.dma_semaphore, #tpu.memory_space<semaphore_mem>>)
    %dma_start3A_55 = arith.constant 1 : i32
    %dma_start3A_56 = arith.constant 1 : i32
    %dma_start3A_57 = arith.constant 4 : i32
    %dma_start3A_58 = arith.constant 4 : i32
    %dma_start3A_59 = tpu.memref_slice %arg3[%dma_start3A_58] : memref<8x!tpu.dma_semaphore, #tpu.memory_space<semaphore_mem>> -> memref<1x!tpu.dma_semaphore, #tpu.memory_space<semaphore_mem>>
    %dma_start3A_60 = tpu.memref_squeeze %dma_start3A_59 : memref<1x!tpu.dma_semaphore, #tpu.memory_space<semaphore_mem>> -> memref<!tpu.dma_semaphore, #tpu.memory_space<semaphore_mem>>
    %dma_start3A_61 = arith.constant 0 : i32
    %dma_start3A_62 = arith.constant 0 : i32
    %dma_start3A_63 = tpu.memref_slice %arg2[%dma_start3A_57, %dma_start3A_61, %dma_start3A_62] : memref<8x256x512xf32, #tpu.memory_space<vmem>> -> memref<1x256x512xf32, #tpu.memory_space<vmem>>
    %dma_start3A_64 = tpu.memref_squeeze %dma_start3A_63 : memref<1x256x512xf32, #tpu.memory_space<vmem>> -> memref<256x512xf32, #tpu.memory_space<vmem>>
    %dma_start3A_65 = arith.constant 112 : i32
    %dma_start3A_66 = arith.constant 0 : i32
    %dma_start3A_67 = tpu.memref_slice %arg0[%dma_start3A_55, %dma_start3A_56, %dma_start3A_65, %dma_start3A_66] : memref<8x3x512x512xf32, #tpu.memory_space<hbm>> -> memref<1x1x256x512xf32, #tpu.memory_space<hbm>>
    %dma_start3A_68 = tpu.memref_squeeze %dma_start3A_67 : memref<1x1x256x512xf32, #tpu.memory_space<hbm>> -> memref<256x512xf32, #tpu.memory_space<hbm>>
    tpu.enqueue_dma source(%dma_start3A_68 : memref<256x512xf32, #tpu.memory_space<hbm>>) target(%dma_start3A_64 : memref<256x512xf32, #tpu.memory_space<vmem>>) target_semaphore(%dma_start3A_60 : memref<!tpu.dma_semaphore, #tpu.memory_space<semaphore_mem>>)
    %dma_start3A_69 = arith.constant 1 : i32
    %dma_start3A_70 = arith.constant 2 : i32
    %dma_start3A_71 = arith.constant 5 : i32
    %dma_start3A_72 = arith.constant 5 : i32
    %dma_start3A_73 = tpu.memref_slice %arg3[%dma_start3A_72] : memref<8x!tpu.dma_semaphore, #tpu.memory_space<semaphore_mem>> -> memref<1x!tpu.dma_semaphore, #tpu.memory_space<semaphore_mem>>
    %dma_start3A_74 = tpu.memref_squeeze %dma_start3A_73 : memref<1x!tpu.dma_semaphore, #tpu.memory_space<semaphore_mem>> -> memref<!tpu.dma_semaphore, #tpu.memory_space<semaphore_mem>>
    %dma_start3A_75 = arith.constant 0 : i32
    %dma_start3A_76 = arith.constant 0 : i32
    %dma_start3A_77 = tpu.memref_slice %arg2[%dma_start3A_71, %dma_start3A_75, %dma_start3A_76] : memref<8x256x512xf32, #tpu.memory_space<vmem>> -> memref<1x256x512xf32, #tpu.memory_space<vmem>>
    %dma_start3A_78 = tpu.memref_squeeze %dma_start3A_77 : memref<1x256x512xf32, #tpu.memory_space<vmem>> -> memref<256x512xf32, #tpu.memory_space<vmem>>
    %dma_start3A_79 = arith.constant 112 : i32
    %dma_start3A_80 = arith.constant 0 : i32
    %dma_start3A_81 = tpu.memref_slice %arg0[%dma_start3A_69, %dma_start3A_70, %dma_start3A_79, %dma_start3A_80] : memref<8x3x512x512xf32, #tpu.memory_space<hbm>> -> memref<1x1x256x512xf32, #tpu.memory_space<hbm>>
    %dma_start3A_82 = tpu.memref_squeeze %dma_start3A_81 : memref<1x1x256x512xf32, #tpu.memory_space<hbm>> -> memref<256x512xf32, #tpu.memory_space<hbm>>
    tpu.enqueue_dma source(%dma_start3A_82 : memref<256x512xf32, #tpu.memory_space<hbm>>) target(%dma_start3A_78 : memref<256x512xf32, #tpu.memory_space<vmem>>) target_semaphore(%dma_start3A_74 : memref<!tpu.dma_semaphore, #tpu.memory_space<semaphore_mem>>)
    %dma_start3A_83 = arith.constant 2 : i32
    %dma_start3A_84 = arith.constant 0 : i32
    %dma_start3A_85 = arith.constant 6 : i32
    %dma_start3A_86 = arith.constant 6 : i32
    %dma_start3A_87 = tpu.memref_slice %arg3[%dma_start3A_86] : memref<8x!tpu.dma_semaphore, #tpu.memory_space<semaphore_mem>> -> memref<1x!tpu.dma_semaphore, #tpu.memory_space<semaphore_mem>>
    %dma_start3A_88 = tpu.memref_squeeze %dma_start3A_87 : memref<1x!tpu.dma_semaphore, #tpu.memory_space<semaphore_mem>> -> memref<!tpu.dma_semaphore, #tpu.memory_space<semaphore_mem>>
    %dma_start3A_89 = arith.constant 0 : i32
    %dma_start3A_90 = arith.constant 0 : i32
    %dma_start3A_91 = tpu.memref_slice %arg2[%dma_start3A_85, %dma_start3A_89, %dma_start3A_90] : memref<8x256x512xf32, #tpu.memory_space<vmem>> -> memref<1x256x512xf32, #tpu.memory_space<vmem>>
    %dma_start3A_92 = tpu.memref_squeeze %dma_start3A_91 : memref<1x256x512xf32, #tpu.memory_space<vmem>> -> memref<256x512xf32, #tpu.memory_space<vmem>>
    %dma_start3A_93 = arith.constant 112 : i32
    %dma_start3A_94 = arith.constant 0 : i32
    %dma_start3A_95 = tpu.memref_slice %arg0[%dma_start3A_83, %dma_start3A_84, %dma_start3A_93, %dma_start3A_94] : memref<8x3x512x512xf32, #tpu.memory_space<hbm>> -> memref<1x1x256x512xf32, #tpu.memory_space<hbm>>
    %dma_start3A_96 = tpu.memref_squeeze %dma_start3A_95 : memref<1x1x256x512xf32, #tpu.memory_space<hbm>> -> memref<256x512xf32, #tpu.memory_space<hbm>>
    tpu.enqueue_dma source(%dma_start3A_96 : memref<256x512xf32, #tpu.memory_space<hbm>>) target(%dma_start3A_92 : memref<256x512xf32, #tpu.memory_space<vmem>>) target_semaphore(%dma_start3A_88 : memref<!tpu.dma_semaphore, #tpu.memory_space<semaphore_mem>>)
    %dma_start3A_97 = arith.constant 2 : i32
    %dma_start3A_98 = arith.constant 1 : i32
    %dma_start3A_99 = arith.constant 7 : i32
    %dma_start3A_100 = arith.constant 7 : i32
    %dma_start3A_101 = tpu.memref_slice %arg3[%dma_start3A_100] : memref<8x!tpu.dma_semaphore, #tpu.memory_space<semaphore_mem>> -> memref<1x!tpu.dma_semaphore, #tpu.memory_space<semaphore_mem>>
    %dma_start3A_102 = tpu.memref_squeeze %dma_start3A_101 : memref<1x!tpu.dma_semaphore, #tpu.memory_space<semaphore_mem>> -> memref<!tpu.dma_semaphore, #tpu.memory_space<semaphore_mem>>
    %dma_start3A_103 = arith.constant 0 : i32
    %dma_start3A_104 = arith.constant 0 : i32
    %dma_start3A_105 = tpu.memref_slice %arg2[%dma_start3A_99, %dma_start3A_103, %dma_start3A_104] : memref<8x256x512xf32, #tpu.memory_space<vmem>> -> memref<1x256x512xf32, #tpu.memory_space<vmem>>
    %dma_start3A_106 = tpu.memref_squeeze %dma_start3A_105 : memref<1x256x512xf32, #tpu.memory_space<vmem>> -> memref<256x512xf32, #tpu.memory_space<vmem>>
    %dma_start3A_107 = arith.constant 112 : i32
    %dma_start3A_108 = arith.constant 0 : i32
    %dma_start3A_109 = tpu.memref_slice %arg0[%dma_start3A_97, %dma_start3A_98, %dma_start3A_107, %dma_start3A_108] : memref<8x3x512x512xf32, #tpu.memory_space<hbm>> -> memref<1x1x256x512xf32, #tpu.memory_space<hbm>>
    %dma_start3A_110 = tpu.memref_squeeze %dma_start3A_109 : memref<1x1x256x512xf32, #tpu.memory_space<hbm>> -> memref<256x512xf32, #tpu.memory_space<hbm>>
    tpu.enqueue_dma source(%dma_start3A_110 : memref<256x512xf32, #tpu.memory_space<hbm>>) target(%dma_start3A_106 : memref<256x512xf32, #tpu.memory_space<vmem>>) target_semaphore(%dma_start3A_102 : memref<!tpu.dma_semaphore, #tpu.memory_space<semaphore_mem>>)
    %dma_wait3A = arith.constant 0 : i32
    %dma_wait3A_111 = arith.constant 0 : i32
    %dma_wait3A_112 = arith.constant 0 : i32
    %dma_wait3A_113 = arith.constant 0 : i32
    %dma_wait3A_114 = tpu.memref_slice %arg3[%dma_wait3A_113] : memref<8x!tpu.dma_semaphore, #tpu.memory_space<semaphore_mem>> -> memref<1x!tpu.dma_semaphore, #tpu.memory_space<semaphore_mem>>
    %dma_wait3A_115 = tpu.memref_squeeze %dma_wait3A_114 : memref<1x!tpu.dma_semaphore, #tpu.memory_space<semaphore_mem>> -> memref<!tpu.dma_semaphore, #tpu.memory_space<semaphore_mem>>
    %dma_wait3A_116 = arith.constant 0 : i32
    %dma_wait3A_117 = arith.constant 0 : i32
    %dma_wait3A_118 = tpu.memref_slice %arg2[%dma_wait3A_112, %dma_wait3A_116, %dma_wait3A_117] : memref<8x256x512xf32, #tpu.memory_space<vmem>> -> memref<1x256x512xf32, #tpu.memory_space<vmem>>
    %dma_wait3A_119 = tpu.memref_squeeze %dma_wait3A_118 : memref<1x256x512xf32, #tpu.memory_space<vmem>> -> memref<256x512xf32, #tpu.memory_space<vmem>>
    %dma_wait3A_120 = arith.constant 112 : i32
    %dma_wait3A_121 = arith.constant 0 : i32
    %dma_wait3A_122 = tpu.memref_slice %arg0[%dma_wait3A, %dma_wait3A_111, %dma_wait3A_120, %dma_wait3A_121] : memref<8x3x512x512xf32, #tpu.memory_space<hbm>> -> memref<1x1x256x512xf32, #tpu.memory_space<hbm>>
    %dma_wait3A_123 = tpu.memref_squeeze %dma_wait3A_122 : memref<1x1x256x512xf32, #tpu.memory_space<hbm>> -> memref<256x512xf32, #tpu.memory_space<hbm>>
    tpu.wait_dma2 semaphore(%dma_wait3A_115 : memref<!tpu.dma_semaphore, #tpu.memory_space<semaphore_mem>>) src(%dma_wait3A_123 : memref<256x512xf32, #tpu.memory_space<hbm>>) dst(%dma_wait3A_119 : memref<256x512xf32, #tpu.memory_space<vmem>>)
    %dma_start3A_124 = arith.constant 0 : i32
    %dma_start3A_125 = arith.constant 0 : i32
    %dma_start3A_126 = arith.constant 0 : i32
    %dma_start3A_127 = arith.constant 0 : i32
    %dma_start3A_128 = tpu.memref_slice %arg4[%dma_start3A_127] : memref<8x!tpu.dma_semaphore, #tpu.memory_space<semaphore_mem>> -> memref<1x!tpu.dma_semaphore, #tpu.memory_space<semaphore_mem>>
    %dma_start3A_129 = tpu.memref_squeeze %dma_start3A_128 : memref<1x!tpu.dma_semaphore, #tpu.memory_space<semaphore_mem>> -> memref<!tpu.dma_semaphore, #tpu.memory_space<semaphore_mem>>
    %dma_start3A_130 = arith.constant 0 : i32
    %dma_start3A_131 = arith.constant 0 : i32
    %dma_start3A_132 = tpu.memref_slice %arg1[%dma_start3A_125, %dma_start3A_126, %dma_start3A_130, %dma_start3A_131] : memref<8x3x256x512xf32, #tpu.memory_space<hbm>> -> memref<1x1x256x512xf32, #tpu.memory_space<hbm>>
    %dma_start3A_133 = tpu.memref_squeeze %dma_start3A_132 : memref<1x1x256x512xf32, #tpu.memory_space<hbm>> -> memref<256x512xf32, #tpu.memory_space<hbm>>
    %dma_start3A_134 = arith.constant 0 : i32
    %dma_start3A_135 = arith.constant 0 : i32
    %dma_start3A_136 = tpu.memref_slice %arg2[%dma_start3A_124, %dma_start3A_134, %dma_start3A_135] : memref<8x256x512xf32, #tpu.memory_space<vmem>> -> memref<1x256x512xf32, #tpu.memory_space<vmem>>
    %dma_start3A_137 = tpu.memref_squeeze %dma_start3A_136 : memref<1x256x512xf32, #tpu.memory_space<vmem>> -> memref<256x512xf32, #tpu.memory_space<vmem>>
    tpu.enqueue_dma source(%dma_start3A_137 : memref<256x512xf32, #tpu.memory_space<vmem>>) target(%dma_start3A_133 : memref<256x512xf32, #tpu.memory_space<hbm>>) target_semaphore(%dma_start3A_129 : memref<!tpu.dma_semaphore, #tpu.memory_space<semaphore_mem>>)
    %dma_wait3A_138 = arith.constant 0 : i32
    %dma_wait3A_139 = arith.constant 0 : i32
    %dma_wait3A_140 = arith.constant 0 : i32
    %dma_wait3A_141 = arith.constant 0 : i32
    %dma_wait3A_142 = tpu.memref_slice %arg4[%dma_wait3A_141] : memref<8x!tpu.dma_semaphore, #tpu.memory_space<semaphore_mem>> -> memref<1x!tpu.dma_semaphore, #tpu.memory_space<semaphore_mem>>
    %dma_wait3A_143 = tpu.memref_squeeze %dma_wait3A_142 : memref<1x!tpu.dma_semaphore, #tpu.memory_space<semaphore_mem>> -> memref<!tpu.dma_semaphore, #tpu.memory_space<semaphore_mem>>
    %dma_wait3A_144 = arith.constant 0 : i32
    %dma_wait3A_145 = arith.constant 0 : i32
    %dma_wait3A_146 = tpu.memref_slice %arg1[%dma_wait3A_139, %dma_wait3A_140, %dma_wait3A_144, %dma_wait3A_145] : memref<8x3x256x512xf32, #tpu.memory_space<hbm>> -> memref<1x1x256x512xf32, #tpu.memory_space<hbm>>
    %dma_wait3A_147 = tpu.memref_squeeze %dma_wait3A_146 : memref<1x1x256x512xf32, #tpu.memory_space<hbm>> -> memref<256x512xf32, #tpu.memory_space<hbm>>
    %dma_wait3A_148 = arith.constant 0 : i32
    %dma_wait3A_149 = arith.constant 0 : i32
    %dma_wait3A_150 = tpu.memref_slice %arg2[%dma_wait3A_138, %dma_wait3A_148, %dma_wait3A_149] : memref<8x256x512xf32, #tpu.memory_space<vmem>> -> memref<1x256x512xf32, #tpu.memory_space<vmem>>
    %dma_wait3A_151 = tpu.memref_squeeze %dma_wait3A_150 : memref<1x256x512xf32, #tpu.memory_space<vmem>> -> memref<256x512xf32, #tpu.memory_space<vmem>>
    tpu.wait_dma2 semaphore(%dma_wait3A_143 : memref<!tpu.dma_semaphore, #tpu.memory_space<semaphore_mem>>) src(%dma_wait3A_151 : memref<256x512xf32, #tpu.memory_space<vmem>>) dst(%dma_wait3A_147 : memref<256x512xf32, #tpu.memory_space<hbm>>)
    %dma_start3A_152 = arith.constant 2 : i32
    %dma_start3A_153 = arith.constant 2 : i32
    %dma_start3A_154 = arith.constant 0 : i32
    %dma_start3A_155 = arith.constant 0 : i32
    %dma_start3A_156 = tpu.memref_slice %arg3[%dma_start3A_155] : memref<8x!tpu.dma_semaphore, #tpu.memory_space<semaphore_mem>> -> memref<1x!tpu.dma_semaphore, #tpu.memory_space<semaphore_mem>>
    %dma_start3A_157 = tpu.memref_squeeze %dma_start3A_156 : memref<1x!tpu.dma_semaphore, #tpu.memory_space<semaphore_mem>> -> memref<!tpu.dma_semaphore, #tpu.memory_space<semaphore_mem>>
    %dma_start3A_158 = arith.constant 0 : i32
    %dma_start3A_159 = arith.constant 0 : i32
    %dma_start3A_160 = tpu.memref_slice %arg2[%dma_start3A_154, %dma_start3A_158, %dma_start3A_159] : memref<8x256x512xf32, #tpu.memory_space<vmem>> -> memref<1x256x512xf32, #tpu.memory_space<vmem>>
    %dma_start3A_161 = tpu.memref_squeeze %dma_start3A_160 : memref<1x256x512xf32, #tpu.memory_space<vmem>> -> memref<256x512xf32, #tpu.memory_space<vmem>>
    %dma_start3A_162 = arith.constant 112 : i32
    %dma_start3A_163 = arith.constant 0 : i32
    %dma_start3A_164 = tpu.memref_slice %arg0[%dma_start3A_152, %dma_start3A_153, %dma_start3A_162, %dma_start3A_163] : memref<8x3x512x512xf32, #tpu.memory_space<hbm>> -> memref<1x1x256x512xf32, #tpu.memory_space<hbm>>
    %dma_start3A_165 = tpu.memref_squeeze %dma_start3A_164 : memref<1x1x256x512xf32, #tpu.memory_space<hbm>> -> memref<256x512xf32, #tpu.memory_space<hbm>>
    tpu.enqueue_dma source(%dma_start3A_165 : memref<256x512xf32, #tpu.memory_space<hbm>>) target(%dma_start3A_161 : memref<256x512xf32, #tpu.memory_space<vmem>>) target_semaphore(%dma_start3A_157 : memref<!tpu.dma_semaphore, #tpu.memory_space<semaphore_mem>>)
    %dma_wait3A_166 = arith.constant 0 : i32
    %dma_wait3A_167 = arith.constant 1 : i32
    %dma_wait3A_168 = arith.constant 1 : i32
    %dma_wait3A_169 = arith.constant 1 : i32
    %dma_wait3A_170 = tpu.memref_slice %arg3[%dma_wait3A_169] : memref<8x!tpu.dma_semaphore, #tpu.memory_space<semaphore_mem>> -> memref<1x!tpu.dma_semaphore, #tpu.memory_space<semaphore_mem>>
    %dma_wait3A_171 = tpu.memref_squeeze %dma_wait3A_170 : memref<1x!tpu.dma_semaphore, #tpu.memory_space<semaphore_mem>> -> memref<!tpu.dma_semaphore, #tpu.memory_space<semaphore_mem>>
    %dma_wait3A_172 = arith.constant 0 : i32
    %dma_wait3A_173 = arith.constant 0 : i32
    %dma_wait3A_174 = tpu.memref_slice %arg2[%dma_wait3A_168, %dma_wait3A_172, %dma_wait3A_173] : memref<8x256x512xf32, #tpu.memory_space<vmem>> -> memref<1x256x512xf32, #tpu.memory_space<vmem>>
    %dma_wait3A_175 = tpu.memref_squeeze %dma_wait3A_174 : memref<1x256x512xf32, #tpu.memory_space<vmem>> -> memref<256x512xf32, #tpu.memory_space<vmem>>
    %dma_wait3A_176 = arith.constant 112 : i32
    %dma_wait3A_177 = arith.constant 0 : i32
    %dma_wait3A_178 = tpu.memref_slice %arg0[%dma_wait3A_166, %dma_wait3A_167, %dma_wait3A_176, %dma_wait3A_177] : memref<8x3x512x512xf32, #tpu.memory_space<hbm>> -> memref<1x1x256x512xf32, #tpu.memory_space<hbm>>
    %dma_wait3A_179 = tpu.memref_squeeze %dma_wait3A_178 : memref<1x1x256x512xf32, #tpu.memory_space<hbm>> -> memref<256x512xf32, #tpu.memory_space<hbm>>
    tpu.wait_dma2 semaphore(%dma_wait3A_171 : memref<!tpu.dma_semaphore, #tpu.memory_space<semaphore_mem>>) src(%dma_wait3A_179 : memref<256x512xf32, #tpu.memory_space<hbm>>) dst(%dma_wait3A_175 : memref<256x512xf32, #tpu.memory_space<vmem>>)
    %dma_start3A_180 = arith.constant 1 : i32
    %dma_start3A_181 = arith.constant 0 : i32
    %dma_start3A_182 = arith.constant 1 : i32
    %dma_start3A_183 = arith.constant 1 : i32
    %dma_start3A_184 = tpu.memref_slice %arg4[%dma_start3A_183] : memref<8x!tpu.dma_semaphore, #tpu.memory_space<semaphore_mem>> -> memref<1x!tpu.dma_semaphore, #tpu.memory_space<semaphore_mem>>
    %dma_start3A_185 = tpu.memref_squeeze %dma_start3A_184 : memref<1x!tpu.dma_semaphore, #tpu.memory_space<semaphore_mem>> -> memref<!tpu.dma_semaphore, #tpu.memory_space<semaphore_mem>>
    %dma_start3A_186 = arith.constant 0 : i32
    %dma_start3A_187 = arith.constant 0 : i32
    %dma_start3A_188 = tpu.memref_slice %arg1[%dma_start3A_181, %dma_start3A_182, %dma_start3A_186, %dma_start3A_187] : memref<8x3x256x512xf32, #tpu.memory_space<hbm>> -> memref<1x1x256x512xf32, #tpu.memory_space<hbm>>
    %dma_start3A_189 = tpu.memref_squeeze %dma_start3A_188 : memref<1x1x256x512xf32, #tpu.memory_space<hbm>> -> memref<256x512xf32, #tpu.memory_space<hbm>>
    %dma_start3A_190 = arith.constant 0 : i32
    %dma_start3A_191 = arith.constant 0 : i32
    %dma_start3A_192 = tpu.memref_slice %arg2[%dma_start3A_180, %dma_start3A_190, %dma_start3A_191] : memref<8x256x512xf32, #tpu.memory_space<vmem>> -> memref<1x256x512xf32, #tpu.memory_space<vmem>>
    %dma_start3A_193 = tpu.memref_squeeze %dma_start3A_192 : memref<1x256x512xf32, #tpu.memory_space<vmem>> -> memref<256x512xf32, #tpu.memory_space<vmem>>
    tpu.enqueue_dma source(%dma_start3A_193 : memref<256x512xf32, #tpu.memory_space<vmem>>) target(%dma_start3A_189 : memref<256x512xf32, #tpu.memory_space<hbm>>) target_semaphore(%dma_start3A_185 : memref<!tpu.dma_semaphore, #tpu.memory_space<semaphore_mem>>)
    %dma_wait3A_194 = arith.constant 1 : i32
    %dma_wait3A_195 = arith.constant 0 : i32
    %dma_wait3A_196 = arith.constant 1 : i32
    %dma_wait3A_197 = arith.constant 1 : i32
    %dma_wait3A_198 = tpu.memref_slice %arg4[%dma_wait3A_197] : memref<8x!tpu.dma_semaphore, #tpu.memory_space<semaphore_mem>> -> memref<1x!tpu.dma_semaphore, #tpu.memory_space<semaphore_mem>>
    %dma_wait3A_199 = tpu.memref_squeeze %dma_wait3A_198 : memref<1x!tpu.dma_semaphore, #tpu.memory_space<semaphore_mem>> -> memref<!tpu.dma_semaphore, #tpu.memory_space<semaphore_mem>>
    %dma_wait3A_200 = arith.constant 0 : i32
    %dma_wait3A_201 = arith.constant 0 : i32
    %dma_wait3A_202 = tpu.memref_slice %arg1[%dma_wait3A_195, %dma_wait3A_196, %dma_wait3A_200, %dma_wait3A_201] : memref<8x3x256x512xf32, #tpu.memory_space<hbm>> -> memref<1x1x256x512xf32, #tpu.memory_space<hbm>>
    %dma_wait3A_203 = tpu.memref_squeeze %dma_wait3A_202 : memref<1x1x256x512xf32, #tpu.memory_space<hbm>> -> memref<256x512xf32, #tpu.memory_space<hbm>>
    %dma_wait3A_204 = arith.constant 0 : i32
    %dma_wait3A_205 = arith.constant 0 : i32
    %dma_wait3A_206 = tpu.memref_slice %arg2[%dma_wait3A_194, %dma_wait3A_204, %dma_wait3A_205] : memref<8x256x512xf32, #tpu.memory_space<vmem>> -> memref<1x256x512xf32, #tpu.memory_space<vmem>>
    %dma_wait3A_207 = tpu.memref_squeeze %dma_wait3A_206 : memref<1x256x512xf32, #tpu.memory_space<vmem>> -> memref<256x512xf32, #tpu.memory_space<vmem>>
    tpu.wait_dma2 semaphore(%dma_wait3A_199 : memref<!tpu.dma_semaphore, #tpu.memory_space<semaphore_mem>>) src(%dma_wait3A_207 : memref<256x512xf32, #tpu.memory_space<vmem>>) dst(%dma_wait3A_203 : memref<256x512xf32, #tpu.memory_space<hbm>>)
    %dma_start3A_208 = arith.constant 3 : i32
    %dma_start3A_209 = arith.constant 0 : i32
    %dma_start3A_210 = arith.constant 1 : i32
    %dma_start3A_211 = arith.constant 1 : i32
    %dma_start3A_212 = tpu.memref_slice %arg3[%dma_start3A_211] : memref<8x!tpu.dma_semaphore, #tpu.memory_space<semaphore_mem>> -> memref<1x!tpu.dma_semaphore, #tpu.memory_space<semaphore_mem>>
    %dma_start3A_213 = tpu.memref_squeeze %dma_start3A_212 : memref<1x!tpu.dma_semaphore, #tpu.memory_space<semaphore_mem>> -> memref<!tpu.dma_semaphore, #tpu.memory_space<semaphore_mem>>
    %dma_start3A_214 = arith.constant 0 : i32
    %dma_start3A_215 = arith.constant 0 : i32
    %dma_start3A_216 = tpu.memref_slice %arg2[%dma_start3A_210, %dma_start3A_214, %dma_start3A_215] : memref<8x256x512xf32, #tpu.memory_space<vmem>> -> memref<1x256x512xf32, #tpu.memory_space<vmem>>
    %dma_start3A_217 = tpu.memref_squeeze %dma_start3A_216 : memref<1x256x512xf32, #tpu.memory_space<vmem>> -> memref<256x512xf32, #tpu.memory_space<vmem>>
    %dma_start3A_218 = arith.constant 112 : i32
    %dma_start3A_219 = arith.constant 0 : i32
    %dma_start3A_220 = tpu.memref_slice %arg0[%dma_start3A_208, %dma_start3A_209, %dma_start3A_218, %dma_start3A_219] : memref<8x3x512x512xf32, #tpu.memory_space<hbm>> -> memref<1x1x256x512xf32, #tpu.memory_space<hbm>>
    %dma_start3A_221 = tpu.memref_squeeze %dma_start3A_220 : memref<1x1x256x512xf32, #tpu.memory_space<hbm>> -> memref<256x512xf32, #tpu.memory_space<hbm>>
    tpu.enqueue_dma source(%dma_start3A_221 : memref<256x512xf32, #tpu.memory_space<hbm>>) target(%dma_start3A_217 : memref<256x512xf32, #tpu.memory_space<vmem>>) target_semaphore(%dma_start3A_213 : memref<!tpu.dma_semaphore, #tpu.memory_space<semaphore_mem>>)
    %dma_wait3A_222 = arith.constant 0 : i32
    %dma_wait3A_223 = arith.constant 2 : i32
    %dma_wait3A_224 = arith.constant 2 : i32
    %dma_wait3A_225 = arith.constant 2 : i32
    %dma_wait3A_226 = tpu.memref_slice %arg3[%dma_wait3A_225] : memref<8x!tpu.dma_semaphore, #tpu.memory_space<semaphore_mem>> -> memref<1x!tpu.dma_semaphore, #tpu.memory_space<semaphore_mem>>
    %dma_wait3A_227 = tpu.memref_squeeze %dma_wait3A_226 : memref<1x!tpu.dma_semaphore, #tpu.memory_space<semaphore_mem>> -> memref<!tpu.dma_semaphore, #tpu.memory_space<semaphore_mem>>
    %dma_wait3A_228 = arith.constant 0 : i32
    %dma_wait3A_229 = arith.constant 0 : i32
    %dma_wait3A_230 = tpu.memref_slice %arg2[%dma_wait3A_224, %dma_wait3A_228, %dma_wait3A_229] : memref<8x256x512xf32, #tpu.memory_space<vmem>> -> memref<1x256x512xf32, #tpu.memory_space<vmem>>
    %dma_wait3A_231 = tpu.memref_squeeze %dma_wait3A_230 : memref<1x256x512xf32, #tpu.memory_space<vmem>> -> memref<256x512xf32, #tpu.memory_space<vmem>>
    %dma_wait3A_232 = arith.constant 112 : i32
    %dma_wait3A_233 = arith.constant 0 : i32
    %dma_wait3A_234 = tpu.memref_slice %arg0[%dma_wait3A_222, %dma_wait3A_223, %dma_wait3A_232, %dma_wait3A_233] : memref<8x3x512x512xf32, #tpu.memory_space<hbm>> -> memref<1x1x256x512xf32, #tpu.memory_space<hbm>>
    %dma_wait3A_235 = tpu.memref_squeeze %dma_wait3A_234 : memref<1x1x256x512xf32, #tpu.memory_space<hbm>> -> memref<256x512xf32, #tpu.memory_space<hbm>>
    tpu.wait_dma2 semaphore(%dma_wait3A_227 : memref<!tpu.dma_semaphore, #tpu.memory_space<semaphore_mem>>) src(%dma_wait3A_235 : memref<256x512xf32, #tpu.memory_space<hbm>>) dst(%dma_wait3A_231 : memref<256x512xf32, #tpu.memory_space<vmem>>)
    %dma_start3A_236 = arith.constant 2 : i32
    %dma_start3A_237 = arith.constant 0 : i32
    %dma_start3A_238 = arith.constant 2 : i32
    %dma_start3A_239 = arith.constant 2 : i32
    %dma_start3A_240 = tpu.memref_slice %arg4[%dma_start3A_239] : memref<8x!tpu.dma_semaphore, #tpu.memory_space<semaphore_mem>> -> memref<1x!tpu.dma_semaphore, #tpu.memory_space<semaphore_mem>>
    %dma_start3A_241 = tpu.memref_squeeze %dma_start3A_240 : memref<1x!tpu.dma_semaphore, #tpu.memory_space<semaphore_mem>> -> memref<!tpu.dma_semaphore, #tpu.memory_space<semaphore_mem>>
    %dma_start3A_242 = arith.constant 0 : i32
    %dma_start3A_243 = arith.constant 0 : i32
    %dma_start3A_244 = tpu.memref_slice %arg1[%dma_start3A_237, %dma_start3A_238, %dma_start3A_242, %dma_start3A_243] : memref<8x3x256x512xf32, #tpu.memory_space<hbm>> -> memref<1x1x256x512xf32, #tpu.memory_space<hbm>>
    %dma_start3A_245 = tpu.memref_squeeze %dma_start3A_244 : memref<1x1x256x512xf32, #tpu.memory_space<hbm>> -> memref<256x512xf32, #tpu.memory_space<hbm>>
    %dma_start3A_246 = arith.constant 0 : i32
    %dma_start3A_247 = arith.constant 0 : i32
    %dma_start3A_248 = tpu.memref_slice %arg2[%dma_start3A_236, %dma_start3A_246, %dma_start3A_247] : memref<8x256x512xf32, #tpu.memory_space<vmem>> -> memref<1x256x512xf32, #tpu.memory_space<vmem>>
    %dma_start3A_249 = tpu.memref_squeeze %dma_start3A_248 : memref<1x256x512xf32, #tpu.memory_space<vmem>> -> memref<256x512xf32, #tpu.memory_space<vmem>>
    tpu.enqueue_dma source(%dma_start3A_249 : memref<256x512xf32, #tpu.memory_space<vmem>>) target(%dma_start3A_245 : memref<256x512xf32, #tpu.memory_space<hbm>>) target_semaphore(%dma_start3A_241 : memref<!tpu.dma_semaphore, #tpu.memory_space<semaphore_mem>>)
    %dma_wait3A_250 = arith.constant 2 : i32
    %dma_wait3A_251 = arith.constant 0 : i32
    %dma_wait3A_252 = arith.constant 2 : i32
    %dma_wait3A_253 = arith.constant 2 : i32
    %dma_wait3A_254 = tpu.memref_slice %arg4[%dma_wait3A_253] : memref<8x!tpu.dma_semaphore, #tpu.memory_space<semaphore_mem>> -> memref<1x!tpu.dma_semaphore, #tpu.memory_space<semaphore_mem>>
    %dma_wait3A_255 = tpu.memref_squeeze %dma_wait3A_254 : memref<1x!tpu.dma_semaphore, #tpu.memory_space<semaphore_mem>> -> memref<!tpu.dma_semaphore, #tpu.memory_space<semaphore_mem>>
    %dma_wait3A_256 = arith.constant 0 : i32
    %dma_wait3A_257 = arith.constant 0 : i32
    %dma_wait3A_258 = tpu.memref_slice %arg1[%dma_wait3A_251, %dma_wait3A_252, %dma_wait3A_256, %dma_wait3A_257] : memref<8x3x256x512xf32, #tpu.memory_space<hbm>> -> memref<1x1x256x512xf32, #tpu.memory_space<hbm>>
    %dma_wait3A_259 = tpu.memref_squeeze %dma_wait3A_258 : memref<1x1x256x512xf32, #tpu.memory_space<hbm>> -> memref<256x512xf32, #tpu.memory_space<hbm>>
    %dma_wait3A_260 = arith.constant 0 : i32
    %dma_wait3A_261 = arith.constant 0 : i32
    %dma_wait3A_262 = tpu.memref_slice %arg2[%dma_wait3A_250, %dma_wait3A_260, %dma_wait3A_261] : memref<8x256x512xf32, #tpu.memory_space<vmem>> -> memref<1x256x512xf32, #tpu.memory_space<vmem>>
    %dma_wait3A_263 = tpu.memref_squeeze %dma_wait3A_262 : memref<1x256x512xf32, #tpu.memory_space<vmem>> -> memref<256x512xf32, #tpu.memory_space<vmem>>
    tpu.wait_dma2 semaphore(%dma_wait3A_255 : memref<!tpu.dma_semaphore, #tpu.memory_space<semaphore_mem>>) src(%dma_wait3A_263 : memref<256x512xf32, #tpu.memory_space<vmem>>) dst(%dma_wait3A_259 : memref<256x512xf32, #tpu.memory_space<hbm>>)
    %dma_start3A_264 = arith.constant 3 : i32
    %dma_start3A_265 = arith.constant 1 : i32
    %dma_start3A_266 = arith.constant 2 : i32
    %dma_start3A_267 = arith.constant 2 : i32
    %dma_start3A_268 = tpu.memref_slice %arg3[%dma_start3A_267] : memref<8x!tpu.dma_semaphore, #tpu.memory_space<semaphore_mem>> -> memref<1x!tpu.dma_semaphore, #tpu.memory_space<semaphore_mem>>
    %dma_start3A_269 = tpu.memref_squeeze %dma_start3A_268 : memref<1x!tpu.dma_semaphore, #tpu.memory_space<semaphore_mem>> -> memref<!tpu.dma_semaphore, #tpu.memory_space<semaphore_mem>>
    %dma_start3A_270 = arith.constant 0 : i32
    %dma_start3A_271 = arith.constant 0 : i32
    %dma_start3A_272 = tpu.memref_slice %arg2[%dma_start3A_266, %dma_start3A_270, %dma_start3A_271] : memref<8x256x512xf32, #tpu.memory_space<vmem>> -> memref<1x256x512xf32, #tpu.memory_space<vmem>>
    %dma_start3A_273 = tpu.memref_squeeze %dma_start3A_272 : memref<1x256x512xf32, #tpu.memory_space<vmem>> -> memref<256x512xf32, #tpu.memory_space<vmem>>
    %dma_start3A_274 = arith.constant 112 : i32
    %dma_start3A_275 = arith.constant 0 : i32
    %dma_start3A_276 = tpu.memref_slice %arg0[%dma_start3A_264, %dma_start3A_265, %dma_start3A_274, %dma_start3A_275] : memref<8x3x512x512xf32, #tpu.memory_space<hbm>> -> memref<1x1x256x512xf32, #tpu.memory_space<hbm>>
    %dma_start3A_277 = tpu.memref_squeeze %dma_start3A_276 : memref<1x1x256x512xf32, #tpu.memory_space<hbm>> -> memref<256x512xf32, #tpu.memory_space<hbm>>
    tpu.enqueue_dma source(%dma_start3A_277 : memref<256x512xf32, #tpu.memory_space<hbm>>) target(%dma_start3A_273 : memref<256x512xf32, #tpu.memory_space<vmem>>) target_semaphore(%dma_start3A_269 : memref<!tpu.dma_semaphore, #tpu.memory_space<semaphore_mem>>)
    %dma_wait3A_278 = arith.constant 1 : i32
    %dma_wait3A_279 = arith.constant 0 : i32
    %dma_wait3A_280 = arith.constant 3 : i32
    %dma_wait3A_281 = arith.constant 3 : i32
    %dma_wait3A_282 = tpu.memref_slice %arg3[%dma_wait3A_281] : memref<8x!tpu.dma_semaphore, #tpu.memory_space<semaphore_mem>> -> memref<1x!tpu.dma_semaphore, #tpu.memory_space<semaphore_mem>>
    %dma_wait3A_283 = tpu.memref_squeeze %dma_wait3A_282 : memref<1x!tpu.dma_semaphore, #tpu.memory_space<semaphore_mem>> -> memref<!tpu.dma_semaphore, #tpu.memory_space<semaphore_mem>>
    %dma_wait3A_284 = arith.constant 0 : i32
    %dma_wait3A_285 = arith.constant 0 : i32
    %dma_wait3A_286 = tpu.memref_slice %arg2[%dma_wait3A_280, %dma_wait3A_284, %dma_wait3A_285] : memref<8x256x512xf32, #tpu.memory_space<vmem>> -> memref<1x256x512xf32, #tpu.memory_space<vmem>>
    %dma_wait3A_287 = tpu.memref_squeeze %dma_wait3A_286 : memref<1x256x512xf32, #tpu.memory_space<vmem>> -> memref<256x512xf32, #tpu.memory_space<vmem>>
    %dma_wait3A_288 = arith.constant 112 : i32
    %dma_wait3A_289 = arith.constant 0 : i32
    %dma_wait3A_290 = tpu.memref_slice %arg0[%dma_wait3A_278, %dma_wait3A_279, %dma_wait3A_288, %dma_wait3A_289] : memref<8x3x512x512xf32, #tpu.memory_space<hbm>> -> memref<1x1x256x512xf32, #tpu.memory_space<hbm>>
    %dma_wait3A_291 = tpu.memref_squeeze %dma_wait3A_290 : memref<1x1x256x512xf32, #tpu.memory_space<hbm>> -> memref<256x512xf32, #tpu.memory_space<hbm>>
    tpu.wait_dma2 semaphore(%dma_wait3A_283 : memref<!tpu.dma_semaphore, #tpu.memory_space<semaphore_mem>>) src(%dma_wait3A_291 : memref<256x512xf32, #tpu.memory_space<hbm>>) dst(%dma_wait3A_287 : memref<256x512xf32, #tpu.memory_space<vmem>>)
    %dma_start3A_292 = arith.constant 3 : i32
    %dma_start3A_293 = arith.constant 1 : i32
    %dma_start3A_294 = arith.constant 0 : i32
    %dma_start3A_295 = arith.constant 3 : i32
    %dma_start3A_296 = tpu.memref_slice %arg4[%dma_start3A_295] : memref<8x!tpu.dma_semaphore, #tpu.memory_space<semaphore_mem>> -> memref<1x!tpu.dma_semaphore, #tpu.memory_space<semaphore_mem>>
    %dma_start3A_297 = tpu.memref_squeeze %dma_start3A_296 : memref<1x!tpu.dma_semaphore, #tpu.memory_space<semaphore_mem>> -> memref<!tpu.dma_semaphore, #tpu.memory_space<semaphore_mem>>
    %dma_start3A_298 = arith.constant 0 : i32
    %dma_start3A_299 = arith.constant 0 : i32
    %dma_start3A_300 = tpu.memref_slice %arg1[%dma_start3A_293, %dma_start3A_294, %dma_start3A_298, %dma_start3A_299] : memref<8x3x256x512xf32, #tpu.memory_space<hbm>> -> memref<1x1x256x512xf32, #tpu.memory_space<hbm>>
    %dma_start3A_301 = tpu.memref_squeeze %dma_start3A_300 : memref<1x1x256x512xf32, #tpu.memory_space<hbm>> -> memref<256x512xf32, #tpu.memory_space<hbm>>
    %dma_start3A_302 = arith.constant 0 : i32
    %dma_start3A_303 = arith.constant 0 : i32
    %dma_start3A_304 = tpu.memref_slice %arg2[%dma_start3A_292, %dma_start3A_302, %dma_start3A_303] : memref<8x256x512xf32, #tpu.memory_space<vmem>> -> memref<1x256x512xf32, #tpu.memory_space<vmem>>
    %dma_start3A_305 = tpu.memref_squeeze %dma_start3A_304 : memref<1x256x512xf32, #tpu.memory_space<vmem>> -> memref<256x512xf32, #tpu.memory_space<vmem>>
    tpu.enqueue_dma source(%dma_start3A_305 : memref<256x512xf32, #tpu.memory_space<vmem>>) target(%dma_start3A_301 : memref<256x512xf32, #tpu.memory_space<hbm>>) target_semaphore(%dma_start3A_297 : memref<!tpu.dma_semaphore, #tpu.memory_space<semaphore_mem>>)
    %dma_wait3A_306 = arith.constant 3 : i32
    %dma_wait3A_307 = arith.constant 1 : i32
    %dma_wait3A_308 = arith.constant 0 : i32
    %dma_wait3A_309 = arith.constant 3 : i32
    %dma_wait3A_310 = tpu.memref_slice %arg4[%dma_wait3A_309] : memref<8x!tpu.dma_semaphore, #tpu.memory_space<semaphore_mem>> -> memref<1x!tpu.dma_semaphore, #tpu.memory_space<semaphore_mem>>
    %dma_wait3A_311 = tpu.memref_squeeze %dma_wait3A_310 : memref<1x!tpu.dma_semaphore, #tpu.memory_space<semaphore_mem>> -> memref<!tpu.dma_semaphore, #tpu.memory_space<semaphore_mem>>
    %dma_wait3A_312 = arith.constant 0 : i32
    %dma_wait3A_313 = arith.constant 0 : i32
    %dma_wait3A_314 = tpu.memref_slice %arg1[%dma_wait3A_307, %dma_wait3A_308, %dma_wait3A_312, %dma_wait3A_313] : memref<8x3x256x512xf32, #tpu.memory_space<hbm>> -> memref<1x1x256x512xf32, #tpu.memory_space<hbm>>
    %dma_wait3A_315 = tpu.memref_squeeze %dma_wait3A_314 : memref<1x1x256x512xf32, #tpu.memory_space<hbm>> -> memref<256x512xf32, #tpu.memory_space<hbm>>
    %dma_wait3A_316 = arith.constant 0 : i32
    %dma_wait3A_317 = arith.constant 0 : i32
    %dma_wait3A_318 = tpu.memref_slice %arg2[%dma_wait3A_306, %dma_wait3A_316, %dma_wait3A_317] : memref<8x256x512xf32, #tpu.memory_space<vmem>> -> memref<1x256x512xf32, #tpu.memory_space<vmem>>
    %dma_wait3A_319 = tpu.memref_squeeze %dma_wait3A_318 : memref<1x256x512xf32, #tpu.memory_space<vmem>> -> memref<256x512xf32, #tpu.memory_space<vmem>>
    tpu.wait_dma2 semaphore(%dma_wait3A_311 : memref<!tpu.dma_semaphore, #tpu.memory_space<semaphore_mem>>) src(%dma_wait3A_319 : memref<256x512xf32, #tpu.memory_space<vmem>>) dst(%dma_wait3A_315 : memref<256x512xf32, #tpu.memory_space<hbm>>)
    %dma_start3A_320 = arith.constant 3 : i32
    %dma_start3A_321 = arith.constant 2 : i32
    %dma_start3A_322 = arith.constant 3 : i32
    %dma_start3A_323 = arith.constant 3 : i32
    %dma_start3A_324 = tpu.memref_slice %arg3[%dma_start3A_323] : memref<8x!tpu.dma_semaphore, #tpu.memory_space<semaphore_mem>> -> memref<1x!tpu.dma_semaphore, #tpu.memory_space<semaphore_mem>>
    %dma_start3A_325 = tpu.memref_squeeze %dma_start3A_324 : memref<1x!tpu.dma_semaphore, #tpu.memory_space<semaphore_mem>> -> memref<!tpu.dma_semaphore, #tpu.memory_space<semaphore_mem>>
    %dma_start3A_326 = arith.constant 0 : i32
    %dma_start3A_327 = arith.constant 0 : i32
    %dma_start3A_328 = tpu.memref_slice %arg2[%dma_start3A_322, %dma_start3A_326, %dma_start3A_327] : memref<8x256x512xf32, #tpu.memory_space<vmem>> -> memref<1x256x512xf32, #tpu.memory_space<vmem>>
    %dma_start3A_329 = tpu.memref_squeeze %dma_start3A_328 : memref<1x256x512xf32, #tpu.memory_space<vmem>> -> memref<256x512xf32, #tpu.memory_space<vmem>>
    %dma_start3A_330 = arith.constant 112 : i32
    %dma_start3A_331 = arith.constant 0 : i32
    %dma_start3A_332 = tpu.memref_slice %arg0[%dma_start3A_320, %dma_start3A_321, %dma_start3A_330, %dma_start3A_331] : memref<8x3x512x512xf32, #tpu.memory_space<hbm>> -> memref<1x1x256x512xf32, #tpu.memory_space<hbm>>
    %dma_start3A_333 = tpu.memref_squeeze %dma_start3A_332 : memref<1x1x256x512xf32, #tpu.memory_space<hbm>> -> memref<256x512xf32, #tpu.memory_space<hbm>>
    tpu.enqueue_dma source(%dma_start3A_333 : memref<256x512xf32, #tpu.memory_space<hbm>>) target(%dma_start3A_329 : memref<256x512xf32, #tpu.memory_space<vmem>>) target_semaphore(%dma_start3A_325 : memref<!tpu.dma_semaphore, #tpu.memory_space<semaphore_mem>>)
    %dma_wait3A_334 = arith.constant 1 : i32
    %dma_wait3A_335 = arith.constant 1 : i32
    %dma_wait3A_336 = arith.constant 4 : i32
    %dma_wait3A_337 = arith.constant 4 : i32
    %dma_wait3A_338 = tpu.memref_slice %arg3[%dma_wait3A_337] : memref<8x!tpu.dma_semaphore, #tpu.memory_space<semaphore_mem>> -> memref<1x!tpu.dma_semaphore, #tpu.memory_space<semaphore_mem>>
    %dma_wait3A_339 = tpu.memref_squeeze %dma_wait3A_338 : memref<1x!tpu.dma_semaphore, #tpu.memory_space<semaphore_mem>> -> memref<!tpu.dma_semaphore, #tpu.memory_space<semaphore_mem>>
    %dma_wait3A_340 = arith.constant 0 : i32
    %dma_wait3A_341 = arith.constant 0 : i32
    %dma_wait3A_342 = tpu.memref_slice %arg2[%dma_wait3A_336, %dma_wait3A_340, %dma_wait3A_341] : memref<8x256x512xf32, #tpu.memory_space<vmem>> -> memref<1x256x512xf32, #tpu.memory_space<vmem>>
    %dma_wait3A_343 = tpu.memref_squeeze %dma_wait3A_342 : memref<1x256x512xf32, #tpu.memory_space<vmem>> -> memref<256x512xf32, #tpu.memory_space<vmem>>
    %dma_wait3A_344 = arith.constant 112 : i32
    %dma_wait3A_345 = arith.constant 0 : i32
    %dma_wait3A_346 = tpu.memref_slice %arg0[%dma_wait3A_334, %dma_wait3A_335, %dma_wait3A_344, %dma_wait3A_345] : memref<8x3x512x512xf32, #tpu.memory_space<hbm>> -> memref<1x1x256x512xf32, #tpu.memory_space<hbm>>
    %dma_wait3A_347 = tpu.memref_squeeze %dma_wait3A_346 : memref<1x1x256x512xf32, #tpu.memory_space<hbm>> -> memref<256x512xf32, #tpu.memory_space<hbm>>
    tpu.wait_dma2 semaphore(%dma_wait3A_339 : memref<!tpu.dma_semaphore, #tpu.memory_space<semaphore_mem>>) src(%dma_wait3A_347 : memref<256x512xf32, #tpu.memory_space<hbm>>) dst(%dma_wait3A_343 : memref<256x512xf32, #tpu.memory_space<vmem>>)
    %dma_start3A_348 = arith.constant 4 : i32
    %dma_start3A_349 = arith.constant 1 : i32
    %dma_start3A_350 = arith.constant 1 : i32
    %dma_start3A_351 = arith.constant 4 : i32
    %dma_start3A_352 = tpu.memref_slice %arg4[%dma_start3A_351] : memref<8x!tpu.dma_semaphore, #tpu.memory_space<semaphore_mem>> -> memref<1x!tpu.dma_semaphore, #tpu.memory_space<semaphore_mem>>
    %dma_start3A_353 = tpu.memref_squeeze %dma_start3A_352 : memref<1x!tpu.dma_semaphore, #tpu.memory_space<semaphore_mem>> -> memref<!tpu.dma_semaphore, #tpu.memory_space<semaphore_mem>>
    %dma_start3A_354 = arith.constant 0 : i32
    %dma_start3A_355 = arith.constant 0 : i32
    %dma_start3A_356 = tpu.memref_slice %arg1[%dma_start3A_349, %dma_start3A_350, %dma_start3A_354, %dma_start3A_355] : memref<8x3x256x512xf32, #tpu.memory_space<hbm>> -> memref<1x1x256x512xf32, #tpu.memory_space<hbm>>
    %dma_start3A_357 = tpu.memref_squeeze %dma_start3A_356 : memref<1x1x256x512xf32, #tpu.memory_space<hbm>> -> memref<256x512xf32, #tpu.memory_space<hbm>>
    %dma_start3A_358 = arith.constant 0 : i32
    %dma_start3A_359 = arith.constant 0 : i32
    %dma_start3A_360 = tpu.memref_slice %arg2[%dma_start3A_348, %dma_start3A_358, %dma_start3A_359] : memref<8x256x512xf32, #tpu.memory_space<vmem>> -> memref<1x256x512xf32, #tpu.memory_space<vmem>>
    %dma_start3A_361 = tpu.memref_squeeze %dma_start3A_360 : memref<1x256x512xf32, #tpu.memory_space<vmem>> -> memref<256x512xf32, #tpu.memory_space<vmem>>
    tpu.enqueue_dma source(%dma_start3A_361 : memref<256x512xf32, #tpu.memory_space<vmem>>) target(%dma_start3A_357 : memref<256x512xf32, #tpu.memory_space<hbm>>) target_semaphore(%dma_start3A_353 : memref<!tpu.dma_semaphore, #tpu.memory_space<semaphore_mem>>)
    %dma_wait3A_362 = arith.constant 4 : i32
    %dma_wait3A_363 = arith.constant 1 : i32
    %dma_wait3A_364 = arith.constant 1 : i32
    %dma_wait3A_365 = arith.constant 4 : i32
    %dma_wait3A_366 = tpu.memref_slice %arg4[%dma_wait3A_365] : memref<8x!tpu.dma_semaphore, #tpu.memory_space<semaphore_mem>> -> memref<1x!tpu.dma_semaphore, #tpu.memory_space<semaphore_mem>>
    %dma_wait3A_367 = tpu.memref_squeeze %dma_wait3A_366 : memref<1x!tpu.dma_semaphore, #tpu.memory_space<semaphore_mem>> -> memref<!tpu.dma_semaphore, #tpu.memory_space<semaphore_mem>>
    %dma_wait3A_368 = arith.constant 0 : i32
    %dma_wait3A_369 = arith.constant 0 : i32
    %dma_wait3A_370 = tpu.memref_slice %arg1[%dma_wait3A_363, %dma_wait3A_364, %dma_wait3A_368, %dma_wait3A_369] : memref<8x3x256x512xf32, #tpu.memory_space<hbm>> -> memref<1x1x256x512xf32, #tpu.memory_space<hbm>>
    %dma_wait3A_371 = tpu.memref_squeeze %dma_wait3A_370 : memref<1x1x256x512xf32, #tpu.memory_space<hbm>> -> memref<256x512xf32, #tpu.memory_space<hbm>>
    %dma_wait3A_372 = arith.constant 0 : i32
    %dma_wait3A_373 = arith.constant 0 : i32
    %dma_wait3A_374 = tpu.memref_slice %arg2[%dma_wait3A_362, %dma_wait3A_372, %dma_wait3A_373] : memref<8x256x512xf32, #tpu.memory_space<vmem>> -> memref<1x256x512xf32, #tpu.memory_space<vmem>>
    %dma_wait3A_375 = tpu.memref_squeeze %dma_wait3A_374 : memref<1x256x512xf32, #tpu.memory_space<vmem>> -> memref<256x512xf32, #tpu.memory_space<vmem>>
    tpu.wait_dma2 semaphore(%dma_wait3A_367 : memref<!tpu.dma_semaphore, #tpu.memory_space<semaphore_mem>>) src(%dma_wait3A_375 : memref<256x512xf32, #tpu.memory_space<vmem>>) dst(%dma_wait3A_371 : memref<256x512xf32, #tpu.memory_space<hbm>>)
    %dma_start3A_376 = arith.constant 4 : i32
    %dma_start3A_377 = arith.constant 0 : i32
    %dma_start3A_378 = arith.constant 4 : i32
    %dma_start3A_379 = arith.constant 4 : i32
    %dma_start3A_380 = tpu.memref_slice %arg3[%dma_start3A_379] : memref<8x!tpu.dma_semaphore, #tpu.memory_space<semaphore_mem>> -> memref<1x!tpu.dma_semaphore, #tpu.memory_space<semaphore_mem>>
    %dma_start3A_381 = tpu.memref_squeeze %dma_start3A_380 : memref<1x!tpu.dma_semaphore, #tpu.memory_space<semaphore_mem>> -> memref<!tpu.dma_semaphore, #tpu.memory_space<semaphore_mem>>
    %dma_start3A_382 = arith.constant 0 : i32
    %dma_start3A_383 = arith.constant 0 : i32
    %dma_start3A_384 = tpu.memref_slice %arg2[%dma_start3A_378, %dma_start3A_382, %dma_start3A_383] : memref<8x256x512xf32, #tpu.memory_space<vmem>> -> memref<1x256x512xf32, #tpu.memory_space<vmem>>
    %dma_start3A_385 = tpu.memref_squeeze %dma_start3A_384 : memref<1x256x512xf32, #tpu.memory_space<vmem>> -> memref<256x512xf32, #tpu.memory_space<vmem>>
    %dma_start3A_386 = arith.constant 112 : i32
    %dma_start3A_387 = arith.constant 0 : i32
    %dma_start3A_388 = tpu.memref_slice %arg0[%dma_start3A_376, %dma_start3A_377, %dma_start3A_386, %dma_start3A_387] : memref<8x3x512x512xf32, #tpu.memory_space<hbm>> -> memref<1x1x256x512xf32, #tpu.memory_space<hbm>>
    %dma_start3A_389 = tpu.memref_squeeze %dma_start3A_388 : memref<1x1x256x512xf32, #tpu.memory_space<hbm>> -> memref<256x512xf32, #tpu.memory_space<hbm>>
    tpu.enqueue_dma source(%dma_start3A_389 : memref<256x512xf32, #tpu.memory_space<hbm>>) target(%dma_start3A_385 : memref<256x512xf32, #tpu.memory_space<vmem>>) target_semaphore(%dma_start3A_381 : memref<!tpu.dma_semaphore, #tpu.memory_space<semaphore_mem>>)
    %dma_wait3A_390 = arith.constant 1 : i32
    %dma_wait3A_391 = arith.constant 2 : i32
    %dma_wait3A_392 = arith.constant 5 : i32
    %dma_wait3A_393 = arith.constant 5 : i32
    %dma_wait3A_394 = tpu.memref_slice %arg3[%dma_wait3A_393] : memref<8x!tpu.dma_semaphore, #tpu.memory_space<semaphore_mem>> -> memref<1x!tpu.dma_semaphore, #tpu.memory_space<semaphore_mem>>
    %dma_wait3A_395 = tpu.memref_squeeze %dma_wait3A_394 : memref<1x!tpu.dma_semaphore, #tpu.memory_space<semaphore_mem>> -> memref<!tpu.dma_semaphore, #tpu.memory_space<semaphore_mem>>
    %dma_wait3A_396 = arith.constant 0 : i32
    %dma_wait3A_397 = arith.constant 0 : i32
    %dma_wait3A_398 = tpu.memref_slice %arg2[%dma_wait3A_392, %dma_wait3A_396, %dma_wait3A_397] : memref<8x256x512xf32, #tpu.memory_space<vmem>> -> memref<1x256x512xf32, #tpu.memory_space<vmem>>
    %dma_wait3A_399 = tpu.memref_squeeze %dma_wait3A_398 : memref<1x256x512xf32, #tpu.memory_space<vmem>> -> memref<256x512xf32, #tpu.memory_space<vmem>>
    %dma_wait3A_400 = arith.constant 112 : i32
    %dma_wait3A_401 = arith.constant 0 : i32
    %dma_wait3A_402 = tpu.memref_slice %arg0[%dma_wait3A_390, %dma_wait3A_391, %dma_wait3A_400, %dma_wait3A_401] : memref<8x3x512x512xf32, #tpu.memory_space<hbm>> -> memref<1x1x256x512xf32, #tpu.memory_space<hbm>>
    %dma_wait3A_403 = tpu.memref_squeeze %dma_wait3A_402 : memref<1x1x256x512xf32, #tpu.memory_space<hbm>> -> memref<256x512xf32, #tpu.memory_space<hbm>>
    tpu.wait_dma2 semaphore(%dma_wait3A_395 : memref<!tpu.dma_semaphore, #tpu.memory_space<semaphore_mem>>) src(%dma_wait3A_403 : memref<256x512xf32, #tpu.memory_space<hbm>>) dst(%dma_wait3A_399 : memref<256x512xf32, #tpu.memory_space<vmem>>)
    %dma_start3A_404 = arith.constant 5 : i32
    %dma_start3A_405 = arith.constant 1 : i32
    %dma_start3A_406 = arith.constant 2 : i32
    %dma_start3A_407 = arith.constant 5 : i32
    %dma_start3A_408 = tpu.memref_slice %arg4[%dma_start3A_407] : memref<8x!tpu.dma_semaphore, #tpu.memory_space<semaphore_mem>> -> memref<1x!tpu.dma_semaphore, #tpu.memory_space<semaphore_mem>>
    %dma_start3A_409 = tpu.memref_squeeze %dma_start3A_408 : memref<1x!tpu.dma_semaphore, #tpu.memory_space<semaphore_mem>> -> memref<!tpu.dma_semaphore, #tpu.memory_space<semaphore_mem>>
    %dma_start3A_410 = arith.constant 0 : i32
    %dma_start3A_411 = arith.constant 0 : i32
    %dma_start3A_412 = tpu.memref_slice %arg1[%dma_start3A_405, %dma_start3A_406, %dma_start3A_410, %dma_start3A_411] : memref<8x3x256x512xf32, #tpu.memory_space<hbm>> -> memref<1x1x256x512xf32, #tpu.memory_space<hbm>>
    %dma_start3A_413 = tpu.memref_squeeze %dma_start3A_412 : memref<1x1x256x512xf32, #tpu.memory_space<hbm>> -> memref<256x512xf32, #tpu.memory_space<hbm>>
    %dma_start3A_414 = arith.constant 0 : i32
    %dma_start3A_415 = arith.constant 0 : i32
    %dma_start3A_416 = tpu.memref_slice %arg2[%dma_start3A_404, %dma_start3A_414, %dma_start3A_415] : memref<8x256x512xf32, #tpu.memory_space<vmem>> -> memref<1x256x512xf32, #tpu.memory_space<vmem>>
    %dma_start3A_417 = tpu.memref_squeeze %dma_start3A_416 : memref<1x256x512xf32, #tpu.memory_space<vmem>> -> memref<256x512xf32, #tpu.memory_space<vmem>>
    tpu.enqueue_dma source(%dma_start3A_417 : memref<256x512xf32, #tpu.memory_space<vmem>>) target(%dma_start3A_413 : memref<256x512xf32, #tpu.memory_space<hbm>>) target_semaphore(%dma_start3A_409 : memref<!tpu.dma_semaphore, #tpu.memory_space<semaphore_mem>>)
    %dma_wait3A_418 = arith.constant 5 : i32
    %dma_wait3A_419 = arith.constant 1 : i32
    %dma_wait3A_420 = arith.constant 2 : i32
    %dma_wait3A_421 = arith.constant 5 : i32
    %dma_wait3A_422 = tpu.memref_slice %arg4[%dma_wait3A_421] : memref<8x!tpu.dma_semaphore, #tpu.memory_space<semaphore_mem>> -> memref<1x!tpu.dma_semaphore, #tpu.memory_space<semaphore_mem>>
    %dma_wait3A_423 = tpu.memref_squeeze %dma_wait3A_422 : memref<1x!tpu.dma_semaphore, #tpu.memory_space<semaphore_mem>> -> memref<!tpu.dma_semaphore, #tpu.memory_space<semaphore_mem>>
    %dma_wait3A_424 = arith.constant 0 : i32
    %dma_wait3A_425 = arith.constant 0 : i32
    %dma_wait3A_426 = tpu.memref_slice %arg1[%dma_wait3A_419, %dma_wait3A_420, %dma_wait3A_424, %dma_wait3A_425] : memref<8x3x256x512xf32, #tpu.memory_space<hbm>> -> memref<1x1x256x512xf32, #tpu.memory_space<hbm>>
    %dma_wait3A_427 = tpu.memref_squeeze %dma_wait3A_426 : memref<1x1x256x512xf32, #tpu.memory_space<hbm>> -> memref<256x512xf32, #tpu.memory_space<hbm>>
    %dma_wait3A_428 = arith.constant 0 : i32
    %dma_wait3A_429 = arith.constant 0 : i32
    %dma_wait3A_430 = tpu.memref_slice %arg2[%dma_wait3A_418, %dma_wait3A_428, %dma_wait3A_429] : memref<8x256x512xf32, #tpu.memory_space<vmem>> -> memref<1x256x512xf32, #tpu.memory_space<vmem>>
    %dma_wait3A_431 = tpu.memref_squeeze %dma_wait3A_430 : memref<1x256x512xf32, #tpu.memory_space<vmem>> -> memref<256x512xf32, #tpu.memory_space<vmem>>
    tpu.wait_dma2 semaphore(%dma_wait3A_423 : memref<!tpu.dma_semaphore, #tpu.memory_space<semaphore_mem>>) src(%dma_wait3A_431 : memref<256x512xf32, #tpu.memory_space<vmem>>) dst(%dma_wait3A_427 : memref<256x512xf32, #tpu.memory_space<hbm>>)
    %dma_start3A_432 = arith.constant 4 : i32
    %dma_start3A_433 = arith.constant 1 : i32
    %dma_start3A_434 = arith.constant 5 : i32
    %dma_start3A_435 = arith.constant 5 : i32
    %dma_start3A_436 = tpu.memref_slice %arg3[%dma_start3A_435] : memref<8x!tpu.dma_semaphore, #tpu.memory_space<semaphore_mem>> -> memref<1x!tpu.dma_semaphore, #tpu.memory_space<semaphore_mem>>
    %dma_start3A_437 = tpu.memref_squeeze %dma_start3A_436 : memref<1x!tpu.dma_semaphore, #tpu.memory_space<semaphore_mem>> -> memref<!tpu.dma_semaphore, #tpu.memory_space<semaphore_mem>>
    %dma_start3A_438 = arith.constant 0 : i32
    %dma_start3A_439 = arith.constant 0 : i32
    %dma_start3A_440 = tpu.memref_slice %arg2[%dma_start3A_434, %dma_start3A_438, %dma_start3A_439] : memref<8x256x512xf32, #tpu.memory_space<vmem>> -> memref<1x256x512xf32, #tpu.memory_space<vmem>>
    %dma_start3A_441 = tpu.memref_squeeze %dma_start3A_440 : memref<1x256x512xf32, #tpu.memory_space<vmem>> -> memref<256x512xf32, #tpu.memory_space<vmem>>
    %dma_start3A_442 = arith.constant 112 : i32
    %dma_start3A_443 = arith.constant 0 : i32
    %dma_start3A_444 = tpu.memref_slice %arg0[%dma_start3A_432, %dma_start3A_433, %dma_start3A_442, %dma_start3A_443] : memref<8x3x512x512xf32, #tpu.memory_space<hbm>> -> memref<1x1x256x512xf32, #tpu.memory_space<hbm>>
    %dma_start3A_445 = tpu.memref_squeeze %dma_start3A_444 : memref<1x1x256x512xf32, #tpu.memory_space<hbm>> -> memref<256x512xf32, #tpu.memory_space<hbm>>
    tpu.enqueue_dma source(%dma_start3A_445 : memref<256x512xf32, #tpu.memory_space<hbm>>) target(%dma_start3A_441 : memref<256x512xf32, #tpu.memory_space<vmem>>) target_semaphore(%dma_start3A_437 : memref<!tpu.dma_semaphore, #tpu.memory_space<semaphore_mem>>)
    %dma_wait3A_446 = arith.constant 2 : i32
    %dma_wait3A_447 = arith.constant 0 : i32
    %dma_wait3A_448 = arith.constant 6 : i32
    %dma_wait3A_449 = arith.constant 6 : i32
    %dma_wait3A_450 = tpu.memref_slice %arg3[%dma_wait3A_449] : memref<8x!tpu.dma_semaphore, #tpu.memory_space<semaphore_mem>> -> memref<1x!tpu.dma_semaphore, #tpu.memory_space<semaphore_mem>>
    %dma_wait3A_451 = tpu.memref_squeeze %dma_wait3A_450 : memref<1x!tpu.dma_semaphore, #tpu.memory_space<semaphore_mem>> -> memref<!tpu.dma_semaphore, #tpu.memory_space<semaphore_mem>>
    %dma_wait3A_452 = arith.constant 0 : i32
    %dma_wait3A_453 = arith.constant 0 : i32
    %dma_wait3A_454 = tpu.memref_slice %arg2[%dma_wait3A_448, %dma_wait3A_452, %dma_wait3A_453] : memref<8x256x512xf32, #tpu.memory_space<vmem>> -> memref<1x256x512xf32, #tpu.memory_space<vmem>>
    %dma_wait3A_455 = tpu.memref_squeeze %dma_wait3A_454 : memref<1x256x512xf32, #tpu.memory_space<vmem>> -> memref<256x512xf32, #tpu.memory_space<vmem>>
    %dma_wait3A_456 = arith.constant 112 : i32
    %dma_wait3A_457 = arith.constant 0 : i32
    %dma_wait3A_458 = tpu.memref_slice %arg0[%dma_wait3A_446, %dma_wait3A_447, %dma_wait3A_456, %dma_wait3A_457] : memref<8x3x512x512xf32, #tpu.memory_space<hbm>> -> memref<1x1x256x512xf32, #tpu.memory_space<hbm>>
    %dma_wait3A_459 = tpu.memref_squeeze %dma_wait3A_458 : memref<1x1x256x512xf32, #tpu.memory_space<hbm>> -> memref<256x512xf32, #tpu.memory_space<hbm>>
    tpu.wait_dma2 semaphore(%dma_wait3A_451 : memref<!tpu.dma_semaphore, #tpu.memory_space<semaphore_mem>>) src(%dma_wait3A_459 : memref<256x512xf32, #tpu.memory_space<hbm>>) dst(%dma_wait3A_455 : memref<256x512xf32, #tpu.memory_space<vmem>>)
    %dma_start3A_460 = arith.constant 6 : i32
    %dma_start3A_461 = arith.constant 2 : i32
    %dma_start3A_462 = arith.constant 0 : i32
    %dma_start3A_463 = arith.constant 6 : i32
    %dma_start3A_464 = tpu.memref_slice %arg4[%dma_start3A_463] : memref<8x!tpu.dma_semaphore, #tpu.memory_space<semaphore_mem>> -> memref<1x!tpu.dma_semaphore, #tpu.memory_space<semaphore_mem>>
    %dma_start3A_465 = tpu.memref_squeeze %dma_start3A_464 : memref<1x!tpu.dma_semaphore, #tpu.memory_space<semaphore_mem>> -> memref<!tpu.dma_semaphore, #tpu.memory_space<semaphore_mem>>
    %dma_start3A_466 = arith.constant 0 : i32
    %dma_start3A_467 = arith.constant 0 : i32
    %dma_start3A_468 = tpu.memref_slice %arg1[%dma_start3A_461, %dma_start3A_462, %dma_start3A_466, %dma_start3A_467] : memref<8x3x256x512xf32, #tpu.memory_space<hbm>> -> memref<1x1x256x512xf32, #tpu.memory_space<hbm>>
    %dma_start3A_469 = tpu.memref_squeeze %dma_start3A_468 : memref<1x1x256x512xf32, #tpu.memory_space<hbm>> -> memref<256x512xf32, #tpu.memory_space<hbm>>
    %dma_start3A_470 = arith.constant 0 : i32
    %dma_start3A_471 = arith.constant 0 : i32
    %dma_start3A_472 = tpu.memref_slice %arg2[%dma_start3A_460, %dma_start3A_470, %dma_start3A_471] : memref<8x256x512xf32, #tpu.memory_space<vmem>> -> memref<1x256x512xf32, #tpu.memory_space<vmem>>
    %dma_start3A_473 = tpu.memref_squeeze %dma_start3A_472 : memref<1x256x512xf32, #tpu.memory_space<vmem>> -> memref<256x512xf32, #tpu.memory_space<vmem>>
    tpu.enqueue_dma source(%dma_start3A_473 : memref<256x512xf32, #tpu.memory_space<vmem>>) target(%dma_start3A_469 : memref<256x512xf32, #tpu.memory_space<hbm>>) target_semaphore(%dma_start3A_465 : memref<!tpu.dma_semaphore, #tpu.memory_space<semaphore_mem>>)
    %dma_wait3A_474 = arith.constant 6 : i32
    %dma_wait3A_475 = arith.constant 2 : i32
    %dma_wait3A_476 = arith.constant 0 : i32
    %dma_wait3A_477 = arith.constant 6 : i32
    %dma_wait3A_478 = tpu.memref_slice %arg4[%dma_wait3A_477] : memref<8x!tpu.dma_semaphore, #tpu.memory_space<semaphore_mem>> -> memref<1x!tpu.dma_semaphore, #tpu.memory_space<semaphore_mem>>
    %dma_wait3A_479 = tpu.memref_squeeze %dma_wait3A_478 : memref<1x!tpu.dma_semaphore, #tpu.memory_space<semaphore_mem>> -> memref<!tpu.dma_semaphore, #tpu.memory_space<semaphore_mem>>
    %dma_wait3A_480 = arith.constant 0 : i32
    %dma_wait3A_481 = arith.constant 0 : i32
    %dma_wait3A_482 = tpu.memref_slice %arg1[%dma_wait3A_475, %dma_wait3A_476, %dma_wait3A_480, %dma_wait3A_481] : memref<8x3x256x512xf32, #tpu.memory_space<hbm>> -> memref<1x1x256x512xf32, #tpu.memory_space<hbm>>
    %dma_wait3A_483 = tpu.memref_squeeze %dma_wait3A_482 : memref<1x1x256x512xf32, #tpu.memory_space<hbm>> -> memref<256x512xf32, #tpu.memory_space<hbm>>
    %dma_wait3A_484 = arith.constant 0 : i32
    %dma_wait3A_485 = arith.constant 0 : i32
    %dma_wait3A_486 = tpu.memref_slice %arg2[%dma_wait3A_474, %dma_wait3A_484, %dma_wait3A_485] : memref<8x256x512xf32, #tpu.memory_space<vmem>> -> memref<1x256x512xf32, #tpu.memory_space<vmem>>
    %dma_wait3A_487 = tpu.memref_squeeze %dma_wait3A_486 : memref<1x256x512xf32, #tpu.memory_space<vmem>> -> memref<256x512xf32, #tpu.memory_space<vmem>>
    tpu.wait_dma2 semaphore(%dma_wait3A_479 : memref<!tpu.dma_semaphore, #tpu.memory_space<semaphore_mem>>) src(%dma_wait3A_487 : memref<256x512xf32, #tpu.memory_space<vmem>>) dst(%dma_wait3A_483 : memref<256x512xf32, #tpu.memory_space<hbm>>)
    %dma_start3A_488 = arith.constant 4 : i32
    %dma_start3A_489 = arith.constant 2 : i32
    %dma_start3A_490 = arith.constant 6 : i32
    %dma_start3A_491 = arith.constant 6 : i32
    %dma_start3A_492 = tpu.memref_slice %arg3[%dma_start3A_491] : memref<8x!tpu.dma_semaphore, #tpu.memory_space<semaphore_mem>> -> memref<1x!tpu.dma_semaphore, #tpu.memory_space<semaphore_mem>>
    %dma_start3A_493 = tpu.memref_squeeze %dma_start3A_492 : memref<1x!tpu.dma_semaphore, #tpu.memory_space<semaphore_mem>> -> memref<!tpu.dma_semaphore, #tpu.memory_space<semaphore_mem>>
    %dma_start3A_494 = arith.constant 0 : i32
    %dma_start3A_495 = arith.constant 0 : i32
    %dma_start3A_496 = tpu.memref_slice %arg2[%dma_start3A_490, %dma_start3A_494, %dma_start3A_495] : memref<8x256x512xf32, #tpu.memory_space<vmem>> -> memref<1x256x512xf32, #tpu.memory_space<vmem>>
    %dma_start3A_497 = tpu.memref_squeeze %dma_start3A_496 : memref<1x256x512xf32, #tpu.memory_space<vmem>> -> memref<256x512xf32, #tpu.memory_space<vmem>>
    %dma_start3A_498 = arith.constant 112 : i32
    %dma_start3A_499 = arith.constant 0 : i32
    %dma_start3A_500 = tpu.memref_slice %arg0[%dma_start3A_488, %dma_start3A_489, %dma_start3A_498, %dma_start3A_499] : memref<8x3x512x512xf32, #tpu.memory_space<hbm>> -> memref<1x1x256x512xf32, #tpu.memory_space<hbm>>
    %dma_start3A_501 = tpu.memref_squeeze %dma_start3A_500 : memref<1x1x256x512xf32, #tpu.memory_space<hbm>> -> memref<256x512xf32, #tpu.memory_space<hbm>>
    tpu.enqueue_dma source(%dma_start3A_501 : memref<256x512xf32, #tpu.memory_space<hbm>>) target(%dma_start3A_497 : memref<256x512xf32, #tpu.memory_space<vmem>>) target_semaphore(%dma_start3A_493 : memref<!tpu.dma_semaphore, #tpu.memory_space<semaphore_mem>>)
    %dma_wait3A_502 = arith.constant 2 : i32
    %dma_wait3A_503 = arith.constant 1 : i32
    %dma_wait3A_504 = arith.constant 7 : i32
    %dma_wait3A_505 = arith.constant 7 : i32
    %dma_wait3A_506 = tpu.memref_slice %arg3[%dma_wait3A_505] : memref<8x!tpu.dma_semaphore, #tpu.memory_space<semaphore_mem>> -> memref<1x!tpu.dma_semaphore, #tpu.memory_space<semaphore_mem>>
    %dma_wait3A_507 = tpu.memref_squeeze %dma_wait3A_506 : memref<1x!tpu.dma_semaphore, #tpu.memory_space<semaphore_mem>> -> memref<!tpu.dma_semaphore, #tpu.memory_space<semaphore_mem>>
    %dma_wait3A_508 = arith.constant 0 : i32
    %dma_wait3A_509 = arith.constant 0 : i32
    %dma_wait3A_510 = tpu.memref_slice %arg2[%dma_wait3A_504, %dma_wait3A_508, %dma_wait3A_509] : memref<8x256x512xf32, #tpu.memory_space<vmem>> -> memref<1x256x512xf32, #tpu.memory_space<vmem>>
    %dma_wait3A_511 = tpu.memref_squeeze %dma_wait3A_510 : memref<1x256x512xf32, #tpu.memory_space<vmem>> -> memref<256x512xf32, #tpu.memory_space<vmem>>
    %dma_wait3A_512 = arith.constant 112 : i32
    %dma_wait3A_513 = arith.constant 0 : i32
    %dma_wait3A_514 = tpu.memref_slice %arg0[%dma_wait3A_502, %dma_wait3A_503, %dma_wait3A_512, %dma_wait3A_513] : memref<8x3x512x512xf32, #tpu.memory_space<hbm>> -> memref<1x1x256x512xf32, #tpu.memory_space<hbm>>
    %dma_wait3A_515 = tpu.memref_squeeze %dma_wait3A_514 : memref<1x1x256x512xf32, #tpu.memory_space<hbm>> -> memref<256x512xf32, #tpu.memory_space<hbm>>
    tpu.wait_dma2 semaphore(%dma_wait3A_507 : memref<!tpu.dma_semaphore, #tpu.memory_space<semaphore_mem>>) src(%dma_wait3A_515 : memref<256x512xf32, #tpu.memory_space<hbm>>) dst(%dma_wait3A_511 : memref<256x512xf32, #tpu.memory_space<vmem>>)
    %dma_start3A_516 = arith.constant 7 : i32
    %dma_start3A_517 = arith.constant 2 : i32
    %dma_start3A_518 = arith.constant 1 : i32
    %dma_start3A_519 = arith.constant 7 : i32
    %dma_start3A_520 = tpu.memref_slice %arg4[%dma_start3A_519] : memref<8x!tpu.dma_semaphore, #tpu.memory_space<semaphore_mem>> -> memref<1x!tpu.dma_semaphore, #tpu.memory_space<semaphore_mem>>
    %dma_start3A_521 = tpu.memref_squeeze %dma_start3A_520 : memref<1x!tpu.dma_semaphore, #tpu.memory_space<semaphore_mem>> -> memref<!tpu.dma_semaphore, #tpu.memory_space<semaphore_mem>>
    %dma_start3A_522 = arith.constant 0 : i32
    %dma_start3A_523 = arith.constant 0 : i32
    %dma_start3A_524 = tpu.memref_slice %arg1[%dma_start3A_517, %dma_start3A_518, %dma_start3A_522, %dma_start3A_523] : memref<8x3x256x512xf32, #tpu.memory_space<hbm>> -> memref<1x1x256x512xf32, #tpu.memory_space<hbm>>
    %dma_start3A_525 = tpu.memref_squeeze %dma_start3A_524 : memref<1x1x256x512xf32, #tpu.memory_space<hbm>> -> memref<256x512xf32, #tpu.memory_space<hbm>>
    %dma_start3A_526 = arith.constant 0 : i32
    %dma_start3A_527 = arith.constant 0 : i32
    %dma_start3A_528 = tpu.memref_slice %arg2[%dma_start3A_516, %dma_start3A_526, %dma_start3A_527] : memref<8x256x512xf32, #tpu.memory_space<vmem>> -> memref<1x256x512xf32, #tpu.memory_space<vmem>>
    %dma_start3A_529 = tpu.memref_squeeze %dma_start3A_528 : memref<1x256x512xf32, #tpu.memory_space<vmem>> -> memref<256x512xf32, #tpu.memory_space<vmem>>
    tpu.enqueue_dma source(%dma_start3A_529 : memref<256x512xf32, #tpu.memory_space<vmem>>) target(%dma_start3A_525 : memref<256x512xf32, #tpu.memory_space<hbm>>) target_semaphore(%dma_start3A_521 : memref<!tpu.dma_semaphore, #tpu.memory_space<semaphore_mem>>)
    %dma_wait3A_530 = arith.constant 7 : i32
    %dma_wait3A_531 = arith.constant 2 : i32
    %dma_wait3A_532 = arith.constant 1 : i32
    %dma_wait3A_533 = arith.constant 7 : i32
    %dma_wait3A_534 = tpu.memref_slice %arg4[%dma_wait3A_533] : memref<8x!tpu.dma_semaphore, #tpu.memory_space<semaphore_mem>> -> memref<1x!tpu.dma_semaphore, #tpu.memory_space<semaphore_mem>>
    %dma_wait3A_535 = tpu.memref_squeeze %dma_wait3A_534 : memref<1x!tpu.dma_semaphore, #tpu.memory_space<semaphore_mem>> -> memref<!tpu.dma_semaphore, #tpu.memory_space<semaphore_mem>>
    %dma_wait3A_536 = arith.constant 0 : i32
    %dma_wait3A_537 = arith.constant 0 : i32
    %dma_wait3A_538 = tpu.memref_slice %arg1[%dma_wait3A_531, %dma_wait3A_532, %dma_wait3A_536, %dma_wait3A_537] : memref<8x3x256x512xf32, #tpu.memory_space<hbm>> -> memref<1x1x256x512xf32, #tpu.memory_space<hbm>>
    %dma_wait3A_539 = tpu.memref_squeeze %dma_wait3A_538 : memref<1x1x256x512xf32, #tpu.memory_space<hbm>> -> memref<256x512xf32, #tpu.memory_space<hbm>>
    %dma_wait3A_540 = arith.constant 0 : i32
    %dma_wait3A_541 = arith.constant 0 : i32
    %dma_wait3A_542 = tpu.memref_slice %arg2[%dma_wait3A_530, %dma_wait3A_540, %dma_wait3A_541] : memref<8x256x512xf32, #tpu.memory_space<vmem>> -> memref<1x256x512xf32, #tpu.memory_space<vmem>>
    %dma_wait3A_543 = tpu.memref_squeeze %dma_wait3A_542 : memref<1x256x512xf32, #tpu.memory_space<vmem>> -> memref<256x512xf32, #tpu.memory_space<vmem>>
    tpu.wait_dma2 semaphore(%dma_wait3A_535 : memref<!tpu.dma_semaphore, #tpu.memory_space<semaphore_mem>>) src(%dma_wait3A_543 : memref<256x512xf32, #tpu.memory_space<vmem>>) dst(%dma_wait3A_539 : memref<256x512xf32, #tpu.memory_space<hbm>>)
    %dma_start3A_544 = arith.constant 5 : i32
    %dma_start3A_545 = arith.constant 0 : i32
    %dma_start3A_546 = arith.constant 7 : i32
    %dma_start3A_547 = arith.constant 7 : i32
    %dma_start3A_548 = tpu.memref_slice %arg3[%dma_start3A_547] : memref<8x!tpu.dma_semaphore, #tpu.memory_space<semaphore_mem>> -> memref<1x!tpu.dma_semaphore, #tpu.memory_space<semaphore_mem>>
    %dma_start3A_549 = tpu.memref_squeeze %dma_start3A_548 : memref<1x!tpu.dma_semaphore, #tpu.memory_space<semaphore_mem>> -> memref<!tpu.dma_semaphore, #tpu.memory_space<semaphore_mem>>
    %dma_start3A_550 = arith.constant 0 : i32
    %dma_start3A_551 = arith.constant 0 : i32
    %dma_start3A_552 = tpu.memref_slice %arg2[%dma_start3A_546, %dma_start3A_550, %dma_start3A_551] : memref<8x256x512xf32, #tpu.memory_space<vmem>> -> memref<1x256x512xf32, #tpu.memory_space<vmem>>
    %dma_start3A_553 = tpu.memref_squeeze %dma_start3A_552 : memref<1x256x512xf32, #tpu.memory_space<vmem>> -> memref<256x512xf32, #tpu.memory_space<vmem>>
    %dma_start3A_554 = arith.constant 112 : i32
    %dma_start3A_555 = arith.constant 0 : i32
    %dma_start3A_556 = tpu.memref_slice %arg0[%dma_start3A_544, %dma_start3A_545, %dma_start3A_554, %dma_start3A_555] : memref<8x3x512x512xf32, #tpu.memory_space<hbm>> -> memref<1x1x256x512xf32, #tpu.memory_space<hbm>>
    %dma_start3A_557 = tpu.memref_squeeze %dma_start3A_556 : memref<1x1x256x512xf32, #tpu.memory_space<hbm>> -> memref<256x512xf32, #tpu.memory_space<hbm>>
    tpu.enqueue_dma source(%dma_start3A_557 : memref<256x512xf32, #tpu.memory_space<hbm>>) target(%dma_start3A_553 : memref<256x512xf32, #tpu.memory_space<vmem>>) target_semaphore(%dma_start3A_549 : memref<!tpu.dma_semaphore, #tpu.memory_space<semaphore_mem>>)
    %dma_wait3A_558 = arith.constant 2 : i32
    %dma_wait3A_559 = arith.constant 2 : i32
    %dma_wait3A_560 = arith.constant 0 : i32
    %dma_wait3A_561 = arith.constant 0 : i32
    %dma_wait3A_562 = tpu.memref_slice %arg3[%dma_wait3A_561] : memref<8x!tpu.dma_semaphore, #tpu.memory_space<semaphore_mem>> -> memref<1x!tpu.dma_semaphore, #tpu.memory_space<semaphore_mem>>
    %dma_wait3A_563 = tpu.memref_squeeze %dma_wait3A_562 : memref<1x!tpu.dma_semaphore, #tpu.memory_space<semaphore_mem>> -> memref<!tpu.dma_semaphore, #tpu.memory_space<semaphore_mem>>
    %dma_wait3A_564 = arith.constant 0 : i32
    %dma_wait3A_565 = arith.constant 0 : i32
    %dma_wait3A_566 = tpu.memref_slice %arg2[%dma_wait3A_560, %dma_wait3A_564, %dma_wait3A_565] : memref<8x256x512xf32, #tpu.memory_space<vmem>> -> memref<1x256x512xf32, #tpu.memory_space<vmem>>
    %dma_wait3A_567 = tpu.memref_squeeze %dma_wait3A_566 : memref<1x256x512xf32, #tpu.memory_space<vmem>> -> memref<256x512xf32, #tpu.memory_space<vmem>>
    %dma_wait3A_568 = arith.constant 112 : i32
    %dma_wait3A_569 = arith.constant 0 : i32
    %dma_wait3A_570 = tpu.memref_slice %arg0[%dma_wait3A_558, %dma_wait3A_559, %dma_wait3A_568, %dma_wait3A_569] : memref<8x3x512x512xf32, #tpu.memory_space<hbm>> -> memref<1x1x256x512xf32, #tpu.memory_space<hbm>>
    %dma_wait3A_571 = tpu.memref_squeeze %dma_wait3A_570 : memref<1x1x256x512xf32, #tpu.memory_space<hbm>> -> memref<256x512xf32, #tpu.memory_space<hbm>>
    tpu.wait_dma2 semaphore(%dma_wait3A_563 : memref<!tpu.dma_semaphore, #tpu.memory_space<semaphore_mem>>) src(%dma_wait3A_571 : memref<256x512xf32, #tpu.memory_space<hbm>>) dst(%dma_wait3A_567 : memref<256x512xf32, #tpu.memory_space<vmem>>)
    %dma_start3A_572 = arith.constant 0 : i32
    %dma_start3A_573 = arith.constant 2 : i32
    %dma_start3A_574 = arith.constant 2 : i32
    %dma_start3A_575 = arith.constant 0 : i32
    %dma_start3A_576 = tpu.memref_slice %arg4[%dma_start3A_575] : memref<8x!tpu.dma_semaphore, #tpu.memory_space<semaphore_mem>> -> memref<1x!tpu.dma_semaphore, #tpu.memory_space<semaphore_mem>>
    %dma_start3A_577 = tpu.memref_squeeze %dma_start3A_576 : memref<1x!tpu.dma_semaphore, #tpu.memory_space<semaphore_mem>> -> memref<!tpu.dma_semaphore, #tpu.memory_space<semaphore_mem>>
    %dma_start3A_578 = arith.constant 0 : i32
    %dma_start3A_579 = arith.constant 0 : i32
    %dma_start3A_580 = tpu.memref_slice %arg1[%dma_start3A_573, %dma_start3A_574, %dma_start3A_578, %dma_start3A_579] : memref<8x3x256x512xf32, #tpu.memory_space<hbm>> -> memref<1x1x256x512xf32, #tpu.memory_space<hbm>>
    %dma_start3A_581 = tpu.memref_squeeze %dma_start3A_580 : memref<1x1x256x512xf32, #tpu.memory_space<hbm>> -> memref<256x512xf32, #tpu.memory_space<hbm>>
    %dma_start3A_582 = arith.constant 0 : i32
    %dma_start3A_583 = arith.constant 0 : i32
    %dma_start3A_584 = tpu.memref_slice %arg2[%dma_start3A_572, %dma_start3A_582, %dma_start3A_583] : memref<8x256x512xf32, #tpu.memory_space<vmem>> -> memref<1x256x512xf32, #tpu.memory_space<vmem>>
    %dma_start3A_585 = tpu.memref_squeeze %dma_start3A_584 : memref<1x256x512xf32, #tpu.memory_space<vmem>> -> memref<256x512xf32, #tpu.memory_space<vmem>>
    tpu.enqueue_dma source(%dma_start3A_585 : memref<256x512xf32, #tpu.memory_space<vmem>>) target(%dma_start3A_581 : memref<256x512xf32, #tpu.memory_space<hbm>>) target_semaphore(%dma_start3A_577 : memref<!tpu.dma_semaphore, #tpu.memory_space<semaphore_mem>>)
    %dma_wait3A_586 = arith.constant 0 : i32
    %dma_wait3A_587 = arith.constant 2 : i32
    %dma_wait3A_588 = arith.constant 2 : i32
    %dma_wait3A_589 = arith.constant 0 : i32
    %dma_wait3A_590 = tpu.memref_slice %arg4[%dma_wait3A_589] : memref<8x!tpu.dma_semaphore, #tpu.memory_space<semaphore_mem>> -> memref<1x!tpu.dma_semaphore, #tpu.memory_space<semaphore_mem>>
    %dma_wait3A_591 = tpu.memref_squeeze %dma_wait3A_590 : memref<1x!tpu.dma_semaphore, #tpu.memory_space<semaphore_mem>> -> memref<!tpu.dma_semaphore, #tpu.memory_space<semaphore_mem>>
    %dma_wait3A_592 = arith.constant 0 : i32
    %dma_wait3A_593 = arith.constant 0 : i32
    %dma_wait3A_594 = tpu.memref_slice %arg1[%dma_wait3A_587, %dma_wait3A_588, %dma_wait3A_592, %dma_wait3A_593] : memref<8x3x256x512xf32, #tpu.memory_space<hbm>> -> memref<1x1x256x512xf32, #tpu.memory_space<hbm>>
    %dma_wait3A_595 = tpu.memref_squeeze %dma_wait3A_594 : memref<1x1x256x512xf32, #tpu.memory_space<hbm>> -> memref<256x512xf32, #tpu.memory_space<hbm>>
    %dma_wait3A_596 = arith.constant 0 : i32
    %dma_wait3A_597 = arith.constant 0 : i32
    %dma_wait3A_598 = tpu.memref_slice %arg2[%dma_wait3A_586, %dma_wait3A_596, %dma_wait3A_597] : memref<8x256x512xf32, #tpu.memory_space<vmem>> -> memref<1x256x512xf32, #tpu.memory_space<vmem>>
    %dma_wait3A_599 = tpu.memref_squeeze %dma_wait3A_598 : memref<1x256x512xf32, #tpu.memory_space<vmem>> -> memref<256x512xf32, #tpu.memory_space<vmem>>
    tpu.wait_dma2 semaphore(%dma_wait3A_591 : memref<!tpu.dma_semaphore, #tpu.memory_space<semaphore_mem>>) src(%dma_wait3A_599 : memref<256x512xf32, #tpu.memory_space<vmem>>) dst(%dma_wait3A_595 : memref<256x512xf32, #tpu.memory_space<hbm>>)
    %dma_start3A_600 = arith.constant 5 : i32
    %dma_start3A_601 = arith.constant 1 : i32
    %dma_start3A_602 = arith.constant 0 : i32
    %dma_start3A_603 = arith.constant 0 : i32
    %dma_start3A_604 = tpu.memref_slice %arg3[%dma_start3A_603] : memref<8x!tpu.dma_semaphore, #tpu.memory_space<semaphore_mem>> -> memref<1x!tpu.dma_semaphore, #tpu.memory_space<semaphore_mem>>
    %dma_start3A_605 = tpu.memref_squeeze %dma_start3A_604 : memref<1x!tpu.dma_semaphore, #tpu.memory_space<semaphore_mem>> -> memref<!tpu.dma_semaphore, #tpu.memory_space<semaphore_mem>>
    %dma_start3A_606 = arith.constant 0 : i32
    %dma_start3A_607 = arith.constant 0 : i32
    %dma_start3A_608 = tpu.memref_slice %arg2[%dma_start3A_602, %dma_start3A_606, %dma_start3A_607] : memref<8x256x512xf32, #tpu.memory_space<vmem>> -> memref<1x256x512xf32, #tpu.memory_space<vmem>>
    %dma_start3A_609 = tpu.memref_squeeze %dma_start3A_608 : memref<1x256x512xf32, #tpu.memory_space<vmem>> -> memref<256x512xf32, #tpu.memory_space<vmem>>
    %dma_start3A_610 = arith.constant 112 : i32
    %dma_start3A_611 = arith.constant 0 : i32
    %dma_start3A_612 = tpu.memref_slice %arg0[%dma_start3A_600, %dma_start3A_601, %dma_start3A_610, %dma_start3A_611] : memref<8x3x512x512xf32, #tpu.memory_space<hbm>> -> memref<1x1x256x512xf32, #tpu.memory_space<hbm>>
    %dma_start3A_613 = tpu.memref_squeeze %dma_start3A_612 : memref<1x1x256x512xf32, #tpu.memory_space<hbm>> -> memref<256x512xf32, #tpu.memory_space<hbm>>
    tpu.enqueue_dma source(%dma_start3A_613 : memref<256x512xf32, #tpu.memory_space<hbm>>) target(%dma_start3A_609 : memref<256x512xf32, #tpu.memory_space<vmem>>) target_semaphore(%dma_start3A_605 : memref<!tpu.dma_semaphore, #tpu.memory_space<semaphore_mem>>)
    %dma_wait3A_614 = arith.constant 3 : i32
    %dma_wait3A_615 = arith.constant 0 : i32
    %dma_wait3A_616 = arith.constant 1 : i32
    %dma_wait3A_617 = arith.constant 1 : i32
    %dma_wait3A_618 = tpu.memref_slice %arg3[%dma_wait3A_617] : memref<8x!tpu.dma_semaphore, #tpu.memory_space<semaphore_mem>> -> memref<1x!tpu.dma_semaphore, #tpu.memory_space<semaphore_mem>>
    %dma_wait3A_619 = tpu.memref_squeeze %dma_wait3A_618 : memref<1x!tpu.dma_semaphore, #tpu.memory_space<semaphore_mem>> -> memref<!tpu.dma_semaphore, #tpu.memory_space<semaphore_mem>>
    %dma_wait3A_620 = arith.constant 0 : i32
    %dma_wait3A_621 = arith.constant 0 : i32
    %dma_wait3A_622 = tpu.memref_slice %arg2[%dma_wait3A_616, %dma_wait3A_620, %dma_wait3A_621] : memref<8x256x512xf32, #tpu.memory_space<vmem>> -> memref<1x256x512xf32, #tpu.memory_space<vmem>>
    %dma_wait3A_623 = tpu.memref_squeeze %dma_wait3A_622 : memref<1x256x512xf32, #tpu.memory_space<vmem>> -> memref<256x512xf32, #tpu.memory_space<vmem>>
    %dma_wait3A_624 = arith.constant 112 : i32
    %dma_wait3A_625 = arith.constant 0 : i32
    %dma_wait3A_626 = tpu.memref_slice %arg0[%dma_wait3A_614, %dma_wait3A_615, %dma_wait3A_624, %dma_wait3A_625] : memref<8x3x512x512xf32, #tpu.memory_space<hbm>> -> memref<1x1x256x512xf32, #tpu.memory_space<hbm>>
    %dma_wait3A_627 = tpu.memref_squeeze %dma_wait3A_626 : memref<1x1x256x512xf32, #tpu.memory_space<hbm>> -> memref<256x512xf32, #tpu.memory_space<hbm>>
    tpu.wait_dma2 semaphore(%dma_wait3A_619 : memref<!tpu.dma_semaphore, #tpu.memory_space<semaphore_mem>>) src(%dma_wait3A_627 : memref<256x512xf32, #tpu.memory_space<hbm>>) dst(%dma_wait3A_623 : memref<256x512xf32, #tpu.memory_space<vmem>>)
    %dma_start3A_628 = arith.constant 1 : i32
    %dma_start3A_629 = arith.constant 3 : i32
    %dma_start3A_630 = arith.constant 0 : i32
    %dma_start3A_631 = arith.constant 1 : i32
    %dma_start3A_632 = tpu.memref_slice %arg4[%dma_start3A_631] : memref<8x!tpu.dma_semaphore, #tpu.memory_space<semaphore_mem>> -> memref<1x!tpu.dma_semaphore, #tpu.memory_space<semaphore_mem>>
    %dma_start3A_633 = tpu.memref_squeeze %dma_start3A_632 : memref<1x!tpu.dma_semaphore, #tpu.memory_space<semaphore_mem>> -> memref<!tpu.dma_semaphore, #tpu.memory_space<semaphore_mem>>
    %dma_start3A_634 = arith.constant 0 : i32
    %dma_start3A_635 = arith.constant 0 : i32
    %dma_start3A_636 = tpu.memref_slice %arg1[%dma_start3A_629, %dma_start3A_630, %dma_start3A_634, %dma_start3A_635] : memref<8x3x256x512xf32, #tpu.memory_space<hbm>> -> memref<1x1x256x512xf32, #tpu.memory_space<hbm>>
    %dma_start3A_637 = tpu.memref_squeeze %dma_start3A_636 : memref<1x1x256x512xf32, #tpu.memory_space<hbm>> -> memref<256x512xf32, #tpu.memory_space<hbm>>
    %dma_start3A_638 = arith.constant 0 : i32
    %dma_start3A_639 = arith.constant 0 : i32
    %dma_start3A_640 = tpu.memref_slice %arg2[%dma_start3A_628, %dma_start3A_638, %dma_start3A_639] : memref<8x256x512xf32, #tpu.memory_space<vmem>> -> memref<1x256x512xf32, #tpu.memory_space<vmem>>
    %dma_start3A_641 = tpu.memref_squeeze %dma_start3A_640 : memref<1x256x512xf32, #tpu.memory_space<vmem>> -> memref<256x512xf32, #tpu.memory_space<vmem>>
    tpu.enqueue_dma source(%dma_start3A_641 : memref<256x512xf32, #tpu.memory_space<vmem>>) target(%dma_start3A_637 : memref<256x512xf32, #tpu.memory_space<hbm>>) target_semaphore(%dma_start3A_633 : memref<!tpu.dma_semaphore, #tpu.memory_space<semaphore_mem>>)
    %dma_wait3A_642 = arith.constant 1 : i32
    %dma_wait3A_643 = arith.constant 3 : i32
    %dma_wait3A_644 = arith.constant 0 : i32
    %dma_wait3A_645 = arith.constant 1 : i32
    %dma_wait3A_646 = tpu.memref_slice %arg4[%dma_wait3A_645] : memref<8x!tpu.dma_semaphore, #tpu.memory_space<semaphore_mem>> -> memref<1x!tpu.dma_semaphore, #tpu.memory_space<semaphore_mem>>
    %dma_wait3A_647 = tpu.memref_squeeze %dma_wait3A_646 : memref<1x!tpu.dma_semaphore, #tpu.memory_space<semaphore_mem>> -> memref<!tpu.dma_semaphore, #tpu.memory_space<semaphore_mem>>
    %dma_wait3A_648 = arith.constant 0 : i32
    %dma_wait3A_649 = arith.constant 0 : i32
    %dma_wait3A_650 = tpu.memref_slice %arg1[%dma_wait3A_643, %dma_wait3A_644, %dma_wait3A_648, %dma_wait3A_649] : memref<8x3x256x512xf32, #tpu.memory_space<hbm>> -> memref<1x1x256x512xf32, #tpu.memory_space<hbm>>
    %dma_wait3A_651 = tpu.memref_squeeze %dma_wait3A_650 : memref<1x1x256x512xf32, #tpu.memory_space<hbm>> -> memref<256x512xf32, #tpu.memory_space<hbm>>
    %dma_wait3A_652 = arith.constant 0 : i32
    %dma_wait3A_653 = arith.constant 0 : i32
    %dma_wait3A_654 = tpu.memref_slice %arg2[%dma_wait3A_642, %dma_wait3A_652, %dma_wait3A_653] : memref<8x256x512xf32, #tpu.memory_space<vmem>> -> memref<1x256x512xf32, #tpu.memory_space<vmem>>
    %dma_wait3A_655 = tpu.memref_squeeze %dma_wait3A_654 : memref<1x256x512xf32, #tpu.memory_space<vmem>> -> memref<256x512xf32, #tpu.memory_space<vmem>>
    tpu.wait_dma2 semaphore(%dma_wait3A_647 : memref<!tpu.dma_semaphore, #tpu.memory_space<semaphore_mem>>) src(%dma_wait3A_655 : memref<256x512xf32, #tpu.memory_space<vmem>>) dst(%dma_wait3A_651 : memref<256x512xf32, #tpu.memory_space<hbm>>)
    %dma_start3A_656 = arith.constant 5 : i32
    %dma_start3A_657 = arith.constant 2 : i32
    %dma_start3A_658 = arith.constant 1 : i32
    %dma_start3A_659 = arith.constant 1 : i32
    %dma_start3A_660 = tpu.memref_slice %arg3[%dma_start3A_659] : memref<8x!tpu.dma_semaphore, #tpu.memory_space<semaphore_mem>> -> memref<1x!tpu.dma_semaphore, #tpu.memory_space<semaphore_mem>>
    %dma_start3A_661 = tpu.memref_squeeze %dma_start3A_660 : memref<1x!tpu.dma_semaphore, #tpu.memory_space<semaphore_mem>> -> memref<!tpu.dma_semaphore, #tpu.memory_space<semaphore_mem>>
    %dma_start3A_662 = arith.constant 0 : i32
    %dma_start3A_663 = arith.constant 0 : i32
    %dma_start3A_664 = tpu.memref_slice %arg2[%dma_start3A_658, %dma_start3A_662, %dma_start3A_663] : memref<8x256x512xf32, #tpu.memory_space<vmem>> -> memref<1x256x512xf32, #tpu.memory_space<vmem>>
    %dma_start3A_665 = tpu.memref_squeeze %dma_start3A_664 : memref<1x256x512xf32, #tpu.memory_space<vmem>> -> memref<256x512xf32, #tpu.memory_space<vmem>>
    %dma_start3A_666 = arith.constant 112 : i32
    %dma_start3A_667 = arith.constant 0 : i32
    %dma_start3A_668 = tpu.memref_slice %arg0[%dma_start3A_656, %dma_start3A_657, %dma_start3A_666, %dma_start3A_667] : memref<8x3x512x512xf32, #tpu.memory_space<hbm>> -> memref<1x1x256x512xf32, #tpu.memory_space<hbm>>
    %dma_start3A_669 = tpu.memref_squeeze %dma_start3A_668 : memref<1x1x256x512xf32, #tpu.memory_space<hbm>> -> memref<256x512xf32, #tpu.memory_space<hbm>>
    tpu.enqueue_dma source(%dma_start3A_669 : memref<256x512xf32, #tpu.memory_space<hbm>>) target(%dma_start3A_665 : memref<256x512xf32, #tpu.memory_space<vmem>>) target_semaphore(%dma_start3A_661 : memref<!tpu.dma_semaphore, #tpu.memory_space<semaphore_mem>>)
    %dma_wait3A_670 = arith.constant 3 : i32
    %dma_wait3A_671 = arith.constant 1 : i32
    %dma_wait3A_672 = arith.constant 2 : i32
    %dma_wait3A_673 = arith.constant 2 : i32
    %dma_wait3A_674 = tpu.memref_slice %arg3[%dma_wait3A_673] : memref<8x!tpu.dma_semaphore, #tpu.memory_space<semaphore_mem>> -> memref<1x!tpu.dma_semaphore, #tpu.memory_space<semaphore_mem>>
    %dma_wait3A_675 = tpu.memref_squeeze %dma_wait3A_674 : memref<1x!tpu.dma_semaphore, #tpu.memory_space<semaphore_mem>> -> memref<!tpu.dma_semaphore, #tpu.memory_space<semaphore_mem>>
    %dma_wait3A_676 = arith.constant 0 : i32
    %dma_wait3A_677 = arith.constant 0 : i32
    %dma_wait3A_678 = tpu.memref_slice %arg2[%dma_wait3A_672, %dma_wait3A_676, %dma_wait3A_677] : memref<8x256x512xf32, #tpu.memory_space<vmem>> -> memref<1x256x512xf32, #tpu.memory_space<vmem>>
    %dma_wait3A_679 = tpu.memref_squeeze %dma_wait3A_678 : memref<1x256x512xf32, #tpu.memory_space<vmem>> -> memref<256x512xf32, #tpu.memory_space<vmem>>
    %dma_wait3A_680 = arith.constant 112 : i32
    %dma_wait3A_681 = arith.constant 0 : i32
    %dma_wait3A_682 = tpu.memref_slice %arg0[%dma_wait3A_670, %dma_wait3A_671, %dma_wait3A_680, %dma_wait3A_681] : memref<8x3x512x512xf32, #tpu.memory_space<hbm>> -> memref<1x1x256x512xf32, #tpu.memory_space<hbm>>
    %dma_wait3A_683 = tpu.memref_squeeze %dma_wait3A_682 : memref<1x1x256x512xf32, #tpu.memory_space<hbm>> -> memref<256x512xf32, #tpu.memory_space<hbm>>
    tpu.wait_dma2 semaphore(%dma_wait3A_675 : memref<!tpu.dma_semaphore, #tpu.memory_space<semaphore_mem>>) src(%dma_wait3A_683 : memref<256x512xf32, #tpu.memory_space<hbm>>) dst(%dma_wait3A_679 : memref<256x512xf32, #tpu.memory_space<vmem>>)
    %dma_start3A_684 = arith.constant 2 : i32
    %dma_start3A_685 = arith.constant 3 : i32
    %dma_start3A_686 = arith.constant 1 : i32
    %dma_start3A_687 = arith.constant 2 : i32
    %dma_start3A_688 = tpu.memref_slice %arg4[%dma_start3A_687] : memref<8x!tpu.dma_semaphore, #tpu.memory_space<semaphore_mem>> -> memref<1x!tpu.dma_semaphore, #tpu.memory_space<semaphore_mem>>
    %dma_start3A_689 = tpu.memref_squeeze %dma_start3A_688 : memref<1x!tpu.dma_semaphore, #tpu.memory_space<semaphore_mem>> -> memref<!tpu.dma_semaphore, #tpu.memory_space<semaphore_mem>>
    %dma_start3A_690 = arith.constant 0 : i32
    %dma_start3A_691 = arith.constant 0 : i32
    %dma_start3A_692 = tpu.memref_slice %arg1[%dma_start3A_685, %dma_start3A_686, %dma_start3A_690, %dma_start3A_691] : memref<8x3x256x512xf32, #tpu.memory_space<hbm>> -> memref<1x1x256x512xf32, #tpu.memory_space<hbm>>
    %dma_start3A_693 = tpu.memref_squeeze %dma_start3A_692 : memref<1x1x256x512xf32, #tpu.memory_space<hbm>> -> memref<256x512xf32, #tpu.memory_space<hbm>>
    %dma_start3A_694 = arith.constant 0 : i32
    %dma_start3A_695 = arith.constant 0 : i32
    %dma_start3A_696 = tpu.memref_slice %arg2[%dma_start3A_684, %dma_start3A_694, %dma_start3A_695] : memref<8x256x512xf32, #tpu.memory_space<vmem>> -> memref<1x256x512xf32, #tpu.memory_space<vmem>>
    %dma_start3A_697 = tpu.memref_squeeze %dma_start3A_696 : memref<1x256x512xf32, #tpu.memory_space<vmem>> -> memref<256x512xf32, #tpu.memory_space<vmem>>
    tpu.enqueue_dma source(%dma_start3A_697 : memref<256x512xf32, #tpu.memory_space<vmem>>) target(%dma_start3A_693 : memref<256x512xf32, #tpu.memory_space<hbm>>) target_semaphore(%dma_start3A_689 : memref<!tpu.dma_semaphore, #tpu.memory_space<semaphore_mem>>)
    %dma_wait3A_698 = arith.constant 2 : i32
    %dma_wait3A_699 = arith.constant 3 : i32
    %dma_wait3A_700 = arith.constant 1 : i32
    %dma_wait3A_701 = arith.constant 2 : i32
    %dma_wait3A_702 = tpu.memref_slice %arg4[%dma_wait3A_701] : memref<8x!tpu.dma_semaphore, #tpu.memory_space<semaphore_mem>> -> memref<1x!tpu.dma_semaphore, #tpu.memory_space<semaphore_mem>>
    %dma_wait3A_703 = tpu.memref_squeeze %dma_wait3A_702 : memref<1x!tpu.dma_semaphore, #tpu.memory_space<semaphore_mem>> -> memref<!tpu.dma_semaphore, #tpu.memory_space<semaphore_mem>>
    %dma_wait3A_704 = arith.constant 0 : i32
    %dma_wait3A_705 = arith.constant 0 : i32
    %dma_wait3A_706 = tpu.memref_slice %arg1[%dma_wait3A_699, %dma_wait3A_700, %dma_wait3A_704, %dma_wait3A_705] : memref<8x3x256x512xf32, #tpu.memory_space<hbm>> -> memref<1x1x256x512xf32, #tpu.memory_space<hbm>>
    %dma_wait3A_707 = tpu.memref_squeeze %dma_wait3A_706 : memref<1x1x256x512xf32, #tpu.memory_space<hbm>> -> memref<256x512xf32, #tpu.memory_space<hbm>>
    %dma_wait3A_708 = arith.constant 0 : i32
    %dma_wait3A_709 = arith.constant 0 : i32
    %dma_wait3A_710 = tpu.memref_slice %arg2[%dma_wait3A_698, %dma_wait3A_708, %dma_wait3A_709] : memref<8x256x512xf32, #tpu.memory_space<vmem>> -> memref<1x256x512xf32, #tpu.memory_space<vmem>>
    %dma_wait3A_711 = tpu.memref_squeeze %dma_wait3A_710 : memref<1x256x512xf32, #tpu.memory_space<vmem>> -> memref<256x512xf32, #tpu.memory_space<vmem>>
    tpu.wait_dma2 semaphore(%dma_wait3A_703 : memref<!tpu.dma_semaphore, #tpu.memory_space<semaphore_mem>>) src(%dma_wait3A_711 : memref<256x512xf32, #tpu.memory_space<vmem>>) dst(%dma_wait3A_707 : memref<256x512xf32, #tpu.memory_space<hbm>>)
    %dma_start3A_712 = arith.constant 6 : i32
    %dma_start3A_713 = arith.constant 0 : i32
    %dma_start3A_714 = arith.constant 2 : i32
    %dma_start3A_715 = arith.constant 2 : i32
    %dma_start3A_716 = tpu.memref_slice %arg3[%dma_start3A_715] : memref<8x!tpu.dma_semaphore, #tpu.memory_space<semaphore_mem>> -> memref<1x!tpu.dma_semaphore, #tpu.memory_space<semaphore_mem>>
    %dma_start3A_717 = tpu.memref_squeeze %dma_start3A_716 : memref<1x!tpu.dma_semaphore, #tpu.memory_space<semaphore_mem>> -> memref<!tpu.dma_semaphore, #tpu.memory_space<semaphore_mem>>
    %dma_start3A_718 = arith.constant 0 : i32
    %dma_start3A_719 = arith.constant 0 : i32
    %dma_start3A_720 = tpu.memref_slice %arg2[%dma_start3A_714, %dma_start3A_718, %dma_start3A_719] : memref<8x256x512xf32, #tpu.memory_space<vmem>> -> memref<1x256x512xf32, #tpu.memory_space<vmem>>
    %dma_start3A_721 = tpu.memref_squeeze %dma_start3A_720 : memref<1x256x512xf32, #tpu.memory_space<vmem>> -> memref<256x512xf32, #tpu.memory_space<vmem>>
    %dma_start3A_722 = arith.constant 112 : i32
    %dma_start3A_723 = arith.constant 0 : i32
    %dma_start3A_724 = tpu.memref_slice %arg0[%dma_start3A_712, %dma_start3A_713, %dma_start3A_722, %dma_start3A_723] : memref<8x3x512x512xf32, #tpu.memory_space<hbm>> -> memref<1x1x256x512xf32, #tpu.memory_space<hbm>>
    %dma_start3A_725 = tpu.memref_squeeze %dma_start3A_724 : memref<1x1x256x512xf32, #tpu.memory_space<hbm>> -> memref<256x512xf32, #tpu.memory_space<hbm>>
    tpu.enqueue_dma source(%dma_start3A_725 : memref<256x512xf32, #tpu.memory_space<hbm>>) target(%dma_start3A_721 : memref<256x512xf32, #tpu.memory_space<vmem>>) target_semaphore(%dma_start3A_717 : memref<!tpu.dma_semaphore, #tpu.memory_space<semaphore_mem>>)
    %dma_wait3A_726 = arith.constant 3 : i32
    %dma_wait3A_727 = arith.constant 2 : i32
    %dma_wait3A_728 = arith.constant 3 : i32
    %dma_wait3A_729 = arith.constant 3 : i32
    %dma_wait3A_730 = tpu.memref_slice %arg3[%dma_wait3A_729] : memref<8x!tpu.dma_semaphore, #tpu.memory_space<semaphore_mem>> -> memref<1x!tpu.dma_semaphore, #tpu.memory_space<semaphore_mem>>
    %dma_wait3A_731 = tpu.memref_squeeze %dma_wait3A_730 : memref<1x!tpu.dma_semaphore, #tpu.memory_space<semaphore_mem>> -> memref<!tpu.dma_semaphore, #tpu.memory_space<semaphore_mem>>
    %dma_wait3A_732 = arith.constant 0 : i32
    %dma_wait3A_733 = arith.constant 0 : i32
    %dma_wait3A_734 = tpu.memref_slice %arg2[%dma_wait3A_728, %dma_wait3A_732, %dma_wait3A_733] : memref<8x256x512xf32, #tpu.memory_space<vmem>> -> memref<1x256x512xf32, #tpu.memory_space<vmem>>
    %dma_wait3A_735 = tpu.memref_squeeze %dma_wait3A_734 : memref<1x256x512xf32, #tpu.memory_space<vmem>> -> memref<256x512xf32, #tpu.memory_space<vmem>>
    %dma_wait3A_736 = arith.constant 112 : i32
    %dma_wait3A_737 = arith.constant 0 : i32
    %dma_wait3A_738 = tpu.memref_slice %arg0[%dma_wait3A_726, %dma_wait3A_727, %dma_wait3A_736, %dma_wait3A_737] : memref<8x3x512x512xf32, #tpu.memory_space<hbm>> -> memref<1x1x256x512xf32, #tpu.memory_space<hbm>>
    %dma_wait3A_739 = tpu.memref_squeeze %dma_wait3A_738 : memref<1x1x256x512xf32, #tpu.memory_space<hbm>> -> memref<256x512xf32, #tpu.memory_space<hbm>>
    tpu.wait_dma2 semaphore(%dma_wait3A_731 : memref<!tpu.dma_semaphore, #tpu.memory_space<semaphore_mem>>) src(%dma_wait3A_739 : memref<256x512xf32, #tpu.memory_space<hbm>>) dst(%dma_wait3A_735 : memref<256x512xf32, #tpu.memory_space<vmem>>)
    %dma_start3A_740 = arith.constant 3 : i32
    %dma_start3A_741 = arith.constant 3 : i32
    %dma_start3A_742 = arith.constant 2 : i32
    %dma_start3A_743 = arith.constant 3 : i32
    %dma_start3A_744 = tpu.memref_slice %arg4[%dma_start3A_743] : memref<8x!tpu.dma_semaphore, #tpu.memory_space<semaphore_mem>> -> memref<1x!tpu.dma_semaphore, #tpu.memory_space<semaphore_mem>>
    %dma_start3A_745 = tpu.memref_squeeze %dma_start3A_744 : memref<1x!tpu.dma_semaphore, #tpu.memory_space<semaphore_mem>> -> memref<!tpu.dma_semaphore, #tpu.memory_space<semaphore_mem>>
    %dma_start3A_746 = arith.constant 0 : i32
    %dma_start3A_747 = arith.constant 0 : i32
    %dma_start3A_748 = tpu.memref_slice %arg1[%dma_start3A_741, %dma_start3A_742, %dma_start3A_746, %dma_start3A_747] : memref<8x3x256x512xf32, #tpu.memory_space<hbm>> -> memref<1x1x256x512xf32, #tpu.memory_space<hbm>>
    %dma_start3A_749 = tpu.memref_squeeze %dma_start3A_748 : memref<1x1x256x512xf32, #tpu.memory_space<hbm>> -> memref<256x512xf32, #tpu.memory_space<hbm>>
    %dma_start3A_750 = arith.constant 0 : i32
    %dma_start3A_751 = arith.constant 0 : i32
    %dma_start3A_752 = tpu.memref_slice %arg2[%dma_start3A_740, %dma_start3A_750, %dma_start3A_751] : memref<8x256x512xf32, #tpu.memory_space<vmem>> -> memref<1x256x512xf32, #tpu.memory_space<vmem>>
    %dma_start3A_753 = tpu.memref_squeeze %dma_start3A_752 : memref<1x256x512xf32, #tpu.memory_space<vmem>> -> memref<256x512xf32, #tpu.memory_space<vmem>>
    tpu.enqueue_dma source(%dma_start3A_753 : memref<256x512xf32, #tpu.memory_space<vmem>>) target(%dma_start3A_749 : memref<256x512xf32, #tpu.memory_space<hbm>>) target_semaphore(%dma_start3A_745 : memref<!tpu.dma_semaphore, #tpu.memory_space<semaphore_mem>>)
    %dma_wait3A_754 = arith.constant 3 : i32
    %dma_wait3A_755 = arith.constant 3 : i32
    %dma_wait3A_756 = arith.constant 2 : i32
    %dma_wait3A_757 = arith.constant 3 : i32
    %dma_wait3A_758 = tpu.memref_slice %arg4[%dma_wait3A_757] : memref<8x!tpu.dma_semaphore, #tpu.memory_space<semaphore_mem>> -> memref<1x!tpu.dma_semaphore, #tpu.memory_space<semaphore_mem>>
    %dma_wait3A_759 = tpu.memref_squeeze %dma_wait3A_758 : memref<1x!tpu.dma_semaphore, #tpu.memory_space<semaphore_mem>> -> memref<!tpu.dma_semaphore, #tpu.memory_space<semaphore_mem>>
    %dma_wait3A_760 = arith.constant 0 : i32
    %dma_wait3A_761 = arith.constant 0 : i32
    %dma_wait3A_762 = tpu.memref_slice %arg1[%dma_wait3A_755, %dma_wait3A_756, %dma_wait3A_760, %dma_wait3A_761] : memref<8x3x256x512xf32, #tpu.memory_space<hbm>> -> memref<1x1x256x512xf32, #tpu.memory_space<hbm>>
    %dma_wait3A_763 = tpu.memref_squeeze %dma_wait3A_762 : memref<1x1x256x512xf32, #tpu.memory_space<hbm>> -> memref<256x512xf32, #tpu.memory_space<hbm>>
    %dma_wait3A_764 = arith.constant 0 : i32
    %dma_wait3A_765 = arith.constant 0 : i32
    %dma_wait3A_766 = tpu.memref_slice %arg2[%dma_wait3A_754, %dma_wait3A_764, %dma_wait3A_765] : memref<8x256x512xf32, #tpu.memory_space<vmem>> -> memref<1x256x512xf32, #tpu.memory_space<vmem>>
    %dma_wait3A_767 = tpu.memref_squeeze %dma_wait3A_766 : memref<1x256x512xf32, #tpu.memory_space<vmem>> -> memref<256x512xf32, #tpu.memory_space<vmem>>
    tpu.wait_dma2 semaphore(%dma_wait3A_759 : memref<!tpu.dma_semaphore, #tpu.memory_space<semaphore_mem>>) src(%dma_wait3A_767 : memref<256x512xf32, #tpu.memory_space<vmem>>) dst(%dma_wait3A_763 : memref<256x512xf32, #tpu.memory_space<hbm>>)
    %dma_start3A_768 = arith.constant 6 : i32
    %dma_start3A_769 = arith.constant 1 : i32
    %dma_start3A_770 = arith.constant 3 : i32
    %dma_start3A_771 = arith.constant 3 : i32
    %dma_start3A_772 = tpu.memref_slice %arg3[%dma_start3A_771] : memref<8x!tpu.dma_semaphore, #tpu.memory_space<semaphore_mem>> -> memref<1x!tpu.dma_semaphore, #tpu.memory_space<semaphore_mem>>
    %dma_start3A_773 = tpu.memref_squeeze %dma_start3A_772 : memref<1x!tpu.dma_semaphore, #tpu.memory_space<semaphore_mem>> -> memref<!tpu.dma_semaphore, #tpu.memory_space<semaphore_mem>>
    %dma_start3A_774 = arith.constant 0 : i32
    %dma_start3A_775 = arith.constant 0 : i32
    %dma_start3A_776 = tpu.memref_slice %arg2[%dma_start3A_770, %dma_start3A_774, %dma_start3A_775] : memref<8x256x512xf32, #tpu.memory_space<vmem>> -> memref<1x256x512xf32, #tpu.memory_space<vmem>>
    %dma_start3A_777 = tpu.memref_squeeze %dma_start3A_776 : memref<1x256x512xf32, #tpu.memory_space<vmem>> -> memref<256x512xf32, #tpu.memory_space<vmem>>
    %dma_start3A_778 = arith.constant 112 : i32
    %dma_start3A_779 = arith.constant 0 : i32
    %dma_start3A_780 = tpu.memref_slice %arg0[%dma_start3A_768, %dma_start3A_769, %dma_start3A_778, %dma_start3A_779] : memref<8x3x512x512xf32, #tpu.memory_space<hbm>> -> memref<1x1x256x512xf32, #tpu.memory_space<hbm>>
    %dma_start3A_781 = tpu.memref_squeeze %dma_start3A_780 : memref<1x1x256x512xf32, #tpu.memory_space<hbm>> -> memref<256x512xf32, #tpu.memory_space<hbm>>
    tpu.enqueue_dma source(%dma_start3A_781 : memref<256x512xf32, #tpu.memory_space<hbm>>) target(%dma_start3A_777 : memref<256x512xf32, #tpu.memory_space<vmem>>) target_semaphore(%dma_start3A_773 : memref<!tpu.dma_semaphore, #tpu.memory_space<semaphore_mem>>)
    %dma_wait3A_782 = arith.constant 4 : i32
    %dma_wait3A_783 = arith.constant 0 : i32
    %dma_wait3A_784 = arith.constant 4 : i32
    %dma_wait3A_785 = arith.constant 4 : i32
    %dma_wait3A_786 = tpu.memref_slice %arg3[%dma_wait3A_785] : memref<8x!tpu.dma_semaphore, #tpu.memory_space<semaphore_mem>> -> memref<1x!tpu.dma_semaphore, #tpu.memory_space<semaphore_mem>>
    %dma_wait3A_787 = tpu.memref_squeeze %dma_wait3A_786 : memref<1x!tpu.dma_semaphore, #tpu.memory_space<semaphore_mem>> -> memref<!tpu.dma_semaphore, #tpu.memory_space<semaphore_mem>>
    %dma_wait3A_788 = arith.constant 0 : i32
    %dma_wait3A_789 = arith.constant 0 : i32
    %dma_wait3A_790 = tpu.memref_slice %arg2[%dma_wait3A_784, %dma_wait3A_788, %dma_wait3A_789] : memref<8x256x512xf32, #tpu.memory_space<vmem>> -> memref<1x256x512xf32, #tpu.memory_space<vmem>>
    %dma_wait3A_791 = tpu.memref_squeeze %dma_wait3A_790 : memref<1x256x512xf32, #tpu.memory_space<vmem>> -> memref<256x512xf32, #tpu.memory_space<vmem>>
    %dma_wait3A_792 = arith.constant 112 : i32
    %dma_wait3A_793 = arith.constant 0 : i32
    %dma_wait3A_794 = tpu.memref_slice %arg0[%dma_wait3A_782, %dma_wait3A_783, %dma_wait3A_792, %dma_wait3A_793] : memref<8x3x512x512xf32, #tpu.memory_space<hbm>> -> memref<1x1x256x512xf32, #tpu.memory_space<hbm>>
    %dma_wait3A_795 = tpu.memref_squeeze %dma_wait3A_794 : memref<1x1x256x512xf32, #tpu.memory_space<hbm>> -> memref<256x512xf32, #tpu.memory_space<hbm>>
    tpu.wait_dma2 semaphore(%dma_wait3A_787 : memref<!tpu.dma_semaphore, #tpu.memory_space<semaphore_mem>>) src(%dma_wait3A_795 : memref<256x512xf32, #tpu.memory_space<hbm>>) dst(%dma_wait3A_791 : memref<256x512xf32, #tpu.memory_space<vmem>>)
    %dma_start3A_796 = arith.constant 4 : i32
    %dma_start3A_797 = arith.constant 4 : i32
    %dma_start3A_798 = arith.constant 0 : i32
    %dma_start3A_799 = arith.constant 4 : i32
    %dma_start3A_800 = tpu.memref_slice %arg4[%dma_start3A_799] : memref<8x!tpu.dma_semaphore, #tpu.memory_space<semaphore_mem>> -> memref<1x!tpu.dma_semaphore, #tpu.memory_space<semaphore_mem>>
    %dma_start3A_801 = tpu.memref_squeeze %dma_start3A_800 : memref<1x!tpu.dma_semaphore, #tpu.memory_space<semaphore_mem>> -> memref<!tpu.dma_semaphore, #tpu.memory_space<semaphore_mem>>
    %dma_start3A_802 = arith.constant 0 : i32
    %dma_start3A_803 = arith.constant 0 : i32
    %dma_start3A_804 = tpu.memref_slice %arg1[%dma_start3A_797, %dma_start3A_798, %dma_start3A_802, %dma_start3A_803] : memref<8x3x256x512xf32, #tpu.memory_space<hbm>> -> memref<1x1x256x512xf32, #tpu.memory_space<hbm>>
    %dma_start3A_805 = tpu.memref_squeeze %dma_start3A_804 : memref<1x1x256x512xf32, #tpu.memory_space<hbm>> -> memref<256x512xf32, #tpu.memory_space<hbm>>
    %dma_start3A_806 = arith.constant 0 : i32
    %dma_start3A_807 = arith.constant 0 : i32
    %dma_start3A_808 = tpu.memref_slice %arg2[%dma_start3A_796, %dma_start3A_806, %dma_start3A_807] : memref<8x256x512xf32, #tpu.memory_space<vmem>> -> memref<1x256x512xf32, #tpu.memory_space<vmem>>
    %dma_start3A_809 = tpu.memref_squeeze %dma_start3A_808 : memref<1x256x512xf32, #tpu.memory_space<vmem>> -> memref<256x512xf32, #tpu.memory_space<vmem>>
    tpu.enqueue_dma source(%dma_start3A_809 : memref<256x512xf32, #tpu.memory_space<vmem>>) target(%dma_start3A_805 : memref<256x512xf32, #tpu.memory_space<hbm>>) target_semaphore(%dma_start3A_801 : memref<!tpu.dma_semaphore, #tpu.memory_space<semaphore_mem>>)
    %dma_wait3A_810 = arith.constant 4 : i32
    %dma_wait3A_811 = arith.constant 4 : i32
    %dma_wait3A_812 = arith.constant 0 : i32
    %dma_wait3A_813 = arith.constant 4 : i32
    %dma_wait3A_814 = tpu.memref_slice %arg4[%dma_wait3A_813] : memref<8x!tpu.dma_semaphore, #tpu.memory_space<semaphore_mem>> -> memref<1x!tpu.dma_semaphore, #tpu.memory_space<semaphore_mem>>
    %dma_wait3A_815 = tpu.memref_squeeze %dma_wait3A_814 : memref<1x!tpu.dma_semaphore, #tpu.memory_space<semaphore_mem>> -> memref<!tpu.dma_semaphore, #tpu.memory_space<semaphore_mem>>
    %dma_wait3A_816 = arith.constant 0 : i32
    %dma_wait3A_817 = arith.constant 0 : i32
    %dma_wait3A_818 = tpu.memref_slice %arg1[%dma_wait3A_811, %dma_wait3A_812, %dma_wait3A_816, %dma_wait3A_817] : memref<8x3x256x512xf32, #tpu.memory_space<hbm>> -> memref<1x1x256x512xf32, #tpu.memory_space<hbm>>
    %dma_wait3A_819 = tpu.memref_squeeze %dma_wait3A_818 : memref<1x1x256x512xf32, #tpu.memory_space<hbm>> -> memref<256x512xf32, #tpu.memory_space<hbm>>
    %dma_wait3A_820 = arith.constant 0 : i32
    %dma_wait3A_821 = arith.constant 0 : i32
    %dma_wait3A_822 = tpu.memref_slice %arg2[%dma_wait3A_810, %dma_wait3A_820, %dma_wait3A_821] : memref<8x256x512xf32, #tpu.memory_space<vmem>> -> memref<1x256x512xf32, #tpu.memory_space<vmem>>
    %dma_wait3A_823 = tpu.memref_squeeze %dma_wait3A_822 : memref<1x256x512xf32, #tpu.memory_space<vmem>> -> memref<256x512xf32, #tpu.memory_space<vmem>>
    tpu.wait_dma2 semaphore(%dma_wait3A_815 : memref<!tpu.dma_semaphore, #tpu.memory_space<semaphore_mem>>) src(%dma_wait3A_823 : memref<256x512xf32, #tpu.memory_space<vmem>>) dst(%dma_wait3A_819 : memref<256x512xf32, #tpu.memory_space<hbm>>)
    %dma_start3A_824 = arith.constant 6 : i32
    %dma_start3A_825 = arith.constant 2 : i32
    %dma_start3A_826 = arith.constant 4 : i32
    %dma_start3A_827 = arith.constant 4 : i32
    %dma_start3A_828 = tpu.memref_slice %arg3[%dma_start3A_827] : memref<8x!tpu.dma_semaphore, #tpu.memory_space<semaphore_mem>> -> memref<1x!tpu.dma_semaphore, #tpu.memory_space<semaphore_mem>>
    %dma_start3A_829 = tpu.memref_squeeze %dma_start3A_828 : memref<1x!tpu.dma_semaphore, #tpu.memory_space<semaphore_mem>> -> memref<!tpu.dma_semaphore, #tpu.memory_space<semaphore_mem>>
    %dma_start3A_830 = arith.constant 0 : i32
    %dma_start3A_831 = arith.constant 0 : i32
    %dma_start3A_832 = tpu.memref_slice %arg2[%dma_start3A_826, %dma_start3A_830, %dma_start3A_831] : memref<8x256x512xf32, #tpu.memory_space<vmem>> -> memref<1x256x512xf32, #tpu.memory_space<vmem>>
    %dma_start3A_833 = tpu.memref_squeeze %dma_start3A_832 : memref<1x256x512xf32, #tpu.memory_space<vmem>> -> memref<256x512xf32, #tpu.memory_space<vmem>>
    %dma_start3A_834 = arith.constant 112 : i32
    %dma_start3A_835 = arith.constant 0 : i32
    %dma_start3A_836 = tpu.memref_slice %arg0[%dma_start3A_824, %dma_start3A_825, %dma_start3A_834, %dma_start3A_835] : memref<8x3x512x512xf32, #tpu.memory_space<hbm>> -> memref<1x1x256x512xf32, #tpu.memory_space<hbm>>
    %dma_start3A_837 = tpu.memref_squeeze %dma_start3A_836 : memref<1x1x256x512xf32, #tpu.memory_space<hbm>> -> memref<256x512xf32, #tpu.memory_space<hbm>>
    tpu.enqueue_dma source(%dma_start3A_837 : memref<256x512xf32, #tpu.memory_space<hbm>>) target(%dma_start3A_833 : memref<256x512xf32, #tpu.memory_space<vmem>>) target_semaphore(%dma_start3A_829 : memref<!tpu.dma_semaphore, #tpu.memory_space<semaphore_mem>>)
    %dma_wait3A_838 = arith.constant 4 : i32
    %dma_wait3A_839 = arith.constant 1 : i32
    %dma_wait3A_840 = arith.constant 5 : i32
    %dma_wait3A_841 = arith.constant 5 : i32
    %dma_wait3A_842 = tpu.memref_slice %arg3[%dma_wait3A_841] : memref<8x!tpu.dma_semaphore, #tpu.memory_space<semaphore_mem>> -> memref<1x!tpu.dma_semaphore, #tpu.memory_space<semaphore_mem>>
    %dma_wait3A_843 = tpu.memref_squeeze %dma_wait3A_842 : memref<1x!tpu.dma_semaphore, #tpu.memory_space<semaphore_mem>> -> memref<!tpu.dma_semaphore, #tpu.memory_space<semaphore_mem>>
    %dma_wait3A_844 = arith.constant 0 : i32
    %dma_wait3A_845 = arith.constant 0 : i32
    %dma_wait3A_846 = tpu.memref_slice %arg2[%dma_wait3A_840, %dma_wait3A_844, %dma_wait3A_845] : memref<8x256x512xf32, #tpu.memory_space<vmem>> -> memref<1x256x512xf32, #tpu.memory_space<vmem>>
    %dma_wait3A_847 = tpu.memref_squeeze %dma_wait3A_846 : memref<1x256x512xf32, #tpu.memory_space<vmem>> -> memref<256x512xf32, #tpu.memory_space<vmem>>
    %dma_wait3A_848 = arith.constant 112 : i32
    %dma_wait3A_849 = arith.constant 0 : i32
    %dma_wait3A_850 = tpu.memref_slice %arg0[%dma_wait3A_838, %dma_wait3A_839, %dma_wait3A_848, %dma_wait3A_849] : memref<8x3x512x512xf32, #tpu.memory_space<hbm>> -> memref<1x1x256x512xf32, #tpu.memory_space<hbm>>
    %dma_wait3A_851 = tpu.memref_squeeze %dma_wait3A_850 : memref<1x1x256x512xf32, #tpu.memory_space<hbm>> -> memref<256x512xf32, #tpu.memory_space<hbm>>
    tpu.wait_dma2 semaphore(%dma_wait3A_843 : memref<!tpu.dma_semaphore, #tpu.memory_space<semaphore_mem>>) src(%dma_wait3A_851 : memref<256x512xf32, #tpu.memory_space<hbm>>) dst(%dma_wait3A_847 : memref<256x512xf32, #tpu.memory_space<vmem>>)
    %dma_start3A_852 = arith.constant 5 : i32
    %dma_start3A_853 = arith.constant 4 : i32
    %dma_start3A_854 = arith.constant 1 : i32
    %dma_start3A_855 = arith.constant 5 : i32
    %dma_start3A_856 = tpu.memref_slice %arg4[%dma_start3A_855] : memref<8x!tpu.dma_semaphore, #tpu.memory_space<semaphore_mem>> -> memref<1x!tpu.dma_semaphore, #tpu.memory_space<semaphore_mem>>
    %dma_start3A_857 = tpu.memref_squeeze %dma_start3A_856 : memref<1x!tpu.dma_semaphore, #tpu.memory_space<semaphore_mem>> -> memref<!tpu.dma_semaphore, #tpu.memory_space<semaphore_mem>>
    %dma_start3A_858 = arith.constant 0 : i32
    %dma_start3A_859 = arith.constant 0 : i32
    %dma_start3A_860 = tpu.memref_slice %arg1[%dma_start3A_853, %dma_start3A_854, %dma_start3A_858, %dma_start3A_859] : memref<8x3x256x512xf32, #tpu.memory_space<hbm>> -> memref<1x1x256x512xf32, #tpu.memory_space<hbm>>
    %dma_start3A_861 = tpu.memref_squeeze %dma_start3A_860 : memref<1x1x256x512xf32, #tpu.memory_space<hbm>> -> memref<256x512xf32, #tpu.memory_space<hbm>>
    %dma_start3A_862 = arith.constant 0 : i32
    %dma_start3A_863 = arith.constant 0 : i32
    %dma_start3A_864 = tpu.memref_slice %arg2[%dma_start3A_852, %dma_start3A_862, %dma_start3A_863] : memref<8x256x512xf32, #tpu.memory_space<vmem>> -> memref<1x256x512xf32, #tpu.memory_space<vmem>>
    %dma_start3A_865 = tpu.memref_squeeze %dma_start3A_864 : memref<1x256x512xf32, #tpu.memory_space<vmem>> -> memref<256x512xf32, #tpu.memory_space<vmem>>
    tpu.enqueue_dma source(%dma_start3A_865 : memref<256x512xf32, #tpu.memory_space<vmem>>) target(%dma_start3A_861 : memref<256x512xf32, #tpu.memory_space<hbm>>) target_semaphore(%dma_start3A_857 : memref<!tpu.dma_semaphore, #tpu.memory_space<semaphore_mem>>)
    %dma_wait3A_866 = arith.constant 5 : i32
    %dma_wait3A_867 = arith.constant 4 : i32
    %dma_wait3A_868 = arith.constant 1 : i32
    %dma_wait3A_869 = arith.constant 5 : i32
    %dma_wait3A_870 = tpu.memref_slice %arg4[%dma_wait3A_869] : memref<8x!tpu.dma_semaphore, #tpu.memory_space<semaphore_mem>> -> memref<1x!tpu.dma_semaphore, #tpu.memory_space<semaphore_mem>>
    %dma_wait3A_871 = tpu.memref_squeeze %dma_wait3A_870 : memref<1x!tpu.dma_semaphore, #tpu.memory_space<semaphore_mem>> -> memref<!tpu.dma_semaphore, #tpu.memory_space<semaphore_mem>>
    %dma_wait3A_872 = arith.constant 0 : i32
    %dma_wait3A_873 = arith.constant 0 : i32
    %dma_wait3A_874 = tpu.memref_slice %arg1[%dma_wait3A_867, %dma_wait3A_868, %dma_wait3A_872, %dma_wait3A_873] : memref<8x3x256x512xf32, #tpu.memory_space<hbm>> -> memref<1x1x256x512xf32, #tpu.memory_space<hbm>>
    %dma_wait3A_875 = tpu.memref_squeeze %dma_wait3A_874 : memref<1x1x256x512xf32, #tpu.memory_space<hbm>> -> memref<256x512xf32, #tpu.memory_space<hbm>>
    %dma_wait3A_876 = arith.constant 0 : i32
    %dma_wait3A_877 = arith.constant 0 : i32
    %dma_wait3A_878 = tpu.memref_slice %arg2[%dma_wait3A_866, %dma_wait3A_876, %dma_wait3A_877] : memref<8x256x512xf32, #tpu.memory_space<vmem>> -> memref<1x256x512xf32, #tpu.memory_space<vmem>>
    %dma_wait3A_879 = tpu.memref_squeeze %dma_wait3A_878 : memref<1x256x512xf32, #tpu.memory_space<vmem>> -> memref<256x512xf32, #tpu.memory_space<vmem>>
    tpu.wait_dma2 semaphore(%dma_wait3A_871 : memref<!tpu.dma_semaphore, #tpu.memory_space<semaphore_mem>>) src(%dma_wait3A_879 : memref<256x512xf32, #tpu.memory_space<vmem>>) dst(%dma_wait3A_875 : memref<256x512xf32, #tpu.memory_space<hbm>>)
    %dma_start3A_880 = arith.constant 7 : i32
    %dma_start3A_881 = arith.constant 0 : i32
    %dma_start3A_882 = arith.constant 5 : i32
    %dma_start3A_883 = arith.constant 5 : i32
    %dma_start3A_884 = tpu.memref_slice %arg3[%dma_start3A_883] : memref<8x!tpu.dma_semaphore, #tpu.memory_space<semaphore_mem>> -> memref<1x!tpu.dma_semaphore, #tpu.memory_space<semaphore_mem>>
    %dma_start3A_885 = tpu.memref_squeeze %dma_start3A_884 : memref<1x!tpu.dma_semaphore, #tpu.memory_space<semaphore_mem>> -> memref<!tpu.dma_semaphore, #tpu.memory_space<semaphore_mem>>
    %dma_start3A_886 = arith.constant 0 : i32
    %dma_start3A_887 = arith.constant 0 : i32
    %dma_start3A_888 = tpu.memref_slice %arg2[%dma_start3A_882, %dma_start3A_886, %dma_start3A_887] : memref<8x256x512xf32, #tpu.memory_space<vmem>> -> memref<1x256x512xf32, #tpu.memory_space<vmem>>
    %dma_start3A_889 = tpu.memref_squeeze %dma_start3A_888 : memref<1x256x512xf32, #tpu.memory_space<vmem>> -> memref<256x512xf32, #tpu.memory_space<vmem>>
    %dma_start3A_890 = arith.constant 112 : i32
    %dma_start3A_891 = arith.constant 0 : i32
    %dma_start3A_892 = tpu.memref_slice %arg0[%dma_start3A_880, %dma_start3A_881, %dma_start3A_890, %dma_start3A_891] : memref<8x3x512x512xf32, #tpu.memory_space<hbm>> -> memref<1x1x256x512xf32, #tpu.memory_space<hbm>>
    %dma_start3A_893 = tpu.memref_squeeze %dma_start3A_892 : memref<1x1x256x512xf32, #tpu.memory_space<hbm>> -> memref<256x512xf32, #tpu.memory_space<hbm>>
    tpu.enqueue_dma source(%dma_start3A_893 : memref<256x512xf32, #tpu.memory_space<hbm>>) target(%dma_start3A_889 : memref<256x512xf32, #tpu.memory_space<vmem>>) target_semaphore(%dma_start3A_885 : memref<!tpu.dma_semaphore, #tpu.memory_space<semaphore_mem>>)
    %dma_wait3A_894 = arith.constant 4 : i32
    %dma_wait3A_895 = arith.constant 2 : i32
    %dma_wait3A_896 = arith.constant 6 : i32
    %dma_wait3A_897 = arith.constant 6 : i32
    %dma_wait3A_898 = tpu.memref_slice %arg3[%dma_wait3A_897] : memref<8x!tpu.dma_semaphore, #tpu.memory_space<semaphore_mem>> -> memref<1x!tpu.dma_semaphore, #tpu.memory_space<semaphore_mem>>
    %dma_wait3A_899 = tpu.memref_squeeze %dma_wait3A_898 : memref<1x!tpu.dma_semaphore, #tpu.memory_space<semaphore_mem>> -> memref<!tpu.dma_semaphore, #tpu.memory_space<semaphore_mem>>
    %dma_wait3A_900 = arith.constant 0 : i32
    %dma_wait3A_901 = arith.constant 0 : i32
    %dma_wait3A_902 = tpu.memref_slice %arg2[%dma_wait3A_896, %dma_wait3A_900, %dma_wait3A_901] : memref<8x256x512xf32, #tpu.memory_space<vmem>> -> memref<1x256x512xf32, #tpu.memory_space<vmem>>
    %dma_wait3A_903 = tpu.memref_squeeze %dma_wait3A_902 : memref<1x256x512xf32, #tpu.memory_space<vmem>> -> memref<256x512xf32, #tpu.memory_space<vmem>>
    %dma_wait3A_904 = arith.constant 112 : i32
    %dma_wait3A_905 = arith.constant 0 : i32
    %dma_wait3A_906 = tpu.memref_slice %arg0[%dma_wait3A_894, %dma_wait3A_895, %dma_wait3A_904, %dma_wait3A_905] : memref<8x3x512x512xf32, #tpu.memory_space<hbm>> -> memref<1x1x256x512xf32, #tpu.memory_space<hbm>>
    %dma_wait3A_907 = tpu.memref_squeeze %dma_wait3A_906 : memref<1x1x256x512xf32, #tpu.memory_space<hbm>> -> memref<256x512xf32, #tpu.memory_space<hbm>>
    tpu.wait_dma2 semaphore(%dma_wait3A_899 : memref<!tpu.dma_semaphore, #tpu.memory_space<semaphore_mem>>) src(%dma_wait3A_907 : memref<256x512xf32, #tpu.memory_space<hbm>>) dst(%dma_wait3A_903 : memref<256x512xf32, #tpu.memory_space<vmem>>)
    %dma_start3A_908 = arith.constant 6 : i32
    %dma_start3A_909 = arith.constant 4 : i32
    %dma_start3A_910 = arith.constant 2 : i32
    %dma_start3A_911 = arith.constant 6 : i32
    %dma_start3A_912 = tpu.memref_slice %arg4[%dma_start3A_911] : memref<8x!tpu.dma_semaphore, #tpu.memory_space<semaphore_mem>> -> memref<1x!tpu.dma_semaphore, #tpu.memory_space<semaphore_mem>>
    %dma_start3A_913 = tpu.memref_squeeze %dma_start3A_912 : memref<1x!tpu.dma_semaphore, #tpu.memory_space<semaphore_mem>> -> memref<!tpu.dma_semaphore, #tpu.memory_space<semaphore_mem>>
    %dma_start3A_914 = arith.constant 0 : i32
    %dma_start3A_915 = arith.constant 0 : i32
    %dma_start3A_916 = tpu.memref_slice %arg1[%dma_start3A_909, %dma_start3A_910, %dma_start3A_914, %dma_start3A_915] : memref<8x3x256x512xf32, #tpu.memory_space<hbm>> -> memref<1x1x256x512xf32, #tpu.memory_space<hbm>>
    %dma_start3A_917 = tpu.memref_squeeze %dma_start3A_916 : memref<1x1x256x512xf32, #tpu.memory_space<hbm>> -> memref<256x512xf32, #tpu.memory_space<hbm>>
    %dma_start3A_918 = arith.constant 0 : i32
    %dma_start3A_919 = arith.constant 0 : i32
    %dma_start3A_920 = tpu.memref_slice %arg2[%dma_start3A_908, %dma_start3A_918, %dma_start3A_919] : memref<8x256x512xf32, #tpu.memory_space<vmem>> -> memref<1x256x512xf32, #tpu.memory_space<vmem>>
    %dma_start3A_921 = tpu.memref_squeeze %dma_start3A_920 : memref<1x256x512xf32, #tpu.memory_space<vmem>> -> memref<256x512xf32, #tpu.memory_space<vmem>>
    tpu.enqueue_dma source(%dma_start3A_921 : memref<256x512xf32, #tpu.memory_space<vmem>>) target(%dma_start3A_917 : memref<256x512xf32, #tpu.memory_space<hbm>>) target_semaphore(%dma_start3A_913 : memref<!tpu.dma_semaphore, #tpu.memory_space<semaphore_mem>>)
    %dma_wait3A_922 = arith.constant 6 : i32
    %dma_wait3A_923 = arith.constant 4 : i32
    %dma_wait3A_924 = arith.constant 2 : i32
    %dma_wait3A_925 = arith.constant 6 : i32
    %dma_wait3A_926 = tpu.memref_slice %arg4[%dma_wait3A_925] : memref<8x!tpu.dma_semaphore, #tpu.memory_space<semaphore_mem>> -> memref<1x!tpu.dma_semaphore, #tpu.memory_space<semaphore_mem>>
    %dma_wait3A_927 = tpu.memref_squeeze %dma_wait3A_926 : memref<1x!tpu.dma_semaphore, #tpu.memory_space<semaphore_mem>> -> memref<!tpu.dma_semaphore, #tpu.memory_space<semaphore_mem>>
    %dma_wait3A_928 = arith.constant 0 : i32
    %dma_wait3A_929 = arith.constant 0 : i32
    %dma_wait3A_930 = tpu.memref_slice %arg1[%dma_wait3A_923, %dma_wait3A_924, %dma_wait3A_928, %dma_wait3A_929] : memref<8x3x256x512xf32, #tpu.memory_space<hbm>> -> memref<1x1x256x512xf32, #tpu.memory_space<hbm>>
    %dma_wait3A_931 = tpu.memref_squeeze %dma_wait3A_930 : memref<1x1x256x512xf32, #tpu.memory_space<hbm>> -> memref<256x512xf32, #tpu.memory_space<hbm>>
    %dma_wait3A_932 = arith.constant 0 : i32
    %dma_wait3A_933 = arith.constant 0 : i32
    %dma_wait3A_934 = tpu.memref_slice %arg2[%dma_wait3A_922, %dma_wait3A_932, %dma_wait3A_933] : memref<8x256x512xf32, #tpu.memory_space<vmem>> -> memref<1x256x512xf32, #tpu.memory_space<vmem>>
    %dma_wait3A_935 = tpu.memref_squeeze %dma_wait3A_934 : memref<1x256x512xf32, #tpu.memory_space<vmem>> -> memref<256x512xf32, #tpu.memory_space<vmem>>
    tpu.wait_dma2 semaphore(%dma_wait3A_927 : memref<!tpu.dma_semaphore, #tpu.memory_space<semaphore_mem>>) src(%dma_wait3A_935 : memref<256x512xf32, #tpu.memory_space<vmem>>) dst(%dma_wait3A_931 : memref<256x512xf32, #tpu.memory_space<hbm>>)
    %dma_start3A_936 = arith.constant 7 : i32
    %dma_start3A_937 = arith.constant 1 : i32
    %dma_start3A_938 = arith.constant 6 : i32
    %dma_start3A_939 = arith.constant 6 : i32
    %dma_start3A_940 = tpu.memref_slice %arg3[%dma_start3A_939] : memref<8x!tpu.dma_semaphore, #tpu.memory_space<semaphore_mem>> -> memref<1x!tpu.dma_semaphore, #tpu.memory_space<semaphore_mem>>
    %dma_start3A_941 = tpu.memref_squeeze %dma_start3A_940 : memref<1x!tpu.dma_semaphore, #tpu.memory_space<semaphore_mem>> -> memref<!tpu.dma_semaphore, #tpu.memory_space<semaphore_mem>>
    %dma_start3A_942 = arith.constant 0 : i32
    %dma_start3A_943 = arith.constant 0 : i32
    %dma_start3A_944 = tpu.memref_slice %arg2[%dma_start3A_938, %dma_start3A_942, %dma_start3A_943] : memref<8x256x512xf32, #tpu.memory_space<vmem>> -> memref<1x256x512xf32, #tpu.memory_space<vmem>>
    %dma_start3A_945 = tpu.memref_squeeze %dma_start3A_944 : memref<1x256x512xf32, #tpu.memory_space<vmem>> -> memref<256x512xf32, #tpu.memory_space<vmem>>
    %dma_start3A_946 = arith.constant 112 : i32
    %dma_start3A_947 = arith.constant 0 : i32
    %dma_start3A_948 = tpu.memref_slice %arg0[%dma_start3A_936, %dma_start3A_937, %dma_start3A_946, %dma_start3A_947] : memref<8x3x512x512xf32, #tpu.memory_space<hbm>> -> memref<1x1x256x512xf32, #tpu.memory_space<hbm>>
    %dma_start3A_949 = tpu.memref_squeeze %dma_start3A_948 : memref<1x1x256x512xf32, #tpu.memory_space<hbm>> -> memref<256x512xf32, #tpu.memory_space<hbm>>
    tpu.enqueue_dma source(%dma_start3A_949 : memref<256x512xf32, #tpu.memory_space<hbm>>) target(%dma_start3A_945 : memref<256x512xf32, #tpu.memory_space<vmem>>) target_semaphore(%dma_start3A_941 : memref<!tpu.dma_semaphore, #tpu.memory_space<semaphore_mem>>)
    %dma_wait3A_950 = arith.constant 5 : i32
    %dma_wait3A_951 = arith.constant 0 : i32
    %dma_wait3A_952 = arith.constant 7 : i32
    %dma_wait3A_953 = arith.constant 7 : i32
    %dma_wait3A_954 = tpu.memref_slice %arg3[%dma_wait3A_953] : memref<8x!tpu.dma_semaphore, #tpu.memory_space<semaphore_mem>> -> memref<1x!tpu.dma_semaphore, #tpu.memory_space<semaphore_mem>>
    %dma_wait3A_955 = tpu.memref_squeeze %dma_wait3A_954 : memref<1x!tpu.dma_semaphore, #tpu.memory_space<semaphore_mem>> -> memref<!tpu.dma_semaphore, #tpu.memory_space<semaphore_mem>>
    %dma_wait3A_956 = arith.constant 0 : i32
    %dma_wait3A_957 = arith.constant 0 : i32
    %dma_wait3A_958 = tpu.memref_slice %arg2[%dma_wait3A_952, %dma_wait3A_956, %dma_wait3A_957] : memref<8x256x512xf32, #tpu.memory_space<vmem>> -> memref<1x256x512xf32, #tpu.memory_space<vmem>>
    %dma_wait3A_959 = tpu.memref_squeeze %dma_wait3A_958 : memref<1x256x512xf32, #tpu.memory_space<vmem>> -> memref<256x512xf32, #tpu.memory_space<vmem>>
    %dma_wait3A_960 = arith.constant 112 : i32
    %dma_wait3A_961 = arith.constant 0 : i32
    %dma_wait3A_962 = tpu.memref_slice %arg0[%dma_wait3A_950, %dma_wait3A_951, %dma_wait3A_960, %dma_wait3A_961] : memref<8x3x512x512xf32, #tpu.memory_space<hbm>> -> memref<1x1x256x512xf32, #tpu.memory_space<hbm>>
    %dma_wait3A_963 = tpu.memref_squeeze %dma_wait3A_962 : memref<1x1x256x512xf32, #tpu.memory_space<hbm>> -> memref<256x512xf32, #tpu.memory_space<hbm>>
    tpu.wait_dma2 semaphore(%dma_wait3A_955 : memref<!tpu.dma_semaphore, #tpu.memory_space<semaphore_mem>>) src(%dma_wait3A_963 : memref<256x512xf32, #tpu.memory_space<hbm>>) dst(%dma_wait3A_959 : memref<256x512xf32, #tpu.memory_space<vmem>>)
    %dma_start3A_964 = arith.constant 7 : i32
    %dma_start3A_965 = arith.constant 5 : i32
    %dma_start3A_966 = arith.constant 0 : i32
    %dma_start3A_967 = arith.constant 7 : i32
    %dma_start3A_968 = tpu.memref_slice %arg4[%dma_start3A_967] : memref<8x!tpu.dma_semaphore, #tpu.memory_space<semaphore_mem>> -> memref<1x!tpu.dma_semaphore, #tpu.memory_space<semaphore_mem>>
    %dma_start3A_969 = tpu.memref_squeeze %dma_start3A_968 : memref<1x!tpu.dma_semaphore, #tpu.memory_space<semaphore_mem>> -> memref<!tpu.dma_semaphore, #tpu.memory_space<semaphore_mem>>
    %dma_start3A_970 = arith.constant 0 : i32
    %dma_start3A_971 = arith.constant 0 : i32
    %dma_start3A_972 = tpu.memref_slice %arg1[%dma_start3A_965, %dma_start3A_966, %dma_start3A_970, %dma_start3A_971] : memref<8x3x256x512xf32, #tpu.memory_space<hbm>> -> memref<1x1x256x512xf32, #tpu.memory_space<hbm>>
    %dma_start3A_973 = tpu.memref_squeeze %dma_start3A_972 : memref<1x1x256x512xf32, #tpu.memory_space<hbm>> -> memref<256x512xf32, #tpu.memory_space<hbm>>
    %dma_start3A_974 = arith.constant 0 : i32
    %dma_start3A_975 = arith.constant 0 : i32
    %dma_start3A_976 = tpu.memref_slice %arg2[%dma_start3A_964, %dma_start3A_974, %dma_start3A_975] : memref<8x256x512xf32, #tpu.memory_space<vmem>> -> memref<1x256x512xf32, #tpu.memory_space<vmem>>
    %dma_start3A_977 = tpu.memref_squeeze %dma_start3A_976 : memref<1x256x512xf32, #tpu.memory_space<vmem>> -> memref<256x512xf32, #tpu.memory_space<vmem>>
    tpu.enqueue_dma source(%dma_start3A_977 : memref<256x512xf32, #tpu.memory_space<vmem>>) target(%dma_start3A_973 : memref<256x512xf32, #tpu.memory_space<hbm>>) target_semaphore(%dma_start3A_969 : memref<!tpu.dma_semaphore, #tpu.memory_space<semaphore_mem>>)
    %dma_wait3A_978 = arith.constant 7 : i32
    %dma_wait3A_979 = arith.constant 5 : i32
    %dma_wait3A_980 = arith.constant 0 : i32
    %dma_wait3A_981 = arith.constant 7 : i32
    %dma_wait3A_982 = tpu.memref_slice %arg4[%dma_wait3A_981] : memref<8x!tpu.dma_semaphore, #tpu.memory_space<semaphore_mem>> -> memref<1x!tpu.dma_semaphore, #tpu.memory_space<semaphore_mem>>
    %dma_wait3A_983 = tpu.memref_squeeze %dma_wait3A_982 : memref<1x!tpu.dma_semaphore, #tpu.memory_space<semaphore_mem>> -> memref<!tpu.dma_semaphore, #tpu.memory_space<semaphore_mem>>
    %dma_wait3A_984 = arith.constant 0 : i32
    %dma_wait3A_985 = arith.constant 0 : i32
    %dma_wait3A_986 = tpu.memref_slice %arg1[%dma_wait3A_979, %dma_wait3A_980, %dma_wait3A_984, %dma_wait3A_985] : memref<8x3x256x512xf32, #tpu.memory_space<hbm>> -> memref<1x1x256x512xf32, #tpu.memory_space<hbm>>
    %dma_wait3A_987 = tpu.memref_squeeze %dma_wait3A_986 : memref<1x1x256x512xf32, #tpu.memory_space<hbm>> -> memref<256x512xf32, #tpu.memory_space<hbm>>
    %dma_wait3A_988 = arith.constant 0 : i32
    %dma_wait3A_989 = arith.constant 0 : i32
    %dma_wait3A_990 = tpu.memref_slice %arg2[%dma_wait3A_978, %dma_wait3A_988, %dma_wait3A_989] : memref<8x256x512xf32, #tpu.memory_space<vmem>> -> memref<1x256x512xf32, #tpu.memory_space<vmem>>
    %dma_wait3A_991 = tpu.memref_squeeze %dma_wait3A_990 : memref<1x256x512xf32, #tpu.memory_space<vmem>> -> memref<256x512xf32, #tpu.memory_space<vmem>>
    tpu.wait_dma2 semaphore(%dma_wait3A_983 : memref<!tpu.dma_semaphore, #tpu.memory_space<semaphore_mem>>) src(%dma_wait3A_991 : memref<256x512xf32, #tpu.memory_space<vmem>>) dst(%dma_wait3A_987 : memref<256x512xf32, #tpu.memory_space<hbm>>)
    %dma_start3A_992 = arith.constant 7 : i32
    %dma_start3A_993 = arith.constant 2 : i32
    %dma_start3A_994 = arith.constant 7 : i32
    %dma_start3A_995 = arith.constant 7 : i32
    %dma_start3A_996 = tpu.memref_slice %arg3[%dma_start3A_995] : memref<8x!tpu.dma_semaphore, #tpu.memory_space<semaphore_mem>> -> memref<1x!tpu.dma_semaphore, #tpu.memory_space<semaphore_mem>>
    %dma_start3A_997 = tpu.memref_squeeze %dma_start3A_996 : memref<1x!tpu.dma_semaphore, #tpu.memory_space<semaphore_mem>> -> memref<!tpu.dma_semaphore, #tpu.memory_space<semaphore_mem>>
    %dma_start3A_998 = arith.constant 0 : i32
    %dma_start3A_999 = arith.constant 0 : i32
    %dma_start3A_1000 = tpu.memref_slice %arg2[%dma_start3A_994, %dma_start3A_998, %dma_start3A_999] : memref<8x256x512xf32, #tpu.memory_space<vmem>> -> memref<1x256x512xf32, #tpu.memory_space<vmem>>
    %dma_start3A_1001 = tpu.memref_squeeze %dma_start3A_1000 : memref<1x256x512xf32, #tpu.memory_space<vmem>> -> memref<256x512xf32, #tpu.memory_space<vmem>>
    %dma_start3A_1002 = arith.constant 112 : i32
    %dma_start3A_1003 = arith.constant 0 : i32
    %dma_start3A_1004 = tpu.memref_slice %arg0[%dma_start3A_992, %dma_start3A_993, %dma_start3A_1002, %dma_start3A_1003] : memref<8x3x512x512xf32, #tpu.memory_space<hbm>> -> memref<1x1x256x512xf32, #tpu.memory_space<hbm>>
    %dma_start3A_1005 = tpu.memref_squeeze %dma_start3A_1004 : memref<1x1x256x512xf32, #tpu.memory_space<hbm>> -> memref<256x512xf32, #tpu.memory_space<hbm>>
    tpu.enqueue_dma source(%dma_start3A_1005 : memref<256x512xf32, #tpu.memory_space<hbm>>) target(%dma_start3A_1001 : memref<256x512xf32, #tpu.memory_space<vmem>>) target_semaphore(%dma_start3A_997 : memref<!tpu.dma_semaphore, #tpu.memory_space<semaphore_mem>>)
    %dma_wait3A_1006 = arith.constant 5 : i32
    %dma_wait3A_1007 = arith.constant 1 : i32
    %dma_wait3A_1008 = arith.constant 0 : i32
    %dma_wait3A_1009 = arith.constant 0 : i32
    %dma_wait3A_1010 = tpu.memref_slice %arg3[%dma_wait3A_1009] : memref<8x!tpu.dma_semaphore, #tpu.memory_space<semaphore_mem>> -> memref<1x!tpu.dma_semaphore, #tpu.memory_space<semaphore_mem>>
    %dma_wait3A_1011 = tpu.memref_squeeze %dma_wait3A_1010 : memref<1x!tpu.dma_semaphore, #tpu.memory_space<semaphore_mem>> -> memref<!tpu.dma_semaphore, #tpu.memory_space<semaphore_mem>>
    %dma_wait3A_1012 = arith.constant 0 : i32
    %dma_wait3A_1013 = arith.constant 0 : i32
    %dma_wait3A_1014 = tpu.memref_slice %arg2[%dma_wait3A_1008, %dma_wait3A_1012, %dma_wait3A_1013] : memref<8x256x512xf32, #tpu.memory_space<vmem>> -> memref<1x256x512xf32, #tpu.memory_space<vmem>>
    %dma_wait3A_1015 = tpu.memref_squeeze %dma_wait3A_1014 : memref<1x256x512xf32, #tpu.memory_space<vmem>> -> memref<256x512xf32, #tpu.memory_space<vmem>>
    %dma_wait3A_1016 = arith.constant 112 : i32
    %dma_wait3A_1017 = arith.constant 0 : i32
    %dma_wait3A_1018 = tpu.memref_slice %arg0[%dma_wait3A_1006, %dma_wait3A_1007, %dma_wait3A_1016, %dma_wait3A_1017] : memref<8x3x512x512xf32, #tpu.memory_space<hbm>> -> memref<1x1x256x512xf32, #tpu.memory_space<hbm>>
    %dma_wait3A_1019 = tpu.memref_squeeze %dma_wait3A_1018 : memref<1x1x256x512xf32, #tpu.memory_space<hbm>> -> memref<256x512xf32, #tpu.memory_space<hbm>>
    tpu.wait_dma2 semaphore(%dma_wait3A_1011 : memref<!tpu.dma_semaphore, #tpu.memory_space<semaphore_mem>>) src(%dma_wait3A_1019 : memref<256x512xf32, #tpu.memory_space<hbm>>) dst(%dma_wait3A_1015 : memref<256x512xf32, #tpu.memory_space<vmem>>)
    %dma_start3A_1020 = arith.constant 0 : i32
    %dma_start3A_1021 = arith.constant 5 : i32
    %dma_start3A_1022 = arith.constant 1 : i32
    %dma_start3A_1023 = arith.constant 0 : i32
    %dma_start3A_1024 = tpu.memref_slice %arg4[%dma_start3A_1023] : memref<8x!tpu.dma_semaphore, #tpu.memory_space<semaphore_mem>> -> memref<1x!tpu.dma_semaphore, #tpu.memory_space<semaphore_mem>>
    %dma_start3A_1025 = tpu.memref_squeeze %dma_start3A_1024 : memref<1x!tpu.dma_semaphore, #tpu.memory_space<semaphore_mem>> -> memref<!tpu.dma_semaphore, #tpu.memory_space<semaphore_mem>>
    %dma_start3A_1026 = arith.constant 0 : i32
    %dma_start3A_1027 = arith.constant 0 : i32
    %dma_start3A_1028 = tpu.memref_slice %arg1[%dma_start3A_1021, %dma_start3A_1022, %dma_start3A_1026, %dma_start3A_1027] : memref<8x3x256x512xf32, #tpu.memory_space<hbm>> -> memref<1x1x256x512xf32, #tpu.memory_space<hbm>>
    %dma_start3A_1029 = tpu.memref_squeeze %dma_start3A_1028 : memref<1x1x256x512xf32, #tpu.memory_space<hbm>> -> memref<256x512xf32, #tpu.memory_space<hbm>>
    %dma_start3A_1030 = arith.constant 0 : i32
    %dma_start3A_1031 = arith.constant 0 : i32
    %dma_start3A_1032 = tpu.memref_slice %arg2[%dma_start3A_1020, %dma_start3A_1030, %dma_start3A_1031] : memref<8x256x512xf32, #tpu.memory_space<vmem>> -> memref<1x256x512xf32, #tpu.memory_space<vmem>>
    %dma_start3A_1033 = tpu.memref_squeeze %dma_start3A_1032 : memref<1x256x512xf32, #tpu.memory_space<vmem>> -> memref<256x512xf32, #tpu.memory_space<vmem>>
    tpu.enqueue_dma source(%dma_start3A_1033 : memref<256x512xf32, #tpu.memory_space<vmem>>) target(%dma_start3A_1029 : memref<256x512xf32, #tpu.memory_space<hbm>>) target_semaphore(%dma_start3A_1025 : memref<!tpu.dma_semaphore, #tpu.memory_space<semaphore_mem>>)
    %dma_wait3A_1034 = arith.constant 5 : i32
    %dma_wait3A_1035 = arith.constant 2 : i32
    %dma_wait3A_1036 = arith.constant 1 : i32
    %dma_wait3A_1037 = arith.constant 1 : i32
    %dma_wait3A_1038 = tpu.memref_slice %arg3[%dma_wait3A_1037] : memref<8x!tpu.dma_semaphore, #tpu.memory_space<semaphore_mem>> -> memref<1x!tpu.dma_semaphore, #tpu.memory_space<semaphore_mem>>
    %dma_wait3A_1039 = tpu.memref_squeeze %dma_wait3A_1038 : memref<1x!tpu.dma_semaphore, #tpu.memory_space<semaphore_mem>> -> memref<!tpu.dma_semaphore, #tpu.memory_space<semaphore_mem>>
    %dma_wait3A_1040 = arith.constant 0 : i32
    %dma_wait3A_1041 = arith.constant 0 : i32
    %dma_wait3A_1042 = tpu.memref_slice %arg2[%dma_wait3A_1036, %dma_wait3A_1040, %dma_wait3A_1041] : memref<8x256x512xf32, #tpu.memory_space<vmem>> -> memref<1x256x512xf32, #tpu.memory_space<vmem>>
    %dma_wait3A_1043 = tpu.memref_squeeze %dma_wait3A_1042 : memref<1x256x512xf32, #tpu.memory_space<vmem>> -> memref<256x512xf32, #tpu.memory_space<vmem>>
    %dma_wait3A_1044 = arith.constant 112 : i32
    %dma_wait3A_1045 = arith.constant 0 : i32
    %dma_wait3A_1046 = tpu.memref_slice %arg0[%dma_wait3A_1034, %dma_wait3A_1035, %dma_wait3A_1044, %dma_wait3A_1045] : memref<8x3x512x512xf32, #tpu.memory_space<hbm>> -> memref<1x1x256x512xf32, #tpu.memory_space<hbm>>
    %dma_wait3A_1047 = tpu.memref_squeeze %dma_wait3A_1046 : memref<1x1x256x512xf32, #tpu.memory_space<hbm>> -> memref<256x512xf32, #tpu.memory_space<hbm>>
    tpu.wait_dma2 semaphore(%dma_wait3A_1039 : memref<!tpu.dma_semaphore, #tpu.memory_space<semaphore_mem>>) src(%dma_wait3A_1047 : memref<256x512xf32, #tpu.memory_space<hbm>>) dst(%dma_wait3A_1043 : memref<256x512xf32, #tpu.memory_space<vmem>>)
    %dma_start3A_1048 = arith.constant 1 : i32
    %dma_start3A_1049 = arith.constant 5 : i32
    %dma_start3A_1050 = arith.constant 2 : i32
    %dma_start3A_1051 = arith.constant 1 : i32
    %dma_start3A_1052 = tpu.memref_slice %arg4[%dma_start3A_1051] : memref<8x!tpu.dma_semaphore, #tpu.memory_space<semaphore_mem>> -> memref<1x!tpu.dma_semaphore, #tpu.memory_space<semaphore_mem>>
    %dma_start3A_1053 = tpu.memref_squeeze %dma_start3A_1052 : memref<1x!tpu.dma_semaphore, #tpu.memory_space<semaphore_mem>> -> memref<!tpu.dma_semaphore, #tpu.memory_space<semaphore_mem>>
    %dma_start3A_1054 = arith.constant 0 : i32
    %dma_start3A_1055 = arith.constant 0 : i32
    %dma_start3A_1056 = tpu.memref_slice %arg1[%dma_start3A_1049, %dma_start3A_1050, %dma_start3A_1054, %dma_start3A_1055] : memref<8x3x256x512xf32, #tpu.memory_space<hbm>> -> memref<1x1x256x512xf32, #tpu.memory_space<hbm>>
    %dma_start3A_1057 = tpu.memref_squeeze %dma_start3A_1056 : memref<1x1x256x512xf32, #tpu.memory_space<hbm>> -> memref<256x512xf32, #tpu.memory_space<hbm>>
    %dma_start3A_1058 = arith.constant 0 : i32
    %dma_start3A_1059 = arith.constant 0 : i32
    %dma_start3A_1060 = tpu.memref_slice %arg2[%dma_start3A_1048, %dma_start3A_1058, %dma_start3A_1059] : memref<8x256x512xf32, #tpu.memory_space<vmem>> -> memref<1x256x512xf32, #tpu.memory_space<vmem>>
    %dma_start3A_1061 = tpu.memref_squeeze %dma_start3A_1060 : memref<1x256x512xf32, #tpu.memory_space<vmem>> -> memref<256x512xf32, #tpu.memory_space<vmem>>
    tpu.enqueue_dma source(%dma_start3A_1061 : memref<256x512xf32, #tpu.memory_space<vmem>>) target(%dma_start3A_1057 : memref<256x512xf32, #tpu.memory_space<hbm>>) target_semaphore(%dma_start3A_1053 : memref<!tpu.dma_semaphore, #tpu.memory_space<semaphore_mem>>)
    %dma_wait3A_1062 = arith.constant 6 : i32
    %dma_wait3A_1063 = arith.constant 0 : i32
    %dma_wait3A_1064 = arith.constant 2 : i32
    %dma_wait3A_1065 = arith.constant 2 : i32
    %dma_wait3A_1066 = tpu.memref_slice %arg3[%dma_wait3A_1065] : memref<8x!tpu.dma_semaphore, #tpu.memory_space<semaphore_mem>> -> memref<1x!tpu.dma_semaphore, #tpu.memory_space<semaphore_mem>>
    %dma_wait3A_1067 = tpu.memref_squeeze %dma_wait3A_1066 : memref<1x!tpu.dma_semaphore, #tpu.memory_space<semaphore_mem>> -> memref<!tpu.dma_semaphore, #tpu.memory_space<semaphore_mem>>
    %dma_wait3A_1068 = arith.constant 0 : i32
    %dma_wait3A_1069 = arith.constant 0 : i32
    %dma_wait3A_1070 = tpu.memref_slice %arg2[%dma_wait3A_1064, %dma_wait3A_1068, %dma_wait3A_1069] : memref<8x256x512xf32, #tpu.memory_space<vmem>> -> memref<1x256x512xf32, #tpu.memory_space<vmem>>
    %dma_wait3A_1071 = tpu.memref_squeeze %dma_wait3A_1070 : memref<1x256x512xf32, #tpu.memory_space<vmem>> -> memref<256x512xf32, #tpu.memory_space<vmem>>
    %dma_wait3A_1072 = arith.constant 112 : i32
    %dma_wait3A_1073 = arith.constant 0 : i32
    %dma_wait3A_1074 = tpu.memref_slice %arg0[%dma_wait3A_1062, %dma_wait3A_1063, %dma_wait3A_1072, %dma_wait3A_1073] : memref<8x3x512x512xf32, #tpu.memory_space<hbm>> -> memref<1x1x256x512xf32, #tpu.memory_space<hbm>>
    %dma_wait3A_1075 = tpu.memref_squeeze %dma_wait3A_1074 : memref<1x1x256x512xf32, #tpu.memory_space<hbm>> -> memref<256x512xf32, #tpu.memory_space<hbm>>
    tpu.wait_dma2 semaphore(%dma_wait3A_1067 : memref<!tpu.dma_semaphore, #tpu.memory_space<semaphore_mem>>) src(%dma_wait3A_1075 : memref<256x512xf32, #tpu.memory_space<hbm>>) dst(%dma_wait3A_1071 : memref<256x512xf32, #tpu.memory_space<vmem>>)
    %dma_start3A_1076 = arith.constant 2 : i32
    %dma_start3A_1077 = arith.constant 6 : i32
    %dma_start3A_1078 = arith.constant 0 : i32
    %dma_start3A_1079 = arith.constant 2 : i32
    %dma_start3A_1080 = tpu.memref_slice %arg4[%dma_start3A_1079] : memref<8x!tpu.dma_semaphore, #tpu.memory_space<semaphore_mem>> -> memref<1x!tpu.dma_semaphore, #tpu.memory_space<semaphore_mem>>
    %dma_start3A_1081 = tpu.memref_squeeze %dma_start3A_1080 : memref<1x!tpu.dma_semaphore, #tpu.memory_space<semaphore_mem>> -> memref<!tpu.dma_semaphore, #tpu.memory_space<semaphore_mem>>
    %dma_start3A_1082 = arith.constant 0 : i32
    %dma_start3A_1083 = arith.constant 0 : i32
    %dma_start3A_1084 = tpu.memref_slice %arg1[%dma_start3A_1077, %dma_start3A_1078, %dma_start3A_1082, %dma_start3A_1083] : memref<8x3x256x512xf32, #tpu.memory_space<hbm>> -> memref<1x1x256x512xf32, #tpu.memory_space<hbm>>
    %dma_start3A_1085 = tpu.memref_squeeze %dma_start3A_1084 : memref<1x1x256x512xf32, #tpu.memory_space<hbm>> -> memref<256x512xf32, #tpu.memory_space<hbm>>
    %dma_start3A_1086 = arith.constant 0 : i32
    %dma_start3A_1087 = arith.constant 0 : i32
    %dma_start3A_1088 = tpu.memref_slice %arg2[%dma_start3A_1076, %dma_start3A_1086, %dma_start3A_1087] : memref<8x256x512xf32, #tpu.memory_space<vmem>> -> memref<1x256x512xf32, #tpu.memory_space<vmem>>
    %dma_start3A_1089 = tpu.memref_squeeze %dma_start3A_1088 : memref<1x256x512xf32, #tpu.memory_space<vmem>> -> memref<256x512xf32, #tpu.memory_space<vmem>>
    tpu.enqueue_dma source(%dma_start3A_1089 : memref<256x512xf32, #tpu.memory_space<vmem>>) target(%dma_start3A_1085 : memref<256x512xf32, #tpu.memory_space<hbm>>) target_semaphore(%dma_start3A_1081 : memref<!tpu.dma_semaphore, #tpu.memory_space<semaphore_mem>>)
    %dma_wait3A_1090 = arith.constant 6 : i32
    %dma_wait3A_1091 = arith.constant 1 : i32
    %dma_wait3A_1092 = arith.constant 3 : i32
    %dma_wait3A_1093 = arith.constant 3 : i32
    %dma_wait3A_1094 = tpu.memref_slice %arg3[%dma_wait3A_1093] : memref<8x!tpu.dma_semaphore, #tpu.memory_space<semaphore_mem>> -> memref<1x!tpu.dma_semaphore, #tpu.memory_space<semaphore_mem>>
    %dma_wait3A_1095 = tpu.memref_squeeze %dma_wait3A_1094 : memref<1x!tpu.dma_semaphore, #tpu.memory_space<semaphore_mem>> -> memref<!tpu.dma_semaphore, #tpu.memory_space<semaphore_mem>>
    %dma_wait3A_1096 = arith.constant 0 : i32
    %dma_wait3A_1097 = arith.constant 0 : i32
    %dma_wait3A_1098 = tpu.memref_slice %arg2[%dma_wait3A_1092, %dma_wait3A_1096, %dma_wait3A_1097] : memref<8x256x512xf32, #tpu.memory_space<vmem>> -> memref<1x256x512xf32, #tpu.memory_space<vmem>>
    %dma_wait3A_1099 = tpu.memref_squeeze %dma_wait3A_1098 : memref<1x256x512xf32, #tpu.memory_space<vmem>> -> memref<256x512xf32, #tpu.memory_space<vmem>>
    %dma_wait3A_1100 = arith.constant 112 : i32
    %dma_wait3A_1101 = arith.constant 0 : i32
    %dma_wait3A_1102 = tpu.memref_slice %arg0[%dma_wait3A_1090, %dma_wait3A_1091, %dma_wait3A_1100, %dma_wait3A_1101] : memref<8x3x512x512xf32, #tpu.memory_space<hbm>> -> memref<1x1x256x512xf32, #tpu.memory_space<hbm>>
    %dma_wait3A_1103 = tpu.memref_squeeze %dma_wait3A_1102 : memref<1x1x256x512xf32, #tpu.memory_space<hbm>> -> memref<256x512xf32, #tpu.memory_space<hbm>>
    tpu.wait_dma2 semaphore(%dma_wait3A_1095 : memref<!tpu.dma_semaphore, #tpu.memory_space<semaphore_mem>>) src(%dma_wait3A_1103 : memref<256x512xf32, #tpu.memory_space<hbm>>) dst(%dma_wait3A_1099 : memref<256x512xf32, #tpu.memory_space<vmem>>)
    %dma_start3A_1104 = arith.constant 3 : i32
    %dma_start3A_1105 = arith.constant 6 : i32
    %dma_start3A_1106 = arith.constant 1 : i32
    %dma_start3A_1107 = arith.constant 3 : i32
    %dma_start3A_1108 = tpu.memref_slice %arg4[%dma_start3A_1107] : memref<8x!tpu.dma_semaphore, #tpu.memory_space<semaphore_mem>> -> memref<1x!tpu.dma_semaphore, #tpu.memory_space<semaphore_mem>>
    %dma_start3A_1109 = tpu.memref_squeeze %dma_start3A_1108 : memref<1x!tpu.dma_semaphore, #tpu.memory_space<semaphore_mem>> -> memref<!tpu.dma_semaphore, #tpu.memory_space<semaphore_mem>>
    %dma_start3A_1110 = arith.constant 0 : i32
    %dma_start3A_1111 = arith.constant 0 : i32
    %dma_start3A_1112 = tpu.memref_slice %arg1[%dma_start3A_1105, %dma_start3A_1106, %dma_start3A_1110, %dma_start3A_1111] : memref<8x3x256x512xf32, #tpu.memory_space<hbm>> -> memref<1x1x256x512xf32, #tpu.memory_space<hbm>>
    %dma_start3A_1113 = tpu.memref_squeeze %dma_start3A_1112 : memref<1x1x256x512xf32, #tpu.memory_space<hbm>> -> memref<256x512xf32, #tpu.memory_space<hbm>>
    %dma_start3A_1114 = arith.constant 0 : i32
    %dma_start3A_1115 = arith.constant 0 : i32
    %dma_start3A_1116 = tpu.memref_slice %arg2[%dma_start3A_1104, %dma_start3A_1114, %dma_start3A_1115] : memref<8x256x512xf32, #tpu.memory_space<vmem>> -> memref<1x256x512xf32, #tpu.memory_space<vmem>>
    %dma_start3A_1117 = tpu.memref_squeeze %dma_start3A_1116 : memref<1x256x512xf32, #tpu.memory_space<vmem>> -> memref<256x512xf32, #tpu.memory_space<vmem>>
    tpu.enqueue_dma source(%dma_start3A_1117 : memref<256x512xf32, #tpu.memory_space<vmem>>) target(%dma_start3A_1113 : memref<256x512xf32, #tpu.memory_space<hbm>>) target_semaphore(%dma_start3A_1109 : memref<!tpu.dma_semaphore, #tpu.memory_space<semaphore_mem>>)
    %dma_wait3A_1118 = arith.constant 6 : i32
    %dma_wait3A_1119 = arith.constant 2 : i32
    %dma_wait3A_1120 = arith.constant 4 : i32
    %dma_wait3A_1121 = arith.constant 4 : i32
    %dma_wait3A_1122 = tpu.memref_slice %arg3[%dma_wait3A_1121] : memref<8x!tpu.dma_semaphore, #tpu.memory_space<semaphore_mem>> -> memref<1x!tpu.dma_semaphore, #tpu.memory_space<semaphore_mem>>
    %dma_wait3A_1123 = tpu.memref_squeeze %dma_wait3A_1122 : memref<1x!tpu.dma_semaphore, #tpu.memory_space<semaphore_mem>> -> memref<!tpu.dma_semaphore, #tpu.memory_space<semaphore_mem>>
    %dma_wait3A_1124 = arith.constant 0 : i32
    %dma_wait3A_1125 = arith.constant 0 : i32
    %dma_wait3A_1126 = tpu.memref_slice %arg2[%dma_wait3A_1120, %dma_wait3A_1124, %dma_wait3A_1125] : memref<8x256x512xf32, #tpu.memory_space<vmem>> -> memref<1x256x512xf32, #tpu.memory_space<vmem>>
    %dma_wait3A_1127 = tpu.memref_squeeze %dma_wait3A_1126 : memref<1x256x512xf32, #tpu.memory_space<vmem>> -> memref<256x512xf32, #tpu.memory_space<vmem>>
    %dma_wait3A_1128 = arith.constant 112 : i32
    %dma_wait3A_1129 = arith.constant 0 : i32
    %dma_wait3A_1130 = tpu.memref_slice %arg0[%dma_wait3A_1118, %dma_wait3A_1119, %dma_wait3A_1128, %dma_wait3A_1129] : memref<8x3x512x512xf32, #tpu.memory_space<hbm>> -> memref<1x1x256x512xf32, #tpu.memory_space<hbm>>
    %dma_wait3A_1131 = tpu.memref_squeeze %dma_wait3A_1130 : memref<1x1x256x512xf32, #tpu.memory_space<hbm>> -> memref<256x512xf32, #tpu.memory_space<hbm>>
    tpu.wait_dma2 semaphore(%dma_wait3A_1123 : memref<!tpu.dma_semaphore, #tpu.memory_space<semaphore_mem>>) src(%dma_wait3A_1131 : memref<256x512xf32, #tpu.memory_space<hbm>>) dst(%dma_wait3A_1127 : memref<256x512xf32, #tpu.memory_space<vmem>>)
    %dma_start3A_1132 = arith.constant 4 : i32
    %dma_start3A_1133 = arith.constant 6 : i32
    %dma_start3A_1134 = arith.constant 2 : i32
    %dma_start3A_1135 = arith.constant 4 : i32
    %dma_start3A_1136 = tpu.memref_slice %arg4[%dma_start3A_1135] : memref<8x!tpu.dma_semaphore, #tpu.memory_space<semaphore_mem>> -> memref<1x!tpu.dma_semaphore, #tpu.memory_space<semaphore_mem>>
    %dma_start3A_1137 = tpu.memref_squeeze %dma_start3A_1136 : memref<1x!tpu.dma_semaphore, #tpu.memory_space<semaphore_mem>> -> memref<!tpu.dma_semaphore, #tpu.memory_space<semaphore_mem>>
    %dma_start3A_1138 = arith.constant 0 : i32
    %dma_start3A_1139 = arith.constant 0 : i32
    %dma_start3A_1140 = tpu.memref_slice %arg1[%dma_start3A_1133, %dma_start3A_1134, %dma_start3A_1138, %dma_start3A_1139] : memref<8x3x256x512xf32, #tpu.memory_space<hbm>> -> memref<1x1x256x512xf32, #tpu.memory_space<hbm>>
    %dma_start3A_1141 = tpu.memref_squeeze %dma_start3A_1140 : memref<1x1x256x512xf32, #tpu.memory_space<hbm>> -> memref<256x512xf32, #tpu.memory_space<hbm>>
    %dma_start3A_1142 = arith.constant 0 : i32
    %dma_start3A_1143 = arith.constant 0 : i32
    %dma_start3A_1144 = tpu.memref_slice %arg2[%dma_start3A_1132, %dma_start3A_1142, %dma_start3A_1143] : memref<8x256x512xf32, #tpu.memory_space<vmem>> -> memref<1x256x512xf32, #tpu.memory_space<vmem>>
    %dma_start3A_1145 = tpu.memref_squeeze %dma_start3A_1144 : memref<1x256x512xf32, #tpu.memory_space<vmem>> -> memref<256x512xf32, #tpu.memory_space<vmem>>
    tpu.enqueue_dma source(%dma_start3A_1145 : memref<256x512xf32, #tpu.memory_space<vmem>>) target(%dma_start3A_1141 : memref<256x512xf32, #tpu.memory_space<hbm>>) target_semaphore(%dma_start3A_1137 : memref<!tpu.dma_semaphore, #tpu.memory_space<semaphore_mem>>)
    %dma_wait3A_1146 = arith.constant 7 : i32
    %dma_wait3A_1147 = arith.constant 0 : i32
    %dma_wait3A_1148 = arith.constant 5 : i32
    %dma_wait3A_1149 = arith.constant 5 : i32
    %dma_wait3A_1150 = tpu.memref_slice %arg3[%dma_wait3A_1149] : memref<8x!tpu.dma_semaphore, #tpu.memory_space<semaphore_mem>> -> memref<1x!tpu.dma_semaphore, #tpu.memory_space<semaphore_mem>>
    %dma_wait3A_1151 = tpu.memref_squeeze %dma_wait3A_1150 : memref<1x!tpu.dma_semaphore, #tpu.memory_space<semaphore_mem>> -> memref<!tpu.dma_semaphore, #tpu.memory_space<semaphore_mem>>
    %dma_wait3A_1152 = arith.constant 0 : i32
    %dma_wait3A_1153 = arith.constant 0 : i32
    %dma_wait3A_1154 = tpu.memref_slice %arg2[%dma_wait3A_1148, %dma_wait3A_1152, %dma_wait3A_1153] : memref<8x256x512xf32, #tpu.memory_space<vmem>> -> memref<1x256x512xf32, #tpu.memory_space<vmem>>
    %dma_wait3A_1155 = tpu.memref_squeeze %dma_wait3A_1154 : memref<1x256x512xf32, #tpu.memory_space<vmem>> -> memref<256x512xf32, #tpu.memory_space<vmem>>
    %dma_wait3A_1156 = arith.constant 112 : i32
    %dma_wait3A_1157 = arith.constant 0 : i32
    %dma_wait3A_1158 = tpu.memref_slice %arg0[%dma_wait3A_1146, %dma_wait3A_1147, %dma_wait3A_1156, %dma_wait3A_1157] : memref<8x3x512x512xf32, #tpu.memory_space<hbm>> -> memref<1x1x256x512xf32, #tpu.memory_space<hbm>>
    %dma_wait3A_1159 = tpu.memref_squeeze %dma_wait3A_1158 : memref<1x1x256x512xf32, #tpu.memory_space<hbm>> -> memref<256x512xf32, #tpu.memory_space<hbm>>
    tpu.wait_dma2 semaphore(%dma_wait3A_1151 : memref<!tpu.dma_semaphore, #tpu.memory_space<semaphore_mem>>) src(%dma_wait3A_1159 : memref<256x512xf32, #tpu.memory_space<hbm>>) dst(%dma_wait3A_1155 : memref<256x512xf32, #tpu.memory_space<vmem>>)
    %dma_start3A_1160 = arith.constant 5 : i32
    %dma_start3A_1161 = arith.constant 7 : i32
    %dma_start3A_1162 = arith.constant 0 : i32
    %dma_start3A_1163 = arith.constant 5 : i32
    %dma_start3A_1164 = tpu.memref_slice %arg4[%dma_start3A_1163] : memref<8x!tpu.dma_semaphore, #tpu.memory_space<semaphore_mem>> -> memref<1x!tpu.dma_semaphore, #tpu.memory_space<semaphore_mem>>
    %dma_start3A_1165 = tpu.memref_squeeze %dma_start3A_1164 : memref<1x!tpu.dma_semaphore, #tpu.memory_space<semaphore_mem>> -> memref<!tpu.dma_semaphore, #tpu.memory_space<semaphore_mem>>
    %dma_start3A_1166 = arith.constant 0 : i32
    %dma_start3A_1167 = arith.constant 0 : i32
    %dma_start3A_1168 = tpu.memref_slice %arg1[%dma_start3A_1161, %dma_start3A_1162, %dma_start3A_1166, %dma_start3A_1167] : memref<8x3x256x512xf32, #tpu.memory_space<hbm>> -> memref<1x1x256x512xf32, #tpu.memory_space<hbm>>
    %dma_start3A_1169 = tpu.memref_squeeze %dma_start3A_1168 : memref<1x1x256x512xf32, #tpu.memory_space<hbm>> -> memref<256x512xf32, #tpu.memory_space<hbm>>
    %dma_start3A_1170 = arith.constant 0 : i32
    %dma_start3A_1171 = arith.constant 0 : i32
    %dma_start3A_1172 = tpu.memref_slice %arg2[%dma_start3A_1160, %dma_start3A_1170, %dma_start3A_1171] : memref<8x256x512xf32, #tpu.memory_space<vmem>> -> memref<1x256x512xf32, #tpu.memory_space<vmem>>
    %dma_start3A_1173 = tpu.memref_squeeze %dma_start3A_1172 : memref<1x256x512xf32, #tpu.memory_space<vmem>> -> memref<256x512xf32, #tpu.memory_space<vmem>>
    tpu.enqueue_dma source(%dma_start3A_1173 : memref<256x512xf32, #tpu.memory_space<vmem>>) target(%dma_start3A_1169 : memref<256x512xf32, #tpu.memory_space<hbm>>) target_semaphore(%dma_start3A_1165 : memref<!tpu.dma_semaphore, #tpu.memory_space<semaphore_mem>>)
    %dma_wait3A_1174 = arith.constant 7 : i32
    %dma_wait3A_1175 = arith.constant 1 : i32
    %dma_wait3A_1176 = arith.constant 6 : i32
    %dma_wait3A_1177 = arith.constant 6 : i32
    %dma_wait3A_1178 = tpu.memref_slice %arg3[%dma_wait3A_1177] : memref<8x!tpu.dma_semaphore, #tpu.memory_space<semaphore_mem>> -> memref<1x!tpu.dma_semaphore, #tpu.memory_space<semaphore_mem>>
    %dma_wait3A_1179 = tpu.memref_squeeze %dma_wait3A_1178 : memref<1x!tpu.dma_semaphore, #tpu.memory_space<semaphore_mem>> -> memref<!tpu.dma_semaphore, #tpu.memory_space<semaphore_mem>>
    %dma_wait3A_1180 = arith.constant 0 : i32
    %dma_wait3A_1181 = arith.constant 0 : i32
    %dma_wait3A_1182 = tpu.memref_slice %arg2[%dma_wait3A_1176, %dma_wait3A_1180, %dma_wait3A_1181] : memref<8x256x512xf32, #tpu.memory_space<vmem>> -> memref<1x256x512xf32, #tpu.memory_space<vmem>>
    %dma_wait3A_1183 = tpu.memref_squeeze %dma_wait3A_1182 : memref<1x256x512xf32, #tpu.memory_space<vmem>> -> memref<256x512xf32, #tpu.memory_space<vmem>>
    %dma_wait3A_1184 = arith.constant 112 : i32
    %dma_wait3A_1185 = arith.constant 0 : i32
    %dma_wait3A_1186 = tpu.memref_slice %arg0[%dma_wait3A_1174, %dma_wait3A_1175, %dma_wait3A_1184, %dma_wait3A_1185] : memref<8x3x512x512xf32, #tpu.memory_space<hbm>> -> memref<1x1x256x512xf32, #tpu.memory_space<hbm>>
    %dma_wait3A_1187 = tpu.memref_squeeze %dma_wait3A_1186 : memref<1x1x256x512xf32, #tpu.memory_space<hbm>> -> memref<256x512xf32, #tpu.memory_space<hbm>>
    tpu.wait_dma2 semaphore(%dma_wait3A_1179 : memref<!tpu.dma_semaphore, #tpu.memory_space<semaphore_mem>>) src(%dma_wait3A_1187 : memref<256x512xf32, #tpu.memory_space<hbm>>) dst(%dma_wait3A_1183 : memref<256x512xf32, #tpu.memory_space<vmem>>)
    %dma_start3A_1188 = arith.constant 6 : i32
    %dma_start3A_1189 = arith.constant 7 : i32
    %dma_start3A_1190 = arith.constant 1 : i32
    %dma_start3A_1191 = arith.constant 6 : i32
    %dma_start3A_1192 = tpu.memref_slice %arg4[%dma_start3A_1191] : memref<8x!tpu.dma_semaphore, #tpu.memory_space<semaphore_mem>> -> memref<1x!tpu.dma_semaphore, #tpu.memory_space<semaphore_mem>>
    %dma_start3A_1193 = tpu.memref_squeeze %dma_start3A_1192 : memref<1x!tpu.dma_semaphore, #tpu.memory_space<semaphore_mem>> -> memref<!tpu.dma_semaphore, #tpu.memory_space<semaphore_mem>>
    %dma_start3A_1194 = arith.constant 0 : i32
    %dma_start3A_1195 = arith.constant 0 : i32
    %dma_start3A_1196 = tpu.memref_slice %arg1[%dma_start3A_1189, %dma_start3A_1190, %dma_start3A_1194, %dma_start3A_1195] : memref<8x3x256x512xf32, #tpu.memory_space<hbm>> -> memref<1x1x256x512xf32, #tpu.memory_space<hbm>>
    %dma_start3A_1197 = tpu.memref_squeeze %dma_start3A_1196 : memref<1x1x256x512xf32, #tpu.memory_space<hbm>> -> memref<256x512xf32, #tpu.memory_space<hbm>>
    %dma_start3A_1198 = arith.constant 0 : i32
    %dma_start3A_1199 = arith.constant 0 : i32
    %dma_start3A_1200 = tpu.memref_slice %arg2[%dma_start3A_1188, %dma_start3A_1198, %dma_start3A_1199] : memref<8x256x512xf32, #tpu.memory_space<vmem>> -> memref<1x256x512xf32, #tpu.memory_space<vmem>>
    %dma_start3A_1201 = tpu.memref_squeeze %dma_start3A_1200 : memref<1x256x512xf32, #tpu.memory_space<vmem>> -> memref<256x512xf32, #tpu.memory_space<vmem>>
    tpu.enqueue_dma source(%dma_start3A_1201 : memref<256x512xf32, #tpu.memory_space<vmem>>) target(%dma_start3A_1197 : memref<256x512xf32, #tpu.memory_space<hbm>>) target_semaphore(%dma_start3A_1193 : memref<!tpu.dma_semaphore, #tpu.memory_space<semaphore_mem>>)
    %dma_wait3A_1202 = arith.constant 7 : i32
    %dma_wait3A_1203 = arith.constant 2 : i32
    %dma_wait3A_1204 = arith.constant 7 : i32
    %dma_wait3A_1205 = arith.constant 7 : i32
    %dma_wait3A_1206 = tpu.memref_slice %arg3[%dma_wait3A_1205] : memref<8x!tpu.dma_semaphore, #tpu.memory_space<semaphore_mem>> -> memref<1x!tpu.dma_semaphore, #tpu.memory_space<semaphore_mem>>
    %dma_wait3A_1207 = tpu.memref_squeeze %dma_wait3A_1206 : memref<1x!tpu.dma_semaphore, #tpu.memory_space<semaphore_mem>> -> memref<!tpu.dma_semaphore, #tpu.memory_space<semaphore_mem>>
    %dma_wait3A_1208 = arith.constant 0 : i32
    %dma_wait3A_1209 = arith.constant 0 : i32
    %dma_wait3A_1210 = tpu.memref_slice %arg2[%dma_wait3A_1204, %dma_wait3A_1208, %dma_wait3A_1209] : memref<8x256x512xf32, #tpu.memory_space<vmem>> -> memref<1x256x512xf32, #tpu.memory_space<vmem>>
    %dma_wait3A_1211 = tpu.memref_squeeze %dma_wait3A_1210 : memref<1x256x512xf32, #tpu.memory_space<vmem>> -> memref<256x512xf32, #tpu.memory_space<vmem>>
    %dma_wait3A_1212 = arith.constant 112 : i32
    %dma_wait3A_1213 = arith.constant 0 : i32
    %dma_wait3A_1214 = tpu.memref_slice %arg0[%dma_wait3A_1202, %dma_wait3A_1203, %dma_wait3A_1212, %dma_wait3A_1213] : memref<8x3x512x512xf32, #tpu.memory_space<hbm>> -> memref<1x1x256x512xf32, #tpu.memory_space<hbm>>
    %dma_wait3A_1215 = tpu.memref_squeeze %dma_wait3A_1214 : memref<1x1x256x512xf32, #tpu.memory_space<hbm>> -> memref<256x512xf32, #tpu.memory_space<hbm>>
    tpu.wait_dma2 semaphore(%dma_wait3A_1207 : memref<!tpu.dma_semaphore, #tpu.memory_space<semaphore_mem>>) src(%dma_wait3A_1215 : memref<256x512xf32, #tpu.memory_space<hbm>>) dst(%dma_wait3A_1211 : memref<256x512xf32, #tpu.memory_space<vmem>>)
    %dma_start3A_1216 = arith.constant 7 : i32
    %dma_start3A_1217 = arith.constant 7 : i32
    %dma_start3A_1218 = arith.constant 2 : i32
    %dma_start3A_1219 = arith.constant 7 : i32
    %dma_start3A_1220 = tpu.memref_slice %arg4[%dma_start3A_1219] : memref<8x!tpu.dma_semaphore, #tpu.memory_space<semaphore_mem>> -> memref<1x!tpu.dma_semaphore, #tpu.memory_space<semaphore_mem>>
    %dma_start3A_1221 = tpu.memref_squeeze %dma_start3A_1220 : memref<1x!tpu.dma_semaphore, #tpu.memory_space<semaphore_mem>> -> memref<!tpu.dma_semaphore, #tpu.memory_space<semaphore_mem>>
    %dma_start3A_1222 = arith.constant 0 : i32
    %dma_start3A_1223 = arith.constant 0 : i32
    %dma_start3A_1224 = tpu.memref_slice %arg1[%dma_start3A_1217, %dma_start3A_1218, %dma_start3A_1222, %dma_start3A_1223] : memref<8x3x256x512xf32, #tpu.memory_space<hbm>> -> memref<1x1x256x512xf32, #tpu.memory_space<hbm>>
    %dma_start3A_1225 = tpu.memref_squeeze %dma_start3A_1224 : memref<1x1x256x512xf32, #tpu.memory_space<hbm>> -> memref<256x512xf32, #tpu.memory_space<hbm>>
    %dma_start3A_1226 = arith.constant 0 : i32
    %dma_start3A_1227 = arith.constant 0 : i32
    %dma_start3A_1228 = tpu.memref_slice %arg2[%dma_start3A_1216, %dma_start3A_1226, %dma_start3A_1227] : memref<8x256x512xf32, #tpu.memory_space<vmem>> -> memref<1x256x512xf32, #tpu.memory_space<vmem>>
    %dma_start3A_1229 = tpu.memref_squeeze %dma_start3A_1228 : memref<1x256x512xf32, #tpu.memory_space<vmem>> -> memref<256x512xf32, #tpu.memory_space<vmem>>
    tpu.enqueue_dma source(%dma_start3A_1229 : memref<256x512xf32, #tpu.memory_space<vmem>>) target(%dma_start3A_1225 : memref<256x512xf32, #tpu.memory_space<hbm>>) target_semaphore(%dma_start3A_1221 : memref<!tpu.dma_semaphore, #tpu.memory_space<semaphore_mem>>)
    %dma_wait3A_1230 = arith.constant 0 : i32
    %dma_wait3A_1231 = arith.constant 5 : i32
    %dma_wait3A_1232 = arith.constant 1 : i32
    %dma_wait3A_1233 = arith.constant 0 : i32
    %dma_wait3A_1234 = tpu.memref_slice %arg4[%dma_wait3A_1233] : memref<8x!tpu.dma_semaphore, #tpu.memory_space<semaphore_mem>> -> memref<1x!tpu.dma_semaphore, #tpu.memory_space<semaphore_mem>>
    %dma_wait3A_1235 = tpu.memref_squeeze %dma_wait3A_1234 : memref<1x!tpu.dma_semaphore, #tpu.memory_space<semaphore_mem>> -> memref<!tpu.dma_semaphore, #tpu.memory_space<semaphore_mem>>
    %dma_wait3A_1236 = arith.constant 0 : i32
    %dma_wait3A_1237 = arith.constant 0 : i32
    %dma_wait3A_1238 = tpu.memref_slice %arg1[%dma_wait3A_1231, %dma_wait3A_1232, %dma_wait3A_1236, %dma_wait3A_1237] : memref<8x3x256x512xf32, #tpu.memory_space<hbm>> -> memref<1x1x256x512xf32, #tpu.memory_space<hbm>>
    %dma_wait3A_1239 = tpu.memref_squeeze %dma_wait3A_1238 : memref<1x1x256x512xf32, #tpu.memory_space<hbm>> -> memref<256x512xf32, #tpu.memory_space<hbm>>
    %dma_wait3A_1240 = arith.constant 0 : i32
    %dma_wait3A_1241 = arith.constant 0 : i32
    %dma_wait3A_1242 = tpu.memref_slice %arg2[%dma_wait3A_1230, %dma_wait3A_1240, %dma_wait3A_1241] : memref<8x256x512xf32, #tpu.memory_space<vmem>> -> memref<1x256x512xf32, #tpu.memory_space<vmem>>
    %dma_wait3A_1243 = tpu.memref_squeeze %dma_wait3A_1242 : memref<1x256x512xf32, #tpu.memory_space<vmem>> -> memref<256x512xf32, #tpu.memory_space<vmem>>
    tpu.wait_dma2 semaphore(%dma_wait3A_1235 : memref<!tpu.dma_semaphore, #tpu.memory_space<semaphore_mem>>) src(%dma_wait3A_1243 : memref<256x512xf32, #tpu.memory_space<vmem>>) dst(%dma_wait3A_1239 : memref<256x512xf32, #tpu.memory_space<hbm>>)
    %dma_wait3A_1244 = arith.constant 1 : i32
    %dma_wait3A_1245 = arith.constant 5 : i32
    %dma_wait3A_1246 = arith.constant 2 : i32
    %dma_wait3A_1247 = arith.constant 1 : i32
    %dma_wait3A_1248 = tpu.memref_slice %arg4[%dma_wait3A_1247] : memref<8x!tpu.dma_semaphore, #tpu.memory_space<semaphore_mem>> -> memref<1x!tpu.dma_semaphore, #tpu.memory_space<semaphore_mem>>
    %dma_wait3A_1249 = tpu.memref_squeeze %dma_wait3A_1248 : memref<1x!tpu.dma_semaphore, #tpu.memory_space<semaphore_mem>> -> memref<!tpu.dma_semaphore, #tpu.memory_space<semaphore_mem>>
    %dma_wait3A_1250 = arith.constant 0 : i32
    %dma_wait3A_1251 = arith.constant 0 : i32
    %dma_wait3A_1252 = tpu.memref_slice %arg1[%dma_wait3A_1245, %dma_wait3A_1246, %dma_wait3A_1250, %dma_wait3A_1251] : memref<8x3x256x512xf32, #tpu.memory_space<hbm>> -> memref<1x1x256x512xf32, #tpu.memory_space<hbm>>
    %dma_wait3A_1253 = tpu.memref_squeeze %dma_wait3A_1252 : memref<1x1x256x512xf32, #tpu.memory_space<hbm>> -> memref<256x512xf32, #tpu.memory_space<hbm>>
    %dma_wait3A_1254 = arith.constant 0 : i32
    %dma_wait3A_1255 = arith.constant 0 : i32
    %dma_wait3A_1256 = tpu.memref_slice %arg2[%dma_wait3A_1244, %dma_wait3A_1254, %dma_wait3A_1255] : memref<8x256x512xf32, #tpu.memory_space<vmem>> -> memref<1x256x512xf32, #tpu.memory_space<vmem>>
    %dma_wait3A_1257 = tpu.memref_squeeze %dma_wait3A_1256 : memref<1x256x512xf32, #tpu.memory_space<vmem>> -> memref<256x512xf32, #tpu.memory_space<vmem>>
    tpu.wait_dma2 semaphore(%dma_wait3A_1249 : memref<!tpu.dma_semaphore, #tpu.memory_space<semaphore_mem>>) src(%dma_wait3A_1257 : memref<256x512xf32, #tpu.memory_space<vmem>>) dst(%dma_wait3A_1253 : memref<256x512xf32, #tpu.memory_space<hbm>>)
    %dma_wait3A_1258 = arith.constant 2 : i32
    %dma_wait3A_1259 = arith.constant 6 : i32
    %dma_wait3A_1260 = arith.constant 0 : i32
    %dma_wait3A_1261 = arith.constant 2 : i32
    %dma_wait3A_1262 = tpu.memref_slice %arg4[%dma_wait3A_1261] : memref<8x!tpu.dma_semaphore, #tpu.memory_space<semaphore_mem>> -> memref<1x!tpu.dma_semaphore, #tpu.memory_space<semaphore_mem>>
    %dma_wait3A_1263 = tpu.memref_squeeze %dma_wait3A_1262 : memref<1x!tpu.dma_semaphore, #tpu.memory_space<semaphore_mem>> -> memref<!tpu.dma_semaphore, #tpu.memory_space<semaphore_mem>>
    %dma_wait3A_1264 = arith.constant 0 : i32
    %dma_wait3A_1265 = arith.constant 0 : i32
    %dma_wait3A_1266 = tpu.memref_slice %arg1[%dma_wait3A_1259, %dma_wait3A_1260, %dma_wait3A_1264, %dma_wait3A_1265] : memref<8x3x256x512xf32, #tpu.memory_space<hbm>> -> memref<1x1x256x512xf32, #tpu.memory_space<hbm>>
    %dma_wait3A_1267 = tpu.memref_squeeze %dma_wait3A_1266 : memref<1x1x256x512xf32, #tpu.memory_space<hbm>> -> memref<256x512xf32, #tpu.memory_space<hbm>>
    %dma_wait3A_1268 = arith.constant 0 : i32
    %dma_wait3A_1269 = arith.constant 0 : i32
    %dma_wait3A_1270 = tpu.memref_slice %arg2[%dma_wait3A_1258, %dma_wait3A_1268, %dma_wait3A_1269] : memref<8x256x512xf32, #tpu.memory_space<vmem>> -> memref<1x256x512xf32, #tpu.memory_space<vmem>>
    %dma_wait3A_1271 = tpu.memref_squeeze %dma_wait3A_1270 : memref<1x256x512xf32, #tpu.memory_space<vmem>> -> memref<256x512xf32, #tpu.memory_space<vmem>>
    tpu.wait_dma2 semaphore(%dma_wait3A_1263 : memref<!tpu.dma_semaphore, #tpu.memory_space<semaphore_mem>>) src(%dma_wait3A_1271 : memref<256x512xf32, #tpu.memory_space<vmem>>) dst(%dma_wait3A_1267 : memref<256x512xf32, #tpu.memory_space<hbm>>)
    %dma_wait3A_1272 = arith.constant 3 : i32
    %dma_wait3A_1273 = arith.constant 6 : i32
    %dma_wait3A_1274 = arith.constant 1 : i32
    %dma_wait3A_1275 = arith.constant 3 : i32
    %dma_wait3A_1276 = tpu.memref_slice %arg4[%dma_wait3A_1275] : memref<8x!tpu.dma_semaphore, #tpu.memory_space<semaphore_mem>> -> memref<1x!tpu.dma_semaphore, #tpu.memory_space<semaphore_mem>>
    %dma_wait3A_1277 = tpu.memref_squeeze %dma_wait3A_1276 : memref<1x!tpu.dma_semaphore, #tpu.memory_space<semaphore_mem>> -> memref<!tpu.dma_semaphore, #tpu.memory_space<semaphore_mem>>
    %dma_wait3A_1278 = arith.constant 0 : i32
    %dma_wait3A_1279 = arith.constant 0 : i32
    %dma_wait3A_1280 = tpu.memref_slice %arg1[%dma_wait3A_1273, %dma_wait3A_1274, %dma_wait3A_1278, %dma_wait3A_1279] : memref<8x3x256x512xf32, #tpu.memory_space<hbm>> -> memref<1x1x256x512xf32, #tpu.memory_space<hbm>>
    %dma_wait3A_1281 = tpu.memref_squeeze %dma_wait3A_1280 : memref<1x1x256x512xf32, #tpu.memory_space<hbm>> -> memref<256x512xf32, #tpu.memory_space<hbm>>
    %dma_wait3A_1282 = arith.constant 0 : i32
    %dma_wait3A_1283 = arith.constant 0 : i32
    %dma_wait3A_1284 = tpu.memref_slice %arg2[%dma_wait3A_1272, %dma_wait3A_1282, %dma_wait3A_1283] : memref<8x256x512xf32, #tpu.memory_space<vmem>> -> memref<1x256x512xf32, #tpu.memory_space<vmem>>
    %dma_wait3A_1285 = tpu.memref_squeeze %dma_wait3A_1284 : memref<1x256x512xf32, #tpu.memory_space<vmem>> -> memref<256x512xf32, #tpu.memory_space<vmem>>
    tpu.wait_dma2 semaphore(%dma_wait3A_1277 : memref<!tpu.dma_semaphore, #tpu.memory_space<semaphore_mem>>) src(%dma_wait3A_1285 : memref<256x512xf32, #tpu.memory_space<vmem>>) dst(%dma_wait3A_1281 : memref<256x512xf32, #tpu.memory_space<hbm>>)
    %dma_wait3A_1286 = arith.constant 4 : i32
    %dma_wait3A_1287 = arith.constant 6 : i32
    %dma_wait3A_1288 = arith.constant 2 : i32
    %dma_wait3A_1289 = arith.constant 4 : i32
    %dma_wait3A_1290 = tpu.memref_slice %arg4[%dma_wait3A_1289] : memref<8x!tpu.dma_semaphore, #tpu.memory_space<semaphore_mem>> -> memref<1x!tpu.dma_semaphore, #tpu.memory_space<semaphore_mem>>
    %dma_wait3A_1291 = tpu.memref_squeeze %dma_wait3A_1290 : memref<1x!tpu.dma_semaphore, #tpu.memory_space<semaphore_mem>> -> memref<!tpu.dma_semaphore, #tpu.memory_space<semaphore_mem>>
    %dma_wait3A_1292 = arith.constant 0 : i32
    %dma_wait3A_1293 = arith.constant 0 : i32
    %dma_wait3A_1294 = tpu.memref_slice %arg1[%dma_wait3A_1287, %dma_wait3A_1288, %dma_wait3A_1292, %dma_wait3A_1293] : memref<8x3x256x512xf32, #tpu.memory_space<hbm>> -> memref<1x1x256x512xf32, #tpu.memory_space<hbm>>
    %dma_wait3A_1295 = tpu.memref_squeeze %dma_wait3A_1294 : memref<1x1x256x512xf32, #tpu.memory_space<hbm>> -> memref<256x512xf32, #tpu.memory_space<hbm>>
    %dma_wait3A_1296 = arith.constant 0 : i32
    %dma_wait3A_1297 = arith.constant 0 : i32
    %dma_wait3A_1298 = tpu.memref_slice %arg2[%dma_wait3A_1286, %dma_wait3A_1296, %dma_wait3A_1297] : memref<8x256x512xf32, #tpu.memory_space<vmem>> -> memref<1x256x512xf32, #tpu.memory_space<vmem>>
    %dma_wait3A_1299 = tpu.memref_squeeze %dma_wait3A_1298 : memref<1x256x512xf32, #tpu.memory_space<vmem>> -> memref<256x512xf32, #tpu.memory_space<vmem>>
    tpu.wait_dma2 semaphore(%dma_wait3A_1291 : memref<!tpu.dma_semaphore, #tpu.memory_space<semaphore_mem>>) src(%dma_wait3A_1299 : memref<256x512xf32, #tpu.memory_space<vmem>>) dst(%dma_wait3A_1295 : memref<256x512xf32, #tpu.memory_space<hbm>>)
    %dma_wait3A_1300 = arith.constant 5 : i32
    %dma_wait3A_1301 = arith.constant 7 : i32
    %dma_wait3A_1302 = arith.constant 0 : i32
    %dma_wait3A_1303 = arith.constant 5 : i32
    %dma_wait3A_1304 = tpu.memref_slice %arg4[%dma_wait3A_1303] : memref<8x!tpu.dma_semaphore, #tpu.memory_space<semaphore_mem>> -> memref<1x!tpu.dma_semaphore, #tpu.memory_space<semaphore_mem>>
    %dma_wait3A_1305 = tpu.memref_squeeze %dma_wait3A_1304 : memref<1x!tpu.dma_semaphore, #tpu.memory_space<semaphore_mem>> -> memref<!tpu.dma_semaphore, #tpu.memory_space<semaphore_mem>>
    %dma_wait3A_1306 = arith.constant 0 : i32
    %dma_wait3A_1307 = arith.constant 0 : i32
    %dma_wait3A_1308 = tpu.memref_slice %arg1[%dma_wait3A_1301, %dma_wait3A_1302, %dma_wait3A_1306, %dma_wait3A_1307] : memref<8x3x256x512xf32, #tpu.memory_space<hbm>> -> memref<1x1x256x512xf32, #tpu.memory_space<hbm>>
    %dma_wait3A_1309 = tpu.memref_squeeze %dma_wait3A_1308 : memref<1x1x256x512xf32, #tpu.memory_space<hbm>> -> memref<256x512xf32, #tpu.memory_space<hbm>>
    %dma_wait3A_1310 = arith.constant 0 : i32
    %dma_wait3A_1311 = arith.constant 0 : i32
    %dma_wait3A_1312 = tpu.memref_slice %arg2[%dma_wait3A_1300, %dma_wait3A_1310, %dma_wait3A_1311] : memref<8x256x512xf32, #tpu.memory_space<vmem>> -> memref<1x256x512xf32, #tpu.memory_space<vmem>>
    %dma_wait3A_1313 = tpu.memref_squeeze %dma_wait3A_1312 : memref<1x256x512xf32, #tpu.memory_space<vmem>> -> memref<256x512xf32, #tpu.memory_space<vmem>>
    tpu.wait_dma2 semaphore(%dma_wait3A_1305 : memref<!tpu.dma_semaphore, #tpu.memory_space<semaphore_mem>>) src(%dma_wait3A_1313 : memref<256x512xf32, #tpu.memory_space<vmem>>) dst(%dma_wait3A_1309 : memref<256x512xf32, #tpu.memory_space<hbm>>)
    %dma_wait3A_1314 = arith.constant 6 : i32
    %dma_wait3A_1315 = arith.constant 7 : i32
    %dma_wait3A_1316 = arith.constant 1 : i32
    %dma_wait3A_1317 = arith.constant 6 : i32
    %dma_wait3A_1318 = tpu.memref_slice %arg4[%dma_wait3A_1317] : memref<8x!tpu.dma_semaphore, #tpu.memory_space<semaphore_mem>> -> memref<1x!tpu.dma_semaphore, #tpu.memory_space<semaphore_mem>>
    %dma_wait3A_1319 = tpu.memref_squeeze %dma_wait3A_1318 : memref<1x!tpu.dma_semaphore, #tpu.memory_space<semaphore_mem>> -> memref<!tpu.dma_semaphore, #tpu.memory_space<semaphore_mem>>
    %dma_wait3A_1320 = arith.constant 0 : i32
    %dma_wait3A_1321 = arith.constant 0 : i32
    %dma_wait3A_1322 = tpu.memref_slice %arg1[%dma_wait3A_1315, %dma_wait3A_1316, %dma_wait3A_1320, %dma_wait3A_1321] : memref<8x3x256x512xf32, #tpu.memory_space<hbm>> -> memref<1x1x256x512xf32, #tpu.memory_space<hbm>>
    %dma_wait3A_1323 = tpu.memref_squeeze %dma_wait3A_1322 : memref<1x1x256x512xf32, #tpu.memory_space<hbm>> -> memref<256x512xf32, #tpu.memory_space<hbm>>
    %dma_wait3A_1324 = arith.constant 0 : i32
    %dma_wait3A_1325 = arith.constant 0 : i32
    %dma_wait3A_1326 = tpu.memref_slice %arg2[%dma_wait3A_1314, %dma_wait3A_1324, %dma_wait3A_1325] : memref<8x256x512xf32, #tpu.memory_space<vmem>> -> memref<1x256x512xf32, #tpu.memory_space<vmem>>
    %dma_wait3A_1327 = tpu.memref_squeeze %dma_wait3A_1326 : memref<1x256x512xf32, #tpu.memory_space<vmem>> -> memref<256x512xf32, #tpu.memory_space<vmem>>
    tpu.wait_dma2 semaphore(%dma_wait3A_1319 : memref<!tpu.dma_semaphore, #tpu.memory_space<semaphore_mem>>) src(%dma_wait3A_1327 : memref<256x512xf32, #tpu.memory_space<vmem>>) dst(%dma_wait3A_1323 : memref<256x512xf32, #tpu.memory_space<hbm>>)
    %dma_wait3A_1328 = arith.constant 7 : i32
    %dma_wait3A_1329 = arith.constant 7 : i32
    %dma_wait3A_1330 = arith.constant 2 : i32
    %dma_wait3A_1331 = arith.constant 7 : i32
    %dma_wait3A_1332 = tpu.memref_slice %arg4[%dma_wait3A_1331] : memref<8x!tpu.dma_semaphore, #tpu.memory_space<semaphore_mem>> -> memref<1x!tpu.dma_semaphore, #tpu.memory_space<semaphore_mem>>
    %dma_wait3A_1333 = tpu.memref_squeeze %dma_wait3A_1332 : memref<1x!tpu.dma_semaphore, #tpu.memory_space<semaphore_mem>> -> memref<!tpu.dma_semaphore, #tpu.memory_space<semaphore_mem>>
    %dma_wait3A_1334 = arith.constant 0 : i32
    %dma_wait3A_1335 = arith.constant 0 : i32
    %dma_wait3A_1336 = tpu.memref_slice %arg1[%dma_wait3A_1329, %dma_wait3A_1330, %dma_wait3A_1334, %dma_wait3A_1335] : memref<8x3x256x512xf32, #tpu.memory_space<hbm>> -> memref<1x1x256x512xf32, #tpu.memory_space<hbm>>
    %dma_wait3A_1337 = tpu.memref_squeeze %dma_wait3A_1336 : memref<1x1x256x512xf32, #tpu.memory_space<hbm>> -> memref<256x512xf32, #tpu.memory_space<hbm>>
    %dma_wait3A_1338 = arith.constant 0 : i32
    %dma_wait3A_1339 = arith.constant 0 : i32
    %dma_wait3A_1340 = tpu.memref_slice %arg2[%dma_wait3A_1328, %dma_wait3A_1338, %dma_wait3A_1339] : memref<8x256x512xf32, #tpu.memory_space<vmem>> -> memref<1x256x512xf32, #tpu.memory_space<vmem>>
    %dma_wait3A_1341 = tpu.memref_squeeze %dma_wait3A_1340 : memref<1x256x512xf32, #tpu.memory_space<vmem>> -> memref<256x512xf32, #tpu.memory_space<vmem>>
    tpu.wait_dma2 semaphore(%dma_wait3A_1333 : memref<!tpu.dma_semaphore, #tpu.memory_space<semaphore_mem>>) src(%dma_wait3A_1341 : memref<256x512xf32, #tpu.memory_space<vmem>>) dst(%dma_wait3A_1337 : memref<256x512xf32, #tpu.memory_space<hbm>>)
    return
  }
}

</mosaic_0001>

<sc_bundles>
// kernel: kernel.4.cloned.1.call-start
scs
__scs_entry_jumppad:
0x0: {  	(pc) =	sbr.rel $0x88, $3  }
0x1: {  	(tag) =	ssettag $0x0;
	lr =	simm.s32 $0x1  }
0x2: {  	[smem:$0x3F9E] =	sst lr;
	_ =	strace $0xD0000000  }
0x3: {  	_ = 	snop  }
0x4: {  	_ = 	snop  }
0x5: {  	_ = 	snop  }
0x6: {  	_ = 	snop  }
0x7: {  	_ = 	snop  }
__scs_overlays_trampoline_lowered:
0x8: {  	[smem:$0x3FAD] =	sst s0  }
0x9: {  	[smem:$0x3FAE] =	sst s1  }
0xa: {  	[smem:$0x3FAF] =	sst s2  }
0xb: {  	[smem:$0x3FB0] =	sst s3  }
0xc: {  	[smem:$0x3FB1] =	sst s4  }
0xd: {  	[smem:$0x3FB2] =	sst s5  }
0xe: {  	[smem:$0x3FB3] =	sst s6  }
0xf: {  	[smem:$0x3FB4] =	sst s7  }
0x10: {  	[smem:$0x3FB5] =	sst s8  }
0x11: {  	[smem:$0x3FB6] =	sst s9;
	s0 =	simm.s32 @!p0 $0x0  }
0x12: {  	s1 =	sld [smem:$0x3F9C];
	s0 =	simm.s32 @p0 $0x1  }
0x13: {  	[smem:$0x3FB7] =	sst s0;
	s0 =	simm.s32 @!p1 $0x0  }
0x14: {  	s2 =	sld [smem:$0x3F9B];
	s0 =	simm.s32 @p1 $0x1  }
0x15: {  	[smem:$0x3FB8] =	sst s0;
	s0 =	simm.s32 @!p2 $0x0  }
0x16: {  	s3 =	sld [smem:$0x3FDB];
	s0 =	simm.s32 @p2 $0x1  }
0x17: {  	s4 =	simm.s32 $0x1BF5;
	[smem:$0x3FBA] =	sst s0  }
0x18: {  	s0 =	sld [smem:$0x3F9D];
	_ =	swait.ge [sflag:s4], $0x0  }
0x19: {  	s7 =	sld [smem:$0x3F9E]  }
0x1a: {  	s8 =	sadd.s32 $0xFFFFE003, lr  }
0x1b: {  	s9 =	sadd.s32 $0xFFFFFEF7, lr;
	s5 =	simm.s32 $0xFFFFFFFF;
	p2 =	slt.u32 s8, $0xFFFFF086  }
0x1c: {  	p1 =	slt.u32 s9, $0xF7A;
	s5 =	simm.s32 @!p2 $0x0  }
0x1d: {  	s5 =	simm.s32 @p1 $0x1;
	p0 =	seq.s32 s7, s2  }
0x1e: {  	s7 =	smul.u32 @!p0 $0xF7A, s2;
	p2 =	seq.s32 @!p0 s5, $0x0  }
0x1f: {  	s9 =	smul.u32 $0xF7A, s1;
	s8 =	simm.s32 @!p0 $0x1BF5;
	p2 =	por !p2, p0  }
0x20: {  	[sflag:s8] =	ssyncset.s32 @!p0 $0xFFFFF086;
	s6 =	sadd.s32 @!p0 s3, s7;
	s7 =	simm.s32 @!p0 $0x108  }
0x21: {  	s3 =	sadd.s32 s3, s9;
	s6 =	sadd.s32 @!p0 $0x88, s6;
	s7 =	simm.s32 @p2 $0x1082  }
0x22: {  	[simem:s7], [sflag:s8] =	dma.local @!p0 [hbm:s6], $0xF7A  }
0x23: {  	s9 =	sor.u32 $0xD0000000, s2;
	s6 =	simm.s32 $0x108;
	_ =	swait.ge @!p0 [sflag:s8], $0x0  }
0x24: {  	s3 =	sadd.s32 $0x88, s3;
	s6 =	simm.s32 @!p1 $0x1082;
	[sflag:s4] =	ssyncset.s32 $0xFFFFF086  }
0x25: {  	[simem:s6], [sflag:s4] =	dma.local [hbm:s3], $0xF7A  }
0x26: {  	[smem:$0x3F9E] =	sst s1;
	(tag) =	ssettag s2;
	_ =	strace s9  }
0x27: {  	s1 =	sld [smem:$0x3FAE]  }
0x28: {  	s2 =	sld [smem:$0x3FAF]  }
0x29: {  	s4 =	sld [smem:$0x3FB1]  }
0x2a: {  	p0 =	seq.s32 s5, $0x0;
	s5 =	sld [smem:$0x3FB2]  }
0x2b: {  	s6 =	sld [smem:$0x3FB3]  }
0x2c: {  	s7 =	sld [smem:$0x3FB4]  }
0x2d: {  	s3 =	simm.s32 $0x108;
	s8 =	sld [smem:$0x3FB5]  }
0x2e: {  	s3 =	simm.s32 @!p0 $0x1082;
	s9 =	sld [smem:$0x3FB6]  }
0x2f: {  	lr =	sadd.s32 s0, s3;
	s0 =	sld [smem:$0x3FAD]  }
0x30: {  	s3 =	sld [smem:$0x3FB0]  }
0x31: {  	[smem:$0x3FB9] =	sst s10  }
0x32: {  	s10 =	sld [smem:$0x3FB7];
	_ =	sdelay $0x3  }
0x33: {  	p0 =	seq.s32 s10, $0x1;
	s10 =	sld [smem:$0x3FB9];
	_ =	sdelay $0x3  }
0x34: {  	[smem:$0x3FB9] =	sst s10  }
0x35: {  	s10 =	sld [smem:$0x3FB8];
	_ =	sdelay $0x3  }
0x36: {  	p1 =	seq.s32 s10, $0x1;
	s10 =	sld [smem:$0x3FB9];
	_ =	sdelay $0x3  }
0x37: {  	[smem:$0x3FB9] =	sst s10  }
0x38: {  	s10 =	sld [smem:$0x3FBA]  }
0x39: {  	_ = 	snop;
	(pc) =	sbr.ind lr, $3  }
0x3a: {  	_ = 	snop  }
0x3b: {  	_ = 	snop  }
0x3c: {  	p2 =	seq.s32 s10, $0x1;
	s10 =	sld [smem:$0x3FB9]  }
0x3d: {  	_ =	shalt  }
0x3e: {  	_ =	shalt  }
0x3f: {  	_ =	shalt  }
0x40: {  	_ =	shalt  }
0x41: {  	_ =	shalt  }
0x42: {  	_ =	shalt  }
0x43: {  	_ =	shalt  }
0x44: {  	_ =	shalt  }
0x45: {  	_ =	shalt  }
0x46: {  	_ =	shalt  }
0x47: {  	_ =	shalt  }
0x48: {  	_ =	shalt  }
0x49: {  	_ =	shalt  }
0x4a: {  	_ =	shalt  }
0x4b: {  	_ =	shalt  }
0x4c: {  	_ =	shalt  }
0x4d: {  	_ =	shalt  }
0x4e: {  	_ =	shalt  }
0x4f: {  	_ =	shalt  }
0x50: {  	_ =	shalt  }
0x51: {  	_ =	shalt  }
0x52: {  	_ =	shalt  }
0x53: {  	_ =	shalt  }
0x54: {  	_ =	shalt  }
0x55: {  	_ =	shalt  }
0x56: {  	_ =	shalt  }
0x57: {  	_ =	shalt  }
0x58: {  	_ =	shalt  }
0x59: {  	_ =	shalt  }
0x5a: {  	_ =	shalt  }
0x5b: {  	_ =	shalt  }
0x5c: {  	_ =	shalt  }
0x5d: {  	_ =	shalt  }
0x5e: {  	_ =	shalt  }
0x5f: {  	_ =	shalt  }
0x60: {  	_ =	shalt  }
0x61: {  	_ =	shalt  }
0x62: {  	_ =	shalt  }
0x63: {  	_ =	shalt  }
0x64: {  	_ =	shalt  }
0x65: {  	_ =	shalt  }
0x66: {  	_ =	shalt  }
0x67: {  	_ =	shalt  }
0x68: {  	_ =	shalt  }
0x69: {  	_ =	shalt  }
0x6a: {  	_ =	shalt  }
0x6b: {  	_ =	shalt  }
0x6c: {  	_ =	shalt  }
0x6d: {  	_ =	shalt  }
0x6e: {  	_ =	shalt  }
0x6f: {  	_ =	shalt  }
0x70: {  	_ =	shalt  }
0x71: {  	_ =	shalt  }
0x72: {  	_ =	shalt  }
0x73: {  	_ =	shalt  }
0x74: {  	_ =	shalt  }
0x75: {  	_ =	shalt  }
0x76: {  	_ =	shalt  }
0x77: {  	_ =	shalt  }
0x78: {  	_ =	shalt  }
0x79: {  	_ =	shalt  }
0x7a: {  	_ =	shalt  }
0x7b: {  	_ =	shalt  }
0x7c: {  	_ =	shalt  }
0x7d: {  	_ =	shalt  }
0x7e: {  	_ =	shalt  }
0x7f: {  	_ =	shalt  }
0x80: {  	_ =	shalt  }
0x81: {  	_ =	shalt  }
0x82: {  	_ =	shalt  }
0x83: {  	_ =	shalt  }
0x84: {  	_ =	shalt  }
0x85: {  	_ =	shalt  }
0x86: {  	_ =	shalt  }
0x87: {  	_ =	shalt  }
.Lfunc_end0:
.L_simem_size_0:
called_computation_lowered:
.L_overlay_start_0:
0x88: {  	s0 =	sld [smem:$0x3FD9]  }
0x89: {  	s1 =	sld [smem:$0x3FFE];
	_ =	sdelay $0x3  }
0x8a: {  	s0 =	sadd.s32 s1, s0  }
0x8b: {  	[smem:$0x3FC5] =	sst s0  }
0x8c: {  	_ = 	snop  }
0x8d: {  	s0 =	sld [smem:$0x3FD0];
	_ =	sdelay $0x2  }
0x8e: {  	s13 =	simm.s32 $0xA;
	s2 =	simm.s32 $0x10  }
0x8f: {  	[smem:s2], [sflag:s13] =	dma.local [hbm:s0], $0x1  }
0x90: {  	_ =	swait.eq [sflag:s13], $0x1  }
0x91: {  	[sflag:s13] =	ssyncset.done $0x0  }
0x92: {  	[sflag:s13] =	ssyncadd.s32 $0xFFFFFFFF  }
0x93: {  	s14 =	sld [smem:$0x12];
	(tm) =	ssettm $0x1  }
0x94: {  	s15 =	sld [smem:$0x3FFB];
	_ =	sdelay $0x3  }
0x95: {  	_ =	strace s15  }
0x96: {  	s1 =	sld [smem:$0x3FFC];
	_ =	sdelay $0x3  }
0x97: {  	_ =	strace s1  }
0x98: {  	s1 =	sld [smem:$0x3FFD];
	_ =	sdelay $0x3  }
0x99: {  	_ =	strace s1  }
0x9a: {  	_ =	strace $0x8FFFFFFF  }
0x9b: {  	s16 =	sld [smem:$0x3FDB];
	_ =	sdelay $0x1  }
0x9c: {  	s17 =	simm.s32 $_scs_section_size  }
0x9d: {  	s3 =	simm.s32 $_size__tile_overlayer_lowered;
	s4 =	simm.s32 $_tile_overlayer_lowered  }
0x9e: {  	s20 =	simm.s32 $0x1BFF;
	s19 =	sshll.u32 s4, $0x1;
	s1 =	sadd.s32 s17, s16  }
0x9f: {  	s5 =	simm.s32 $0x0;
	s18 =	sshll.u32 s3, $0x1;
	s3 =	sadd.s32 s19, s1  }
0xa0: {  	[timem:s5], [sflag:s20] =	dma.local [hbm:s3], s18  }
0xa1: {  	_ =	swait.ge [sflag:s20], s18  }
0xa2: {  	s2 =	ssub.s32 $0x0, s18;
	[sflag:s20] =	ssyncset.done $0x0  }
0xa3: {  	[sflag:s20] =	ssyncadd.s32 s2;
	_ =	sdelay $0x1  }
0xa4: {  	s21 =	simm.s32 $0x1B8B  }
0xa5: {  	_ =	swait.ge [sflag:s21], $0x1  }
0xa6: {  	[sflag:s21] =	ssyncset.done $0x0  }
0xa7: {  	s23 =	simm.s32 $0x1B8E;
	s22 =	sld [smem:$0x3FFE];
	[sflag:s21] =	ssyncadd.s32 $0xFFFFFFFF  }
0xa8: {  	s24 =	simm.s32 $execute0_lowered;
	[smem:$0x3FD2] =	sst s23  }
0xa9: {  	s3 =	sshll.u32 s24, $0x1;
	_ =	strace $0x80000046;
	[dreg:$0x1] =	wrdreg $0xFFFFFFFF  }
0xaa: {  	s25 =	simm.s32 $_size_execute0_lowered;
	s1 =	sadd.s32 s1, s3;
	[dreg:$0x0] =	wrdreg $0x0  }
0xab: {  	s3 =	sshll.u32 s25, $0x1;
	[dreg:$0x2] =	wrdreg s1  }
0xac: {  	[dreg:$0x3] =	wrdreg s3  }
0xad: {  	[dreg:$0x4] =	wrdreg $0xC0  }
0xae: {  	_ =	task [dreg:s5], $0x5FFFF  }
0xaf: {  	[dreg:$0x1] =	wrdreg $0xFFFFFFFF  }
0xb0: {  	[dreg:$0x0] =	wrdreg $0x60  }
0xb1: {  	[dreg:$0x2] =	wrdreg s22  }
0xb2: {  	[dreg:$0x3] =	wrdreg s14  }
0xb3: {  	[dreg:$0x4] =	wrdreg $0x9  }
0xb4: {  	_ =	task.clear_ibuf [dreg:s5], $0x5FFFF;
	_ =	strace $0x90000046  }
0xb5: {  	s26 =	simm.s32 $0x9;
	_ =	strace $0x80000048  }
0xb6: {  	_ =	swait.ge [sflag:s26], $0x1  }
0xb7: {  	[sflag:s26] =	ssyncadd.s32 $0xFFFFFFFF  }
0xb8: {  	_ =	strace $0x90000048  }
0xb9: {  	_ =	sfence  }
0xba: {  	s28 =	sld [smem:$0x0];
	_ =	sdelay $0x1  }
0xbb: {  	s29 =	srdreg.scid  }
0xbc: {  	s30 =	sshll.u32 s29, $0xD;
	s31 =	sshrl.u32 s29, $0x2  }
0xbd: {  	s2 =	sand.u32 $0x4000, s30;
	s1 =	sand.u32 $0x1, s29;
	s0 =	sadd.s32 s31, s28  }
0xbe: {  	s1 =	sor.u32 s2, s1;
	s0 =	sshll.u32 s0, $0x11  }
0xbf: {  	s0 =	sor.u32 s0, s1  }
0xc0: {  	s0 =	sadd.s32 $0x8F2B, s0  }
0xc1: {  	[sflag:s0] =	ssyncadd.remote.s32 $0x1  }
0xc2: {  	_ =	sfence.sel $0xFFFF  }
0xc3: {  	[dreg:$0x0] =	wrdreg $0xFFFFFFFF;
	(pc) =	sbr.abs _section_cstart, $3  }
0xc4: {  	[dreg:$0x1] =	wrdreg $0xFFFFFFFF  }
0xc5: {  	_ =	task.clear_ibuf [dreg:s5], $0x2FFFF;
	_ =	strace $0x9FFFFFFF  }
0xc6: {  	(tm) =	ssettm $0x7FFFFFFF  }
0xc7: {  	_ =	shalt  }
tec
execute0_lowered:
.L_overlay_start_1:
0x0: {  	(tag) =	ssettag $0x1  }
0x1: {  	s2 =	rddreg [dreg:$0x0]  }
0x2: {  	s6 =	rddreg [dreg:$0x1];
	s1 =	stileid.u32  }
0x3: {  	s0 =	rddreg [dreg:$0x2];
	s3 =	simm.s32 $0x0;
	s4 =	sshll.u32 s1, $0xD  }
0x4: {  	[smem:$0x7FF] =	sst s3;
	s5 =	sadd.s32 s4, s2  }
0x5: {  	s28 =	simm.s32 $0x1;
	_ =	strace $0x80000047;
	s4 =	sadd.s32 $0x400, s5  }
0x6: {  	[tilespmem:s3], [sflag:$0x1] =	stream.linear.gather [hbm4b:s4+s3], $0x10000, $0x38;
	[tilespmem:$0x10100] =	vst v63  }
0x7: {  	_ =	swait.ge [sflag:s28], $0x10000  }
0x8: {  	[sflag:s28] =	ssyncset.done $0x0  }
0x9: {  	s7 =	simm.s32 $0x10000;
	v0 =	vimm.s32 $0x1;
	[sflag:s28] =	ssyncadd.s32 $0xFFFF0000  }
0xa: {  	v1 =	vimm.s32 $0x2;
	[tilespmem:s7], [sflag:$0x1] =	stream.linear.gather [hbm4b:s6+s3], $0x80, $0x38;
	[tilespmem:$0x10100] =	vst v63  }
0xb: {  	v2 =	vimm.s32 $0x3;
	_ =	swait.ge [sflag:s28], $0x80  }
0xc: {  	v3 =	vimm.s32 $0x4;
	[sflag:s28] =	ssyncset.done $0x0  }
0xd: {  	v4 =	vimm.s32 $0x5;
	[sflag:s28] =	ssyncadd.s32 $0xFFFFFF80  }
0xe: {  	v12 =	vimm.s32 $0x6;
	v11 =	vlaneseq.u32;
	v8 =	vld.idx.msk [tilespmem:v0+s7+$0x0], $0xffff  }
0xf: {  	v26 =	vimm.s32 $0x7;
	v10 =	vmul.u32 $0x80, v11;
	v9 =	vld.idx.msk [tilespmem:v1+s7+$0x0], $0xffff  }
0x10: {  	v27 =	vimm.s32 $0x8;
	v7 =	vld.idx.msk [tilespmem:v2+s7+$0x0], $0xffff  }
0x11: {  	v13 =	vor.u32 $0x4, v10;
	v6 =	vld.idx.msk [tilespmem:v3+s7+$0x0], $0xffff  }
0x12: {  	v5 =	vld.idx.msk [tilespmem:v4+s7+$0x0], $0xffff  }
0x13: {  	v28 =	vor.u32 $0x2, v10;
	v4 =	vld.idx.msk [tilespmem:v12+s7+$0x0], $0xffff  }
0x14: {  	v3 =	vld.idx.msk [tilespmem:v26+s7+$0x0], $0xffff;
	v1 =	vimm.s32 $0x0  }
0x15: {  	v2 =	vld.idx.msk [tilespmem:v27+s7+$0x0], $0xffff;
	[tilespmem:$0x10080] =	vst v1  }
0x16: {  	s29 =	sshll.u32 s1, $0x9;
	v14 =	vld.idx.msk [tilespmem:v13+s3+$0x0], $0xffff  }
0x17: {  	v19 =	vor.u32 s29, v11;
	v18 =	vor.u32 $0x1, v10;
	v20 =	vor.u32 $0x3, v10  }
0x18: {  	v15 =	vld.idx.msk [tilespmem:v28+s3+$0x0], $0xffff;
	vm10 =	vge.s32 v19, v8;
	vm11 =	vge.s32 v19, v9;
	vm12 =	vge.s32 v19, v7  }
0x19: {  	vm13 =	vge.s32 v19, v6;
	vm14 =	vge.s32 v19, v5;
	vm15 =	vge.s32 v19, v4  }
0x1a: {  	vm4 =	vge.s32 v19, v3;
	vm5 =	vge.s32 v19, v2;
	v21 =	vsel vm10, $0x1, v1  }
0x1b: {  	v22 =	vsel vm11, $0x1, v1;
	v31 =	vsel vm12, $0x1, v1;
	v14 =	vmul.f32 $5.000000000e-01, v14  }
0x1c: {  	v32 =	vsel vm13, $0x1, v1;
	v33 =	vsel vm14, $0x1, v1;
	v34 =	vsel vm15, $0x1, v1  }
0x1d: {  	v17 =	vld.idx.msk [tilespmem:v10+s3+$0x0], $0xffff;
	v35 =	vsel vm4, $0x1, v1;
	v16 =	vsub.f32 v15, v14;
	v14 =	vadd.f32 v14, v15  }
0x1e: {  	v23 =	vld.idx.msk [tilespmem:v18+s3+$0x0], $0xffff;
	vm0 =	vgt.f32 v15, $1.122899170e+02;
	vm1 =	vlt.f32 v15, $3.682899170e+02;
	v21 =	vadd.s32 v21, v22  }
0x1f: {  	v21 =	vadd.s32 v31, v21;
	v16 =	vmax.f32 v16, $1.122899170e+02;
	v14 =	vmin.f32 v14, $3.682899170e+02  }
0x20: {  	v24 =	vld.idx.msk [tilespmem:v20+s3+$0x0], $0xffff;
	vm0 =	vmand vm0, vm1;
	v21 =	vadd.s32 v32, v21;
	v29 =	vadd.f32 v14, v16  }
0x21: {  	v37 =	vsel vm5, $0x1, v1;
	v30 =	vsel vm0, $0x3F800000, v1;
	v21 =	vadd.s32 v33, v21  }
0x22: {  	v17 =	vmul.f32 v30, v17;
	v21 =	vadd.s32 v34, v21;
	v15 =	vmul.f32 $5.000000000e-01, v29  }
0x23: {  	v36 =	vmul.f32 v30, v23;
	v14 =	vsub.f32 v14, v16;
	v21 =	vadd.s32 v35, v21  }
0x24: {  	[tilespmem:v10+s3+$0x0] =	vst.idx.msk $0xffff, v17;
	v38 =	vadd.s32 v37, v21;
	v15 =	vmul.f32 v30, v15  }
0x25: {  	v40 =	vor.u32 $0x804, v10;
	v39 =	vmul.f32 v30, v24;
	[tilespmem:v18+s3+$0x0] =	vst.idx.msk $0xffff, v36  }
0x26: {  	v41 =	vmul.f32 v30, v14;
	[tilespmem:v28+s3+$0x0] =	vst.idx.msk $0xffff, v15  }
0x27: {  	v42 =	vor.u32 $0x802, v10;
	[tilespmem:v20+s3+$0x0] =	vst.idx.msk $0xffff, v39  }
0x28: {  	s30 =	simm.s32 $0x10080;
	[tilespmem:v13+s3+$0x0] =	vst.idx.msk $0xffff, v41  }
0x29: {  	v45 =	vor.u32 $0x10, v11;
	[tilespmem:v38+s30+$0x0] =	vst.idx.add.s32.msk vm0, v0  }
0x2a: {  	v43 =	vor.u32 $0x800, v10;
	v17 =	vor.u32 s29, v45;
	v12 =	vld.idx.msk [tilespmem:v40+s3+$0x0], $0xffff  }
0x2b: {  	v46 =	vor.u32 $0x801, v10;
	v48 =	vor.u32 $0x803, v10;
	vm8 =	vge.s32 v17, v8  }
0x2c: {  	vm9 =	vge.s32 v17, v9;
	vm10 =	vge.s32 v17, v7;
	vm11 =	vge.s32 v17, v6;
	v13 =	vld.idx.msk [tilespmem:v42+s3+$0x0], $0xffff  }
0x2d: {  	vm12 =	vge.s32 v17, v5;
	vm13 =	vge.s32 v17, v4;
	vm14 =	vge.s32 v17, v3  }
0x2e: {  	vm15 =	vge.s32 v17, v2;
	v50 =	vsel vm8, $0x1, v1;
	v51 =	vsel vm9, $0x1, v1  }
0x2f: {  	v53 =	vsel vm10, $0x1, v1;
	v54 =	vsel vm11, $0x1, v1;
	v12 =	vmul.f32 $5.000000000e-01, v12  }
0x30: {  	v55 =	vsel vm12, $0x1, v1;
	v56 =	vsel vm13, $0x1, v1;
	v22 =	vadd.s32 v50, v51  }
0x31: {  	v22 =	vadd.s32 v53, v22;
	v18 =	vld.idx.msk [tilespmem:v43+s3+$0x0], $0xffff;
	v44 =	vsub.f32 v13, v12;
	v12 =	vadd.f32 v12, v13  }
0x32: {  	v57 =	vsel vm14, $0x1, v1;
	v22 =	vadd.s32 v54, v22;
	v52 =	vld.idx.msk [tilespmem:v46+s3+$0x0], $0xffff;
	vm6 =	vgt.f32 v13, $1.122899170e+02  }
0x33: {  	vm7 =	vlt.f32 v13, $3.682899170e+02;
	v16 =	vmax.f32 v44, $1.122899170e+02;
	v12 =	vmin.f32 v12, $3.682899170e+02  }
0x34: {  	v22 =	vadd.s32 v55, v22;
	v25 =	vld.idx.msk [tilespmem:v48+s3+$0x0], $0xffff;
	vm0 =	vmand vm6, vm7;
	v47 =	vadd.f32 v12, v16  }
0x35: {  	v59 =	vsel vm15, $0x1, v1;
	v22 =	vadd.s32 v56, v22;
	v49 =	vsel vm0, $0x3F800000, v1  }
0x36: {  	v22 =	vadd.s32 v57, v22;
	v18 =	vmul.f32 v49, v18;
	v13 =	vmul.f32 $5.000000000e-01, v47  }
0x37: {  	v60 =	vadd.s32 v59, v22;
	v58 =	vmul.f32 v49, v52  }
0x38: {  	v12 =	vsub.f32 v12, v16;
	[tilespmem:v43+s3+$0x0] =	vst.idx.msk $0xffff, v18;
	v13 =	vmul.f32 v49, v13  }
0x39: {  	v62 =	vor.u32 $0x1004, v10;
	v61 =	vmul.f32 v49, v25;
	[tilespmem:v46+s3+$0x0] =	vst.idx.msk $0xffff, v58  }
0x3a: {  	v12 =	vmul.f32 v49, v12;
	[tilespmem:v42+s3+$0x0] =	vst.idx.msk $0xffff, v13  }
0x3b: {  	v63 =	vor.u32 $0x1002, v10;
	[tilespmem:v48+s3+$0x0] =	vst.idx.msk $0xffff, v61  }
0x3c: {  	[tilespmem:v40+s3+$0x0] =	vst.idx.msk $0xffff, v12  }
0x3d: {  	v30 =	vor.u32 $0x20, v11;
	[tilespmem:v60+s30+$0x0] =	vst.idx.add.s32.msk vm0, v0  }
0x3e: {  	v31 =	vor.u32 $0x1001, v10;
	v17 =	vor.u32 s29, v30;
	v12 =	vld.idx.msk [tilespmem:v62+s3+$0x0], $0xffff  }
0x3f: {  	v33 =	vor.u32 $0x1003, v10;
	v28 =	vor.u32 $0x1000, v10;
	vm8 =	vge.s32 v17, v7  }
0x40: {  	vm9 =	vge.s32 v17, v6;
	vm10 =	vge.s32 v17, v5;
	vm11 =	vge.s32 v17, v4;
	v14 =	vld.idx.msk [tilespmem:v63+s3+$0x0], $0xffff  }
0x41: {  	vm12 =	vge.s32 v17, v3;
	vm6 =	vge.s32 v17, v8;
	vm7 =	vge.s32 v17, v9  }
0x42: {  	vm13 =	vge.s32 v17, v2;
	v35 =	vsel vm6, $0x1, v1;
	v36 =	vsel vm7, $0x1, v1  }
0x43: {  	v38 =	vsel vm8, $0x1, v1;
	v22 =	vadd.s32 v35, v36;
	v12 =	vmul.f32 $5.000000000e-01, v12  }
0x44: {  	v39 =	vsel vm9, $0x1, v1;
	v41 =	vsel vm10, $0x1, v1;
	v22 =	vadd.s32 v38, v22  }
0x45: {  	v22 =	vadd.s32 v39, v22;
	v19 =	vld.idx.msk [tilespmem:v28+s3+$0x0], $0xffff;
	v29 =	vsub.f32 v14, v12;
	v12 =	vadd.f32 v12, v14  }
0x46: {  	v45 =	vsel vm13, $0x1, v1;
	v22 =	vadd.s32 v41, v22;
	v37 =	vld.idx.msk [tilespmem:v31+s3+$0x0], $0xffff;
	vm4 =	vgt.f32 v14, $1.122899170e+02  }
0x47: {  	vm5 =	vlt.f32 v14, $3.682899170e+02;
	v16 =	vmax.f32 v29, $1.122899170e+02;
	v12 =	vmin.f32 v12, $3.682899170e+02  }
0x48: {  	v42 =	vsel vm11, $0x1, v1;
	v40 =	vld.idx.msk [tilespmem:v33+s3+$0x0], $0xffff;
	vm0 =	vmand vm4, vm5;
	v32 =	vadd.f32 v12, v16  }
0x49: {  	v43 =	vsel vm12, $0x1, v1;
	v22 =	vadd.s32 v42, v22;
	v34 =	vsel vm0, $0x3F800000, v1  }
0x4a: {  	v22 =	vadd.s32 v43, v22;
	v19 =	vmul.f32 v34, v19;
	v14 =	vmul.f32 $5.000000000e-01, v32  }
0x4b: {  	v46 =	vadd.s32 v45, v22;
	v44 =	vmul.f32 v34, v37  }
0x4c: {  	v12 =	vsub.f32 v12, v16;
	[tilespmem:v28+s3+$0x0] =	vst.idx.msk $0xffff, v19;
	v14 =	vmul.f32 v34, v14  }
0x4d: {  	v48 =	vor.u32 $0x1804, v10;
	v47 =	vmul.f32 v34, v40;
	[tilespmem:v31+s3+$0x0] =	vst.idx.msk $0xffff, v44  }
0x4e: {  	v12 =	vmul.f32 v34, v12;
	[tilespmem:v63+s3+$0x0] =	vst.idx.msk $0xffff, v14  }
0x4f: {  	v49 =	vor.u32 $0x1802, v10;
	[tilespmem:v33+s3+$0x0] =	vst.idx.msk $0xffff, v47  }
0x50: {  	[tilespmem:v62+s3+$0x0] =	vst.idx.msk $0xffff, v12  }
0x51: {  	v52 =	vor.u32 $0x30, v11;
	[tilespmem:v46+s30+$0x0] =	vst.idx.add.s32.msk vm0, v0  }
0x52: {  	v50 =	vor.u32 $0x1800, v10;
	v17 =	vor.u32 s29, v52;
	v12 =	vld.idx.msk [tilespmem:v48+s3+$0x0], $0xffff  }
0x53: {  	v53 =	vor.u32 $0x1801, v10;
	v55 =	vor.u32 $0x1803, v10;
	vm6 =	vge.s32 v17, v7  }
0x54: {  	vm7 =	vge.s32 v17, v6;
	vm9 =	vge.s32 v17, v4;
	vm10 =	vge.s32 v17, v3;
	v14 =	vld.idx.msk [tilespmem:v49+s3+$0x0], $0xffff  }
0x55: {  	vm8 =	vge.s32 v17, v5;
	v26 =	vsel vm9, $0x1, v1;
	v27 =	vsel vm10, $0x1, v1  }
0x56: {  	vm11 =	vge.s32 v17, v2;
	vm4 =	vge.s32 v17, v8;
	vm5 =	vge.s32 v17, v9  }
0x57: {  	v57 =	vsel vm4, $0x1, v1;
	v58 =	vsel vm5, $0x1, v1;
	v12 =	vmul.f32 $5.000000000e-01, v12  }
0x58: {  	v61 =	vsel vm7, $0x1, v1;
	v60 =	vsel vm6, $0x1, v1;
	v22 =	vadd.s32 v57, v58  }
0x59: {  	v22 =	vadd.s32 v60, v22;
	v18 =	vld.idx.msk [tilespmem:v50+s3+$0x0], $0xffff;
	v51 =	vsub.f32 v14, v12;
	v12 =	vadd.f32 v12, v14  }
0x5a: {  	v22 =	vadd.s32 v61, v22;
	v63 =	vsel vm8, $0x1, v1;
	v59 =	vld.idx.msk [tilespmem:v53+s3+$0x0], $0xffff;
	vm14 =	vgt.f32 v14, $1.122899170e+02  }
0x5b: {  	vm15 =	vlt.f32 v14, $3.682899170e+02;
	v16 =	vmax.f32 v51, $1.122899170e+02;
	v12 =	vmin.f32 v12, $3.682899170e+02  }
0x5c: {  	v22 =	vadd.s32 v63, v22;
	v62 =	vld.idx.msk [tilespmem:v55+s3+$0x0], $0xffff;
	vm0 =	vmand vm14, vm15;
	v54 =	vadd.f32 v12, v16  }
0x5d: {  	v29 =	vsel vm11, $0x1, v1;
	v22 =	vadd.s32 v26, v22;
	v56 =	vsel vm0, $0x3F800000, v1  }
0x5e: {  	v22 =	vadd.s32 v27, v22;
	v18 =	vmul.f32 v56, v18;
	v14 =	vmul.f32 $5.000000000e-01, v54  }
0x5f: {  	v30 =	vadd.s32 v29, v22;
	v28 =	vmul.f32 v56, v59  }
0x60: {  	v12 =	vsub.f32 v12, v16;
	[tilespmem:v50+s3+$0x0] =	vst.idx.msk $0xffff, v18;
	v14 =	vmul.f32 v56, v14  }
0x61: {  	v32 =	vor.u32 $0x2004, v10;
	v31 =	vmul.f32 v56, v62;
	[tilespmem:v53+s3+$0x0] =	vst.idx.msk $0xffff, v28  }
0x62: {  	v12 =	vmul.f32 v56, v12;
	[tilespmem:v49+s3+$0x0] =	vst.idx.msk $0xffff, v14  }
0x63: {  	v33 =	vor.u32 $0x2002, v10;
	[tilespmem:v55+s3+$0x0] =	vst.idx.msk $0xffff, v31  }
0x64: {  	[tilespmem:v48+s3+$0x0] =	vst.idx.msk $0xffff, v12  }
0x65: {  	v36 =	vor.u32 $0x40, v11;
	[tilespmem:v30+s30+$0x0] =	vst.idx.add.s32.msk vm0, v0  }
0x66: {  	v39 =	vor.u32 $0x2003, v10;
	v17 =	vor.u32 s29, v36;
	v12 =	vld.idx.msk [tilespmem:v32+s3+$0x0], $0xffff  }
0x67: {  	vm4 =	vge.s32 v17, v7;
	vm5 =	vge.s32 v17, v6;
	vm6 =	vge.s32 v17, v5  }
0x68: {  	vm7 =	vge.s32 v17, v4;
	vm9 =	vge.s32 v17, v2;
	v34 =	vor.u32 $0x2000, v10;
	v14 =	vld.idx.msk [tilespmem:v33+s3+$0x0], $0xffff  }
0x69: {  	v37 =	vor.u32 $0x2001, v10;
	vm14 =	vge.s32 v17, v8;
	vm15 =	vge.s32 v17, v9  }
0x6a: {  	v45 =	vsel vm5, $0x1, v1;
	v41 =	vsel vm14, $0x1, v1;
	v42 =	vsel vm15, $0x1, v1  }
0x6b: {  	v44 =	vsel vm4, $0x1, v1;
	v22 =	vadd.s32 v41, v42;
	v12 =	vmul.f32 $5.000000000e-01, v12  }
0x6c: {  	vm8 =	vge.s32 v17, v3;
	v47 =	vsel vm6, $0x1, v1;
	v22 =	vadd.s32 v44, v22  }
0x6d: {  	v22 =	vadd.s32 v45, v22;
	v19 =	vld.idx.msk [tilespmem:v34+s3+$0x0], $0xffff;
	v35 =	vsub.f32 v14, v12;
	v12 =	vadd.f32 v12, v14  }
0x6e: {  	v51 =	vsel vm9, $0x1, v1;
	v22 =	vadd.s32 v47, v22;
	v43 =	vld.idx.msk [tilespmem:v37+s3+$0x0], $0xffff;
	vm12 =	vgt.f32 v14, $1.122899170e+02  }
0x6f: {  	vm13 =	vlt.f32 v14, $3.682899170e+02;
	v16 =	vmax.f32 v35, $1.122899170e+02;
	v12 =	vmin.f32 v12, $3.682899170e+02  }
0x70: {  	v48 =	vsel vm7, $0x1, v1;
	v46 =	vld.idx.msk [tilespmem:v39+s3+$0x0], $0xffff;
	vm0 =	vmand vm12, vm13;
	v38 =	vadd.f32 v12, v16  }
0x71: {  	v49 =	vsel vm8, $0x1, v1;
	v22 =	vadd.s32 v48, v22;
	v40 =	vsel vm0, $0x3F800000, v1  }
0x72: {  	v22 =	vadd.s32 v49, v22;
	v19 =	vmul.f32 v40, v19;
	v14 =	vmul.f32 $5.000000000e-01, v38  }
0x73: {  	v52 =	vadd.s32 v51, v22;
	v50 =	vmul.f32 v40, v43  }
0x74: {  	v12 =	vsub.f32 v12, v16;
	[tilespmem:v34+s3+$0x0] =	vst.idx.msk $0xffff, v19;
	v14 =	vmul.f32 v40, v14  }
0x75: {  	v54 =	vor.u32 $0x2804, v10;
	v53 =	vmul.f32 v40, v46;
	[tilespmem:v37+s3+$0x0] =	vst.idx.msk $0xffff, v50  }
0x76: {  	v12 =	vmul.f32 v40, v12;
	[tilespmem:v33+s3+$0x0] =	vst.idx.msk $0xffff, v14  }
0x77: {  	v55 =	vor.u32 $0x2802, v10;
	[tilespmem:v39+s3+$0x0] =	vst.idx.msk $0xffff, v53  }
0x78: {  	[tilespmem:v32+s3+$0x0] =	vst.idx.msk $0xffff, v12  }
0x79: {  	v58 =	vor.u32 $0x50, v11;
	[tilespmem:v52+s30+$0x0] =	vst.idx.add.s32.msk vm0, v0  }
0x7a: {  	v61 =	vor.u32 $0x2803, v10;
	v17 =	vor.u32 s29, v58;
	v12 =	vld.idx.msk [tilespmem:v54+s3+$0x0], $0xffff  }
0x7b: {  	vm14 =	vge.s32 v17, v7;
	vm15 =	vge.s32 v17, v6;
	vm4 =	vge.s32 v17, v5  }
0x7c: {  	vm5 =	vge.s32 v17, v4;
	vm6 =	vge.s32 v17, v3;
	v56 =	vor.u32 $0x2800, v10;
	v14 =	vld.idx.msk [tilespmem:v55+s3+$0x0], $0xffff  }
0x7d: {  	v59 =	vor.u32 $0x2801, v10;
	vm12 =	vge.s32 v17, v8;
	vm13 =	vge.s32 v17, v9  }
0x7e: {  	v31 =	vsel vm15, $0x1, v1;
	v63 =	vsel vm12, $0x1, v1;
	v28 =	vsel vm13, $0x1, v1  }
0x7f: {  	v30 =	vsel vm14, $0x1, v1;
	v22 =	vadd.s32 v63, v28;
	v12 =	vmul.f32 $5.000000000e-01, v12  }
0x80: {  	vm7 =	vge.s32 v17, v2;
	v22 =	vadd.s32 v30, v22;
	v35 =	vsel vm6, $0x1, v1  }
0x81: {  	v22 =	vadd.s32 v31, v22;
	v18 =	vld.idx.msk [tilespmem:v56+s3+$0x0], $0xffff;
	v57 =	vsub.f32 v14, v12;
	v12 =	vadd.f32 v12, v14  }
0x82: {  	v34 =	vsel vm5, $0x1, v1;
	v33 =	vsel vm4, $0x1, v1;
	v29 =	vld.idx.msk [tilespmem:v59+s3+$0x0], $0xffff;
	vm10 =	vgt.f32 v14, $1.122899170e+02  }
0x83: {  	vm11 =	vlt.f32 v14, $3.682899170e+02;
	v16 =	vmax.f32 v57, $1.122899170e+02;
	v12 =	vmin.f32 v12, $3.682899170e+02  }
0x84: {  	v22 =	vadd.s32 v33, v22;
	v32 =	vld.idx.msk [tilespmem:v61+s3+$0x0], $0xffff;
	vm0 =	vmand vm10, vm11;
	v60 =	vadd.f32 v12, v16  }
0x85: {  	v37 =	vsel vm7, $0x1, v1;
	v22 =	vadd.s32 v34, v22;
	v62 =	vsel vm0, $0x3F800000, v1  }
0x86: {  	v22 =	vadd.s32 v35, v22;
	v18 =	vmul.f32 v62, v18;
	v14 =	vmul.f32 $5.000000000e-01, v60  }
0x87: {  	v38 =	vadd.s32 v37, v22;
	v36 =	vmul.f32 v62, v29  }
0x88: {  	v12 =	vsub.f32 v12, v16;
	[tilespmem:v56+s3+$0x0] =	vst.idx.msk $0xffff, v18;
	v14 =	vmul.f32 v62, v14  }
0x89: {  	v40 =	vor.u32 $0x3004, v10;
	v39 =	vmul.f32 v62, v32;
	[tilespmem:v59+s3+$0x0] =	vst.idx.msk $0xffff, v36  }
0x8a: {  	v12 =	vmul.f32 v62, v12;
	[tilespmem:v55+s3+$0x0] =	vst.idx.msk $0xffff, v14  }
0x8b: {  	v41 =	vor.u32 $0x3002, v10;
	[tilespmem:v61+s3+$0x0] =	vst.idx.msk $0xffff, v39  }
0x8c: {  	[tilespmem:v54+s3+$0x0] =	vst.idx.msk $0xffff, v12  }
0x8d: {  	v44 =	vor.u32 $0x60, v11;
	[tilespmem:v38+s30+$0x0] =	vst.idx.add.s32.msk vm0, v0  }
0x8e: {  	v42 =	vor.u32 $0x3000, v10;
	v17 =	vor.u32 s29, v44;
	v12 =	vld.idx.msk [tilespmem:v40+s3+$0x0], $0xffff  }
0x8f: {  	v45 =	vor.u32 $0x3001, v10;
	v47 =	vor.u32 $0x3003, v10;
	vm12 =	vge.s32 v17, v7  }
0x90: {  	vm13 =	vge.s32 v17, v6;
	vm14 =	vge.s32 v17, v5;
	vm15 =	vge.s32 v17, v4;
	v14 =	vld.idx.msk [tilespmem:v41+s3+$0x0], $0xffff  }
0x91: {  	vm5 =	vge.s32 v17, v2;
	vm10 =	vge.s32 v17, v8;
	vm11 =	vge.s32 v17, v9  }
0x92: {  	vm4 =	vge.s32 v17, v3;
	v49 =	vsel vm10, $0x1, v1;
	v50 =	vsel vm11, $0x1, v1  }
0x93: {  	v52 =	vsel vm12, $0x1, v1;
	v22 =	vadd.s32 v49, v50;
	v12 =	vmul.f32 $5.000000000e-01, v12  }
0x94: {  	v53 =	vsel vm13, $0x1, v1;
	v22 =	vadd.s32 v52, v22;
	v57 =	vsel vm4, $0x1, v1  }
0x95: {  	v22 =	vadd.s32 v53, v22;
	v19 =	vld.idx.msk [tilespmem:v42+s3+$0x0], $0xffff;
	v43 =	vsub.f32 v14, v12;
	v12 =	vadd.f32 v12, v14  }
0x96: {  	v56 =	vsel vm15, $0x1, v1;
	v55 =	vsel vm14, $0x1, v1;
	v51 =	vld.idx.msk [tilespmem:v45+s3+$0x0], $0xffff;
	vm8 =	vgt.f32 v14, $1.122899170e+02  }
0x97: {  	vm9 =	vlt.f32 v14, $3.682899170e+02;
	v16 =	vmax.f32 v43, $1.122899170e+02;
	v12 =	vmin.f32 v12, $3.682899170e+02  }
0x98: {  	v22 =	vadd.s32 v55, v22;
	v54 =	vld.idx.msk [tilespmem:v47+s3+$0x0], $0xffff;
	vm0 =	vmand vm8, vm9;
	v46 =	vadd.f32 v12, v16  }
0x99: {  	v59 =	vsel vm5, $0x1, v1;
	v22 =	vadd.s32 v56, v22;
	v48 =	vsel vm0, $0x3F800000, v1  }
0x9a: {  	v22 =	vadd.s32 v57, v22;
	v19 =	vmul.f32 v48, v19;
	v14 =	vmul.f32 $5.000000000e-01, v46  }
0x9b: {  	v60 =	vadd.s32 v59, v22;
	v58 =	vmul.f32 v48, v51  }
0x9c: {  	v12 =	vsub.f32 v12, v16;
	[tilespmem:v42+s3+$0x0] =	vst.idx.msk $0xffff, v19;
	v14 =	vmul.f32 v48, v14  }
0x9d: {  	v62 =	vor.u32 $0x3804, v10;
	v61 =	vmul.f32 v48, v54;
	[tilespmem:v45+s3+$0x0] =	vst.idx.msk $0xffff, v58  }
0x9e: {  	v12 =	vmul.f32 v48, v12;
	[tilespmem:v41+s3+$0x0] =	vst.idx.msk $0xffff, v14  }
0x9f: {  	v63 =	vor.u32 $0x3802, v10;
	[tilespmem:v47+s3+$0x0] =	vst.idx.msk $0xffff, v61  }
0xa0: {  	[tilespmem:v40+s3+$0x0] =	vst.idx.msk $0xffff, v12  }
0xa1: {  	v30 =	vor.u32 $0x70, v11;
	[tilespmem:v60+s30+$0x0] =	vst.idx.add.s32.msk vm0, v0  }
0xa2: {  	v28 =	vor.u32 $0x3800, v10;
	v17 =	vor.u32 s29, v30;
	v12 =	vld.idx.msk [tilespmem:v62+s3+$0x0], $0xffff  }
0xa3: {  	v31 =	vor.u32 $0x3801, v10;
	v33 =	vor.u32 $0x3803, v10;
	vm10 =	vge.s32 v17, v7  }
0xa4: {  	vm11 =	vge.s32 v17, v6;
	vm12 =	vge.s32 v17, v5;
	vm13 =	vge.s32 v17, v4;
	v14 =	vld.idx.msk [tilespmem:v63+s3+$0x0], $0xffff  }
0xa5: {  	vm15 =	vge.s32 v17, v2;
	vm8 =	vge.s32 v17, v8;
	vm9 =	vge.s32 v17, v9  }
0xa6: {  	vm14 =	vge.s32 v17, v3;
	v35 =	vsel vm8, $0x1, v1;
	v36 =	vsel vm9, $0x1, v1  }
0xa7: {  	v38 =	vsel vm10, $0x1, v1;
	v22 =	vadd.s32 v35, v36;
	v12 =	vmul.f32 $5.000000000e-01, v12  }
0xa8: {  	v39 =	vsel vm11, $0x1, v1;
	v22 =	vadd.s32 v38, v22;
	v43 =	vsel vm14, $0x1, v1  }
0xa9: {  	v22 =	vadd.s32 v39, v22;
	v18 =	vld.idx.msk [tilespmem:v28+s3+$0x0], $0xffff;
	v29 =	vsub.f32 v14, v12;
	v12 =	vadd.f32 v12, v14  }
0xaa: {  	v42 =	vsel vm13, $0x1, v1;
	v41 =	vsel vm12, $0x1, v1;
	v37 =	vld.idx.msk [tilespmem:v31+s3+$0x0], $0xffff;
	vm6 =	vgt.f32 v14, $1.122899170e+02  }
0xab: {  	vm7 =	vlt.f32 v14, $3.682899170e+02;
	v16 =	vmax.f32 v29, $1.122899170e+02;
	v12 =	vmin.f32 v12, $3.682899170e+02  }
0xac: {  	v22 =	vadd.s32 v41, v22;
	v40 =	vld.idx.msk [tilespmem:v33+s3+$0x0], $0xffff;
	vm0 =	vmand vm6, vm7;
	v32 =	vadd.f32 v12, v16  }
0xad: {  	v45 =	vsel vm15, $0x1, v1;
	v22 =	vadd.s32 v42, v22;
	v34 =	vsel vm0, $0x3F800000, v1  }
0xae: {  	v22 =	vadd.s32 v43, v22;
	v18 =	vmul.f32 v34, v18;
	v14 =	vmul.f32 $5.000000000e-01, v32  }
0xaf: {  	v46 =	vadd.s32 v45, v22;
	v44 =	vmul.f32 v34, v37  }
0xb0: {  	v12 =	vsub.f32 v12, v16;
	[tilespmem:v28+s3+$0x0] =	vst.idx.msk $0xffff, v18;
	v14 =	vmul.f32 v34, v14  }
0xb1: {  	v48 =	vor.u32 $0x4004, v10;
	v47 =	vmul.f32 v34, v40;
	[tilespmem:v31+s3+$0x0] =	vst.idx.msk $0xffff, v44  }
0xb2: {  	v12 =	vmul.f32 v34, v12;
	[tilespmem:v63+s3+$0x0] =	vst.idx.msk $0xffff, v14  }
0xb3: {  	v49 =	vor.u32 $0x4002, v10;
	[tilespmem:v33+s3+$0x0] =	vst.idx.msk $0xffff, v47  }
0xb4: {  	[tilespmem:v62+s3+$0x0] =	vst.idx.msk $0xffff, v12  }
0xb5: {  	v52 =	vor.u32 $0x80, v11;
	[tilespmem:v46+s30+$0x0] =	vst.idx.add.s32.msk vm0, v0  }
0xb6: {  	v50 =	vor.u32 $0x4000, v10;
	v17 =	vor.u32 s29, v52;
	v12 =	vld.idx.msk [tilespmem:v48+s3+$0x0], $0xffff  }
0xb7: {  	v53 =	vor.u32 $0x4001, v10;
	v55 =	vor.u32 $0x4003, v10;
	vm8 =	vge.s32 v17, v7  }
0xb8: {  	vm9 =	vge.s32 v17, v6;
	vm10 =	vge.s32 v17, v5;
	vm11 =	vge.s32 v17, v4;
	v14 =	vld.idx.msk [tilespmem:v49+s3+$0x0], $0xffff  }
0xb9: {  	v26 =	vsel vm11, $0x1, v1;
	vm13 =	vge.s32 v17, v2;
	vm12 =	vge.s32 v17, v3  }
0xba: {  	v61 =	vsel vm9, $0x1, v1;
	vm6 =	vge.s32 v17, v8;
	vm7 =	vge.s32 v17, v9  }
0xbb: {  	v57 =	vsel vm6, $0x1, v1;
	v58 =	vsel vm7, $0x1, v1;
	v12 =	vmul.f32 $5.000000000e-01, v12  }
0xbc: {  	v27 =	vsel vm12, $0x1, v1;
	v60 =	vsel vm8, $0x1, v1;
	v22 =	vadd.s32 v57, v58  }
0xbd: {  	v22 =	vadd.s32 v60, v22;
	v19 =	vld.idx.msk [tilespmem:v50+s3+$0x0], $0xffff;
	v51 =	vsub.f32 v14, v12;
	v12 =	vadd.f32 v12, v14  }
0xbe: {  	v22 =	vadd.s32 v61, v22;
	v63 =	vsel vm10, $0x1, v1;
	v59 =	vld.idx.msk [tilespmem:v53+s3+$0x0], $0xffff;
	vm4 =	vgt.f32 v14, $1.122899170e+02  }
0xbf: {  	vm5 =	vlt.f32 v14, $3.682899170e+02;
	v16 =	vmax.f32 v51, $1.122899170e+02;
	v12 =	vmin.f32 v12, $3.682899170e+02  }
0xc0: {  	v22 =	vadd.s32 v63, v22;
	v62 =	vld.idx.msk [tilespmem:v55+s3+$0x0], $0xffff;
	vm0 =	vmand vm4, vm5;
	v54 =	vadd.f32 v12, v16  }
0xc1: {  	v29 =	vsel vm13, $0x1, v1;
	v22 =	vadd.s32 v26, v22;
	v56 =	vsel vm0, $0x3F800000, v1  }
0xc2: {  	v22 =	vadd.s32 v27, v22;
	v19 =	vmul.f32 v56, v19;
	v14 =	vmul.f32 $5.000000000e-01, v54  }
0xc3: {  	v30 =	vadd.s32 v29, v22;
	v28 =	vmul.f32 v56, v59  }
0xc4: {  	v12 =	vsub.f32 v12, v16;
	[tilespmem:v50+s3+$0x0] =	vst.idx.msk $0xffff, v19;
	v14 =	vmul.f32 v56, v14  }
0xc5: {  	v32 =	vor.u32 $0x4804, v10;
	v31 =	vmul.f32 v56, v62;
	[tilespmem:v53+s3+$0x0] =	vst.idx.msk $0xffff, v28  }
0xc6: {  	v12 =	vmul.f32 v56, v12;
	[tilespmem:v49+s3+$0x0] =	vst.idx.msk $0xffff, v14  }
0xc7: {  	v33 =	vor.u32 $0x4802, v10;
	[tilespmem:v55+s3+$0x0] =	vst.idx.msk $0xffff, v31  }
0xc8: {  	[tilespmem:v48+s3+$0x0] =	vst.idx.msk $0xffff, v12  }
0xc9: {  	v36 =	vor.u32 $0x90, v11;
	[tilespmem:v30+s30+$0x0] =	vst.idx.add.s32.msk vm0, v0  }
0xca: {  	v39 =	vor.u32 $0x4803, v10;
	v17 =	vor.u32 s29, v36;
	v12 =	vld.idx.msk [tilespmem:v32+s3+$0x0], $0xffff  }
0xcb: {  	vm6 =	vge.s32 v17, v7;
	vm7 =	vge.s32 v17, v6;
	vm8 =	vge.s32 v17, v5  }
0xcc: {  	vm9 =	vge.s32 v17, v4;
	vm11 =	vge.s32 v17, v2;
	v34 =	vor.u32 $0x4800, v10;
	v14 =	vld.idx.msk [tilespmem:v33+s3+$0x0], $0xffff  }
0xcd: {  	v37 =	vor.u32 $0x4801, v10;
	vm4 =	vge.s32 v17, v8;
	vm5 =	vge.s32 v17, v9  }
0xce: {  	v45 =	vsel vm7, $0x1, v1;
	v41 =	vsel vm4, $0x1, v1;
	v42 =	vsel vm5, $0x1, v1  }
0xcf: {  	v44 =	vsel vm6, $0x1, v1;
	v22 =	vadd.s32 v41, v42;
	v12 =	vmul.f32 $5.000000000e-01, v12  }
0xd0: {  	vm10 =	vge.s32 v17, v3;
	v47 =	vsel vm8, $0x1, v1;
	v22 =	vadd.s32 v44, v22  }
0xd1: {  	v22 =	vadd.s32 v45, v22;
	v18 =	vld.idx.msk [tilespmem:v34+s3+$0x0], $0xffff;
	v35 =	vsub.f32 v14, v12;
	v12 =	vadd.f32 v12, v14  }
0xd2: {  	v51 =	vsel vm11, $0x1, v1;
	v22 =	vadd.s32 v47, v22;
	v43 =	vld.idx.msk [tilespmem:v37+s3+$0x0], $0xffff;
	vm14 =	vgt.f32 v14, $1.122899170e+02  }
0xd3: {  	vm15 =	vlt.f32 v14, $3.682899170e+02;
	v16 =	vmax.f32 v35, $1.122899170e+02;
	v12 =	vmin.f32 v12, $3.682899170e+02  }
0xd4: {  	v48 =	vsel vm9, $0x1, v1;
	v46 =	vld.idx.msk [tilespmem:v39+s3+$0x0], $0xffff;
	vm0 =	vmand vm14, vm15;
	v38 =	vadd.f32 v12, v16  }
0xd5: {  	v49 =	vsel vm10, $0x1, v1;
	v22 =	vadd.s32 v48, v22;
	v40 =	vsel vm0, $0x3F800000, v1  }
0xd6: {  	v22 =	vadd.s32 v49, v22;
	v18 =	vmul.f32 v40, v18;
	v14 =	vmul.f32 $5.000000000e-01, v38  }
0xd7: {  	v52 =	vadd.s32 v51, v22;
	v50 =	vmul.f32 v40, v43  }
0xd8: {  	v12 =	vsub.f32 v12, v16;
	[tilespmem:v34+s3+$0x0] =	vst.idx.msk $0xffff, v18;
	v14 =	vmul.f32 v40, v14  }
0xd9: {  	v54 =	vor.u32 $0x5004, v10;
	v53 =	vmul.f32 v40, v46;
	[tilespmem:v37+s3+$0x0] =	vst.idx.msk $0xffff, v50  }
0xda: {  	v12 =	vmul.f32 v40, v12;
	[tilespmem:v33+s3+$0x0] =	vst.idx.msk $0xffff, v14  }
0xdb: {  	v55 =	vor.u32 $0x5002, v10;
	[tilespmem:v39+s3+$0x0] =	vst.idx.msk $0xffff, v53  }
0xdc: {  	[tilespmem:v32+s3+$0x0] =	vst.idx.msk $0xffff, v12  }
0xdd: {  	v58 =	vor.u32 $0xA0, v11;
	[tilespmem:v52+s30+$0x0] =	vst.idx.add.s32.msk vm0, v0  }
0xde: {  	v61 =	vor.u32 $0x5003, v10;
	v17 =	vor.u32 s29, v58;
	v12 =	vld.idx.msk [tilespmem:v54+s3+$0x0], $0xffff  }
0xdf: {  	vm4 =	vge.s32 v17, v7;
	vm5 =	vge.s32 v17, v6;
	vm6 =	vge.s32 v17, v5  }
0xe0: {  	vm7 =	vge.s32 v17, v4;
	vm8 =	vge.s32 v17, v3;
	v56 =	vor.u32 $0x5000, v10;
	v14 =	vld.idx.msk [tilespmem:v55+s3+$0x0], $0xffff  }
0xe1: {  	v59 =	vor.u32 $0x5001, v10;
	vm14 =	vge.s32 v17, v8;
	vm15 =	vge.s32 v17, v9  }
0xe2: {  	v31 =	vsel vm5, $0x1, v1;
	v63 =	vsel vm14, $0x1, v1;
	v28 =	vsel vm15, $0x1, v1  }
0xe3: {  	v30 =	vsel vm4, $0x1, v1;
	v22 =	vadd.s32 v63, v28;
	v12 =	vmul.f32 $5.000000000e-01, v12  }
0xe4: {  	vm9 =	vge.s32 v17, v2;
	v22 =	vadd.s32 v30, v22;
	v35 =	vsel vm8, $0x1, v1  }
0xe5: {  	v22 =	vadd.s32 v31, v22;
	v19 =	vld.idx.msk [tilespmem:v56+s3+$0x0], $0xffff;
	v57 =	vsub.f32 v14, v12;
	v12 =	vadd.f32 v12, v14  }
0xe6: {  	v34 =	vsel vm7, $0x1, v1;
	v33 =	vsel vm6, $0x1, v1;
	v29 =	vld.idx.msk [tilespmem:v59+s3+$0x0], $0xffff;
	vm12 =	vgt.f32 v14, $1.122899170e+02  }
0xe7: {  	vm13 =	vlt.f32 v14, $3.682899170e+02;
	v16 =	vmax.f32 v57, $1.122899170e+02;
	v12 =	vmin.f32 v12, $3.682899170e+02  }
0xe8: {  	v22 =	vadd.s32 v33, v22;
	v32 =	vld.idx.msk [tilespmem:v61+s3+$0x0], $0xffff;
	vm0 =	vmand vm12, vm13;
	v60 =	vadd.f32 v12, v16  }
0xe9: {  	v37 =	vsel vm9, $0x1, v1;
	v22 =	vadd.s32 v34, v22;
	v62 =	vsel vm0, $0x3F800000, v1  }
0xea: {  	v22 =	vadd.s32 v35, v22;
	v19 =	vmul.f32 v62, v19;
	v14 =	vmul.f32 $5.000000000e-01, v60  }
0xeb: {  	v38 =	vadd.s32 v37, v22;
	v36 =	vmul.f32 v62, v29  }
0xec: {  	v12 =	vsub.f32 v12, v16;
	[tilespmem:v56+s3+$0x0] =	vst.idx.msk $0xffff, v19;
	v14 =	vmul.f32 v62, v14  }
0xed: {  	v40 =	vor.u32 $0x5804, v10;
	v39 =	vmul.f32 v62, v32;
	[tilespmem:v59+s3+$0x0] =	vst.idx.msk $0xffff, v36  }
0xee: {  	v12 =	vmul.f32 v62, v12;
	[tilespmem:v55+s3+$0x0] =	vst.idx.msk $0xffff, v14  }
0xef: {  	v41 =	vor.u32 $0x5802, v10;
	[tilespmem:v61+s3+$0x0] =	vst.idx.msk $0xffff, v39  }
0xf0: {  	[tilespmem:v54+s3+$0x0] =	vst.idx.msk $0xffff, v12  }
0xf1: {  	v44 =	vor.u32 $0xB0, v11;
	[tilespmem:v38+s30+$0x0] =	vst.idx.add.s32.msk vm0, v0  }
0xf2: {  	v42 =	vor.u32 $0x5800, v10;
	v17 =	vor.u32 s29, v44;
	v12 =	vld.idx.msk [tilespmem:v40+s3+$0x0], $0xffff  }
0xf3: {  	v45 =	vor.u32 $0x5801, v10;
	v47 =	vor.u32 $0x5803, v10;
	vm14 =	vge.s32 v17, v7  }
0xf4: {  	vm15 =	vge.s32 v17, v6;
	vm4 =	vge.s32 v17, v5;
	vm5 =	vge.s32 v17, v4;
	v14 =	vld.idx.msk [tilespmem:v41+s3+$0x0], $0xffff  }
0xf5: {  	vm7 =	vge.s32 v17, v2;
	vm12 =	vge.s32 v17, v8;
	vm13 =	vge.s32 v17, v9  }
0xf6: {  	vm6 =	vge.s32 v17, v3;
	v49 =	vsel vm12, $0x1, v1;
	v50 =	vsel vm13, $0x1, v1  }
0xf7: {  	v52 =	vsel vm14, $0x1, v1;
	v22 =	vadd.s32 v49, v50;
	v12 =	vmul.f32 $5.000000000e-01, v12  }
0xf8: {  	v53 =	vsel vm15, $0x1, v1;
	v22 =	vadd.s32 v52, v22;
	v57 =	vsel vm6, $0x1, v1  }
0xf9: {  	v22 =	vadd.s32 v53, v22;
	v18 =	vld.idx.msk [tilespmem:v42+s3+$0x0], $0xffff;
	v43 =	vsub.f32 v14, v12;
	v12 =	vadd.f32 v12, v14  }
0xfa: {  	v56 =	vsel vm5, $0x1, v1;
	v55 =	vsel vm4, $0x1, v1;
	v51 =	vld.idx.msk [tilespmem:v45+s3+$0x0], $0xffff;
	vm10 =	vgt.f32 v14, $1.122899170e+02  }
0xfb: {  	vm11 =	vlt.f32 v14, $3.682899170e+02;
	v16 =	vmax.f32 v43, $1.122899170e+02;
	v12 =	vmin.f32 v12, $3.682899170e+02  }
0xfc: {  	v22 =	vadd.s32 v55, v22;
	v54 =	vld.idx.msk [tilespmem:v47+s3+$0x0], $0xffff;
	vm0 =	vmand vm10, vm11;
	v46 =	vadd.f32 v12, v16  }
0xfd: {  	v59 =	vsel vm7, $0x1, v1;
	v22 =	vadd.s32 v56, v22;
	v48 =	vsel vm0, $0x3F800000, v1  }
0xfe: {  	v22 =	vadd.s32 v57, v22;
	v18 =	vmul.f32 v48, v18;
	v14 =	vmul.f32 $5.000000000e-01, v46  }
0xff: {  	v60 =	vadd.s32 v59, v22;
	v58 =	vmul.f32 v48, v51  }
0x100: {  	v12 =	vsub.f32 v12, v16;
	[tilespmem:v42+s3+$0x0] =	vst.idx.msk $0xffff, v18;
	v14 =	vmul.f32 v48, v14  }
0x101: {  	v62 =	vor.u32 $0x6004, v10;
	v61 =	vmul.f32 v48, v54;
	[tilespmem:v45+s3+$0x0] =	vst.idx.msk $0xffff, v58  }
0x102: {  	v12 =	vmul.f32 v48, v12;
	[tilespmem:v41+s3+$0x0] =	vst.idx.msk $0xffff, v14  }
0x103: {  	v63 =	vor.u32 $0x6002, v10;
	[tilespmem:v47+s3+$0x0] =	vst.idx.msk $0xffff, v61  }
0x104: {  	[tilespmem:v40+s3+$0x0] =	vst.idx.msk $0xffff, v12  }
0x105: {  	v30 =	vor.u32 $0xC0, v11;
	[tilespmem:v60+s30+$0x0] =	vst.idx.add.s32.msk vm0, v0  }
0x106: {  	v28 =	vor.u32 $0x6000, v10;
	v17 =	vor.u32 s29, v30;
	v12 =	vld.idx.msk [tilespmem:v62+s3+$0x0], $0xffff  }
0x107: {  	v31 =	vor.u32 $0x6001, v10;
	v33 =	vor.u32 $0x6003, v10;
	vm12 =	vge.s32 v17, v7  }
0x108: {  	vm13 =	vge.s32 v17, v6;
	vm14 =	vge.s32 v17, v5;
	vm15 =	vge.s32 v17, v4;
	v14 =	vld.idx.msk [tilespmem:v63+s3+$0x0], $0xffff  }
0x109: {  	vm5 =	vge.s32 v17, v2;
	vm10 =	vge.s32 v17, v8;
	vm11 =	vge.s32 v17, v9  }
0x10a: {  	vm4 =	vge.s32 v17, v3;
	v35 =	vsel vm10, $0x1, v1;
	v36 =	vsel vm11, $0x1, v1  }
0x10b: {  	v38 =	vsel vm12, $0x1, v1;
	v22 =	vadd.s32 v35, v36;
	v12 =	vmul.f32 $5.000000000e-01, v12  }
0x10c: {  	v39 =	vsel vm13, $0x1, v1;
	v22 =	vadd.s32 v38, v22;
	v43 =	vsel vm4, $0x1, v1  }
0x10d: {  	v22 =	vadd.s32 v39, v22;
	v19 =	vld.idx.msk [tilespmem:v28+s3+$0x0], $0xffff;
	v29 =	vsub.f32 v14, v12;
	v12 =	vadd.f32 v12, v14  }
0x10e: {  	v42 =	vsel vm15, $0x1, v1;
	v41 =	vsel vm14, $0x1, v1;
	v37 =	vld.idx.msk [tilespmem:v31+s3+$0x0], $0xffff;
	vm8 =	vgt.f32 v14, $1.122899170e+02  }
0x10f: {  	vm9 =	vlt.f32 v14, $3.682899170e+02;
	v16 =	vmax.f32 v29, $1.122899170e+02;
	v12 =	vmin.f32 v12, $3.682899170e+02  }
0x110: {  	v22 =	vadd.s32 v41, v22;
	v40 =	vld.idx.msk [tilespmem:v33+s3+$0x0], $0xffff;
	vm0 =	vmand vm8, vm9;
	v32 =	vadd.f32 v12, v16  }
0x111: {  	v45 =	vsel vm5, $0x1, v1;
	v22 =	vadd.s32 v42, v22;
	v34 =	vsel vm0, $0x3F800000, v1  }
0x112: {  	v22 =	vadd.s32 v43, v22;
	v19 =	vmul.f32 v34, v19;
	v14 =	vmul.f32 $5.000000000e-01, v32  }
0x113: {  	v46 =	vadd.s32 v45, v22;
	v44 =	vmul.f32 v34, v37  }
0x114: {  	v12 =	vsub.f32 v12, v16;
	[tilespmem:v28+s3+$0x0] =	vst.idx.msk $0xffff, v19;
	v14 =	vmul.f32 v34, v14  }
0x115: {  	v48 =	vor.u32 $0x6804, v10;
	v47 =	vmul.f32 v34, v40;
	[tilespmem:v31+s3+$0x0] =	vst.idx.msk $0xffff, v44  }
0x116: {  	v12 =	vmul.f32 v34, v12;
	[tilespmem:v63+s3+$0x0] =	vst.idx.msk $0xffff, v14  }
0x117: {  	v49 =	vor.u32 $0x6802, v10;
	[tilespmem:v33+s3+$0x0] =	vst.idx.msk $0xffff, v47  }
0x118: {  	[tilespmem:v62+s3+$0x0] =	vst.idx.msk $0xffff, v12  }
0x119: {  	v52 =	vor.u32 $0xD0, v11;
	[tilespmem:v46+s30+$0x0] =	vst.idx.add.s32.msk vm0, v0  }
0x11a: {  	v50 =	vor.u32 $0x6800, v10;
	v17 =	vor.u32 s29, v52;
	v12 =	vld.idx.msk [tilespmem:v48+s3+$0x0], $0xffff  }
0x11b: {  	v53 =	vor.u32 $0x6801, v10;
	v55 =	vor.u32 $0x6803, v10;
	vm10 =	vge.s32 v17, v7  }
0x11c: {  	vm11 =	vge.s32 v17, v6;
	vm12 =	vge.s32 v17, v5;
	vm13 =	vge.s32 v17, v4;
	v14 =	vld.idx.msk [tilespmem:v49+s3+$0x0], $0xffff  }
0x11d: {  	v26 =	vsel vm13, $0x1, v1;
	vm15 =	vge.s32 v17, v2;
	vm14 =	vge.s32 v17, v3  }
0x11e: {  	v61 =	vsel vm11, $0x1, v1;
	vm8 =	vge.s32 v17, v8;
	vm9 =	vge.s32 v17, v9  }
0x11f: {  	v57 =	vsel vm8, $0x1, v1;
	v58 =	vsel vm9, $0x1, v1;
	v12 =	vmul.f32 $5.000000000e-01, v12  }
0x120: {  	v27 =	vsel vm14, $0x1, v1;
	v60 =	vsel vm10, $0x1, v1;
	v22 =	vadd.s32 v57, v58  }
0x121: {  	v22 =	vadd.s32 v60, v22;
	v18 =	vld.idx.msk [tilespmem:v50+s3+$0x0], $0xffff;
	v51 =	vsub.f32 v14, v12;
	v12 =	vadd.f32 v12, v14  }
0x122: {  	v22 =	vadd.s32 v61, v22;
	v63 =	vsel vm12, $0x1, v1;
	v59 =	vld.idx.msk [tilespmem:v53+s3+$0x0], $0xffff;
	vm6 =	vgt.f32 v14, $1.122899170e+02  }
0x123: {  	vm7 =	vlt.f32 v14, $3.682899170e+02;
	v16 =	vmax.f32 v51, $1.122899170e+02;
	v12 =	vmin.f32 v12, $3.682899170e+02  }
0x124: {  	v22 =	vadd.s32 v63, v22;
	v62 =	vld.idx.msk [tilespmem:v55+s3+$0x0], $0xffff;
	vm0 =	vmand vm6, vm7;
	v54 =	vadd.f32 v12, v16  }
0x125: {  	v29 =	vsel vm15, $0x1, v1;
	v22 =	vadd.s32 v26, v22;
	v56 =	vsel vm0, $0x3F800000, v1  }
0x126: {  	v22 =	vadd.s32 v27, v22;
	v18 =	vmul.f32 v56, v18;
	v14 =	vmul.f32 $5.000000000e-01, v54  }
0x127: {  	v30 =	vadd.s32 v29, v22;
	v28 =	vmul.f32 v56, v59  }
0x128: {  	v12 =	vsub.f32 v12, v16;
	[tilespmem:v50+s3+$0x0] =	vst.idx.msk $0xffff, v18;
	v14 =	vmul.f32 v56, v14  }
0x129: {  	v32 =	vor.u32 $0x7004, v10;
	v31 =	vmul.f32 v56, v62;
	[tilespmem:v53+s3+$0x0] =	vst.idx.msk $0xffff, v28  }
0x12a: {  	v12 =	vmul.f32 v56, v12;
	[tilespmem:v49+s3+$0x0] =	vst.idx.msk $0xffff, v14  }
0x12b: {  	v33 =	vor.u32 $0x7002, v10;
	[tilespmem:v55+s3+$0x0] =	vst.idx.msk $0xffff, v31  }
0x12c: {  	[tilespmem:v48+s3+$0x0] =	vst.idx.msk $0xffff, v12  }
0x12d: {  	v36 =	vor.u32 $0xE0, v11;
	[tilespmem:v30+s30+$0x0] =	vst.idx.add.s32.msk vm0, v0  }
0x12e: {  	v39 =	vor.u32 $0x7003, v10;
	v17 =	vor.u32 s29, v36;
	v12 =	vld.idx.msk [tilespmem:v32+s3+$0x0], $0xffff  }
0x12f: {  	vm8 =	vge.s32 v17, v7;
	vm9 =	vge.s32 v17, v6;
	vm10 =	vge.s32 v17, v5  }
0x130: {  	vm11 =	vge.s32 v17, v4;
	vm13 =	vge.s32 v17, v2;
	v34 =	vor.u32 $0x7000, v10;
	v14 =	vld.idx.msk [tilespmem:v33+s3+$0x0], $0xffff  }
0x131: {  	v37 =	vor.u32 $0x7001, v10;
	vm6 =	vge.s32 v17, v8;
	vm7 =	vge.s32 v17, v9  }
0x132: {  	v45 =	vsel vm9, $0x1, v1;
	v41 =	vsel vm6, $0x1, v1;
	v42 =	vsel vm7, $0x1, v1  }
0x133: {  	v44 =	vsel vm8, $0x1, v1;
	v22 =	vadd.s32 v41, v42;
	v12 =	vmul.f32 $5.000000000e-01, v12  }
0x134: {  	vm12 =	vge.s32 v17, v3;
	v47 =	vsel vm10, $0x1, v1;
	v22 =	vadd.s32 v44, v22  }
0x135: {  	v22 =	vadd.s32 v45, v22;
	v19 =	vld.idx.msk [tilespmem:v34+s3+$0x0], $0xffff;
	v35 =	vsub.f32 v14, v12;
	v12 =	vadd.f32 v12, v14  }
0x136: {  	v51 =	vsel vm13, $0x1, v1;
	v22 =	vadd.s32 v47, v22;
	v43 =	vld.idx.msk [tilespmem:v37+s3+$0x0], $0xffff;
	vm4 =	vgt.f32 v14, $1.122899170e+02  }
0x137: {  	vm5 =	vlt.f32 v14, $3.682899170e+02;
	v16 =	vmax.f32 v35, $1.122899170e+02;
	v12 =	vmin.f32 v12, $3.682899170e+02  }
0x138: {  	v48 =	vsel vm11, $0x1, v1;
	v46 =	vld.idx.msk [tilespmem:v39+s3+$0x0], $0xffff;
	vm0 =	vmand vm4, vm5;
	v38 =	vadd.f32 v12, v16  }
0x139: {  	v49 =	vsel vm12, $0x1, v1;
	v22 =	vadd.s32 v48, v22;
	v40 =	vsel vm0, $0x3F800000, v1  }
0x13a: {  	v22 =	vadd.s32 v49, v22;
	v19 =	vmul.f32 v40, v19;
	v14 =	vmul.f32 $5.000000000e-01, v38  }
0x13b: {  	v52 =	vadd.s32 v51, v22;
	v50 =	vmul.f32 v40, v43  }
0x13c: {  	v12 =	vsub.f32 v12, v16;
	[tilespmem:v34+s3+$0x0] =	vst.idx.msk $0xffff, v19;
	v14 =	vmul.f32 v40, v14  }
0x13d: {  	v54 =	vor.u32 $0x7804, v10;
	v53 =	vmul.f32 v40, v46;
	[tilespmem:v37+s3+$0x0] =	vst.idx.msk $0xffff, v50  }
0x13e: {  	v12 =	vmul.f32 v40, v12;
	[tilespmem:v33+s3+$0x0] =	vst.idx.msk $0xffff, v14  }
0x13f: {  	v55 =	vor.u32 $0x7802, v10;
	[tilespmem:v39+s3+$0x0] =	vst.idx.msk $0xffff, v53  }
0x140: {  	[tilespmem:v32+s3+$0x0] =	vst.idx.msk $0xffff, v12  }
0x141: {  	v58 =	vor.u32 $0xF0, v11;
	[tilespmem:v52+s30+$0x0] =	vst.idx.add.s32.msk vm0, v0  }
0x142: {  	v61 =	vor.u32 $0x7803, v10;
	v17 =	vor.u32 s29, v58;
	v12 =	vld.idx.msk [tilespmem:v54+s3+$0x0], $0xffff  }
0x143: {  	vm6 =	vge.s32 v17, v7;
	vm7 =	vge.s32 v17, v6;
	vm8 =	vge.s32 v17, v5  }
0x144: {  	vm9 =	vge.s32 v17, v4;
	vm10 =	vge.s32 v17, v3;
	v56 =	vor.u32 $0x7800, v10;
	v14 =	vld.idx.msk [tilespmem:v55+s3+$0x0], $0xffff  }
0x145: {  	v59 =	vor.u32 $0x7801, v10;
	vm4 =	vge.s32 v17, v8;
	vm5 =	vge.s32 v17, v9  }
0x146: {  	v31 =	vsel vm7, $0x1, v1;
	v63 =	vsel vm4, $0x1, v1;
	v28 =	vsel vm5, $0x1, v1  }
0x147: {  	v30 =	vsel vm6, $0x1, v1;
	v22 =	vadd.s32 v63, v28;
	v12 =	vmul.f32 $5.000000000e-01, v12  }
0x148: {  	vm11 =	vge.s32 v17, v2;
	v22 =	vadd.s32 v30, v22;
	v35 =	vsel vm10, $0x1, v1  }
0x149: {  	v22 =	vadd.s32 v31, v22;
	v18 =	vld.idx.msk [tilespmem:v56+s3+$0x0], $0xffff;
	v57 =	vsub.f32 v14, v12;
	v12 =	vadd.f32 v12, v14  }
0x14a: {  	v34 =	vsel vm9, $0x1, v1;
	v33 =	vsel vm8, $0x1, v1;
	v29 =	vld.idx.msk [tilespmem:v59+s3+$0x0], $0xffff;
	vm14 =	vgt.f32 v14, $1.122899170e+02  }
0x14b: {  	vm15 =	vlt.f32 v14, $3.682899170e+02;
	v16 =	vmax.f32 v57, $1.122899170e+02;
	v12 =	vmin.f32 v12, $3.682899170e+02  }
0x14c: {  	v22 =	vadd.s32 v33, v22;
	v32 =	vld.idx.msk [tilespmem:v61+s3+$0x0], $0xffff;
	vm0 =	vmand vm14, vm15;
	v60 =	vadd.f32 v12, v16  }
0x14d: {  	v37 =	vsel vm11, $0x1, v1;
	v22 =	vadd.s32 v34, v22;
	v62 =	vsel vm0, $0x3F800000, v1  }
0x14e: {  	v22 =	vadd.s32 v35, v22;
	v18 =	vmul.f32 v62, v18;
	v14 =	vmul.f32 $5.000000000e-01, v60  }
0x14f: {  	v38 =	vadd.s32 v37, v22;
	v36 =	vmul.f32 v62, v29  }
0x150: {  	v12 =	vsub.f32 v12, v16;
	[tilespmem:v56+s3+$0x0] =	vst.idx.msk $0xffff, v18;
	v14 =	vmul.f32 v62, v14  }
0x151: {  	v40 =	vor.u32 $0x8004, v10;
	v39 =	vmul.f32 v62, v32;
	[tilespmem:v59+s3+$0x0] =	vst.idx.msk $0xffff, v36  }
0x152: {  	v12 =	vmul.f32 v62, v12;
	[tilespmem:v55+s3+$0x0] =	vst.idx.msk $0xffff, v14  }
0x153: {  	v41 =	vor.u32 $0x8002, v10;
	[tilespmem:v61+s3+$0x0] =	vst.idx.msk $0xffff, v39  }
0x154: {  	[tilespmem:v54+s3+$0x0] =	vst.idx.msk $0xffff, v12  }
0x155: {  	v44 =	vor.u32 $0x100, v11;
	[tilespmem:v38+s30+$0x0] =	vst.idx.add.s32.msk vm0, v0  }
0x156: {  	v42 =	vor.u32 $0x8000, v10;
	v17 =	vor.u32 s29, v44;
	v12 =	vld.idx.msk [tilespmem:v40+s3+$0x0], $0xffff  }
0x157: {  	v45 =	vor.u32 $0x8001, v10;
	v47 =	vor.u32 $0x8003, v10;
	vm4 =	vge.s32 v17, v7  }
0x158: {  	vm5 =	vge.s32 v17, v6;
	vm6 =	vge.s32 v17, v5;
	vm7 =	vge.s32 v17, v4;
	v14 =	vld.idx.msk [tilespmem:v41+s3+$0x0], $0xffff  }
0x159: {  	vm9 =	vge.s32 v17, v2;
	vm14 =	vge.s32 v17, v8;
	vm15 =	vge.s32 v17, v9  }
0x15a: {  	vm8 =	vge.s32 v17, v3;
	v49 =	vsel vm14, $0x1, v1;
	v50 =	vsel vm15, $0x1, v1  }
0x15b: {  	v52 =	vsel vm4, $0x1, v1;
	v22 =	vadd.s32 v49, v50;
	v12 =	vmul.f32 $5.000000000e-01, v12  }
0x15c: {  	v53 =	vsel vm5, $0x1, v1;
	v22 =	vadd.s32 v52, v22;
	v57 =	vsel vm8, $0x1, v1  }
0x15d: {  	v22 =	vadd.s32 v53, v22;
	v19 =	vld.idx.msk [tilespmem:v42+s3+$0x0], $0xffff;
	v43 =	vsub.f32 v14, v12;
	v12 =	vadd.f32 v12, v14  }
0x15e: {  	v56 =	vsel vm7, $0x1, v1;
	v55 =	vsel vm6, $0x1, v1;
	v51 =	vld.idx.msk [tilespmem:v45+s3+$0x0], $0xffff;
	vm12 =	vgt.f32 v14, $1.122899170e+02  }
0x15f: {  	vm13 =	vlt.f32 v14, $3.682899170e+02;
	v16 =	vmax.f32 v43, $1.122899170e+02;
	v12 =	vmin.f32 v12, $3.682899170e+02  }
0x160: {  	v22 =	vadd.s32 v55, v22;
	v54 =	vld.idx.msk [tilespmem:v47+s3+$0x0], $0xffff;
	vm0 =	vmand vm12, vm13;
	v46 =	vadd.f32 v12, v16  }
0x161: {  	v59 =	vsel vm9, $0x1, v1;
	v22 =	vadd.s32 v56, v22;
	v48 =	vsel vm0, $0x3F800000, v1  }
0x162: {  	v22 =	vadd.s32 v57, v22;
	v19 =	vmul.f32 v48, v19;
	v14 =	vmul.f32 $5.000000000e-01, v46  }
0x163: {  	v60 =	vadd.s32 v59, v22;
	v58 =	vmul.f32 v48, v51  }
0x164: {  	v12 =	vsub.f32 v12, v16;
	[tilespmem:v42+s3+$0x0] =	vst.idx.msk $0xffff, v19;
	v14 =	vmul.f32 v48, v14  }
0x165: {  	v62 =	vor.u32 $0x8804, v10;
	v61 =	vmul.f32 v48, v54;
	[tilespmem:v45+s3+$0x0] =	vst.idx.msk $0xffff, v58  }
0x166: {  	v12 =	vmul.f32 v48, v12;
	[tilespmem:v41+s3+$0x0] =	vst.idx.msk $0xffff, v14  }
0x167: {  	v63 =	vor.u32 $0x8802, v10;
	[tilespmem:v47+s3+$0x0] =	vst.idx.msk $0xffff, v61  }
0x168: {  	[tilespmem:v40+s3+$0x0] =	vst.idx.msk $0xffff, v12  }
0x169: {  	v30 =	vor.u32 $0x110, v11;
	[tilespmem:v60+s30+$0x0] =	vst.idx.add.s32.msk vm0, v0  }
0x16a: {  	v28 =	vor.u32 $0x8800, v10;
	v17 =	vor.u32 s29, v30;
	v12 =	vld.idx.msk [tilespmem:v62+s3+$0x0], $0xffff  }
0x16b: {  	v31 =	vor.u32 $0x8801, v10;
	v33 =	vor.u32 $0x8803, v10;
	vm14 =	vge.s32 v17, v7  }
0x16c: {  	vm15 =	vge.s32 v17, v6;
	vm4 =	vge.s32 v17, v5;
	vm5 =	vge.s32 v17, v4;
	v14 =	vld.idx.msk [tilespmem:v63+s3+$0x0], $0xffff  }
0x16d: {  	vm7 =	vge.s32 v17, v2;
	vm12 =	vge.s32 v17, v8;
	vm13 =	vge.s32 v17, v9  }
0x16e: {  	vm6 =	vge.s32 v17, v3;
	v35 =	vsel vm12, $0x1, v1;
	v36 =	vsel vm13, $0x1, v1  }
0x16f: {  	v38 =	vsel vm14, $0x1, v1;
	v22 =	vadd.s32 v35, v36;
	v12 =	vmul.f32 $5.000000000e-01, v12  }
0x170: {  	v39 =	vsel vm15, $0x1, v1;
	v22 =	vadd.s32 v38, v22;
	v43 =	vsel vm6, $0x1, v1  }
0x171: {  	v22 =	vadd.s32 v39, v22;
	v18 =	vld.idx.msk [tilespmem:v28+s3+$0x0], $0xffff;
	v29 =	vsub.f32 v14, v12;
	v12 =	vadd.f32 v12, v14  }
0x172: {  	v42 =	vsel vm5, $0x1, v1;
	v41 =	vsel vm4, $0x1, v1;
	v37 =	vld.idx.msk [tilespmem:v31+s3+$0x0], $0xffff;
	vm10 =	vgt.f32 v14, $1.122899170e+02  }
0x173: {  	vm11 =	vlt.f32 v14, $3.682899170e+02;
	v16 =	vmax.f32 v29, $1.122899170e+02;
	v12 =	vmin.f32 v12, $3.682899170e+02  }
0x174: {  	v22 =	vadd.s32 v41, v22;
	v40 =	vld.idx.msk [tilespmem:v33+s3+$0x0], $0xffff;
	vm0 =	vmand vm10, vm11;
	v32 =	vadd.f32 v12, v16  }
0x175: {  	v45 =	vsel vm7, $0x1, v1;
	v22 =	vadd.s32 v42, v22;
	v34 =	vsel vm0, $0x3F800000, v1  }
0x176: {  	v22 =	vadd.s32 v43, v22;
	v18 =	vmul.f32 v34, v18;
	v14 =	vmul.f32 $5.000000000e-01, v32  }
0x177: {  	v46 =	vadd.s32 v45, v22;
	v44 =	vmul.f32 v34, v37  }
0x178: {  	v12 =	vsub.f32 v12, v16;
	[tilespmem:v28+s3+$0x0] =	vst.idx.msk $0xffff, v18;
	v14 =	vmul.f32 v34, v14  }
0x179: {  	v48 =	vor.u32 $0x9004, v10;
	v47 =	vmul.f32 v34, v40;
	[tilespmem:v31+s3+$0x0] =	vst.idx.msk $0xffff, v44  }
0x17a: {  	v12 =	vmul.f32 v34, v12;
	[tilespmem:v63+s3+$0x0] =	vst.idx.msk $0xffff, v14  }
0x17b: {  	v49 =	vor.u32 $0x9002, v10;
	[tilespmem:v33+s3+$0x0] =	vst.idx.msk $0xffff, v47  }
0x17c: {  	[tilespmem:v62+s3+$0x0] =	vst.idx.msk $0xffff, v12  }
0x17d: {  	v52 =	vor.u32 $0x120, v11;
	[tilespmem:v46+s30+$0x0] =	vst.idx.add.s32.msk vm0, v0  }
0x17e: {  	v50 =	vor.u32 $0x9000, v10;
	v17 =	vor.u32 s29, v52;
	v12 =	vld.idx.msk [tilespmem:v48+s3+$0x0], $0xffff  }
0x17f: {  	v53 =	vor.u32 $0x9001, v10;
	v55 =	vor.u32 $0x9003, v10;
	vm12 =	vge.s32 v17, v7  }
0x180: {  	vm13 =	vge.s32 v17, v6;
	vm14 =	vge.s32 v17, v5;
	vm15 =	vge.s32 v17, v4;
	v14 =	vld.idx.msk [tilespmem:v49+s3+$0x0], $0xffff  }
0x181: {  	v26 =	vsel vm15, $0x1, v1;
	vm5 =	vge.s32 v17, v2;
	vm4 =	vge.s32 v17, v3  }
0x182: {  	v61 =	vsel vm13, $0x1, v1;
	vm10 =	vge.s32 v17, v8;
	vm11 =	vge.s32 v17, v9  }
0x183: {  	v57 =	vsel vm10, $0x1, v1;
	v58 =	vsel vm11, $0x1, v1;
	v12 =	vmul.f32 $5.000000000e-01, v12  }
0x184: {  	v27 =	vsel vm4, $0x1, v1;
	v60 =	vsel vm12, $0x1, v1;
	v22 =	vadd.s32 v57, v58  }
0x185: {  	v22 =	vadd.s32 v60, v22;
	v19 =	vld.idx.msk [tilespmem:v50+s3+$0x0], $0xffff;
	v51 =	vsub.f32 v14, v12;
	v12 =	vadd.f32 v12, v14  }
0x186: {  	v22 =	vadd.s32 v61, v22;
	v63 =	vsel vm14, $0x1, v1;
	v59 =	vld.idx.msk [tilespmem:v53+s3+$0x0], $0xffff;
	vm8 =	vgt.f32 v14, $1.122899170e+02  }
0x187: {  	vm9 =	vlt.f32 v14, $3.682899170e+02;
	v16 =	vmax.f32 v51, $1.122899170e+02;
	v12 =	vmin.f32 v12, $3.682899170e+02  }
0x188: {  	v22 =	vadd.s32 v63, v22;
	v62 =	vld.idx.msk [tilespmem:v55+s3+$0x0], $0xffff;
	vm0 =	vmand vm8, vm9;
	v54 =	vadd.f32 v12, v16  }
0x189: {  	v29 =	vsel vm5, $0x1, v1;
	v22 =	vadd.s32 v26, v22;
	v56 =	vsel vm0, $0x3F800000, v1  }
0x18a: {  	v22 =	vadd.s32 v27, v22;
	v19 =	vmul.f32 v56, v19;
	v14 =	vmul.f32 $5.000000000e-01, v54  }
0x18b: {  	v30 =	vadd.s32 v29, v22;
	v28 =	vmul.f32 v56, v59  }
0x18c: {  	v12 =	vsub.f32 v12, v16;
	[tilespmem:v50+s3+$0x0] =	vst.idx.msk $0xffff, v19;
	v14 =	vmul.f32 v56, v14  }
0x18d: {  	v32 =	vor.u32 $0x9804, v10;
	v31 =	vmul.f32 v56, v62;
	[tilespmem:v53+s3+$0x0] =	vst.idx.msk $0xffff, v28  }
0x18e: {  	v12 =	vmul.f32 v56, v12;
	[tilespmem:v49+s3+$0x0] =	vst.idx.msk $0xffff, v14  }
0x18f: {  	v33 =	vor.u32 $0x9802, v10;
	[tilespmem:v55+s3+$0x0] =	vst.idx.msk $0xffff, v31  }
0x190: {  	[tilespmem:v48+s3+$0x0] =	vst.idx.msk $0xffff, v12  }
0x191: {  	v36 =	vor.u32 $0x130, v11;
	[tilespmem:v30+s30+$0x0] =	vst.idx.add.s32.msk vm0, v0  }
0x192: {  	v39 =	vor.u32 $0x9803, v10;
	v17 =	vor.u32 s29, v36;
	v12 =	vld.idx.msk [tilespmem:v32+s3+$0x0], $0xffff  }
0x193: {  	vm10 =	vge.s32 v17, v7;
	vm11 =	vge.s32 v17, v6;
	vm12 =	vge.s32 v17, v5  }
0x194: {  	vm13 =	vge.s32 v17, v4;
	vm15 =	vge.s32 v17, v2;
	v34 =	vor.u32 $0x9800, v10;
	v14 =	vld.idx.msk [tilespmem:v33+s3+$0x0], $0xffff  }
0x195: {  	v37 =	vor.u32 $0x9801, v10;
	vm8 =	vge.s32 v17, v8;
	vm9 =	vge.s32 v17, v9  }
0x196: {  	v45 =	vsel vm11, $0x1, v1;
	v41 =	vsel vm8, $0x1, v1;
	v42 =	vsel vm9, $0x1, v1  }
0x197: {  	v44 =	vsel vm10, $0x1, v1;
	v22 =	vadd.s32 v41, v42;
	v12 =	vmul.f32 $5.000000000e-01, v12  }
0x198: {  	vm14 =	vge.s32 v17, v3;
	v47 =	vsel vm12, $0x1, v1;
	v22 =	vadd.s32 v44, v22  }
0x199: {  	v22 =	vadd.s32 v45, v22;
	v18 =	vld.idx.msk [tilespmem:v34+s3+$0x0], $0xffff;
	v35 =	vsub.f32 v14, v12;
	v12 =	vadd.f32 v12, v14  }
0x19a: {  	v51 =	vsel vm15, $0x1, v1;
	v22 =	vadd.s32 v47, v22;
	v43 =	vld.idx.msk [tilespmem:v37+s3+$0x0], $0xffff;
	vm6 =	vgt.f32 v14, $1.122899170e+02  }
0x19b: {  	vm7 =	vlt.f32 v14, $3.682899170e+02;
	v16 =	vmax.f32 v35, $1.122899170e+02;
	v12 =	vmin.f32 v12, $3.682899170e+02  }
0x19c: {  	v48 =	vsel vm13, $0x1, v1;
	v46 =	vld.idx.msk [tilespmem:v39+s3+$0x0], $0xffff;
	vm0 =	vmand vm6, vm7;
	v38 =	vadd.f32 v12, v16  }
0x19d: {  	v49 =	vsel vm14, $0x1, v1;
	v22 =	vadd.s32 v48, v22;
	v40 =	vsel vm0, $0x3F800000, v1  }
0x19e: {  	v22 =	vadd.s32 v49, v22;
	v18 =	vmul.f32 v40, v18;
	v14 =	vmul.f32 $5.000000000e-01, v38  }
0x19f: {  	v52 =	vadd.s32 v51, v22;
	v50 =	vmul.f32 v40, v43  }
0x1a0: {  	v12 =	vsub.f32 v12, v16;
	[tilespmem:v34+s3+$0x0] =	vst.idx.msk $0xffff, v18;
	v14 =	vmul.f32 v40, v14  }
0x1a1: {  	v54 =	vor.u32 $0xA004, v10;
	v53 =	vmul.f32 v40, v46;
	[tilespmem:v37+s3+$0x0] =	vst.idx.msk $0xffff, v50  }
0x1a2: {  	v12 =	vmul.f32 v40, v12;
	[tilespmem:v33+s3+$0x0] =	vst.idx.msk $0xffff, v14  }
0x1a3: {  	v55 =	vor.u32 $0xA002, v10;
	[tilespmem:v39+s3+$0x0] =	vst.idx.msk $0xffff, v53  }
0x1a4: {  	[tilespmem:v32+s3+$0x0] =	vst.idx.msk $0xffff, v12  }
0x1a5: {  	v58 =	vor.u32 $0x140, v11;
	[tilespmem:v52+s30+$0x0] =	vst.idx.add.s32.msk vm0, v0  }
0x1a6: {  	v61 =	vor.u32 $0xA003, v10;
	v17 =	vor.u32 s29, v58;
	v12 =	vld.idx.msk [tilespmem:v54+s3+$0x0], $0xffff  }
0x1a7: {  	vm8 =	vge.s32 v17, v7;
	vm9 =	vge.s32 v17, v6;
	vm10 =	vge.s32 v17, v5  }
0x1a8: {  	vm11 =	vge.s32 v17, v4;
	vm12 =	vge.s32 v17, v3;
	v56 =	vor.u32 $0xA000, v10;
	v14 =	vld.idx.msk [tilespmem:v55+s3+$0x0], $0xffff  }
0x1a9: {  	v59 =	vor.u32 $0xA001, v10;
	vm6 =	vge.s32 v17, v8;
	vm7 =	vge.s32 v17, v9  }
0x1aa: {  	v31 =	vsel vm9, $0x1, v1;
	v63 =	vsel vm6, $0x1, v1;
	v28 =	vsel vm7, $0x1, v1  }
0x1ab: {  	v30 =	vsel vm8, $0x1, v1;
	v22 =	vadd.s32 v63, v28;
	v12 =	vmul.f32 $5.000000000e-01, v12  }
0x1ac: {  	vm13 =	vge.s32 v17, v2;
	v22 =	vadd.s32 v30, v22;
	v35 =	vsel vm12, $0x1, v1  }
0x1ad: {  	v22 =	vadd.s32 v31, v22;
	v19 =	vld.idx.msk [tilespmem:v56+s3+$0x0], $0xffff;
	v57 =	vsub.f32 v14, v12;
	v12 =	vadd.f32 v12, v14  }
0x1ae: {  	v34 =	vsel vm11, $0x1, v1;
	v33 =	vsel vm10, $0x1, v1;
	v29 =	vld.idx.msk [tilespmem:v59+s3+$0x0], $0xffff;
	vm4 =	vgt.f32 v14, $1.122899170e+02  }
0x1af: {  	vm5 =	vlt.f32 v14, $3.682899170e+02;
	v16 =	vmax.f32 v57, $1.122899170e+02;
	v12 =	vmin.f32 v12, $3.682899170e+02  }
0x1b0: {  	v22 =	vadd.s32 v33, v22;
	v32 =	vld.idx.msk [tilespmem:v61+s3+$0x0], $0xffff;
	vm0 =	vmand vm4, vm5;
	v60 =	vadd.f32 v12, v16  }
0x1b1: {  	v37 =	vsel vm13, $0x1, v1;
	v22 =	vadd.s32 v34, v22;
	v62 =	vsel vm0, $0x3F800000, v1  }
0x1b2: {  	v22 =	vadd.s32 v35, v22;
	v19 =	vmul.f32 v62, v19;
	v14 =	vmul.f32 $5.000000000e-01, v60  }
0x1b3: {  	v38 =	vadd.s32 v37, v22;
	v36 =	vmul.f32 v62, v29  }
0x1b4: {  	v12 =	vsub.f32 v12, v16;
	[tilespmem:v56+s3+$0x0] =	vst.idx.msk $0xffff, v19;
	v14 =	vmul.f32 v62, v14  }
0x1b5: {  	v40 =	vor.u32 $0xA804, v10;
	v39 =	vmul.f32 v62, v32;
	[tilespmem:v59+s3+$0x0] =	vst.idx.msk $0xffff, v36  }
0x1b6: {  	v12 =	vmul.f32 v62, v12;
	[tilespmem:v55+s3+$0x0] =	vst.idx.msk $0xffff, v14  }
0x1b7: {  	v41 =	vor.u32 $0xA802, v10;
	[tilespmem:v61+s3+$0x0] =	vst.idx.msk $0xffff, v39  }
0x1b8: {  	[tilespmem:v54+s3+$0x0] =	vst.idx.msk $0xffff, v12  }
0x1b9: {  	v44 =	vor.u32 $0x150, v11;
	[tilespmem:v38+s30+$0x0] =	vst.idx.add.s32.msk vm0, v0  }
0x1ba: {  	v42 =	vor.u32 $0xA800, v10;
	v17 =	vor.u32 s29, v44;
	v12 =	vld.idx.msk [tilespmem:v40+s3+$0x0], $0xffff  }
0x1bb: {  	v45 =	vor.u32 $0xA801, v10;
	v47 =	vor.u32 $0xA803, v10;
	vm6 =	vge.s32 v17, v7  }
0x1bc: {  	vm7 =	vge.s32 v17, v6;
	vm8 =	vge.s32 v17, v5;
	vm9 =	vge.s32 v17, v4;
	v14 =	vld.idx.msk [tilespmem:v41+s3+$0x0], $0xffff  }
0x1bd: {  	vm11 =	vge.s32 v17, v2;
	vm4 =	vge.s32 v17, v8;
	vm5 =	vge.s32 v17, v9  }
0x1be: {  	vm10 =	vge.s32 v17, v3;
	v49 =	vsel vm4, $0x1, v1;
	v50 =	vsel vm5, $0x1, v1  }
0x1bf: {  	v52 =	vsel vm6, $0x1, v1;
	v22 =	vadd.s32 v49, v50;
	v12 =	vmul.f32 $5.000000000e-01, v12  }
0x1c0: {  	v53 =	vsel vm7, $0x1, v1;
	v22 =	vadd.s32 v52, v22;
	v57 =	vsel vm10, $0x1, v1  }
0x1c1: {  	v22 =	vadd.s32 v53, v22;
	v18 =	vld.idx.msk [tilespmem:v42+s3+$0x0], $0xffff;
	v43 =	vsub.f32 v14, v12;
	v12 =	vadd.f32 v12, v14  }
0x1c2: {  	v56 =	vsel vm9, $0x1, v1;
	v55 =	vsel vm8, $0x1, v1;
	v51 =	vld.idx.msk [tilespmem:v45+s3+$0x0], $0xffff;
	vm14 =	vgt.f32 v14, $1.122899170e+02  }
0x1c3: {  	vm15 =	vlt.f32 v14, $3.682899170e+02;
	v16 =	vmax.f32 v43, $1.122899170e+02;
	v12 =	vmin.f32 v12, $3.682899170e+02  }
0x1c4: {  	v22 =	vadd.s32 v55, v22;
	v54 =	vld.idx.msk [tilespmem:v47+s3+$0x0], $0xffff;
	vm0 =	vmand vm14, vm15;
	v46 =	vadd.f32 v12, v16  }
0x1c5: {  	v59 =	vsel vm11, $0x1, v1;
	v22 =	vadd.s32 v56, v22;
	v48 =	vsel vm0, $0x3F800000, v1  }
0x1c6: {  	v22 =	vadd.s32 v57, v22;
	v18 =	vmul.f32 v48, v18;
	v14 =	vmul.f32 $5.000000000e-01, v46  }
0x1c7: {  	v60 =	vadd.s32 v59, v22;
	v58 =	vmul.f32 v48, v51  }
0x1c8: {  	v12 =	vsub.f32 v12, v16;
	[tilespmem:v42+s3+$0x0] =	vst.idx.msk $0xffff, v18;
	v14 =	vmul.f32 v48, v14  }
0x1c9: {  	v62 =	vor.u32 $0xB004, v10;
	v61 =	vmul.f32 v48, v54;
	[tilespmem:v45+s3+$0x0] =	vst.idx.msk $0xffff, v58  }
0x1ca: {  	v12 =	vmul.f32 v48, v12;
	[tilespmem:v41+s3+$0x0] =	vst.idx.msk $0xffff, v14  }
0x1cb: {  	v63 =	vor.u32 $0xB002, v10;
	[tilespmem:v47+s3+$0x0] =	vst.idx.msk $0xffff, v61  }
0x1cc: {  	[tilespmem:v40+s3+$0x0] =	vst.idx.msk $0xffff, v12  }
0x1cd: {  	v30 =	vor.u32 $0x160, v11;
	[tilespmem:v60+s30+$0x0] =	vst.idx.add.s32.msk vm0, v0  }
0x1ce: {  	v28 =	vor.u32 $0xB000, v10;
	v17 =	vor.u32 s29, v30;
	v12 =	vld.idx.msk [tilespmem:v62+s3+$0x0], $0xffff  }
0x1cf: {  	v31 =	vor.u32 $0xB001, v10;
	v33 =	vor.u32 $0xB003, v10;
	vm4 =	vge.s32 v17, v7  }
0x1d0: {  	vm5 =	vge.s32 v17, v6;
	vm6 =	vge.s32 v17, v5;
	vm7 =	vge.s32 v17, v4;
	v14 =	vld.idx.msk [tilespmem:v63+s3+$0x0], $0xffff  }
0x1d1: {  	vm9 =	vge.s32 v17, v2;
	vm14 =	vge.s32 v17, v8;
	vm15 =	vge.s32 v17, v9  }
0x1d2: {  	vm8 =	vge.s32 v17, v3;
	v35 =	vsel vm14, $0x1, v1;
	v36 =	vsel vm15, $0x1, v1  }
0x1d3: {  	v38 =	vsel vm4, $0x1, v1;
	v22 =	vadd.s32 v35, v36;
	v12 =	vmul.f32 $5.000000000e-01, v12  }
0x1d4: {  	v39 =	vsel vm5, $0x1, v1;
	v22 =	vadd.s32 v38, v22;
	v43 =	vsel vm8, $0x1, v1  }
0x1d5: {  	v22 =	vadd.s32 v39, v22;
	v19 =	vld.idx.msk [tilespmem:v28+s3+$0x0], $0xffff;
	v29 =	vsub.f32 v14, v12;
	v12 =	vadd.f32 v12, v14  }
0x1d6: {  	v42 =	vsel vm7, $0x1, v1;
	v41 =	vsel vm6, $0x1, v1;
	v37 =	vld.idx.msk [tilespmem:v31+s3+$0x0], $0xffff;
	vm12 =	vgt.f32 v14, $1.122899170e+02  }
0x1d7: {  	vm13 =	vlt.f32 v14, $3.682899170e+02;
	v16 =	vmax.f32 v29, $1.122899170e+02;
	v12 =	vmin.f32 v12, $3.682899170e+02  }
0x1d8: {  	v22 =	vadd.s32 v41, v22;
	v40 =	vld.idx.msk [tilespmem:v33+s3+$0x0], $0xffff;
	vm0 =	vmand vm12, vm13;
	v32 =	vadd.f32 v12, v16  }
0x1d9: {  	v45 =	vsel vm9, $0x1, v1;
	v22 =	vadd.s32 v42, v22;
	v34 =	vsel vm0, $0x3F800000, v1  }
0x1da: {  	v22 =	vadd.s32 v43, v22;
	v19 =	vmul.f32 v34, v19;
	v14 =	vmul.f32 $5.000000000e-01, v32  }
0x1db: {  	v46 =	vadd.s32 v45, v22;
	v44 =	vmul.f32 v34, v37  }
0x1dc: {  	v12 =	vsub.f32 v12, v16;
	[tilespmem:v28+s3+$0x0] =	vst.idx.msk $0xffff, v19;
	v14 =	vmul.f32 v34, v14  }
0x1dd: {  	v48 =	vor.u32 $0xB804, v10;
	v47 =	vmul.f32 v34, v40;
	[tilespmem:v31+s3+$0x0] =	vst.idx.msk $0xffff, v44  }
0x1de: {  	v12 =	vmul.f32 v34, v12;
	[tilespmem:v63+s3+$0x0] =	vst.idx.msk $0xffff, v14  }
0x1df: {  	v49 =	vor.u32 $0xB802, v10;
	[tilespmem:v33+s3+$0x0] =	vst.idx.msk $0xffff, v47  }
0x1e0: {  	[tilespmem:v62+s3+$0x0] =	vst.idx.msk $0xffff, v12  }
0x1e1: {  	v52 =	vor.u32 $0x170, v11;
	[tilespmem:v46+s30+$0x0] =	vst.idx.add.s32.msk vm0, v0  }
0x1e2: {  	v50 =	vor.u32 $0xB800, v10;
	v17 =	vor.u32 s29, v52;
	v12 =	vld.idx.msk [tilespmem:v48+s3+$0x0], $0xffff  }
0x1e3: {  	v53 =	vor.u32 $0xB801, v10;
	v55 =	vor.u32 $0xB803, v10;
	vm14 =	vge.s32 v17, v7  }
0x1e4: {  	vm15 =	vge.s32 v17, v6;
	vm4 =	vge.s32 v17, v5;
	vm5 =	vge.s32 v17, v4;
	v14 =	vld.idx.msk [tilespmem:v49+s3+$0x0], $0xffff  }
0x1e5: {  	v26 =	vsel vm5, $0x1, v1;
	vm7 =	vge.s32 v17, v2;
	vm6 =	vge.s32 v17, v3  }
0x1e6: {  	v61 =	vsel vm15, $0x1, v1;
	vm12 =	vge.s32 v17, v8;
	vm13 =	vge.s32 v17, v9  }
0x1e7: {  	v57 =	vsel vm12, $0x1, v1;
	v58 =	vsel vm13, $0x1, v1;
	v12 =	vmul.f32 $5.000000000e-01, v12  }
0x1e8: {  	v27 =	vsel vm6, $0x1, v1;
	v60 =	vsel vm14, $0x1, v1;
	v22 =	vadd.s32 v57, v58  }
0x1e9: {  	v22 =	vadd.s32 v60, v22;
	v18 =	vld.idx.msk [tilespmem:v50+s3+$0x0], $0xffff;
	v51 =	vsub.f32 v14, v12;
	v12 =	vadd.f32 v12, v14  }
0x1ea: {  	v22 =	vadd.s32 v61, v22;
	v63 =	vsel vm4, $0x1, v1;
	v59 =	vld.idx.msk [tilespmem:v53+s3+$0x0], $0xffff;
	vm10 =	vgt.f32 v14, $1.122899170e+02  }
0x1eb: {  	vm11 =	vlt.f32 v14, $3.682899170e+02;
	v16 =	vmax.f32 v51, $1.122899170e+02;
	v12 =	vmin.f32 v12, $3.682899170e+02  }
0x1ec: {  	v22 =	vadd.s32 v63, v22;
	v62 =	vld.idx.msk [tilespmem:v55+s3+$0x0], $0xffff;
	vm0 =	vmand vm10, vm11;
	v54 =	vadd.f32 v12, v16  }
0x1ed: {  	v29 =	vsel vm7, $0x1, v1;
	v22 =	vadd.s32 v26, v22;
	v56 =	vsel vm0, $0x3F800000, v1  }
0x1ee: {  	v22 =	vadd.s32 v27, v22;
	v18 =	vmul.f32 v56, v18;
	v14 =	vmul.f32 $5.000000000e-01, v54  }
0x1ef: {  	v30 =	vadd.s32 v29, v22;
	v28 =	vmul.f32 v56, v59  }
0x1f0: {  	v12 =	vsub.f32 v12, v16;
	[tilespmem:v50+s3+$0x0] =	vst.idx.msk $0xffff, v18;
	v14 =	vmul.f32 v56, v14  }
0x1f1: {  	v32 =	vor.u32 $0xC004, v10;
	v31 =	vmul.f32 v56, v62;
	[tilespmem:v53+s3+$0x0] =	vst.idx.msk $0xffff, v28  }
0x1f2: {  	v12 =	vmul.f32 v56, v12;
	[tilespmem:v49+s3+$0x0] =	vst.idx.msk $0xffff, v14  }
0x1f3: {  	v33 =	vor.u32 $0xC002, v10;
	[tilespmem:v55+s3+$0x0] =	vst.idx.msk $0xffff, v31  }
0x1f4: {  	[tilespmem:v48+s3+$0x0] =	vst.idx.msk $0xffff, v12  }
0x1f5: {  	v36 =	vor.u32 $0x180, v11;
	[tilespmem:v30+s30+$0x0] =	vst.idx.add.s32.msk vm0, v0  }
0x1f6: {  	v39 =	vor.u32 $0xC003, v10;
	v17 =	vor.u32 s29, v36;
	v12 =	vld.idx.msk [tilespmem:v32+s3+$0x0], $0xffff  }
0x1f7: {  	vm12 =	vge.s32 v17, v7;
	vm13 =	vge.s32 v17, v6;
	vm14 =	vge.s32 v17, v5  }
0x1f8: {  	vm15 =	vge.s32 v17, v4;
	vm5 =	vge.s32 v17, v2;
	v34 =	vor.u32 $0xC000, v10;
	v14 =	vld.idx.msk [tilespmem:v33+s3+$0x0], $0xffff  }
0x1f9: {  	v37 =	vor.u32 $0xC001, v10;
	vm10 =	vge.s32 v17, v8;
	vm11 =	vge.s32 v17, v9  }
0x1fa: {  	v45 =	vsel vm13, $0x1, v1;
	v41 =	vsel vm10, $0x1, v1;
	v42 =	vsel vm11, $0x1, v1  }
0x1fb: {  	v44 =	vsel vm12, $0x1, v1;
	v22 =	vadd.s32 v41, v42;
	v12 =	vmul.f32 $5.000000000e-01, v12  }
0x1fc: {  	vm4 =	vge.s32 v17, v3;
	v47 =	vsel vm14, $0x1, v1;
	v22 =	vadd.s32 v44, v22  }
0x1fd: {  	v22 =	vadd.s32 v45, v22;
	v19 =	vld.idx.msk [tilespmem:v34+s3+$0x0], $0xffff;
	v35 =	vsub.f32 v14, v12;
	v12 =	vadd.f32 v12, v14  }
0x1fe: {  	v51 =	vsel vm5, $0x1, v1;
	v22 =	vadd.s32 v47, v22;
	v43 =	vld.idx.msk [tilespmem:v37+s3+$0x0], $0xffff;
	vm8 =	vgt.f32 v14, $1.122899170e+02  }
0x1ff: {  	vm9 =	vlt.f32 v14, $3.682899170e+02;
	v16 =	vmax.f32 v35, $1.122899170e+02;
	v12 =	vmin.f32 v12, $3.682899170e+02  }
0x200: {  	v48 =	vsel vm15, $0x1, v1;
	v46 =	vld.idx.msk [tilespmem:v39+s3+$0x0], $0xffff;
	vm0 =	vmand vm8, vm9;
	v38 =	vadd.f32 v12, v16  }
0x201: {  	v49 =	vsel vm4, $0x1, v1;
	v22 =	vadd.s32 v48, v22;
	v40 =	vsel vm0, $0x3F800000, v1  }
0x202: {  	v22 =	vadd.s32 v49, v22;
	v19 =	vmul.f32 v40, v19;
	v14 =	vmul.f32 $5.000000000e-01, v38  }
0x203: {  	v52 =	vadd.s32 v51, v22;
	v50 =	vmul.f32 v40, v43  }
0x204: {  	v12 =	vsub.f32 v12, v16;
	[tilespmem:v34+s3+$0x0] =	vst.idx.msk $0xffff, v19;
	v14 =	vmul.f32 v40, v14  }
0x205: {  	v54 =	vor.u32 $0xC804, v10;
	v53 =	vmul.f32 v40, v46;
	[tilespmem:v37+s3+$0x0] =	vst.idx.msk $0xffff, v50  }
0x206: {  	v12 =	vmul.f32 v40, v12;
	[tilespmem:v33+s3+$0x0] =	vst.idx.msk $0xffff, v14  }
0x207: {  	v55 =	vor.u32 $0xC802, v10;
	[tilespmem:v39+s3+$0x0] =	vst.idx.msk $0xffff, v53  }
0x208: {  	[tilespmem:v32+s3+$0x0] =	vst.idx.msk $0xffff, v12  }
0x209: {  	v58 =	vor.u32 $0x190, v11;
	[tilespmem:v52+s30+$0x0] =	vst.idx.add.s32.msk vm0, v0  }
0x20a: {  	v61 =	vor.u32 $0xC803, v10;
	v17 =	vor.u32 s29, v58;
	v12 =	vld.idx.msk [tilespmem:v54+s3+$0x0], $0xffff  }
0x20b: {  	vm10 =	vge.s32 v17, v7;
	vm11 =	vge.s32 v17, v6;
	vm12 =	vge.s32 v17, v5  }
0x20c: {  	vm13 =	vge.s32 v17, v4;
	vm14 =	vge.s32 v17, v3;
	v56 =	vor.u32 $0xC800, v10;
	v14 =	vld.idx.msk [tilespmem:v55+s3+$0x0], $0xffff  }
0x20d: {  	v59 =	vor.u32 $0xC801, v10;
	vm8 =	vge.s32 v17, v8;
	vm9 =	vge.s32 v17, v9  }
0x20e: {  	v31 =	vsel vm11, $0x1, v1;
	v63 =	vsel vm8, $0x1, v1;
	v28 =	vsel vm9, $0x1, v1  }
0x20f: {  	v30 =	vsel vm10, $0x1, v1;
	v22 =	vadd.s32 v63, v28;
	v12 =	vmul.f32 $5.000000000e-01, v12  }
0x210: {  	vm15 =	vge.s32 v17, v2;
	v22 =	vadd.s32 v30, v22;
	v35 =	vsel vm14, $0x1, v1  }
0x211: {  	v22 =	vadd.s32 v31, v22;
	v18 =	vld.idx.msk [tilespmem:v56+s3+$0x0], $0xffff;
	v57 =	vsub.f32 v14, v12;
	v12 =	vadd.f32 v12, v14  }
0x212: {  	v34 =	vsel vm13, $0x1, v1;
	v33 =	vsel vm12, $0x1, v1;
	v29 =	vld.idx.msk [tilespmem:v59+s3+$0x0], $0xffff;
	vm6 =	vgt.f32 v14, $1.122899170e+02  }
0x213: {  	vm7 =	vlt.f32 v14, $3.682899170e+02;
	v16 =	vmax.f32 v57, $1.122899170e+02;
	v12 =	vmin.f32 v12, $3.682899170e+02  }
0x214: {  	v22 =	vadd.s32 v33, v22;
	v32 =	vld.idx.msk [tilespmem:v61+s3+$0x0], $0xffff;
	vm0 =	vmand vm6, vm7;
	v60 =	vadd.f32 v12, v16  }
0x215: {  	v37 =	vsel vm15, $0x1, v1;
	v22 =	vadd.s32 v34, v22;
	v62 =	vsel vm0, $0x3F800000, v1  }
0x216: {  	v22 =	vadd.s32 v35, v22;
	v18 =	vmul.f32 v62, v18;
	v14 =	vmul.f32 $5.000000000e-01, v60  }
0x217: {  	v38 =	vadd.s32 v37, v22;
	v36 =	vmul.f32 v62, v29  }
0x218: {  	v12 =	vsub.f32 v12, v16;
	[tilespmem:v56+s3+$0x0] =	vst.idx.msk $0xffff, v18;
	v14 =	vmul.f32 v62, v14  }
0x219: {  	v40 =	vor.u32 $0xD004, v10;
	v39 =	vmul.f32 v62, v32;
	[tilespmem:v59+s3+$0x0] =	vst.idx.msk $0xffff, v36  }
0x21a: {  	v12 =	vmul.f32 v62, v12;
	[tilespmem:v55+s3+$0x0] =	vst.idx.msk $0xffff, v14  }
0x21b: {  	v41 =	vor.u32 $0xD002, v10;
	[tilespmem:v61+s3+$0x0] =	vst.idx.msk $0xffff, v39  }
0x21c: {  	[tilespmem:v54+s3+$0x0] =	vst.idx.msk $0xffff, v12  }
0x21d: {  	v44 =	vor.u32 $0x1A0, v11;
	[tilespmem:v38+s30+$0x0] =	vst.idx.add.s32.msk vm0, v0  }
0x21e: {  	v42 =	vor.u32 $0xD000, v10;
	v17 =	vor.u32 s29, v44;
	v12 =	vld.idx.msk [tilespmem:v40+s3+$0x0], $0xffff  }
0x21f: {  	v45 =	vor.u32 $0xD001, v10;
	v47 =	vor.u32 $0xD003, v10;
	vm8 =	vge.s32 v17, v7  }
0x220: {  	vm9 =	vge.s32 v17, v6;
	vm10 =	vge.s32 v17, v5;
	vm11 =	vge.s32 v17, v4;
	v14 =	vld.idx.msk [tilespmem:v41+s3+$0x0], $0xffff  }
0x221: {  	vm13 =	vge.s32 v17, v2;
	vm6 =	vge.s32 v17, v8;
	vm7 =	vge.s32 v17, v9  }
0x222: {  	vm12 =	vge.s32 v17, v3;
	v49 =	vsel vm6, $0x1, v1;
	v50 =	vsel vm7, $0x1, v1  }
0x223: {  	v52 =	vsel vm8, $0x1, v1;
	v22 =	vadd.s32 v49, v50;
	v12 =	vmul.f32 $5.000000000e-01, v12  }
0x224: {  	v53 =	vsel vm9, $0x1, v1;
	v22 =	vadd.s32 v52, v22;
	v57 =	vsel vm12, $0x1, v1  }
0x225: {  	v22 =	vadd.s32 v53, v22;
	v19 =	vld.idx.msk [tilespmem:v42+s3+$0x0], $0xffff;
	v43 =	vsub.f32 v14, v12;
	v12 =	vadd.f32 v12, v14  }
0x226: {  	v56 =	vsel vm11, $0x1, v1;
	v55 =	vsel vm10, $0x1, v1;
	v51 =	vld.idx.msk [tilespmem:v45+s3+$0x0], $0xffff;
	vm4 =	vgt.f32 v14, $1.122899170e+02  }
0x227: {  	vm5 =	vlt.f32 v14, $3.682899170e+02;
	v16 =	vmax.f32 v43, $1.122899170e+02;
	v12 =	vmin.f32 v12, $3.682899170e+02  }
0x228: {  	v22 =	vadd.s32 v55, v22;
	v54 =	vld.idx.msk [tilespmem:v47+s3+$0x0], $0xffff;
	vm0 =	vmand vm4, vm5;
	v46 =	vadd.f32 v12, v16  }
0x229: {  	v59 =	vsel vm13, $0x1, v1;
	v22 =	vadd.s32 v56, v22;
	v48 =	vsel vm0, $0x3F800000, v1  }
0x22a: {  	v22 =	vadd.s32 v57, v22;
	v19 =	vmul.f32 v48, v19;
	v14 =	vmul.f32 $5.000000000e-01, v46  }
0x22b: {  	v60 =	vadd.s32 v59, v22;
	v58 =	vmul.f32 v48, v51  }
0x22c: {  	v12 =	vsub.f32 v12, v16;
	[tilespmem:v42+s3+$0x0] =	vst.idx.msk $0xffff, v19;
	v14 =	vmul.f32 v48, v14  }
0x22d: {  	v62 =	vor.u32 $0xD804, v10;
	v61 =	vmul.f32 v48, v54;
	[tilespmem:v45+s3+$0x0] =	vst.idx.msk $0xffff, v58  }
0x22e: {  	v12 =	vmul.f32 v48, v12;
	[tilespmem:v41+s3+$0x0] =	vst.idx.msk $0xffff, v14  }
0x22f: {  	v63 =	vor.u32 $0xD802, v10;
	[tilespmem:v47+s3+$0x0] =	vst.idx.msk $0xffff, v61  }
0x230: {  	[tilespmem:v40+s3+$0x0] =	vst.idx.msk $0xffff, v12  }
0x231: {  	v30 =	vor.u32 $0x1B0, v11;
	[tilespmem:v60+s30+$0x0] =	vst.idx.add.s32.msk vm0, v0  }
0x232: {  	v28 =	vor.u32 $0xD800, v10;
	v17 =	vor.u32 s29, v30;
	v12 =	vld.idx.msk [tilespmem:v62+s3+$0x0], $0xffff  }
0x233: {  	v31 =	vor.u32 $0xD801, v10;
	v33 =	vor.u32 $0xD803, v10;
	vm6 =	vge.s32 v17, v7  }
0x234: {  	vm7 =	vge.s32 v17, v6;
	vm8 =	vge.s32 v17, v5;
	vm9 =	vge.s32 v17, v4;
	v14 =	vld.idx.msk [tilespmem:v63+s3+$0x0], $0xffff  }
0x235: {  	vm11 =	vge.s32 v17, v2;
	vm4 =	vge.s32 v17, v8;
	vm5 =	vge.s32 v17, v9  }
0x236: {  	vm10 =	vge.s32 v17, v3;
	v35 =	vsel vm4, $0x1, v1;
	v36 =	vsel vm5, $0x1, v1  }
0x237: {  	v38 =	vsel vm6, $0x1, v1;
	v22 =	vadd.s32 v35, v36;
	v12 =	vmul.f32 $5.000000000e-01, v12  }
0x238: {  	v39 =	vsel vm7, $0x1, v1;
	v22 =	vadd.s32 v38, v22;
	v43 =	vsel vm10, $0x1, v1  }
0x239: {  	v22 =	vadd.s32 v39, v22;
	v18 =	vld.idx.msk [tilespmem:v28+s3+$0x0], $0xffff;
	v29 =	vsub.f32 v14, v12;
	v12 =	vadd.f32 v12, v14  }
0x23a: {  	v42 =	vsel vm9, $0x1, v1;
	v41 =	vsel vm8, $0x1, v1;
	v37 =	vld.idx.msk [tilespmem:v31+s3+$0x0], $0xffff;
	vm14 =	vgt.f32 v14, $1.122899170e+02  }
0x23b: {  	vm15 =	vlt.f32 v14, $3.682899170e+02;
	v16 =	vmax.f32 v29, $1.122899170e+02;
	v12 =	vmin.f32 v12, $3.682899170e+02  }
0x23c: {  	v22 =	vadd.s32 v41, v22;
	v40 =	vld.idx.msk [tilespmem:v33+s3+$0x0], $0xffff;
	vm0 =	vmand vm14, vm15;
	v32 =	vadd.f32 v12, v16  }
0x23d: {  	v45 =	vsel vm11, $0x1, v1;
	v22 =	vadd.s32 v42, v22;
	v34 =	vsel vm0, $0x3F800000, v1  }
0x23e: {  	v22 =	vadd.s32 v43, v22;
	v18 =	vmul.f32 v34, v18;
	v14 =	vmul.f32 $5.000000000e-01, v32  }
0x23f: {  	v46 =	vadd.s32 v45, v22;
	v44 =	vmul.f32 v34, v37  }
0x240: {  	v12 =	vsub.f32 v12, v16;
	[tilespmem:v28+s3+$0x0] =	vst.idx.msk $0xffff, v18;
	v14 =	vmul.f32 v34, v14  }
0x241: {  	v48 =	vor.u32 $0xE004, v10;
	v47 =	vmul.f32 v34, v40;
	[tilespmem:v31+s3+$0x0] =	vst.idx.msk $0xffff, v44  }
0x242: {  	v12 =	vmul.f32 v34, v12;
	[tilespmem:v63+s3+$0x0] =	vst.idx.msk $0xffff, v14  }
0x243: {  	v49 =	vor.u32 $0xE002, v10;
	[tilespmem:v33+s3+$0x0] =	vst.idx.msk $0xffff, v47  }
0x244: {  	[tilespmem:v62+s3+$0x0] =	vst.idx.msk $0xffff, v12  }
0x245: {  	v52 =	vor.u32 $0x1C0, v11;
	[tilespmem:v46+s30+$0x0] =	vst.idx.add.s32.msk vm0, v0  }
0x246: {  	v50 =	vor.u32 $0xE000, v10;
	v17 =	vor.u32 s29, v52;
	v12 =	vld.idx.msk [tilespmem:v48+s3+$0x0], $0xffff  }
0x247: {  	v53 =	vor.u32 $0xE001, v10;
	v55 =	vor.u32 $0xE003, v10;
	vm4 =	vge.s32 v17, v7  }
0x248: {  	vm5 =	vge.s32 v17, v6;
	vm6 =	vge.s32 v17, v5;
	vm7 =	vge.s32 v17, v4;
	v14 =	vld.idx.msk [tilespmem:v49+s3+$0x0], $0xffff  }
0x249: {  	v26 =	vsel vm7, $0x1, v1;
	vm9 =	vge.s32 v17, v2;
	vm8 =	vge.s32 v17, v3  }
0x24a: {  	v61 =	vsel vm5, $0x1, v1;
	vm14 =	vge.s32 v17, v8;
	vm15 =	vge.s32 v17, v9  }
0x24b: {  	v57 =	vsel vm14, $0x1, v1;
	v58 =	vsel vm15, $0x1, v1;
	v12 =	vmul.f32 $5.000000000e-01, v12  }
0x24c: {  	v27 =	vsel vm8, $0x1, v1;
	v60 =	vsel vm4, $0x1, v1;
	v22 =	vadd.s32 v57, v58  }
0x24d: {  	v22 =	vadd.s32 v60, v22;
	v19 =	vld.idx.msk [tilespmem:v50+s3+$0x0], $0xffff;
	v51 =	vsub.f32 v14, v12;
	v12 =	vadd.f32 v12, v14  }
0x24e: {  	v22 =	vadd.s32 v61, v22;
	v63 =	vsel vm6, $0x1, v1;
	v59 =	vld.idx.msk [tilespmem:v53+s3+$0x0], $0xffff;
	vm12 =	vgt.f32 v14, $1.122899170e+02  }
0x24f: {  	vm13 =	vlt.f32 v14, $3.682899170e+02;
	v16 =	vmax.f32 v51, $1.122899170e+02;
	v12 =	vmin.f32 v12, $3.682899170e+02  }
0x250: {  	v22 =	vadd.s32 v63, v22;
	v62 =	vld.idx.msk [tilespmem:v55+s3+$0x0], $0xffff;
	vm0 =	vmand vm12, vm13;
	v54 =	vadd.f32 v12, v16  }
0x251: {  	v29 =	vsel vm9, $0x1, v1;
	v22 =	vadd.s32 v26, v22;
	v56 =	vsel vm0, $0x3F800000, v1  }
0x252: {  	v22 =	vadd.s32 v27, v22;
	v19 =	vmul.f32 v56, v19;
	v14 =	vmul.f32 $5.000000000e-01, v54  }
0x253: {  	v30 =	vadd.s32 v29, v22;
	v28 =	vmul.f32 v56, v59  }
0x254: {  	v12 =	vsub.f32 v12, v16;
	[tilespmem:v50+s3+$0x0] =	vst.idx.msk $0xffff, v19;
	v14 =	vmul.f32 v56, v14  }
0x255: {  	v32 =	vor.u32 $0xE804, v10;
	v31 =	vmul.f32 v56, v62;
	[tilespmem:v53+s3+$0x0] =	vst.idx.msk $0xffff, v28  }
0x256: {  	v12 =	vmul.f32 v56, v12;
	[tilespmem:v49+s3+$0x0] =	vst.idx.msk $0xffff, v14  }
0x257: {  	v33 =	vor.u32 $0xE802, v10;
	[tilespmem:v55+s3+$0x0] =	vst.idx.msk $0xffff, v31  }
0x258: {  	[tilespmem:v48+s3+$0x0] =	vst.idx.msk $0xffff, v12  }
0x259: {  	v36 =	vor.u32 $0x1D0, v11;
	[tilespmem:v30+s30+$0x0] =	vst.idx.add.s32.msk vm0, v0  }
0x25a: {  	v39 =	vor.u32 $0xE803, v10;
	v17 =	vor.u32 s29, v36;
	v12 =	vld.idx.msk [tilespmem:v32+s3+$0x0], $0xffff  }
0x25b: {  	vm14 =	vge.s32 v17, v7;
	vm15 =	vge.s32 v17, v6;
	vm4 =	vge.s32 v17, v5  }
0x25c: {  	vm5 =	vge.s32 v17, v4;
	vm7 =	vge.s32 v17, v2;
	v34 =	vor.u32 $0xE800, v10;
	v14 =	vld.idx.msk [tilespmem:v33+s3+$0x0], $0xffff  }
0x25d: {  	v37 =	vor.u32 $0xE801, v10;
	vm12 =	vge.s32 v17, v8;
	vm13 =	vge.s32 v17, v9  }
0x25e: {  	v45 =	vsel vm15, $0x1, v1;
	v41 =	vsel vm12, $0x1, v1;
	v42 =	vsel vm13, $0x1, v1  }
0x25f: {  	v44 =	vsel vm14, $0x1, v1;
	v22 =	vadd.s32 v41, v42;
	v12 =	vmul.f32 $5.000000000e-01, v12  }
0x260: {  	vm6 =	vge.s32 v17, v3;
	v47 =	vsel vm4, $0x1, v1;
	v22 =	vadd.s32 v44, v22  }
0x261: {  	v22 =	vadd.s32 v45, v22;
	v18 =	vld.idx.msk [tilespmem:v34+s3+$0x0], $0xffff;
	v35 =	vsub.f32 v14, v12;
	v12 =	vadd.f32 v12, v14  }
0x262: {  	v51 =	vsel vm7, $0x1, v1;
	v22 =	vadd.s32 v47, v22;
	v43 =	vld.idx.msk [tilespmem:v37+s3+$0x0], $0xffff;
	vm10 =	vgt.f32 v14, $1.122899170e+02  }
0x263: {  	vm11 =	vlt.f32 v14, $3.682899170e+02;
	v16 =	vmax.f32 v35, $1.122899170e+02;
	v12 =	vmin.f32 v12, $3.682899170e+02  }
0x264: {  	v48 =	vsel vm5, $0x1, v1;
	v46 =	vld.idx.msk [tilespmem:v39+s3+$0x0], $0xffff;
	vm0 =	vmand vm10, vm11;
	v38 =	vadd.f32 v12, v16  }
0x265: {  	v49 =	vsel vm6, $0x1, v1;
	v22 =	vadd.s32 v48, v22;
	v40 =	vsel vm0, $0x3F800000, v1  }
0x266: {  	v22 =	vadd.s32 v49, v22;
	v18 =	vmul.f32 v40, v18;
	v14 =	vmul.f32 $5.000000000e-01, v38  }
0x267: {  	v52 =	vadd.s32 v51, v22;
	v50 =	vmul.f32 v40, v43  }
0x268: {  	v12 =	vsub.f32 v12, v16;
	[tilespmem:v34+s3+$0x0] =	vst.idx.msk $0xffff, v18;
	v14 =	vmul.f32 v40, v14  }
0x269: {  	v54 =	vor.u32 $0xF004, v10;
	v53 =	vmul.f32 v40, v46;
	[tilespmem:v37+s3+$0x0] =	vst.idx.msk $0xffff, v50  }
0x26a: {  	v12 =	vmul.f32 v40, v12;
	[tilespmem:v33+s3+$0x0] =	vst.idx.msk $0xffff, v14  }
0x26b: {  	v55 =	vor.u32 $0xF002, v10;
	[tilespmem:v39+s3+$0x0] =	vst.idx.msk $0xffff, v53  }
0x26c: {  	[tilespmem:v32+s3+$0x0] =	vst.idx.msk $0xffff, v12  }
0x26d: {  	v58 =	vor.u32 $0x1E0, v11;
	[tilespmem:v52+s30+$0x0] =	vst.idx.add.s32.msk vm0, v0  }
0x26e: {  	v61 =	vor.u32 $0xF003, v10;
	v17 =	vor.u32 s29, v58;
	v12 =	vld.idx.msk [tilespmem:v54+s3+$0x0], $0xffff  }
0x26f: {  	vm12 =	vge.s32 v17, v7;
	vm13 =	vge.s32 v17, v6;
	vm14 =	vge.s32 v17, v5  }
0x270: {  	vm15 =	vge.s32 v17, v4;
	vm4 =	vge.s32 v17, v3;
	v56 =	vor.u32 $0xF000, v10;
	v14 =	vld.idx.msk [tilespmem:v55+s3+$0x0], $0xffff  }
0x271: {  	v59 =	vor.u32 $0xF001, v10;
	vm10 =	vge.s32 v17, v8;
	vm11 =	vge.s32 v17, v9  }
0x272: {  	v31 =	vsel vm13, $0x1, v1;
	v63 =	vsel vm10, $0x1, v1;
	v28 =	vsel vm11, $0x1, v1  }
0x273: {  	v30 =	vsel vm12, $0x1, v1;
	v22 =	vadd.s32 v63, v28;
	v12 =	vmul.f32 $5.000000000e-01, v12  }
0x274: {  	vm5 =	vge.s32 v17, v2;
	v22 =	vadd.s32 v30, v22;
	v35 =	vsel vm4, $0x1, v1  }
0x275: {  	v22 =	vadd.s32 v31, v22;
	v19 =	vld.idx.msk [tilespmem:v56+s3+$0x0], $0xffff;
	v57 =	vsub.f32 v14, v12;
	v12 =	vadd.f32 v12, v14  }
0x276: {  	v34 =	vsel vm15, $0x1, v1;
	v33 =	vsel vm14, $0x1, v1;
	v29 =	vld.idx.msk [tilespmem:v59+s3+$0x0], $0xffff;
	vm8 =	vgt.f32 v14, $1.122899170e+02  }
0x277: {  	vm9 =	vlt.f32 v14, $3.682899170e+02;
	v16 =	vmax.f32 v57, $1.122899170e+02;
	v12 =	vmin.f32 v12, $3.682899170e+02  }
0x278: {  	v22 =	vadd.s32 v33, v22;
	v32 =	vld.idx.msk [tilespmem:v61+s3+$0x0], $0xffff;
	vm0 =	vmand vm8, vm9;
	v60 =	vadd.f32 v12, v16  }
0x279: {  	v37 =	vsel vm5, $0x1, v1;
	v22 =	vadd.s32 v34, v22;
	v62 =	vsel vm0, $0x3F800000, v1  }
0x27a: {  	v22 =	vadd.s32 v35, v22;
	v19 =	vmul.f32 v62, v19;
	v14 =	vmul.f32 $5.000000000e-01, v60  }
0x27b: {  	v38 =	vadd.s32 v37, v22;
	v36 =	vmul.f32 v62, v29  }
0x27c: {  	v12 =	vsub.f32 v12, v16;
	[tilespmem:v56+s3+$0x0] =	vst.idx.msk $0xffff, v19;
	v14 =	vmul.f32 v62, v14  }
0x27d: {  	v40 =	vor.u32 $0xF804, v10;
	v39 =	vmul.f32 v62, v32;
	[tilespmem:v59+s3+$0x0] =	vst.idx.msk $0xffff, v36  }
0x27e: {  	v12 =	vmul.f32 v62, v12;
	[tilespmem:v55+s3+$0x0] =	vst.idx.msk $0xffff, v14  }
0x27f: {  	v41 =	vor.u32 $0xF802, v10;
	[tilespmem:v61+s3+$0x0] =	vst.idx.msk $0xffff, v39  }
0x280: {  	[tilespmem:v54+s3+$0x0] =	vst.idx.msk $0xffff, v12  }
0x281: {  	[tilespmem:v38+s30+$0x0] =	vst.idx.add.s32.msk vm0, v0  }
0x282: {  	v12 =	vld.idx.msk [tilespmem:v40+s3+$0x0], $0xffff  }
0x283: {  	v11 =	vor.u32 $0x1F0, v11  }
0x284: {  	v11 =	vor.u32 s29, v11;
	v14 =	vld.idx.msk [tilespmem:v41+s3+$0x0], $0xffff  }
0x285: {  	v42 =	vor.u32 $0xF800, v10;
	v44 =	vor.u32 $0xF801, v10;
	vm13 =	vge.s32 v11, v4  }
0x286: {  	vm12 =	vge.s32 v11, v5;
	vm10 =	vge.s32 v11, v7;
	vm11 =	vge.s32 v11, v6  }
0x287: {  	v51 =	vsel vm10, $0x1, v1;
	vm15 =	vge.s32 v11, v2;
	v12 =	vmul.f32 $5.000000000e-01, v12  }
0x288: {  	v10 =	vor.u32 $0xF803, v10;
	vm14 =	vge.s32 v11, v3;
	vm8 =	vge.s32 v11, v8  }
0x289: {  	vm9 =	vge.s32 v11, v9;
	v43 =	vsub.f32 v14, v12;
	v12 =	vadd.f32 v12, v14  }
0x28a: {  	v53 =	vsel vm11, $0x1, v1;
	v47 =	vsel vm8, $0x1, v1;
	v49 =	vsel vm9, $0x1, v1  }
0x28b: {  	v57 =	vsel vm13, $0x1, v1;
	v17 =	vld.idx.msk [tilespmem:v42+s3+$0x0], $0xffff;
	v16 =	vmax.f32 v43, $1.122899170e+02;
	v12 =	vmin.f32 v12, $3.682899170e+02  }
0x28c: {  	v50 =	vld.idx.msk [tilespmem:v44+s3+$0x0], $0xffff;
	v45 =	vadd.f32 v12, v16;
	v12 =	vsub.f32 v12, v16;
	v16 =	vadd.s32 v47, v49  }
0x28d: {  	vm6 =	vgt.f32 v14, $1.122899170e+02;
	vm7 =	vlt.f32 v14, $3.682899170e+02;
	v52 =	vadd.s32 v51, v16  }
0x28e: {  	v55 =	vsel vm12, $0x1, v1;
	v54 =	vld.idx.msk [tilespmem:v10+s3+$0x0], $0xffff;
	vm0 =	vmand vm6, vm7;
	v6 =	vadd.s32 v53, v52  }
0x28f: {  	v59 =	vsel vm14, $0x1, v1;
	v46 =	vsel vm0, $0x3F800000, v1;
	v56 =	vadd.s32 v55, v6  }
0x290: {  	v48 =	vmul.f32 v46, v17;
	v14 =	vmul.f32 $5.000000000e-01, v45;
	v58 =	vadd.s32 v57, v56  }
0x291: {  	v1 =	vsel vm15, $0x1, v1;
	v60 =	vmul.f32 v46, v50;
	v3 =	vadd.s32 v59, v58  }
0x292: {  	[tilespmem:v42+s3+$0x0] =	vst.idx.msk $0xffff, v48;
	v61 =	vmul.f32 v46, v14;
	v1 =	vadd.s32 v1, v3  }
0x293: {  	v62 =	vmul.f32 v46, v54;
	[tilespmem:v44+s3+$0x0] =	vst.idx.msk $0xffff, v60  }
0x294: {  	v63 =	vmul.f32 v46, v12;
	[tilespmem:v41+s3+$0x0] =	vst.idx.msk $0xffff, v61  }
0x295: {  	[tilespmem:v10+s3+$0x0] =	vst.idx.msk $0xffff, v62  }
0x296: {  	[tilespmem:v40+s3+$0x0] =	vst.idx.msk $0xffff, v63  }
0x297: {  	s5 =	sadd.s32 $0x20400, s5;
	[tilespmem:v1+s30+$0x0] =	vst.idx.add.s32.msk vm0, v0  }
0x298: {  	[hbm4b:s5+s3] =	stream.linear.scatter [tilespmem:s3], [sflag:$0x1], $0x10000, $0x38;
	[tilespmem:$0x10100] =	vst v63  }
0x299: {  	s31 =	sshll.u32 s1, $0x4;
	_ =	swait.ge [sflag:s28], $0x10000  }
0x29a: {  	s2 =	sadd.s32 s31, s2;
	[sflag:s28] =	ssyncset.done $0x0  }
0x29b: {  	s2 =	sadd.s32 $0x40400, s2;
	[sflag:s28] =	ssyncadd.s32 $0xFFFF0000  }
0x29c: {  	[hbm4b:s2+s3] =	stream.linear.scatter [tilespmem:s30], [sflag:$0x1], $0x80, $0x38;
	[tilespmem:$0x10100] =	vst v63  }
0x29d: {  	_ =	swait.ge [sflag:s28], $0x80  }
0x29e: {  	[sflag:s28] =	ssyncset.done $0x0  }
0x29f: {  	[sflag:s28] =	ssyncadd.s32 $0xFFFFFF80  }
0x2a0: {  	_ =	sfence.sel $0x180000  }
0x2a1: {  	[bflag:$0x0] =	sbarrier.arrive $0xFFFF  }
0x2a2: {  	p0 =	sne.s32 s1, $0x0;
	_ =	strace $0x90000047  }
0x2a3: {  	s0 =	sadd.s32 @!p0 $0x100000, s0;
	[bflag:$0x2] =	sbarrier.arrive $0xFFFF  }
0x2a4: {  	[sflag:s0] =	ssyncadd.tile.s32 @!p0 $0x1;
	_ =	shalt  }
.Lfunc_end2:
_tile_overlayer_lowered:
.L_overlay_start_2:
0x2a5: {  	(tag) =	ssettag $0x2  }
0x2a6: {  	s0 =	rddreg [dreg:$0x0];
	s2 =	stileid.u32  }
0x2a7: {  	s1 =	rddreg [dreg:$0x1];
	p0 =	sne.s32 s2, $0x0  }
0x2a8: {  	s3 =	rddreg [dreg:$0x2];
	[bflag:$0x3] =	sbarrier.arrive $0xFFFF;
	s2 =	simm.s32 @!p0 $0x1C01  }
0x2a9: {  	[timem:s3], [sflag:s2] =	dma.local @!p0 [hbm:s0], s1  }
0x2aa: {  	s0 =	simm.s32 @!p0 $0x1  }
0x2ab: {  	_ =	swait.ge @!p0 [sflag:s0], s1  }
0x2ac: {  	s1 =	ssub.s32 @!p0 $0x0, s1;
	[sflag:s0] =	ssyncset.done @!p0 $0x0  }
0x2ad: {  	[sflag:s0] =	ssyncadd.s32 @!p0 s1  }
0x2ae: {  	[bflag:$0x3] =	sbarrier.arrive $0xFFFF  }
0x2af: {  	_ =	shalt  }

</sc_bundles>
